<compile_context>
chip_gen: v7x
topology: tpu7x:2x2x1
jax: 0.10.2.dev20260603
libtpu: 0.0.44.dev20260713+nightly
codegen_flags: <defaults>
</compile_context>

<pallas_src>
import functools

import jax
import jax.numpy as jnp
from jax import lax
from jax.experimental import pallas as pl
from jax.experimental.pallas import tpu as pltpu
from jax.experimental.pallas import tpu_sc as plsc

N_NODES = 10000
NP = 10240
N_EDGES = 320000
NC = 2
NS = 16
NW = NC * NS
CHUNKS = 80
CW = 128
EP = NW * CHUNKS * CW
RPT = NP // NS

_MESH = plsc.VectorSubcoreMesh(core_axis_name="c", subcore_axis_name="s")


@functools.partial(
    pl.kernel,
    mesh=_MESH,
    out_type=jax.ShapeDtypeStruct((NC, NP), jnp.float32),
    scratch_types=[
        pltpu.VMEM((CHUNKS, CW), jnp.int32),
        pltpu.VMEM((CW,), jnp.float32),
        pltpu.VMEM((RPT,), jnp.float32),
        pltpu.VMEM_SHARED((NP,), jnp.float32),
        pltpu.SemaphoreType.DMA,
        pltpu.SemaphoreType.DMA,
    ],
)
def _deg_kernel(dst_hbm, degp_hbm, idx_v, ones_v, zeros_v, deg_sh, sem0,
                sem1):
    c = lax.axis_index("c")
    s = lax.axis_index("s")
    wid = s * NC + c

    for k in range(CW // 16):
        ones_v[pl.ds(k * 16, 16)] = jnp.full((16,), 1.0, jnp.float32)

    def _zero_body(i, _):
        zeros_v[pl.ds(i * 16, 16)] = jnp.zeros((16,), jnp.float32)
        return _

    lax.fori_loop(0, RPT // 16, _zero_body, None)

    pltpu.sync_copy(zeros_v, deg_sh.at[pl.ds(s * RPT, RPT)])
    plsc.subcore_barrier()

    pltpu.sync_copy(dst_hbm.at[wid], idx_v)

    G = 8
    sems = (sem0, sem1)

    def _fire_grp(g, sem):
        for b in range(G):
            pltpu.async_copy(ones_v, deg_sh.at[idx_v.at[g * G + b]], sem,
                             add=True)

    def _drain_grp(g, sem):
        for b in range(G):
            pltpu.make_async_copy(ones_v, deg_sh.at[idx_v.at[g * G + b]],
                                  sem).wait()

    _fire_grp(0, sems[0])

    def _scat_body(i, _):
        _fire_grp(2 * i + 1, sems[1])
        _drain_grp(2 * i, sems[0])
        _fire_grp(2 * i + 2, sems[0])
        _drain_grp(2 * i + 1, sems[1])
        return _

    ng = CHUNKS // G
    lax.fori_loop(0, ng // 2 - 1, _scat_body, None)
    _fire_grp(ng - 1, sems[1])
    _drain_grp(ng - 2, sems[0])
    _drain_grp(ng - 1, sems[1])
    plsc.subcore_barrier()

    pltpu.sync_copy(deg_sh.at[pl.ds(s * RPT, RPT)],
                    degp_hbm.at[c, pl.ds(s * RPT, RPT)])


def _make_agg_kernel(d, cw, nbuf, nblk):
    chunks = EP // (NW * cw)
    blk = chunks // nblk
    extra = dict(compiler_params=pltpu.CompilerParams(
        use_tc_tiling_on_sc=False))

    @functools.partial(
        pl.kernel,
        mesh=_MESH,
        out_type=jax.ShapeDtypeStruct((NC, NP, d), jnp.float32),
        **extra,
        scratch_types=[
            pltpu.VMEM((chunks, cw), jnp.int32),
            pltpu.VMEM((blk, cw), jnp.int32),
        ] + [pltpu.VMEM((cw, d), jnp.float32)] * nbuf
          + [pltpu.VMEM_SHARED((NP, d), jnp.float32)]
          + [pltpu.SemaphoreType.DMA] * nbuf,
    )
    def _agg(tab_hbm, src_hbm, dst_hbm, accp_hbm, src_v, dst_v, *rest):
        rows_b = rest[:nbuf]
        acc_sh = rest[nbuf]
        sems = rest[nbuf + 1:]
        c = lax.axis_index("c")
        s = lax.axis_index("s")
        wid = s * NC + c

        def _zero_body(i, _):
            r = i // (d // 16)
            k = i % (d // 16)
            rows_b[0][r, pl.ds(k * 16, 16)] = jnp.zeros((16,), jnp.float32)
            return _

        lax.fori_loop(0, cw * d // 16, _zero_body, None)
        for r in range(RPT // cw):
            pltpu.sync_copy(rows_b[0], acc_sh.at[pl.ds(s * RPT + r * cw, cw)])
        plsc.subcore_barrier()

        pltpu.sync_copy(src_hbm.at[wid], src_v)

        for b in range(nbuf):
            pltpu.async_copy(tab_hbm.at[src_v.at[b]], rows_b[b], sems[b])

        def _make_group(jbase, jlbase, issue_next):
            def _group(i, _):
                for b in range(nbuf):
                    j = jbase + i * nbuf + b
                    jl = jlbase + i * nbuf + b
                    pltpu.make_async_copy(
                        tab_hbm.at[src_v.at[j]], rows_b[b], sems[b]).wait()
                    pltpu.sync_copy(rows_b[b], acc_sh.at[dst_v.at[jl]],
                                    add=True)
                    if issue_next:
                        pltpu.async_copy(
                            tab_hbm.at[src_v.at[j + nbuf]], rows_b[b], sems[b])
                return _
            return _group

        for bi in range(nblk):
            pltpu.sync_copy(dst_hbm.at[wid, pl.ds(bi * blk, blk)], dst_v)
            if bi < nblk - 1:
                lax.fori_loop(0, blk // nbuf,
                              _make_group(bi * blk, 0, True), None)
            else:
                lax.fori_loop(0, blk // nbuf - 1,
                              _make_group(bi * blk, 0, True), None)
                _make_group(chunks - nbuf, blk - nbuf, False)(0, None)
        plsc.subcore_barrier()

        pltpu.sync_copy(acc_sh.at[pl.ds(s * RPT, RPT)],
                        accp_hbm.at[c, pl.ds(s * RPT, RPT)])

    return _agg


_agg128 = _make_agg_kernel(128, cw=32, nbuf=8, nblk=2)
_agg64 = _make_agg_kernel(64, cw=64, nbuf=8, nblk=1)


_GB = 8
_BR = NP // _GB


def _dinv_block(degp_ref):
    deg = degp_ref[0, :] + degp_ref[1, :] + 1.0
    return lax.rsqrt(deg).reshape(deg.shape[0], 1)


def _g1_body(degp_ref, x_ref, w_ref, g_ref):
    h = jnp.dot(x_ref[...], w_ref[...], preferred_element_type=jnp.float32)
    g_ref[...] = _dinv_block(degp_ref) * h


def _mid_body(degp_ref, accp_ref, g1_ref, b1_ref, w2_ref, g2_ref):
    dinv = _dinv_block(degp_ref)
    ssum = accp_ref[0] + accp_ref[1] + g1_ref[...]
    h1 = jnp.maximum(dinv * ssum + b1_ref[...], 0.0)
    h2 = jnp.dot(h1, w2_ref[...], preferred_element_type=jnp.float32)
    g2_ref[...] = dinv * h2


def _out_body(degp_ref, accp_ref, g2_ref, b2_ref, out_ref):
    ssum = accp_ref[0] + accp_ref[1] + g2_ref[...]
    out_ref[...] = _dinv_block(degp_ref) * ssum + b2_ref[...]


def _degp_spec():
    return pl.BlockSpec((2, _BR), lambda i: (0, i))


_OBR = N_NODES // _GB


def _odegp_spec():
    return pl.BlockSpec((2, _OBR), lambda i: (0, i))


def _orow_spec(d):
    return pl.BlockSpec((_OBR, d), lambda i: (i, 0))


def _oaccp_spec(d):
    return pl.BlockSpec((2, _OBR, d), lambda i: (0, i, 0))


def _row_spec(d):
    return pl.BlockSpec((_BR, d), lambda i: (i, 0))


def _accp_spec(d):
    return pl.BlockSpec((2, _BR, d), lambda i: (0, i, 0))


def _full_spec(shape):
    return pl.BlockSpec(shape, lambda i: (0,) * len(shape))


def kernel(x, edge_index, W1, b1, W2, b2):
    src = edge_index[0].astype(jnp.int32)
    dst = edge_index[1].astype(jnp.int32)
    n_pad = EP - N_EDGES
    pad_ids = (N_NODES + jnp.arange(n_pad, dtype=jnp.int32)
               % (NP - N_NODES)).astype(jnp.int32)
    src_p = jnp.concatenate([src, pad_ids])
    dst_p = jnp.concatenate([dst, pad_ids])
    src_c128 = src_p.reshape(NW, CHUNKS, CW)
    dst_c128 = dst_p.reshape(NW, CHUNKS, CW)
    src_c64 = src_p.reshape(NW, 2 * CHUNKS, CW // 2)
    dst_c64 = dst_p.reshape(NW, 2 * CHUNKS, CW // 2)
    src_c32 = src_p.reshape(NW, 4 * CHUNKS, CW // 4)
    dst_c32 = dst_p.reshape(NW, 4 * CHUNKS, CW // 4)

    degp = _deg_kernel(dst_c128)

    g1 = pl.pallas_call(
        _g1_body,
        grid=(_GB,),
        in_specs=[_degp_spec(), _row_spec(128), _full_spec((128, 128))],
        out_specs=_row_spec(128),
        out_shape=jax.ShapeDtypeStruct((NP, 128), jnp.float32),
    )(degp, x, W1)

    accp1 = _agg128(g1, src_c32, dst_c32)

    g2 = pl.pallas_call(
        _mid_body,
        grid=(_GB,),
        in_specs=[_degp_spec(), _accp_spec(128), _row_spec(128),
                  _full_spec((128,)), _full_spec((128, 64))],
        out_specs=_row_spec(64),
        out_shape=jax.ShapeDtypeStruct((NP, 64), jnp.float32),
    )(degp, accp1, g1, b1, W2)

    accp2 = _agg64(g2, src_c64, dst_c64)

    out = pl.pallas_call(
        _out_body,
        grid=(_GB,),
        in_specs=[_degp_spec(), _accp_spec(64), _row_spec(64),
                  _full_spec((64,))],
        out_specs=_row_spec(64),
        out_shape=jax.ShapeDtypeStruct((NP, 64), jnp.float32),
    )(degp, accp2, g2, b2)

    return out[:N_NODES]

# --- scband reference (transcript-rebuilt; emitter-appended) ---
"""Pipeline reference for scband-gnnmodel-20469814133566 (READ-ONLY COPY).

The authoritative reference and input builder live on the scoring server;
editing this copy changes nothing except your own understanding.
"""

import jax, jax.numpy as jnp
import numpy as np

N_NODES = 10000
N_EDGES = 320000
IN_DIM = 128
HID_DIM = 128
OUT_DIM = 64


def gcn_conv(x, edge_index, W, b):
    # Faithful PyG GCNConv: add self-loops, symmetric normalization,
    # linear transform, scatter-add aggregation, bias.
    N = x.shape[0]
    loop = jnp.arange(N, dtype=edge_index.dtype)
    src = jnp.concatenate([edge_index[0], loop])
    dst = jnp.concatenate([edge_index[1], loop])
    deg = jnp.zeros((N,), dtype=x.dtype).at[dst].add(1.0)
    deg_inv_sqrt = 1.0 / jnp.sqrt(jnp.clip(deg, 1.0, None))
    norm = deg_inv_sqrt[src] * deg_inv_sqrt[dst]
    h = x @ W
    msg = h[src] * norm[:, None]
    out = jnp.zeros((N, W.shape[1]), dtype=x.dtype).at[dst].add(msg)
    return out + b


def setup_inputs(seed: int = 0) -> dict:
    key = jax.random.key(seed)
    k1, k2, k3, k4, k5, k6 = jax.random.split(key, 6)
    x = jax.random.normal(k1, (N_NODES, IN_DIM), dtype=jnp.float32)
    edge_index = jax.random.randint(k2, (2, N_EDGES), 0, N_NODES, dtype=jnp.int64)
    W1 = jax.random.normal(k3, (IN_DIM, HID_DIM), dtype=jnp.float32) * (1.0 / np.sqrt(IN_DIM))
    b1 = jnp.zeros((HID_DIM,), dtype=jnp.float32)
    W2 = jax.random.normal(k4, (HID_DIM, OUT_DIM), dtype=jnp.float32) * (1.0 / np.sqrt(HID_DIM))
    b2 = jnp.zeros((OUT_DIM,), dtype=jnp.float32)
    return {"x": x, "edge_index": edge_index, "W1": W1, "b1": b1, "W2": W2, "b2": b2}


def reference(x, edge_index, W1, b1, W2, b2):
    # Layer 1 (GCNConv) + ReLU (dropout is identity in eval mode)
    h = gcn_conv(x, edge_index, W1, b1)
    h = jax.nn.relu(h)
    # Layer 2 (GCNConv), no activation
    out = gcn_conv(h, edge_index, W2, b2)
    return out

if __name__ == "__main__":
    import jax
    _d = setup_inputs()
    print(jax.jit(kernel)(*tuple(_d.values())))

</pallas_src>

<mosaic_0001>
#map = affine_map<(d0, d1) -> (0, 0)>
#map1 = affine_map<(d0, d1) -> (0, 0, 0)>
module attributes {stable_mosaic.version = 14 : i64} {
  func.func @_agg(%arg0: i32, %arg1: i32, %arg2: memref<10240x64xf32, #tpu.memory_space<hbm>>, %arg3: memref<32x160x64xi32, #tpu.memory_space<hbm>>, %arg4: memref<32x160x64xi32, #tpu.memory_space<hbm>>, %arg5: memref<2x10240x64xf32, #tpu.memory_space<hbm>>, %arg6: memref<160x64xi32, #tpu.memory_space<vmem>>, %arg7: memref<160x64xi32, #tpu.memory_space<vmem>>, %arg8: memref<64x64xf32, #tpu.memory_space<vmem>>, %arg9: memref<64x64xf32, #tpu.memory_space<vmem>>, %arg10: memref<64x64xf32, #tpu.memory_space<vmem>>, %arg11: memref<64x64xf32, #tpu.memory_space<vmem>>, %arg12: memref<64x64xf32, #tpu.memory_space<vmem>>, %arg13: memref<64x64xf32, #tpu.memory_space<vmem>>, %arg14: memref<64x64xf32, #tpu.memory_space<vmem>>, %arg15: memref<64x64xf32, #tpu.memory_space<vmem>>, %arg16: memref<10240x64xf32, #tpu.memory_space<vmem_shared>>, %arg17: memref<!tpu.dma_semaphore, #tpu.memory_space<semaphore_mem>>, %arg18: memref<!tpu.dma_semaphore, #tpu.memory_space<semaphore_mem>>, %arg19: memref<!tpu.dma_semaphore, #tpu.memory_space<semaphore_mem>>, %arg20: memref<!tpu.dma_semaphore, #tpu.memory_space<semaphore_mem>>, %arg21: memref<!tpu.dma_semaphore, #tpu.memory_space<semaphore_mem>>, %arg22: memref<!tpu.dma_semaphore, #tpu.memory_space<semaphore_mem>>, %arg23: memref<!tpu.dma_semaphore, #tpu.memory_space<semaphore_mem>>, %arg24: memref<!tpu.dma_semaphore, #tpu.memory_space<semaphore_mem>>) attributes {dimension_semantics = [#tpu.dimension_semantics<core_parallel>, #tpu.dimension_semantics<subcore_parallel>], iteration_bounds = array<i64: 2, 16>, scalar_prefetch = 0 : i64, scratch_operands = 19 : i64, tpu.core_type = #tpu.core_type<sc_vector_subcore>, window_params = [{transform_indices = #map}, {transform_indices = #map1}, {transform_indices = #map1}, {transform_indices = #map1}]} {
    %mul3A = arith.constant 2 : i32
    %mul3A_0 = arith.muli %arg1, %mul3A : i32
    %add3A = arith.addi %mul3A_0, %arg0 : i32
    %scan3A = arith.constant 0 : i32
    %scan3A_1 = arith.constant 256 : i32
    %scan3A_2 = arith.addi %scan3A, %scan3A_1 : i32
    %scan3A_3 = arith.constant 1 : i32
    scf.for %scan3A_172 = %scan3A to %scan3A_2 step %scan3A_3  : i32 {
      %jit3A = arith.constant 4 : i32
      %div3A = arith.divsi %scan3A_172, %jit3A : i32
      %sign3A = arith.constant 0 : i32
      %sign3A_173 = arith.cmpi sgt, %scan3A_172, %sign3A : i32
      %sign3A_174 = arith.extui %sign3A_173 : i1 to i32
      %sign3A_175 = arith.constant 0 : i32
      %sign3A_176 = arith.cmpi slt, %scan3A_172, %sign3A_175 : i32
      %sign3A_177 = arith.extui %sign3A_176 : i1 to i32
      %sign3A_178 = arith.subi %sign3A_174, %sign3A_177 : i32
      %sign3A_179 = arith.constant 0 : i32
      %sign3A_180 = arith.cmpi sgt, %jit3A, %sign3A_179 : i32
      %sign3A_181 = arith.extui %sign3A_180 : i1 to i32
      %sign3A_182 = arith.constant 0 : i32
      %sign3A_183 = arith.cmpi slt, %jit3A, %sign3A_182 : i32
      %sign3A_184 = arith.extui %sign3A_183 : i1 to i32
      %sign3A_185 = arith.subi %sign3A_181, %sign3A_184 : i32
      %ne3A = arith.cmpi ne, %sign3A_178, %sign3A_185 : i32
      %rem3A = arith.remsi %scan3A_172, %jit3A : i32
      %ne3A_186 = arith.constant 0 : i32
      %ne3A_187 = arith.cmpi ne, %rem3A, %ne3A_186 : i32
      %and3A = arith.andi %ne3A, %ne3A_187 : i1
      %sub3A = arith.constant 1 : i32
      %sub3A_188 = arith.subi %div3A, %sub3A : i32
      %select_n3A = arith.select %and3A, %sub3A_188, %div3A : i32
      %jit3A_189 = arith.constant 4 : i32
      %eq3A = arith.constant 0 : i32
      %eq3A_190 = arith.cmpi eq, %jit3A_189, %eq3A : i32
      %jit3A_191 = arith.constant 1 : i32
      %select_n3A_192 = arith.select %eq3A_190, %jit3A_191, %jit3A_189 : i32
      %rem3A_193 = arith.remsi %scan3A_172, %select_n3A_192 : i32
      %ne3A_194 = arith.constant 0 : i32
      %ne3A_195 = arith.cmpi ne, %rem3A_193, %ne3A_194 : i32
      %lt3A = arith.constant 0 : i32
      %lt3A_196 = arith.cmpi slt, %rem3A_193, %lt3A : i32
      %lt3A_197 = arith.constant 0 : i32
      %lt3A_198 = arith.cmpi slt, %select_n3A_192, %lt3A_197 : i32
      %ne3A_199 = arith.xori %lt3A_196, %lt3A_198 : i1
      %and3A_200 = arith.andi %ne3A_199, %ne3A_195 : i1
      %add3A_201 = arith.addi %rem3A_193, %select_n3A_192 : i32
      %select_n3A_202 = arith.select %and3A_200, %add3A_201, %rem3A_193 : i32
      %broadcast_in_dim3A = arith.constant 0.000000e+00 : f32
      %broadcast_in_dim3A_203 = vector.broadcast %broadcast_in_dim3A : f32 to vector<16xf32>
      %mul3A_204 = arith.constant 16 : i32
      %mul3A_205 = arith.muli %select_n3A_202, %mul3A_204 : i32
      %swap3A = arith.index_cast %select_n3A : i32 to index
      %swap3A_206 = arith.index_cast %mul3A_205 : i32 to index
      %swap3A_207 = tpu.vector_load %arg8[%swap3A, %swap3A_206] {strides = array<i32>} : memref<64x64xf32, #tpu.memory_space<vmem>>, vector<1x16xf32>,
      %swap3A_208 = vector.shape_cast %swap3A_207 : vector<1x16xf32> to vector<16xf32>
      %swap3A_209 = vector.shape_cast %broadcast_in_dim3A_203 : vector<16xf32> to vector<1x16xf32>
      tpu.vector_store %arg8[%swap3A, %swap3A_206], %swap3A_209 {strides = array<i32>} : memref<64x64xf32, #tpu.memory_space<vmem>>, vector<1x16xf32>,
    }
    %scan3A_4 = arith.constant 256 : i32
    %mul3A_5 = arith.constant 640 : i32
    %mul3A_6 = arith.muli %arg1, %mul3A_5 : i32
    %add3A_7 = arith.constant 0 : i32
    %add3A_8 = arith.addi %mul3A_6, %add3A_7 : i32
    "tpu.region"() ({
      %run_scoped3A_172 = tpu.sem_alloc : memref<!tpu.dma_semaphore, #tpu.memory_space<semaphore_mem>>
      %dma_start3A_173 = arith.constant 0 : i32
      %dma_start3A_174 = tpu.memref_slice %arg16[%add3A_8, %dma_start3A_173] : memref<10240x64xf32, #tpu.memory_space<vmem_shared>> -> memref<64x64xf32, #tpu.memory_space<vmem_shared>>
      %dma_start3A_175 = arith.constant 0 : i32
      %dma_start3A_176 = tpu.memref_slice %arg16[%add3A_8, %dma_start3A_175] : memref<10240x64xf32, #tpu.memory_space<vmem_shared>> -> memref<64x64xf32, #tpu.memory_space<vmem_shared>>
      tpu.enqueue_dma source(%arg8 : memref<64x64xf32, #tpu.memory_space<vmem>>) target(%dma_start3A_176 : memref<64x64xf32, #tpu.memory_space<vmem_shared>>) target_semaphore(%run_scoped3A_172 : memref<!tpu.dma_semaphore, #tpu.memory_space<semaphore_mem>>)
      %dma_wait3A_177 = arith.constant 0 : i32
      %dma_wait3A_178 = tpu.memref_slice %arg16[%add3A_8, %dma_wait3A_177] : memref<10240x64xf32, #tpu.memory_space<vmem_shared>> -> memref<64x64xf32, #tpu.memory_space<vmem_shared>>
      %dma_wait3A_179 = arith.constant 0 : i32
      %dma_wait3A_180 = tpu.memref_slice %arg16[%add3A_8, %dma_wait3A_179] : memref<10240x64xf32, #tpu.memory_space<vmem_shared>> -> memref<64x64xf32, #tpu.memory_space<vmem_shared>>
      tpu.wait_dma2 semaphore(%run_scoped3A_172 : memref<!tpu.dma_semaphore, #tpu.memory_space<semaphore_mem>>) src(%arg8 : memref<64x64xf32, #tpu.memory_space<vmem>>) dst(%dma_wait3A_180 : memref<64x64xf32, #tpu.memory_space<vmem_shared>>)
      tpu.yield
    }) : () -> ()
    %mul3A_9 = arith.constant 640 : i32
    %mul3A_10 = arith.muli %arg1, %mul3A_9 : i32
    %add3A_11 = arith.constant 64 : i32
    %add3A_12 = arith.addi %mul3A_10, %add3A_11 : i32
    "tpu.region"() ({
      %run_scoped3A_172 = tpu.sem_alloc : memref<!tpu.dma_semaphore, #tpu.memory_space<semaphore_mem>>
      %dma_start3A_173 = arith.constant 0 : i32
      %dma_start3A_174 = tpu.memref_slice %arg16[%add3A_12, %dma_start3A_173] : memref<10240x64xf32, #tpu.memory_space<vmem_shared>> -> memref<64x64xf32, #tpu.memory_space<vmem_shared>>
      %dma_start3A_175 = arith.constant 0 : i32
      %dma_start3A_176 = tpu.memref_slice %arg16[%add3A_12, %dma_start3A_175] : memref<10240x64xf32, #tpu.memory_space<vmem_shared>> -> memref<64x64xf32, #tpu.memory_space<vmem_shared>>
      tpu.enqueue_dma source(%arg8 : memref<64x64xf32, #tpu.memory_space<vmem>>) target(%dma_start3A_176 : memref<64x64xf32, #tpu.memory_space<vmem_shared>>) target_semaphore(%run_scoped3A_172 : memref<!tpu.dma_semaphore, #tpu.memory_space<semaphore_mem>>)
      %dma_wait3A_177 = arith.constant 0 : i32
      %dma_wait3A_178 = tpu.memref_slice %arg16[%add3A_12, %dma_wait3A_177] : memref<10240x64xf32, #tpu.memory_space<vmem_shared>> -> memref<64x64xf32, #tpu.memory_space<vmem_shared>>
      %dma_wait3A_179 = arith.constant 0 : i32
      %dma_wait3A_180 = tpu.memref_slice %arg16[%add3A_12, %dma_wait3A_179] : memref<10240x64xf32, #tpu.memory_space<vmem_shared>> -> memref<64x64xf32, #tpu.memory_space<vmem_shared>>
      tpu.wait_dma2 semaphore(%run_scoped3A_172 : memref<!tpu.dma_semaphore, #tpu.memory_space<semaphore_mem>>) src(%arg8 : memref<64x64xf32, #tpu.memory_space<vmem>>) dst(%dma_wait3A_180 : memref<64x64xf32, #tpu.memory_space<vmem_shared>>)
      tpu.yield
    }) : () -> ()
    %mul3A_13 = arith.constant 640 : i32
    %mul3A_14 = arith.muli %arg1, %mul3A_13 : i32
    %add3A_15 = arith.constant 128 : i32
    %add3A_16 = arith.addi %mul3A_14, %add3A_15 : i32
    "tpu.region"() ({
      %run_scoped3A_172 = tpu.sem_alloc : memref<!tpu.dma_semaphore, #tpu.memory_space<semaphore_mem>>
      %dma_start3A_173 = arith.constant 0 : i32
      %dma_start3A_174 = tpu.memref_slice %arg16[%add3A_16, %dma_start3A_173] : memref<10240x64xf32, #tpu.memory_space<vmem_shared>> -> memref<64x64xf32, #tpu.memory_space<vmem_shared>>
      %dma_start3A_175 = arith.constant 0 : i32
      %dma_start3A_176 = tpu.memref_slice %arg16[%add3A_16, %dma_start3A_175] : memref<10240x64xf32, #tpu.memory_space<vmem_shared>> -> memref<64x64xf32, #tpu.memory_space<vmem_shared>>
      tpu.enqueue_dma source(%arg8 : memref<64x64xf32, #tpu.memory_space<vmem>>) target(%dma_start3A_176 : memref<64x64xf32, #tpu.memory_space<vmem_shared>>) target_semaphore(%run_scoped3A_172 : memref<!tpu.dma_semaphore, #tpu.memory_space<semaphore_mem>>)
      %dma_wait3A_177 = arith.constant 0 : i32
      %dma_wait3A_178 = tpu.memref_slice %arg16[%add3A_16, %dma_wait3A_177] : memref<10240x64xf32, #tpu.memory_space<vmem_shared>> -> memref<64x64xf32, #tpu.memory_space<vmem_shared>>
      %dma_wait3A_179 = arith.constant 0 : i32
      %dma_wait3A_180 = tpu.memref_slice %arg16[%add3A_16, %dma_wait3A_179] : memref<10240x64xf32, #tpu.memory_space<vmem_shared>> -> memref<64x64xf32, #tpu.memory_space<vmem_shared>>
      tpu.wait_dma2 semaphore(%run_scoped3A_172 : memref<!tpu.dma_semaphore, #tpu.memory_space<semaphore_mem>>) src(%arg8 : memref<64x64xf32, #tpu.memory_space<vmem>>) dst(%dma_wait3A_180 : memref<64x64xf32, #tpu.memory_space<vmem_shared>>)
      tpu.yield
    }) : () -> ()
    %mul3A_17 = arith.constant 640 : i32
    %mul3A_18 = arith.muli %arg1, %mul3A_17 : i32
    %add3A_19 = arith.constant 192 : i32
    %add3A_20 = arith.addi %mul3A_18, %add3A_19 : i32
    "tpu.region"() ({
      %run_scoped3A_172 = tpu.sem_alloc : memref<!tpu.dma_semaphore, #tpu.memory_space<semaphore_mem>>
      %dma_start3A_173 = arith.constant 0 : i32
      %dma_start3A_174 = tpu.memref_slice %arg16[%add3A_20, %dma_start3A_173] : memref<10240x64xf32, #tpu.memory_space<vmem_shared>> -> memref<64x64xf32, #tpu.memory_space<vmem_shared>>
      %dma_start3A_175 = arith.constant 0 : i32
      %dma_start3A_176 = tpu.memref_slice %arg16[%add3A_20, %dma_start3A_175] : memref<10240x64xf32, #tpu.memory_space<vmem_shared>> -> memref<64x64xf32, #tpu.memory_space<vmem_shared>>
      tpu.enqueue_dma source(%arg8 : memref<64x64xf32, #tpu.memory_space<vmem>>) target(%dma_start3A_176 : memref<64x64xf32, #tpu.memory_space<vmem_shared>>) target_semaphore(%run_scoped3A_172 : memref<!tpu.dma_semaphore, #tpu.memory_space<semaphore_mem>>)
      %dma_wait3A_177 = arith.constant 0 : i32
      %dma_wait3A_178 = tpu.memref_slice %arg16[%add3A_20, %dma_wait3A_177] : memref<10240x64xf32, #tpu.memory_space<vmem_shared>> -> memref<64x64xf32, #tpu.memory_space<vmem_shared>>
      %dma_wait3A_179 = arith.constant 0 : i32
      %dma_wait3A_180 = tpu.memref_slice %arg16[%add3A_20, %dma_wait3A_179] : memref<10240x64xf32, #tpu.memory_space<vmem_shared>> -> memref<64x64xf32, #tpu.memory_space<vmem_shared>>
      tpu.wait_dma2 semaphore(%run_scoped3A_172 : memref<!tpu.dma_semaphore, #tpu.memory_space<semaphore_mem>>) src(%arg8 : memref<64x64xf32, #tpu.memory_space<vmem>>) dst(%dma_wait3A_180 : memref<64x64xf32, #tpu.memory_space<vmem_shared>>)
      tpu.yield
    }) : () -> ()
    %mul3A_21 = arith.constant 640 : i32
    %mul3A_22 = arith.muli %arg1, %mul3A_21 : i32
    %add3A_23 = arith.constant 256 : i32
    %add3A_24 = arith.addi %mul3A_22, %add3A_23 : i32
    "tpu.region"() ({
      %run_scoped3A_172 = tpu.sem_alloc : memref<!tpu.dma_semaphore, #tpu.memory_space<semaphore_mem>>
      %dma_start3A_173 = arith.constant 0 : i32
      %dma_start3A_174 = tpu.memref_slice %arg16[%add3A_24, %dma_start3A_173] : memref<10240x64xf32, #tpu.memory_space<vmem_shared>> -> memref<64x64xf32, #tpu.memory_space<vmem_shared>>
      %dma_start3A_175 = arith.constant 0 : i32
      %dma_start3A_176 = tpu.memref_slice %arg16[%add3A_24, %dma_start3A_175] : memref<10240x64xf32, #tpu.memory_space<vmem_shared>> -> memref<64x64xf32, #tpu.memory_space<vmem_shared>>
      tpu.enqueue_dma source(%arg8 : memref<64x64xf32, #tpu.memory_space<vmem>>) target(%dma_start3A_176 : memref<64x64xf32, #tpu.memory_space<vmem_shared>>) target_semaphore(%run_scoped3A_172 : memref<!tpu.dma_semaphore, #tpu.memory_space<semaphore_mem>>)
      %dma_wait3A_177 = arith.constant 0 : i32
      %dma_wait3A_178 = tpu.memref_slice %arg16[%add3A_24, %dma_wait3A_177] : memref<10240x64xf32, #tpu.memory_space<vmem_shared>> -> memref<64x64xf32, #tpu.memory_space<vmem_shared>>
      %dma_wait3A_179 = arith.constant 0 : i32
      %dma_wait3A_180 = tpu.memref_slice %arg16[%add3A_24, %dma_wait3A_179] : memref<10240x64xf32, #tpu.memory_space<vmem_shared>> -> memref<64x64xf32, #tpu.memory_space<vmem_shared>>
      tpu.wait_dma2 semaphore(%run_scoped3A_172 : memref<!tpu.dma_semaphore, #tpu.memory_space<semaphore_mem>>) src(%arg8 : memref<64x64xf32, #tpu.memory_space<vmem>>) dst(%dma_wait3A_180 : memref<64x64xf32, #tpu.memory_space<vmem_shared>>)
      tpu.yield
    }) : () -> ()
    %mul3A_25 = arith.constant 640 : i32
    %mul3A_26 = arith.muli %arg1, %mul3A_25 : i32
    %add3A_27 = arith.constant 320 : i32
    %add3A_28 = arith.addi %mul3A_26, %add3A_27 : i32
    "tpu.region"() ({
      %run_scoped3A_172 = tpu.sem_alloc : memref<!tpu.dma_semaphore, #tpu.memory_space<semaphore_mem>>
      %dma_start3A_173 = arith.constant 0 : i32
      %dma_start3A_174 = tpu.memref_slice %arg16[%add3A_28, %dma_start3A_173] : memref<10240x64xf32, #tpu.memory_space<vmem_shared>> -> memref<64x64xf32, #tpu.memory_space<vmem_shared>>
      %dma_start3A_175 = arith.constant 0 : i32
      %dma_start3A_176 = tpu.memref_slice %arg16[%add3A_28, %dma_start3A_175] : memref<10240x64xf32, #tpu.memory_space<vmem_shared>> -> memref<64x64xf32, #tpu.memory_space<vmem_shared>>
      tpu.enqueue_dma source(%arg8 : memref<64x64xf32, #tpu.memory_space<vmem>>) target(%dma_start3A_176 : memref<64x64xf32, #tpu.memory_space<vmem_shared>>) target_semaphore(%run_scoped3A_172 : memref<!tpu.dma_semaphore, #tpu.memory_space<semaphore_mem>>)
      %dma_wait3A_177 = arith.constant 0 : i32
      %dma_wait3A_178 = tpu.memref_slice %arg16[%add3A_28, %dma_wait3A_177] : memref<10240x64xf32, #tpu.memory_space<vmem_shared>> -> memref<64x64xf32, #tpu.memory_space<vmem_shared>>
      %dma_wait3A_179 = arith.constant 0 : i32
      %dma_wait3A_180 = tpu.memref_slice %arg16[%add3A_28, %dma_wait3A_179] : memref<10240x64xf32, #tpu.memory_space<vmem_shared>> -> memref<64x64xf32, #tpu.memory_space<vmem_shared>>
      tpu.wait_dma2 semaphore(%run_scoped3A_172 : memref<!tpu.dma_semaphore, #tpu.memory_space<semaphore_mem>>) src(%arg8 : memref<64x64xf32, #tpu.memory_space<vmem>>) dst(%dma_wait3A_180 : memref<64x64xf32, #tpu.memory_space<vmem_shared>>)
      tpu.yield
    }) : () -> ()
    %mul3A_29 = arith.constant 640 : i32
    %mul3A_30 = arith.muli %arg1, %mul3A_29 : i32
    %add3A_31 = arith.constant 384 : i32
    %add3A_32 = arith.addi %mul3A_30, %add3A_31 : i32
    "tpu.region"() ({
      %run_scoped3A_172 = tpu.sem_alloc : memref<!tpu.dma_semaphore, #tpu.memory_space<semaphore_mem>>
      %dma_start3A_173 = arith.constant 0 : i32
      %dma_start3A_174 = tpu.memref_slice %arg16[%add3A_32, %dma_start3A_173] : memref<10240x64xf32, #tpu.memory_space<vmem_shared>> -> memref<64x64xf32, #tpu.memory_space<vmem_shared>>
      %dma_start3A_175 = arith.constant 0 : i32
      %dma_start3A_176 = tpu.memref_slice %arg16[%add3A_32, %dma_start3A_175] : memref<10240x64xf32, #tpu.memory_space<vmem_shared>> -> memref<64x64xf32, #tpu.memory_space<vmem_shared>>
      tpu.enqueue_dma source(%arg8 : memref<64x64xf32, #tpu.memory_space<vmem>>) target(%dma_start3A_176 : memref<64x64xf32, #tpu.memory_space<vmem_shared>>) target_semaphore(%run_scoped3A_172 : memref<!tpu.dma_semaphore, #tpu.memory_space<semaphore_mem>>)
      %dma_wait3A_177 = arith.constant 0 : i32
      %dma_wait3A_178 = tpu.memref_slice %arg16[%add3A_32, %dma_wait3A_177] : memref<10240x64xf32, #tpu.memory_space<vmem_shared>> -> memref<64x64xf32, #tpu.memory_space<vmem_shared>>
      %dma_wait3A_179 = arith.constant 0 : i32
      %dma_wait3A_180 = tpu.memref_slice %arg16[%add3A_32, %dma_wait3A_179] : memref<10240x64xf32, #tpu.memory_space<vmem_shared>> -> memref<64x64xf32, #tpu.memory_space<vmem_shared>>
      tpu.wait_dma2 semaphore(%run_scoped3A_172 : memref<!tpu.dma_semaphore, #tpu.memory_space<semaphore_mem>>) src(%arg8 : memref<64x64xf32, #tpu.memory_space<vmem>>) dst(%dma_wait3A_180 : memref<64x64xf32, #tpu.memory_space<vmem_shared>>)
      tpu.yield
    }) : () -> ()
    %mul3A_33 = arith.constant 640 : i32
    %mul3A_34 = arith.muli %arg1, %mul3A_33 : i32
    %add3A_35 = arith.constant 448 : i32
    %add3A_36 = arith.addi %mul3A_34, %add3A_35 : i32
    "tpu.region"() ({
      %run_scoped3A_172 = tpu.sem_alloc : memref<!tpu.dma_semaphore, #tpu.memory_space<semaphore_mem>>
      %dma_start3A_173 = arith.constant 0 : i32
      %dma_start3A_174 = tpu.memref_slice %arg16[%add3A_36, %dma_start3A_173] : memref<10240x64xf32, #tpu.memory_space<vmem_shared>> -> memref<64x64xf32, #tpu.memory_space<vmem_shared>>
      %dma_start3A_175 = arith.constant 0 : i32
      %dma_start3A_176 = tpu.memref_slice %arg16[%add3A_36, %dma_start3A_175] : memref<10240x64xf32, #tpu.memory_space<vmem_shared>> -> memref<64x64xf32, #tpu.memory_space<vmem_shared>>
      tpu.enqueue_dma source(%arg8 : memref<64x64xf32, #tpu.memory_space<vmem>>) target(%dma_start3A_176 : memref<64x64xf32, #tpu.memory_space<vmem_shared>>) target_semaphore(%run_scoped3A_172 : memref<!tpu.dma_semaphore, #tpu.memory_space<semaphore_mem>>)
      %dma_wait3A_177 = arith.constant 0 : i32
      %dma_wait3A_178 = tpu.memref_slice %arg16[%add3A_36, %dma_wait3A_177] : memref<10240x64xf32, #tpu.memory_space<vmem_shared>> -> memref<64x64xf32, #tpu.memory_space<vmem_shared>>
      %dma_wait3A_179 = arith.constant 0 : i32
      %dma_wait3A_180 = tpu.memref_slice %arg16[%add3A_36, %dma_wait3A_179] : memref<10240x64xf32, #tpu.memory_space<vmem_shared>> -> memref<64x64xf32, #tpu.memory_space<vmem_shared>>
      tpu.wait_dma2 semaphore(%run_scoped3A_172 : memref<!tpu.dma_semaphore, #tpu.memory_space<semaphore_mem>>) src(%arg8 : memref<64x64xf32, #tpu.memory_space<vmem>>) dst(%dma_wait3A_180 : memref<64x64xf32, #tpu.memory_space<vmem_shared>>)
      tpu.yield
    }) : () -> ()
    %mul3A_37 = arith.constant 640 : i32
    %mul3A_38 = arith.muli %arg1, %mul3A_37 : i32
    %add3A_39 = arith.constant 512 : i32
    %add3A_40 = arith.addi %mul3A_38, %add3A_39 : i32
    "tpu.region"() ({
      %run_scoped3A_172 = tpu.sem_alloc : memref<!tpu.dma_semaphore, #tpu.memory_space<semaphore_mem>>
      %dma_start3A_173 = arith.constant 0 : i32
      %dma_start3A_174 = tpu.memref_slice %arg16[%add3A_40, %dma_start3A_173] : memref<10240x64xf32, #tpu.memory_space<vmem_shared>> -> memref<64x64xf32, #tpu.memory_space<vmem_shared>>
      %dma_start3A_175 = arith.constant 0 : i32
      %dma_start3A_176 = tpu.memref_slice %arg16[%add3A_40, %dma_start3A_175] : memref<10240x64xf32, #tpu.memory_space<vmem_shared>> -> memref<64x64xf32, #tpu.memory_space<vmem_shared>>
      tpu.enqueue_dma source(%arg8 : memref<64x64xf32, #tpu.memory_space<vmem>>) target(%dma_start3A_176 : memref<64x64xf32, #tpu.memory_space<vmem_shared>>) target_semaphore(%run_scoped3A_172 : memref<!tpu.dma_semaphore, #tpu.memory_space<semaphore_mem>>)
      %dma_wait3A_177 = arith.constant 0 : i32
      %dma_wait3A_178 = tpu.memref_slice %arg16[%add3A_40, %dma_wait3A_177] : memref<10240x64xf32, #tpu.memory_space<vmem_shared>> -> memref<64x64xf32, #tpu.memory_space<vmem_shared>>
      %dma_wait3A_179 = arith.constant 0 : i32
      %dma_wait3A_180 = tpu.memref_slice %arg16[%add3A_40, %dma_wait3A_179] : memref<10240x64xf32, #tpu.memory_space<vmem_shared>> -> memref<64x64xf32, #tpu.memory_space<vmem_shared>>
      tpu.wait_dma2 semaphore(%run_scoped3A_172 : memref<!tpu.dma_semaphore, #tpu.memory_space<semaphore_mem>>) src(%arg8 : memref<64x64xf32, #tpu.memory_space<vmem>>) dst(%dma_wait3A_180 : memref<64x64xf32, #tpu.memory_space<vmem_shared>>)
      tpu.yield
    }) : () -> ()
    %mul3A_41 = arith.constant 640 : i32
    %mul3A_42 = arith.muli %arg1, %mul3A_41 : i32
    %add3A_43 = arith.constant 576 : i32
    %add3A_44 = arith.addi %mul3A_42, %add3A_43 : i32
    "tpu.region"() ({
      %run_scoped3A_172 = tpu.sem_alloc : memref<!tpu.dma_semaphore, #tpu.memory_space<semaphore_mem>>
      %dma_start3A_173 = arith.constant 0 : i32
      %dma_start3A_174 = tpu.memref_slice %arg16[%add3A_44, %dma_start3A_173] : memref<10240x64xf32, #tpu.memory_space<vmem_shared>> -> memref<64x64xf32, #tpu.memory_space<vmem_shared>>
      %dma_start3A_175 = arith.constant 0 : i32
      %dma_start3A_176 = tpu.memref_slice %arg16[%add3A_44, %dma_start3A_175] : memref<10240x64xf32, #tpu.memory_space<vmem_shared>> -> memref<64x64xf32, #tpu.memory_space<vmem_shared>>
      tpu.enqueue_dma source(%arg8 : memref<64x64xf32, #tpu.memory_space<vmem>>) target(%dma_start3A_176 : memref<64x64xf32, #tpu.memory_space<vmem_shared>>) target_semaphore(%run_scoped3A_172 : memref<!tpu.dma_semaphore, #tpu.memory_space<semaphore_mem>>)
      %dma_wait3A_177 = arith.constant 0 : i32
      %dma_wait3A_178 = tpu.memref_slice %arg16[%add3A_44, %dma_wait3A_177] : memref<10240x64xf32, #tpu.memory_space<vmem_shared>> -> memref<64x64xf32, #tpu.memory_space<vmem_shared>>
      %dma_wait3A_179 = arith.constant 0 : i32
      %dma_wait3A_180 = tpu.memref_slice %arg16[%add3A_44, %dma_wait3A_179] : memref<10240x64xf32, #tpu.memory_space<vmem_shared>> -> memref<64x64xf32, #tpu.memory_space<vmem_shared>>
      tpu.wait_dma2 semaphore(%run_scoped3A_172 : memref<!tpu.dma_semaphore, #tpu.memory_space<semaphore_mem>>) src(%arg8 : memref<64x64xf32, #tpu.memory_space<vmem>>) dst(%dma_wait3A_180 : memref<64x64xf32, #tpu.memory_space<vmem_shared>>)
      tpu.yield
    }) : () -> ()
    %barrier3A = arith.constant 0 : index
    tpu.barrier barrier_id(%barrier3A)
    "tpu.region"() ({
      %run_scoped3A_172 = tpu.sem_alloc : memref<!tpu.dma_semaphore, #tpu.memory_space<semaphore_mem>>
      %dma_start3A_173 = arith.constant 0 : i32
      %dma_start3A_174 = arith.constant 0 : i32
      %dma_start3A_175 = tpu.memref_slice %arg3[%add3A, %dma_start3A_173, %dma_start3A_174] : memref<32x160x64xi32, #tpu.memory_space<hbm>> -> memref<1x160x64xi32, #tpu.memory_space<hbm>>
      %dma_start3A_176 = tpu.memref_squeeze %dma_start3A_175 : memref<1x160x64xi32, #tpu.memory_space<hbm>> -> memref<160x64xi32, #tpu.memory_space<hbm>>
      %dma_start3A_177 = arith.constant 0 : i32
      %dma_start3A_178 = arith.constant 0 : i32
      %dma_start3A_179 = tpu.memref_slice %arg3[%add3A, %dma_start3A_177, %dma_start3A_178] : memref<32x160x64xi32, #tpu.memory_space<hbm>> -> memref<1x160x64xi32, #tpu.memory_space<hbm>>
      %dma_start3A_180 = tpu.memref_squeeze %dma_start3A_179 : memref<1x160x64xi32, #tpu.memory_space<hbm>> -> memref<160x64xi32, #tpu.memory_space<hbm>>
      tpu.enqueue_dma source(%dma_start3A_180 : memref<160x64xi32, #tpu.memory_space<hbm>>) target(%arg6 : memref<160x64xi32, #tpu.memory_space<vmem>>) target_semaphore(%run_scoped3A_172 : memref<!tpu.dma_semaphore, #tpu.memory_space<semaphore_mem>>)
      %dma_wait3A_181 = arith.constant 0 : i32
      %dma_wait3A_182 = arith.constant 0 : i32
      %dma_wait3A_183 = tpu.memref_slice %arg3[%add3A, %dma_wait3A_181, %dma_wait3A_182] : memref<32x160x64xi32, #tpu.memory_space<hbm>> -> memref<1x160x64xi32, #tpu.memory_space<hbm>>
      %dma_wait3A_184 = tpu.memref_squeeze %dma_wait3A_183 : memref<1x160x64xi32, #tpu.memory_space<hbm>> -> memref<160x64xi32, #tpu.memory_space<hbm>>
      %dma_wait3A_185 = arith.constant 0 : i32
      %dma_wait3A_186 = arith.constant 0 : i32
      %dma_wait3A_187 = tpu.memref_slice %arg3[%add3A, %dma_wait3A_185, %dma_wait3A_186] : memref<32x160x64xi32, #tpu.memory_space<hbm>> -> memref<1x160x64xi32, #tpu.memory_space<hbm>>
      %dma_wait3A_188 = tpu.memref_squeeze %dma_wait3A_187 : memref<1x160x64xi32, #tpu.memory_space<hbm>> -> memref<160x64xi32, #tpu.memory_space<hbm>>
      tpu.wait_dma2 semaphore(%run_scoped3A_172 : memref<!tpu.dma_semaphore, #tpu.memory_space<semaphore_mem>>) src(%dma_wait3A_188 : memref<160x64xi32, #tpu.memory_space<hbm>>) dst(%arg6 : memref<160x64xi32, #tpu.memory_space<vmem>>)
      tpu.yield
    }) : () -> ()
    %dma_start3A = arith.constant 0 : i32
    %dma_start3A_45 = arith.constant 0 : i32
    %dma_start3A_46 = tpu.memref_slice %arg6[%dma_start3A, %dma_start3A_45] : memref<160x64xi32, #tpu.memory_space<vmem>> -> memref<1x64xi32, #tpu.memory_space<vmem>>
    %dma_start3A_47 = tpu.memref_squeeze %dma_start3A_46 : memref<1x64xi32, #tpu.memory_space<vmem>> -> memref<64xi32, #tpu.memory_space<vmem>>
    %dma_start3A_48 = arith.constant 0 : i32
    %dma_start3A_49 = arith.constant 0 : i32
    %dma_start3A_50 = tpu.memref_slice %arg2[%dma_start3A_48, %dma_start3A_49] : memref<10240x64xf32, #tpu.memory_space<hbm>> -> memref<10240x64xf32, #tpu.memory_space<hbm>>
    tpu.enqueue_indirect_dma source(%dma_start3A_50 : memref<10240x64xf32, #tpu.memory_space<hbm>>) target(%arg8 : memref<64x64xf32, #tpu.memory_space<vmem>>) offsets(%dma_start3A_47 : memref<64xi32, #tpu.memory_space<vmem>>) semaphore(%arg17 : memref<!tpu.dma_semaphore, #tpu.memory_space<semaphore_mem>>)
    %dma_start3A_51 = arith.constant 1 : i32
    %dma_start3A_52 = arith.constant 0 : i32
    %dma_start3A_53 = tpu.memref_slice %arg6[%dma_start3A_51, %dma_start3A_52] : memref<160x64xi32, #tpu.memory_space<vmem>> -> memref<1x64xi32, #tpu.memory_space<vmem>>
    %dma_start3A_54 = tpu.memref_squeeze %dma_start3A_53 : memref<1x64xi32, #tpu.memory_space<vmem>> -> memref<64xi32, #tpu.memory_space<vmem>>
    %dma_start3A_55 = arith.constant 0 : i32
    %dma_start3A_56 = arith.constant 0 : i32
    %dma_start3A_57 = tpu.memref_slice %arg2[%dma_start3A_55, %dma_start3A_56] : memref<10240x64xf32, #tpu.memory_space<hbm>> -> memref<10240x64xf32, #tpu.memory_space<hbm>>
    tpu.enqueue_indirect_dma source(%dma_start3A_57 : memref<10240x64xf32, #tpu.memory_space<hbm>>) target(%arg9 : memref<64x64xf32, #tpu.memory_space<vmem>>) offsets(%dma_start3A_54 : memref<64xi32, #tpu.memory_space<vmem>>) semaphore(%arg18 : memref<!tpu.dma_semaphore, #tpu.memory_space<semaphore_mem>>)
    %dma_start3A_58 = arith.constant 2 : i32
    %dma_start3A_59 = arith.constant 0 : i32
    %dma_start3A_60 = tpu.memref_slice %arg6[%dma_start3A_58, %dma_start3A_59] : memref<160x64xi32, #tpu.memory_space<vmem>> -> memref<1x64xi32, #tpu.memory_space<vmem>>
    %dma_start3A_61 = tpu.memref_squeeze %dma_start3A_60 : memref<1x64xi32, #tpu.memory_space<vmem>> -> memref<64xi32, #tpu.memory_space<vmem>>
    %dma_start3A_62 = arith.constant 0 : i32
    %dma_start3A_63 = arith.constant 0 : i32
    %dma_start3A_64 = tpu.memref_slice %arg2[%dma_start3A_62, %dma_start3A_63] : memref<10240x64xf32, #tpu.memory_space<hbm>> -> memref<10240x64xf32, #tpu.memory_space<hbm>>
    tpu.enqueue_indirect_dma source(%dma_start3A_64 : memref<10240x64xf32, #tpu.memory_space<hbm>>) target(%arg10 : memref<64x64xf32, #tpu.memory_space<vmem>>) offsets(%dma_start3A_61 : memref<64xi32, #tpu.memory_space<vmem>>) semaphore(%arg19 : memref<!tpu.dma_semaphore, #tpu.memory_space<semaphore_mem>>)
    %dma_start3A_65 = arith.constant 3 : i32
    %dma_start3A_66 = arith.constant 0 : i32
    %dma_start3A_67 = tpu.memref_slice %arg6[%dma_start3A_65, %dma_start3A_66] : memref<160x64xi32, #tpu.memory_space<vmem>> -> memref<1x64xi32, #tpu.memory_space<vmem>>
    %dma_start3A_68 = tpu.memref_squeeze %dma_start3A_67 : memref<1x64xi32, #tpu.memory_space<vmem>> -> memref<64xi32, #tpu.memory_space<vmem>>
    %dma_start3A_69 = arith.constant 0 : i32
    %dma_start3A_70 = arith.constant 0 : i32
    %dma_start3A_71 = tpu.memref_slice %arg2[%dma_start3A_69, %dma_start3A_70] : memref<10240x64xf32, #tpu.memory_space<hbm>> -> memref<10240x64xf32, #tpu.memory_space<hbm>>
    tpu.enqueue_indirect_dma source(%dma_start3A_71 : memref<10240x64xf32, #tpu.memory_space<hbm>>) target(%arg11 : memref<64x64xf32, #tpu.memory_space<vmem>>) offsets(%dma_start3A_68 : memref<64xi32, #tpu.memory_space<vmem>>) semaphore(%arg20 : memref<!tpu.dma_semaphore, #tpu.memory_space<semaphore_mem>>)
    %dma_start3A_72 = arith.constant 4 : i32
    %dma_start3A_73 = arith.constant 0 : i32
    %dma_start3A_74 = tpu.memref_slice %arg6[%dma_start3A_72, %dma_start3A_73] : memref<160x64xi32, #tpu.memory_space<vmem>> -> memref<1x64xi32, #tpu.memory_space<vmem>>
    %dma_start3A_75 = tpu.memref_squeeze %dma_start3A_74 : memref<1x64xi32, #tpu.memory_space<vmem>> -> memref<64xi32, #tpu.memory_space<vmem>>
    %dma_start3A_76 = arith.constant 0 : i32
    %dma_start3A_77 = arith.constant 0 : i32
    %dma_start3A_78 = tpu.memref_slice %arg2[%dma_start3A_76, %dma_start3A_77] : memref<10240x64xf32, #tpu.memory_space<hbm>> -> memref<10240x64xf32, #tpu.memory_space<hbm>>
    tpu.enqueue_indirect_dma source(%dma_start3A_78 : memref<10240x64xf32, #tpu.memory_space<hbm>>) target(%arg12 : memref<64x64xf32, #tpu.memory_space<vmem>>) offsets(%dma_start3A_75 : memref<64xi32, #tpu.memory_space<vmem>>) semaphore(%arg21 : memref<!tpu.dma_semaphore, #tpu.memory_space<semaphore_mem>>)
    %dma_start3A_79 = arith.constant 5 : i32
    %dma_start3A_80 = arith.constant 0 : i32
    %dma_start3A_81 = tpu.memref_slice %arg6[%dma_start3A_79, %dma_start3A_80] : memref<160x64xi32, #tpu.memory_space<vmem>> -> memref<1x64xi32, #tpu.memory_space<vmem>>
    %dma_start3A_82 = tpu.memref_squeeze %dma_start3A_81 : memref<1x64xi32, #tpu.memory_space<vmem>> -> memref<64xi32, #tpu.memory_space<vmem>>
    %dma_start3A_83 = arith.constant 0 : i32
    %dma_start3A_84 = arith.constant 0 : i32
    %dma_start3A_85 = tpu.memref_slice %arg2[%dma_start3A_83, %dma_start3A_84] : memref<10240x64xf32, #tpu.memory_space<hbm>> -> memref<10240x64xf32, #tpu.memory_space<hbm>>
    tpu.enqueue_indirect_dma source(%dma_start3A_85 : memref<10240x64xf32, #tpu.memory_space<hbm>>) target(%arg13 : memref<64x64xf32, #tpu.memory_space<vmem>>) offsets(%dma_start3A_82 : memref<64xi32, #tpu.memory_space<vmem>>) semaphore(%arg22 : memref<!tpu.dma_semaphore, #tpu.memory_space<semaphore_mem>>)
    %dma_start3A_86 = arith.constant 6 : i32
    %dma_start3A_87 = arith.constant 0 : i32
    %dma_start3A_88 = tpu.memref_slice %arg6[%dma_start3A_86, %dma_start3A_87] : memref<160x64xi32, #tpu.memory_space<vmem>> -> memref<1x64xi32, #tpu.memory_space<vmem>>
    %dma_start3A_89 = tpu.memref_squeeze %dma_start3A_88 : memref<1x64xi32, #tpu.memory_space<vmem>> -> memref<64xi32, #tpu.memory_space<vmem>>
    %dma_start3A_90 = arith.constant 0 : i32
    %dma_start3A_91 = arith.constant 0 : i32
    %dma_start3A_92 = tpu.memref_slice %arg2[%dma_start3A_90, %dma_start3A_91] : memref<10240x64xf32, #tpu.memory_space<hbm>> -> memref<10240x64xf32, #tpu.memory_space<hbm>>
    tpu.enqueue_indirect_dma source(%dma_start3A_92 : memref<10240x64xf32, #tpu.memory_space<hbm>>) target(%arg14 : memref<64x64xf32, #tpu.memory_space<vmem>>) offsets(%dma_start3A_89 : memref<64xi32, #tpu.memory_space<vmem>>) semaphore(%arg23 : memref<!tpu.dma_semaphore, #tpu.memory_space<semaphore_mem>>)
    %dma_start3A_93 = arith.constant 7 : i32
    %dma_start3A_94 = arith.constant 0 : i32
    %dma_start3A_95 = tpu.memref_slice %arg6[%dma_start3A_93, %dma_start3A_94] : memref<160x64xi32, #tpu.memory_space<vmem>> -> memref<1x64xi32, #tpu.memory_space<vmem>>
    %dma_start3A_96 = tpu.memref_squeeze %dma_start3A_95 : memref<1x64xi32, #tpu.memory_space<vmem>> -> memref<64xi32, #tpu.memory_space<vmem>>
    %dma_start3A_97 = arith.constant 0 : i32
    %dma_start3A_98 = arith.constant 0 : i32
    %dma_start3A_99 = tpu.memref_slice %arg2[%dma_start3A_97, %dma_start3A_98] : memref<10240x64xf32, #tpu.memory_space<hbm>> -> memref<10240x64xf32, #tpu.memory_space<hbm>>
    tpu.enqueue_indirect_dma source(%dma_start3A_99 : memref<10240x64xf32, #tpu.memory_space<hbm>>) target(%arg15 : memref<64x64xf32, #tpu.memory_space<vmem>>) offsets(%dma_start3A_96 : memref<64xi32, #tpu.memory_space<vmem>>) semaphore(%arg24 : memref<!tpu.dma_semaphore, #tpu.memory_space<semaphore_mem>>)
    "tpu.region"() ({
      %run_scoped3A_172 = tpu.sem_alloc : memref<!tpu.dma_semaphore, #tpu.memory_space<semaphore_mem>>
      %dma_start3A_173 = arith.constant 0 : i32
      %dma_start3A_174 = arith.constant 0 : i32
      %dma_start3A_175 = tpu.memref_slice %arg4[%add3A, %dma_start3A_173, %dma_start3A_174] : memref<32x160x64xi32, #tpu.memory_space<hbm>> -> memref<1x160x64xi32, #tpu.memory_space<hbm>>
      %dma_start3A_176 = tpu.memref_squeeze %dma_start3A_175 : memref<1x160x64xi32, #tpu.memory_space<hbm>> -> memref<160x64xi32, #tpu.memory_space<hbm>>
      %dma_start3A_177 = arith.constant 0 : i32
      %dma_start3A_178 = arith.constant 0 : i32
      %dma_start3A_179 = tpu.memref_slice %arg4[%add3A, %dma_start3A_177, %dma_start3A_178] : memref<32x160x64xi32, #tpu.memory_space<hbm>> -> memref<1x160x64xi32, #tpu.memory_space<hbm>>
      %dma_start3A_180 = tpu.memref_squeeze %dma_start3A_179 : memref<1x160x64xi32, #tpu.memory_space<hbm>> -> memref<160x64xi32, #tpu.memory_space<hbm>>
      tpu.enqueue_dma source(%dma_start3A_180 : memref<160x64xi32, #tpu.memory_space<hbm>>) target(%arg7 : memref<160x64xi32, #tpu.memory_space<vmem>>) target_semaphore(%run_scoped3A_172 : memref<!tpu.dma_semaphore, #tpu.memory_space<semaphore_mem>>)
      %dma_wait3A_181 = arith.constant 0 : i32
      %dma_wait3A_182 = arith.constant 0 : i32
      %dma_wait3A_183 = tpu.memref_slice %arg4[%add3A, %dma_wait3A_181, %dma_wait3A_182] : memref<32x160x64xi32, #tpu.memory_space<hbm>> -> memref<1x160x64xi32, #tpu.memory_space<hbm>>
      %dma_wait3A_184 = tpu.memref_squeeze %dma_wait3A_183 : memref<1x160x64xi32, #tpu.memory_space<hbm>> -> memref<160x64xi32, #tpu.memory_space<hbm>>
      %dma_wait3A_185 = arith.constant 0 : i32
      %dma_wait3A_186 = arith.constant 0 : i32
      %dma_wait3A_187 = tpu.memref_slice %arg4[%add3A, %dma_wait3A_185, %dma_wait3A_186] : memref<32x160x64xi32, #tpu.memory_space<hbm>> -> memref<1x160x64xi32, #tpu.memory_space<hbm>>
      %dma_wait3A_188 = tpu.memref_squeeze %dma_wait3A_187 : memref<1x160x64xi32, #tpu.memory_space<hbm>> -> memref<160x64xi32, #tpu.memory_space<hbm>>
      tpu.wait_dma2 semaphore(%run_scoped3A_172 : memref<!tpu.dma_semaphore, #tpu.memory_space<semaphore_mem>>) src(%dma_wait3A_188 : memref<160x64xi32, #tpu.memory_space<hbm>>) dst(%arg7 : memref<160x64xi32, #tpu.memory_space<vmem>>)
      tpu.yield
    }) : () -> ()
    %scan3A_100 = arith.constant 0 : i32
    %scan3A_101 = arith.constant 19 : i32
    %scan3A_102 = arith.addi %scan3A_100, %scan3A_101 : i32
    %scan3A_103 = arith.constant 1 : i32
    scf.for %scan3A_172 = %scan3A_100 to %scan3A_102 step %scan3A_103  : i32 {
      %mul3A_173 = arith.constant 8 : i32
      %mul3A_174 = arith.muli %scan3A_172, %mul3A_173 : i32
      %add3A_175 = arith.constant 0 : i32
      %add3A_176 = arith.addi %add3A_175, %mul3A_174 : i32
      %add3A_177 = arith.constant 0 : i32
      %add3A_178 = arith.addi %add3A_176, %add3A_177 : i32
      %mul3A_179 = arith.constant 8 : i32
      %mul3A_180 = arith.muli %scan3A_172, %mul3A_179 : i32
      %add3A_181 = arith.constant 0 : i32
      %add3A_182 = arith.addi %add3A_181, %mul3A_180 : i32
      %add3A_183 = arith.constant 0 : i32
      %add3A_184 = arith.addi %add3A_182, %add3A_183 : i32
      %dma_wait3A_185 = arith.constant 0 : i32
      %dma_wait3A_186 = tpu.memref_slice %arg6[%add3A_178, %dma_wait3A_185] : memref<160x64xi32, #tpu.memory_space<vmem>> -> memref<1x64xi32, #tpu.memory_space<vmem>>
      %dma_wait3A_187 = tpu.memref_squeeze %dma_wait3A_186 : memref<1x64xi32, #tpu.memory_space<vmem>> -> memref<64xi32, #tpu.memory_space<vmem>>
      %dma_wait3A_188 = arith.constant 0 : i32
      %dma_wait3A_189 = arith.constant 0 : i32
      %dma_wait3A_190 = tpu.memref_slice %arg2[%dma_wait3A_188, %dma_wait3A_189] : memref<10240x64xf32, #tpu.memory_space<hbm>> -> memref<10240x64xf32, #tpu.memory_space<hbm>>
      tpu.wait_indirect_dma semaphore(%arg17 : memref<!tpu.dma_semaphore, #tpu.memory_space<semaphore_mem>>) src(%dma_wait3A_190 : memref<10240x64xf32, #tpu.memory_space<hbm>>) dst(%arg8 : memref<64x64xf32, #tpu.memory_space<vmem>>)
      "tpu.region"() ({
        %run_scoped3A_381 = tpu.sem_alloc : memref<!tpu.dma_semaphore, #tpu.memory_space<semaphore_mem>>
        %dma_start3A_382 = arith.constant 0 : i32
        %dma_start3A_383 = tpu.memref_slice %arg7[%add3A_184, %dma_start3A_382] : memref<160x64xi32, #tpu.memory_space<vmem>> -> memref<1x64xi32, #tpu.memory_space<vmem>>
        %dma_start3A_384 = tpu.memref_squeeze %dma_start3A_383 : memref<1x64xi32, #tpu.memory_space<vmem>> -> memref<64xi32, #tpu.memory_space<vmem>>
        %dma_start3A_385 = arith.constant 0 : i32
        %dma_start3A_386 = arith.constant 0 : i32
        %dma_start3A_387 = tpu.memref_slice %arg16[%dma_start3A_385, %dma_start3A_386] : memref<10240x64xf32, #tpu.memory_space<vmem_shared>> -> memref<10240x64xf32, #tpu.memory_space<vmem_shared>>
        tpu.enqueue_indirect_dma source(%arg8 : memref<64x64xf32, #tpu.memory_space<vmem>>) target(%dma_start3A_387 : memref<10240x64xf32, #tpu.memory_space<vmem_shared>>) offsets(%dma_start3A_384 : memref<64xi32, #tpu.memory_space<vmem>>) semaphore(%run_scoped3A_381 : memref<!tpu.dma_semaphore, #tpu.memory_space<semaphore_mem>>) {add = true}
        %dma_wait3A_388 = arith.constant 0 : i32
        %dma_wait3A_389 = tpu.memref_slice %arg7[%add3A_184, %dma_wait3A_388] : memref<160x64xi32, #tpu.memory_space<vmem>> -> memref<1x64xi32, #tpu.memory_space<vmem>>
        %dma_wait3A_390 = tpu.memref_squeeze %dma_wait3A_389 : memref<1x64xi32, #tpu.memory_space<vmem>> -> memref<64xi32, #tpu.memory_space<vmem>>
        %dma_wait3A_391 = arith.constant 0 : i32
        %dma_wait3A_392 = arith.constant 0 : i32
        %dma_wait3A_393 = tpu.memref_slice %arg16[%dma_wait3A_391, %dma_wait3A_392] : memref<10240x64xf32, #tpu.memory_space<vmem_shared>> -> memref<10240x64xf32, #tpu.memory_space<vmem_shared>>
        tpu.wait_indirect_dma semaphore(%run_scoped3A_381 : memref<!tpu.dma_semaphore, #tpu.memory_space<semaphore_mem>>) src(%arg8 : memref<64x64xf32, #tpu.memory_space<vmem>>) dst(%dma_wait3A_393 : memref<10240x64xf32, #tpu.memory_space<vmem_shared>>)
        tpu.yield
      }) : () -> ()
      %add3A_191 = arith.constant 8 : i32
      %add3A_192 = arith.addi %add3A_178, %add3A_191 : i32
      %dma_start3A_193 = arith.constant 0 : i32
      %dma_start3A_194 = tpu.memref_slice %arg6[%add3A_192, %dma_start3A_193] : memref<160x64xi32, #tpu.memory_space<vmem>> -> memref<1x64xi32, #tpu.memory_space<vmem>>
      %dma_start3A_195 = tpu.memref_squeeze %dma_start3A_194 : memref<1x64xi32, #tpu.memory_space<vmem>> -> memref<64xi32, #tpu.memory_space<vmem>>
      %dma_start3A_196 = arith.constant 0 : i32
      %dma_start3A_197 = arith.constant 0 : i32
      %dma_start3A_198 = tpu.memref_slice %arg2[%dma_start3A_196, %dma_start3A_197] : memref<10240x64xf32, #tpu.memory_space<hbm>> -> memref<10240x64xf32, #tpu.memory_space<hbm>>
      tpu.enqueue_indirect_dma source(%dma_start3A_198 : memref<10240x64xf32, #tpu.memory_space<hbm>>) target(%arg8 : memref<64x64xf32, #tpu.memory_space<vmem>>) offsets(%dma_start3A_195 : memref<64xi32, #tpu.memory_space<vmem>>) semaphore(%arg17 : memref<!tpu.dma_semaphore, #tpu.memory_space<semaphore_mem>>)
      %mul3A_199 = arith.constant 8 : i32
      %mul3A_200 = arith.muli %scan3A_172, %mul3A_199 : i32
      %add3A_201 = arith.constant 0 : i32
      %add3A_202 = arith.addi %add3A_201, %mul3A_200 : i32
      %add3A_203 = arith.constant 1 : i32
      %add3A_204 = arith.addi %add3A_202, %add3A_203 : i32
      %mul3A_205 = arith.constant 8 : i32
      %mul3A_206 = arith.muli %scan3A_172, %mul3A_205 : i32
      %add3A_207 = arith.constant 0 : i32
      %add3A_208 = arith.addi %add3A_207, %mul3A_206 : i32
      %add3A_209 = arith.constant 1 : i32
      %add3A_210 = arith.addi %add3A_208, %add3A_209 : i32
      %dma_wait3A_211 = arith.constant 0 : i32
      %dma_wait3A_212 = tpu.memref_slice %arg6[%add3A_204, %dma_wait3A_211] : memref<160x64xi32, #tpu.memory_space<vmem>> -> memref<1x64xi32, #tpu.memory_space<vmem>>
      %dma_wait3A_213 = tpu.memref_squeeze %dma_wait3A_212 : memref<1x64xi32, #tpu.memory_space<vmem>> -> memref<64xi32, #tpu.memory_space<vmem>>
      %dma_wait3A_214 = arith.constant 0 : i32
      %dma_wait3A_215 = arith.constant 0 : i32
      %dma_wait3A_216 = tpu.memref_slice %arg2[%dma_wait3A_214, %dma_wait3A_215] : memref<10240x64xf32, #tpu.memory_space<hbm>> -> memref<10240x64xf32, #tpu.memory_space<hbm>>
      tpu.wait_indirect_dma semaphore(%arg18 : memref<!tpu.dma_semaphore, #tpu.memory_space<semaphore_mem>>) src(%dma_wait3A_216 : memref<10240x64xf32, #tpu.memory_space<hbm>>) dst(%arg9 : memref<64x64xf32, #tpu.memory_space<vmem>>)
      "tpu.region"() ({
        %run_scoped3A_381 = tpu.sem_alloc : memref<!tpu.dma_semaphore, #tpu.memory_space<semaphore_mem>>
        %dma_start3A_382 = arith.constant 0 : i32
        %dma_start3A_383 = tpu.memref_slice %arg7[%add3A_210, %dma_start3A_382] : memref<160x64xi32, #tpu.memory_space<vmem>> -> memref<1x64xi32, #tpu.memory_space<vmem>>
        %dma_start3A_384 = tpu.memref_squeeze %dma_start3A_383 : memref<1x64xi32, #tpu.memory_space<vmem>> -> memref<64xi32, #tpu.memory_space<vmem>>
        %dma_start3A_385 = arith.constant 0 : i32
        %dma_start3A_386 = arith.constant 0 : i32
        %dma_start3A_387 = tpu.memref_slice %arg16[%dma_start3A_385, %dma_start3A_386] : memref<10240x64xf32, #tpu.memory_space<vmem_shared>> -> memref<10240x64xf32, #tpu.memory_space<vmem_shared>>
        tpu.enqueue_indirect_dma source(%arg9 : memref<64x64xf32, #tpu.memory_space<vmem>>) target(%dma_start3A_387 : memref<10240x64xf32, #tpu.memory_space<vmem_shared>>) offsets(%dma_start3A_384 : memref<64xi32, #tpu.memory_space<vmem>>) semaphore(%run_scoped3A_381 : memref<!tpu.dma_semaphore, #tpu.memory_space<semaphore_mem>>) {add = true}
        %dma_wait3A_388 = arith.constant 0 : i32
        %dma_wait3A_389 = tpu.memref_slice %arg7[%add3A_210, %dma_wait3A_388] : memref<160x64xi32, #tpu.memory_space<vmem>> -> memref<1x64xi32, #tpu.memory_space<vmem>>
        %dma_wait3A_390 = tpu.memref_squeeze %dma_wait3A_389 : memref<1x64xi32, #tpu.memory_space<vmem>> -> memref<64xi32, #tpu.memory_space<vmem>>
        %dma_wait3A_391 = arith.constant 0 : i32
        %dma_wait3A_392 = arith.constant 0 : i32
        %dma_wait3A_393 = tpu.memref_slice %arg16[%dma_wait3A_391, %dma_wait3A_392] : memref<10240x64xf32, #tpu.memory_space<vmem_shared>> -> memref<10240x64xf32, #tpu.memory_space<vmem_shared>>
        tpu.wait_indirect_dma semaphore(%run_scoped3A_381 : memref<!tpu.dma_semaphore, #tpu.memory_space<semaphore_mem>>) src(%arg9 : memref<64x64xf32, #tpu.memory_space<vmem>>) dst(%dma_wait3A_393 : memref<10240x64xf32, #tpu.memory_space<vmem_shared>>)
        tpu.yield
      }) : () -> ()
      %add3A_217 = arith.constant 8 : i32
      %add3A_218 = arith.addi %add3A_204, %add3A_217 : i32
      %dma_start3A_219 = arith.constant 0 : i32
      %dma_start3A_220 = tpu.memref_slice %arg6[%add3A_218, %dma_start3A_219] : memref<160x64xi32, #tpu.memory_space<vmem>> -> memref<1x64xi32, #tpu.memory_space<vmem>>
      %dma_start3A_221 = tpu.memref_squeeze %dma_start3A_220 : memref<1x64xi32, #tpu.memory_space<vmem>> -> memref<64xi32, #tpu.memory_space<vmem>>
      %dma_start3A_222 = arith.constant 0 : i32
      %dma_start3A_223 = arith.constant 0 : i32
      %dma_start3A_224 = tpu.memref_slice %arg2[%dma_start3A_222, %dma_start3A_223] : memref<10240x64xf32, #tpu.memory_space<hbm>> -> memref<10240x64xf32, #tpu.memory_space<hbm>>
      tpu.enqueue_indirect_dma source(%dma_start3A_224 : memref<10240x64xf32, #tpu.memory_space<hbm>>) target(%arg9 : memref<64x64xf32, #tpu.memory_space<vmem>>) offsets(%dma_start3A_221 : memref<64xi32, #tpu.memory_space<vmem>>) semaphore(%arg18 : memref<!tpu.dma_semaphore, #tpu.memory_space<semaphore_mem>>)
      %mul3A_225 = arith.constant 8 : i32
      %mul3A_226 = arith.muli %scan3A_172, %mul3A_225 : i32
      %add3A_227 = arith.constant 0 : i32
      %add3A_228 = arith.addi %add3A_227, %mul3A_226 : i32
      %add3A_229 = arith.constant 2 : i32
      %add3A_230 = arith.addi %add3A_228, %add3A_229 : i32
      %mul3A_231 = arith.constant 8 : i32
      %mul3A_232 = arith.muli %scan3A_172, %mul3A_231 : i32
      %add3A_233 = arith.constant 0 : i32
      %add3A_234 = arith.addi %add3A_233, %mul3A_232 : i32
      %add3A_235 = arith.constant 2 : i32
      %add3A_236 = arith.addi %add3A_234, %add3A_235 : i32
      %dma_wait3A_237 = arith.constant 0 : i32
      %dma_wait3A_238 = tpu.memref_slice %arg6[%add3A_230, %dma_wait3A_237] : memref<160x64xi32, #tpu.memory_space<vmem>> -> memref<1x64xi32, #tpu.memory_space<vmem>>
      %dma_wait3A_239 = tpu.memref_squeeze %dma_wait3A_238 : memref<1x64xi32, #tpu.memory_space<vmem>> -> memref<64xi32, #tpu.memory_space<vmem>>
      %dma_wait3A_240 = arith.constant 0 : i32
      %dma_wait3A_241 = arith.constant 0 : i32
      %dma_wait3A_242 = tpu.memref_slice %arg2[%dma_wait3A_240, %dma_wait3A_241] : memref<10240x64xf32, #tpu.memory_space<hbm>> -> memref<10240x64xf32, #tpu.memory_space<hbm>>
      tpu.wait_indirect_dma semaphore(%arg19 : memref<!tpu.dma_semaphore, #tpu.memory_space<semaphore_mem>>) src(%dma_wait3A_242 : memref<10240x64xf32, #tpu.memory_space<hbm>>) dst(%arg10 : memref<64x64xf32, #tpu.memory_space<vmem>>)
      "tpu.region"() ({
        %run_scoped3A_381 = tpu.sem_alloc : memref<!tpu.dma_semaphore, #tpu.memory_space<semaphore_mem>>
        %dma_start3A_382 = arith.constant 0 : i32
        %dma_start3A_383 = tpu.memref_slice %arg7[%add3A_236, %dma_start3A_382] : memref<160x64xi32, #tpu.memory_space<vmem>> -> memref<1x64xi32, #tpu.memory_space<vmem>>
        %dma_start3A_384 = tpu.memref_squeeze %dma_start3A_383 : memref<1x64xi32, #tpu.memory_space<vmem>> -> memref<64xi32, #tpu.memory_space<vmem>>
        %dma_start3A_385 = arith.constant 0 : i32
        %dma_start3A_386 = arith.constant 0 : i32
        %dma_start3A_387 = tpu.memref_slice %arg16[%dma_start3A_385, %dma_start3A_386] : memref<10240x64xf32, #tpu.memory_space<vmem_shared>> -> memref<10240x64xf32, #tpu.memory_space<vmem_shared>>
        tpu.enqueue_indirect_dma source(%arg10 : memref<64x64xf32, #tpu.memory_space<vmem>>) target(%dma_start3A_387 : memref<10240x64xf32, #tpu.memory_space<vmem_shared>>) offsets(%dma_start3A_384 : memref<64xi32, #tpu.memory_space<vmem>>) semaphore(%run_scoped3A_381 : memref<!tpu.dma_semaphore, #tpu.memory_space<semaphore_mem>>) {add = true}
        %dma_wait3A_388 = arith.constant 0 : i32
        %dma_wait3A_389 = tpu.memref_slice %arg7[%add3A_236, %dma_wait3A_388] : memref<160x64xi32, #tpu.memory_space<vmem>> -> memref<1x64xi32, #tpu.memory_space<vmem>>
        %dma_wait3A_390 = tpu.memref_squeeze %dma_wait3A_389 : memref<1x64xi32, #tpu.memory_space<vmem>> -> memref<64xi32, #tpu.memory_space<vmem>>
        %dma_wait3A_391 = arith.constant 0 : i32
        %dma_wait3A_392 = arith.constant 0 : i32
        %dma_wait3A_393 = tpu.memref_slice %arg16[%dma_wait3A_391, %dma_wait3A_392] : memref<10240x64xf32, #tpu.memory_space<vmem_shared>> -> memref<10240x64xf32, #tpu.memory_space<vmem_shared>>
        tpu.wait_indirect_dma semaphore(%run_scoped3A_381 : memref<!tpu.dma_semaphore, #tpu.memory_space<semaphore_mem>>) src(%arg10 : memref<64x64xf32, #tpu.memory_space<vmem>>) dst(%dma_wait3A_393 : memref<10240x64xf32, #tpu.memory_space<vmem_shared>>)
        tpu.yield
      }) : () -> ()
      %add3A_243 = arith.constant 8 : i32
      %add3A_244 = arith.addi %add3A_230, %add3A_243 : i32
      %dma_start3A_245 = arith.constant 0 : i32
      %dma_start3A_246 = tpu.memref_slice %arg6[%add3A_244, %dma_start3A_245] : memref<160x64xi32, #tpu.memory_space<vmem>> -> memref<1x64xi32, #tpu.memory_space<vmem>>
      %dma_start3A_247 = tpu.memref_squeeze %dma_start3A_246 : memref<1x64xi32, #tpu.memory_space<vmem>> -> memref<64xi32, #tpu.memory_space<vmem>>
      %dma_start3A_248 = arith.constant 0 : i32
      %dma_start3A_249 = arith.constant 0 : i32
      %dma_start3A_250 = tpu.memref_slice %arg2[%dma_start3A_248, %dma_start3A_249] : memref<10240x64xf32, #tpu.memory_space<hbm>> -> memref<10240x64xf32, #tpu.memory_space<hbm>>
      tpu.enqueue_indirect_dma source(%dma_start3A_250 : memref<10240x64xf32, #tpu.memory_space<hbm>>) target(%arg10 : memref<64x64xf32, #tpu.memory_space<vmem>>) offsets(%dma_start3A_247 : memref<64xi32, #tpu.memory_space<vmem>>) semaphore(%arg19 : memref<!tpu.dma_semaphore, #tpu.memory_space<semaphore_mem>>)
      %mul3A_251 = arith.constant 8 : i32
      %mul3A_252 = arith.muli %scan3A_172, %mul3A_251 : i32
      %add3A_253 = arith.constant 0 : i32
      %add3A_254 = arith.addi %add3A_253, %mul3A_252 : i32
      %add3A_255 = arith.constant 3 : i32
      %add3A_256 = arith.addi %add3A_254, %add3A_255 : i32
      %mul3A_257 = arith.constant 8 : i32
      %mul3A_258 = arith.muli %scan3A_172, %mul3A_257 : i32
      %add3A_259 = arith.constant 0 : i32
      %add3A_260 = arith.addi %add3A_259, %mul3A_258 : i32
      %add3A_261 = arith.constant 3 : i32
      %add3A_262 = arith.addi %add3A_260, %add3A_261 : i32
      %dma_wait3A_263 = arith.constant 0 : i32
      %dma_wait3A_264 = tpu.memref_slice %arg6[%add3A_256, %dma_wait3A_263] : memref<160x64xi32, #tpu.memory_space<vmem>> -> memref<1x64xi32, #tpu.memory_space<vmem>>
      %dma_wait3A_265 = tpu.memref_squeeze %dma_wait3A_264 : memref<1x64xi32, #tpu.memory_space<vmem>> -> memref<64xi32, #tpu.memory_space<vmem>>
      %dma_wait3A_266 = arith.constant 0 : i32
      %dma_wait3A_267 = arith.constant 0 : i32
      %dma_wait3A_268 = tpu.memref_slice %arg2[%dma_wait3A_266, %dma_wait3A_267] : memref<10240x64xf32, #tpu.memory_space<hbm>> -> memref<10240x64xf32, #tpu.memory_space<hbm>>
      tpu.wait_indirect_dma semaphore(%arg20 : memref<!tpu.dma_semaphore, #tpu.memory_space<semaphore_mem>>) src(%dma_wait3A_268 : memref<10240x64xf32, #tpu.memory_space<hbm>>) dst(%arg11 : memref<64x64xf32, #tpu.memory_space<vmem>>)
      "tpu.region"() ({
        %run_scoped3A_381 = tpu.sem_alloc : memref<!tpu.dma_semaphore, #tpu.memory_space<semaphore_mem>>
        %dma_start3A_382 = arith.constant 0 : i32
        %dma_start3A_383 = tpu.memref_slice %arg7[%add3A_262, %dma_start3A_382] : memref<160x64xi32, #tpu.memory_space<vmem>> -> memref<1x64xi32, #tpu.memory_space<vmem>>
        %dma_start3A_384 = tpu.memref_squeeze %dma_start3A_383 : memref<1x64xi32, #tpu.memory_space<vmem>> -> memref<64xi32, #tpu.memory_space<vmem>>
        %dma_start3A_385 = arith.constant 0 : i32
        %dma_start3A_386 = arith.constant 0 : i32
        %dma_start3A_387 = tpu.memref_slice %arg16[%dma_start3A_385, %dma_start3A_386] : memref<10240x64xf32, #tpu.memory_space<vmem_shared>> -> memref<10240x64xf32, #tpu.memory_space<vmem_shared>>
        tpu.enqueue_indirect_dma source(%arg11 : memref<64x64xf32, #tpu.memory_space<vmem>>) target(%dma_start3A_387 : memref<10240x64xf32, #tpu.memory_space<vmem_shared>>) offsets(%dma_start3A_384 : memref<64xi32, #tpu.memory_space<vmem>>) semaphore(%run_scoped3A_381 : memref<!tpu.dma_semaphore, #tpu.memory_space<semaphore_mem>>) {add = true}
        %dma_wait3A_388 = arith.constant 0 : i32
        %dma_wait3A_389 = tpu.memref_slice %arg7[%add3A_262, %dma_wait3A_388] : memref<160x64xi32, #tpu.memory_space<vmem>> -> memref<1x64xi32, #tpu.memory_space<vmem>>
        %dma_wait3A_390 = tpu.memref_squeeze %dma_wait3A_389 : memref<1x64xi32, #tpu.memory_space<vmem>> -> memref<64xi32, #tpu.memory_space<vmem>>
        %dma_wait3A_391 = arith.constant 0 : i32
        %dma_wait3A_392 = arith.constant 0 : i32
        %dma_wait3A_393 = tpu.memref_slice %arg16[%dma_wait3A_391, %dma_wait3A_392] : memref<10240x64xf32, #tpu.memory_space<vmem_shared>> -> memref<10240x64xf32, #tpu.memory_space<vmem_shared>>
        tpu.wait_indirect_dma semaphore(%run_scoped3A_381 : memref<!tpu.dma_semaphore, #tpu.memory_space<semaphore_mem>>) src(%arg11 : memref<64x64xf32, #tpu.memory_space<vmem>>) dst(%dma_wait3A_393 : memref<10240x64xf32, #tpu.memory_space<vmem_shared>>)
        tpu.yield
      }) : () -> ()
      %add3A_269 = arith.constant 8 : i32
      %add3A_270 = arith.addi %add3A_256, %add3A_269 : i32
      %dma_start3A_271 = arith.constant 0 : i32
      %dma_start3A_272 = tpu.memref_slice %arg6[%add3A_270, %dma_start3A_271] : memref<160x64xi32, #tpu.memory_space<vmem>> -> memref<1x64xi32, #tpu.memory_space<vmem>>
      %dma_start3A_273 = tpu.memref_squeeze %dma_start3A_272 : memref<1x64xi32, #tpu.memory_space<vmem>> -> memref<64xi32, #tpu.memory_space<vmem>>
      %dma_start3A_274 = arith.constant 0 : i32
      %dma_start3A_275 = arith.constant 0 : i32
      %dma_start3A_276 = tpu.memref_slice %arg2[%dma_start3A_274, %dma_start3A_275] : memref<10240x64xf32, #tpu.memory_space<hbm>> -> memref<10240x64xf32, #tpu.memory_space<hbm>>
      tpu.enqueue_indirect_dma source(%dma_start3A_276 : memref<10240x64xf32, #tpu.memory_space<hbm>>) target(%arg11 : memref<64x64xf32, #tpu.memory_space<vmem>>) offsets(%dma_start3A_273 : memref<64xi32, #tpu.memory_space<vmem>>) semaphore(%arg20 : memref<!tpu.dma_semaphore, #tpu.memory_space<semaphore_mem>>)
      %mul3A_277 = arith.constant 8 : i32
      %mul3A_278 = arith.muli %scan3A_172, %mul3A_277 : i32
      %add3A_279 = arith.constant 0 : i32
      %add3A_280 = arith.addi %add3A_279, %mul3A_278 : i32
      %add3A_281 = arith.constant 4 : i32
      %add3A_282 = arith.addi %add3A_280, %add3A_281 : i32
      %mul3A_283 = arith.constant 8 : i32
      %mul3A_284 = arith.muli %scan3A_172, %mul3A_283 : i32
      %add3A_285 = arith.constant 0 : i32
      %add3A_286 = arith.addi %add3A_285, %mul3A_284 : i32
      %add3A_287 = arith.constant 4 : i32
      %add3A_288 = arith.addi %add3A_286, %add3A_287 : i32
      %dma_wait3A_289 = arith.constant 0 : i32
      %dma_wait3A_290 = tpu.memref_slice %arg6[%add3A_282, %dma_wait3A_289] : memref<160x64xi32, #tpu.memory_space<vmem>> -> memref<1x64xi32, #tpu.memory_space<vmem>>
      %dma_wait3A_291 = tpu.memref_squeeze %dma_wait3A_290 : memref<1x64xi32, #tpu.memory_space<vmem>> -> memref<64xi32, #tpu.memory_space<vmem>>
      %dma_wait3A_292 = arith.constant 0 : i32
      %dma_wait3A_293 = arith.constant 0 : i32
      %dma_wait3A_294 = tpu.memref_slice %arg2[%dma_wait3A_292, %dma_wait3A_293] : memref<10240x64xf32, #tpu.memory_space<hbm>> -> memref<10240x64xf32, #tpu.memory_space<hbm>>
      tpu.wait_indirect_dma semaphore(%arg21 : memref<!tpu.dma_semaphore, #tpu.memory_space<semaphore_mem>>) src(%dma_wait3A_294 : memref<10240x64xf32, #tpu.memory_space<hbm>>) dst(%arg12 : memref<64x64xf32, #tpu.memory_space<vmem>>)
      "tpu.region"() ({
        %run_scoped3A_381 = tpu.sem_alloc : memref<!tpu.dma_semaphore, #tpu.memory_space<semaphore_mem>>
        %dma_start3A_382 = arith.constant 0 : i32
        %dma_start3A_383 = tpu.memref_slice %arg7[%add3A_288, %dma_start3A_382] : memref<160x64xi32, #tpu.memory_space<vmem>> -> memref<1x64xi32, #tpu.memory_space<vmem>>
        %dma_start3A_384 = tpu.memref_squeeze %dma_start3A_383 : memref<1x64xi32, #tpu.memory_space<vmem>> -> memref<64xi32, #tpu.memory_space<vmem>>
        %dma_start3A_385 = arith.constant 0 : i32
        %dma_start3A_386 = arith.constant 0 : i32
        %dma_start3A_387 = tpu.memref_slice %arg16[%dma_start3A_385, %dma_start3A_386] : memref<10240x64xf32, #tpu.memory_space<vmem_shared>> -> memref<10240x64xf32, #tpu.memory_space<vmem_shared>>
        tpu.enqueue_indirect_dma source(%arg12 : memref<64x64xf32, #tpu.memory_space<vmem>>) target(%dma_start3A_387 : memref<10240x64xf32, #tpu.memory_space<vmem_shared>>) offsets(%dma_start3A_384 : memref<64xi32, #tpu.memory_space<vmem>>) semaphore(%run_scoped3A_381 : memref<!tpu.dma_semaphore, #tpu.memory_space<semaphore_mem>>) {add = true}
        %dma_wait3A_388 = arith.constant 0 : i32
        %dma_wait3A_389 = tpu.memref_slice %arg7[%add3A_288, %dma_wait3A_388] : memref<160x64xi32, #tpu.memory_space<vmem>> -> memref<1x64xi32, #tpu.memory_space<vmem>>
        %dma_wait3A_390 = tpu.memref_squeeze %dma_wait3A_389 : memref<1x64xi32, #tpu.memory_space<vmem>> -> memref<64xi32, #tpu.memory_space<vmem>>
        %dma_wait3A_391 = arith.constant 0 : i32
        %dma_wait3A_392 = arith.constant 0 : i32
        %dma_wait3A_393 = tpu.memref_slice %arg16[%dma_wait3A_391, %dma_wait3A_392] : memref<10240x64xf32, #tpu.memory_space<vmem_shared>> -> memref<10240x64xf32, #tpu.memory_space<vmem_shared>>
        tpu.wait_indirect_dma semaphore(%run_scoped3A_381 : memref<!tpu.dma_semaphore, #tpu.memory_space<semaphore_mem>>) src(%arg12 : memref<64x64xf32, #tpu.memory_space<vmem>>) dst(%dma_wait3A_393 : memref<10240x64xf32, #tpu.memory_space<vmem_shared>>)
        tpu.yield
      }) : () -> ()
      %add3A_295 = arith.constant 8 : i32
      %add3A_296 = arith.addi %add3A_282, %add3A_295 : i32
      %dma_start3A_297 = arith.constant 0 : i32
      %dma_start3A_298 = tpu.memref_slice %arg6[%add3A_296, %dma_start3A_297] : memref<160x64xi32, #tpu.memory_space<vmem>> -> memref<1x64xi32, #tpu.memory_space<vmem>>
      %dma_start3A_299 = tpu.memref_squeeze %dma_start3A_298 : memref<1x64xi32, #tpu.memory_space<vmem>> -> memref<64xi32, #tpu.memory_space<vmem>>
      %dma_start3A_300 = arith.constant 0 : i32
      %dma_start3A_301 = arith.constant 0 : i32
      %dma_start3A_302 = tpu.memref_slice %arg2[%dma_start3A_300, %dma_start3A_301] : memref<10240x64xf32, #tpu.memory_space<hbm>> -> memref<10240x64xf32, #tpu.memory_space<hbm>>
      tpu.enqueue_indirect_dma source(%dma_start3A_302 : memref<10240x64xf32, #tpu.memory_space<hbm>>) target(%arg12 : memref<64x64xf32, #tpu.memory_space<vmem>>) offsets(%dma_start3A_299 : memref<64xi32, #tpu.memory_space<vmem>>) semaphore(%arg21 : memref<!tpu.dma_semaphore, #tpu.memory_space<semaphore_mem>>)
      %mul3A_303 = arith.constant 8 : i32
      %mul3A_304 = arith.muli %scan3A_172, %mul3A_303 : i32
      %add3A_305 = arith.constant 0 : i32
      %add3A_306 = arith.addi %add3A_305, %mul3A_304 : i32
      %add3A_307 = arith.constant 5 : i32
      %add3A_308 = arith.addi %add3A_306, %add3A_307 : i32
      %mul3A_309 = arith.constant 8 : i32
      %mul3A_310 = arith.muli %scan3A_172, %mul3A_309 : i32
      %add3A_311 = arith.constant 0 : i32
      %add3A_312 = arith.addi %add3A_311, %mul3A_310 : i32
      %add3A_313 = arith.constant 5 : i32
      %add3A_314 = arith.addi %add3A_312, %add3A_313 : i32
      %dma_wait3A_315 = arith.constant 0 : i32
      %dma_wait3A_316 = tpu.memref_slice %arg6[%add3A_308, %dma_wait3A_315] : memref<160x64xi32, #tpu.memory_space<vmem>> -> memref<1x64xi32, #tpu.memory_space<vmem>>
      %dma_wait3A_317 = tpu.memref_squeeze %dma_wait3A_316 : memref<1x64xi32, #tpu.memory_space<vmem>> -> memref<64xi32, #tpu.memory_space<vmem>>
      %dma_wait3A_318 = arith.constant 0 : i32
      %dma_wait3A_319 = arith.constant 0 : i32
      %dma_wait3A_320 = tpu.memref_slice %arg2[%dma_wait3A_318, %dma_wait3A_319] : memref<10240x64xf32, #tpu.memory_space<hbm>> -> memref<10240x64xf32, #tpu.memory_space<hbm>>
      tpu.wait_indirect_dma semaphore(%arg22 : memref<!tpu.dma_semaphore, #tpu.memory_space<semaphore_mem>>) src(%dma_wait3A_320 : memref<10240x64xf32, #tpu.memory_space<hbm>>) dst(%arg13 : memref<64x64xf32, #tpu.memory_space<vmem>>)
      "tpu.region"() ({
        %run_scoped3A_381 = tpu.sem_alloc : memref<!tpu.dma_semaphore, #tpu.memory_space<semaphore_mem>>
        %dma_start3A_382 = arith.constant 0 : i32
        %dma_start3A_383 = tpu.memref_slice %arg7[%add3A_314, %dma_start3A_382] : memref<160x64xi32, #tpu.memory_space<vmem>> -> memref<1x64xi32, #tpu.memory_space<vmem>>
        %dma_start3A_384 = tpu.memref_squeeze %dma_start3A_383 : memref<1x64xi32, #tpu.memory_space<vmem>> -> memref<64xi32, #tpu.memory_space<vmem>>
        %dma_start3A_385 = arith.constant 0 : i32
        %dma_start3A_386 = arith.constant 0 : i32
        %dma_start3A_387 = tpu.memref_slice %arg16[%dma_start3A_385, %dma_start3A_386] : memref<10240x64xf32, #tpu.memory_space<vmem_shared>> -> memref<10240x64xf32, #tpu.memory_space<vmem_shared>>
        tpu.enqueue_indirect_dma source(%arg13 : memref<64x64xf32, #tpu.memory_space<vmem>>) target(%dma_start3A_387 : memref<10240x64xf32, #tpu.memory_space<vmem_shared>>) offsets(%dma_start3A_384 : memref<64xi32, #tpu.memory_space<vmem>>) semaphore(%run_scoped3A_381 : memref<!tpu.dma_semaphore, #tpu.memory_space<semaphore_mem>>) {add = true}
        %dma_wait3A_388 = arith.constant 0 : i32
        %dma_wait3A_389 = tpu.memref_slice %arg7[%add3A_314, %dma_wait3A_388] : memref<160x64xi32, #tpu.memory_space<vmem>> -> memref<1x64xi32, #tpu.memory_space<vmem>>
        %dma_wait3A_390 = tpu.memref_squeeze %dma_wait3A_389 : memref<1x64xi32, #tpu.memory_space<vmem>> -> memref<64xi32, #tpu.memory_space<vmem>>
        %dma_wait3A_391 = arith.constant 0 : i32
        %dma_wait3A_392 = arith.constant 0 : i32
        %dma_wait3A_393 = tpu.memref_slice %arg16[%dma_wait3A_391, %dma_wait3A_392] : memref<10240x64xf32, #tpu.memory_space<vmem_shared>> -> memref<10240x64xf32, #tpu.memory_space<vmem_shared>>
        tpu.wait_indirect_dma semaphore(%run_scoped3A_381 : memref<!tpu.dma_semaphore, #tpu.memory_space<semaphore_mem>>) src(%arg13 : memref<64x64xf32, #tpu.memory_space<vmem>>) dst(%dma_wait3A_393 : memref<10240x64xf32, #tpu.memory_space<vmem_shared>>)
        tpu.yield
      }) : () -> ()
      %add3A_321 = arith.constant 8 : i32
      %add3A_322 = arith.addi %add3A_308, %add3A_321 : i32
      %dma_start3A_323 = arith.constant 0 : i32
      %dma_start3A_324 = tpu.memref_slice %arg6[%add3A_322, %dma_start3A_323] : memref<160x64xi32, #tpu.memory_space<vmem>> -> memref<1x64xi32, #tpu.memory_space<vmem>>
      %dma_start3A_325 = tpu.memref_squeeze %dma_start3A_324 : memref<1x64xi32, #tpu.memory_space<vmem>> -> memref<64xi32, #tpu.memory_space<vmem>>
      %dma_start3A_326 = arith.constant 0 : i32
      %dma_start3A_327 = arith.constant 0 : i32
      %dma_start3A_328 = tpu.memref_slice %arg2[%dma_start3A_326, %dma_start3A_327] : memref<10240x64xf32, #tpu.memory_space<hbm>> -> memref<10240x64xf32, #tpu.memory_space<hbm>>
      tpu.enqueue_indirect_dma source(%dma_start3A_328 : memref<10240x64xf32, #tpu.memory_space<hbm>>) target(%arg13 : memref<64x64xf32, #tpu.memory_space<vmem>>) offsets(%dma_start3A_325 : memref<64xi32, #tpu.memory_space<vmem>>) semaphore(%arg22 : memref<!tpu.dma_semaphore, #tpu.memory_space<semaphore_mem>>)
      %mul3A_329 = arith.constant 8 : i32
      %mul3A_330 = arith.muli %scan3A_172, %mul3A_329 : i32
      %add3A_331 = arith.constant 0 : i32
      %add3A_332 = arith.addi %add3A_331, %mul3A_330 : i32
      %add3A_333 = arith.constant 6 : i32
      %add3A_334 = arith.addi %add3A_332, %add3A_333 : i32
      %mul3A_335 = arith.constant 8 : i32
      %mul3A_336 = arith.muli %scan3A_172, %mul3A_335 : i32
      %add3A_337 = arith.constant 0 : i32
      %add3A_338 = arith.addi %add3A_337, %mul3A_336 : i32
      %add3A_339 = arith.constant 6 : i32
      %add3A_340 = arith.addi %add3A_338, %add3A_339 : i32
      %dma_wait3A_341 = arith.constant 0 : i32
      %dma_wait3A_342 = tpu.memref_slice %arg6[%add3A_334, %dma_wait3A_341] : memref<160x64xi32, #tpu.memory_space<vmem>> -> memref<1x64xi32, #tpu.memory_space<vmem>>
      %dma_wait3A_343 = tpu.memref_squeeze %dma_wait3A_342 : memref<1x64xi32, #tpu.memory_space<vmem>> -> memref<64xi32, #tpu.memory_space<vmem>>
      %dma_wait3A_344 = arith.constant 0 : i32
      %dma_wait3A_345 = arith.constant 0 : i32
      %dma_wait3A_346 = tpu.memref_slice %arg2[%dma_wait3A_344, %dma_wait3A_345] : memref<10240x64xf32, #tpu.memory_space<hbm>> -> memref<10240x64xf32, #tpu.memory_space<hbm>>
      tpu.wait_indirect_dma semaphore(%arg23 : memref<!tpu.dma_semaphore, #tpu.memory_space<semaphore_mem>>) src(%dma_wait3A_346 : memref<10240x64xf32, #tpu.memory_space<hbm>>) dst(%arg14 : memref<64x64xf32, #tpu.memory_space<vmem>>)
      "tpu.region"() ({
        %run_scoped3A_381 = tpu.sem_alloc : memref<!tpu.dma_semaphore, #tpu.memory_space<semaphore_mem>>
        %dma_start3A_382 = arith.constant 0 : i32
        %dma_start3A_383 = tpu.memref_slice %arg7[%add3A_340, %dma_start3A_382] : memref<160x64xi32, #tpu.memory_space<vmem>> -> memref<1x64xi32, #tpu.memory_space<vmem>>
        %dma_start3A_384 = tpu.memref_squeeze %dma_start3A_383 : memref<1x64xi32, #tpu.memory_space<vmem>> -> memref<64xi32, #tpu.memory_space<vmem>>
        %dma_start3A_385 = arith.constant 0 : i32
        %dma_start3A_386 = arith.constant 0 : i32
        %dma_start3A_387 = tpu.memref_slice %arg16[%dma_start3A_385, %dma_start3A_386] : memref<10240x64xf32, #tpu.memory_space<vmem_shared>> -> memref<10240x64xf32, #tpu.memory_space<vmem_shared>>
        tpu.enqueue_indirect_dma source(%arg14 : memref<64x64xf32, #tpu.memory_space<vmem>>) target(%dma_start3A_387 : memref<10240x64xf32, #tpu.memory_space<vmem_shared>>) offsets(%dma_start3A_384 : memref<64xi32, #tpu.memory_space<vmem>>) semaphore(%run_scoped3A_381 : memref<!tpu.dma_semaphore, #tpu.memory_space<semaphore_mem>>) {add = true}
        %dma_wait3A_388 = arith.constant 0 : i32
        %dma_wait3A_389 = tpu.memref_slice %arg7[%add3A_340, %dma_wait3A_388] : memref<160x64xi32, #tpu.memory_space<vmem>> -> memref<1x64xi32, #tpu.memory_space<vmem>>
        %dma_wait3A_390 = tpu.memref_squeeze %dma_wait3A_389 : memref<1x64xi32, #tpu.memory_space<vmem>> -> memref<64xi32, #tpu.memory_space<vmem>>
        %dma_wait3A_391 = arith.constant 0 : i32
        %dma_wait3A_392 = arith.constant 0 : i32
        %dma_wait3A_393 = tpu.memref_slice %arg16[%dma_wait3A_391, %dma_wait3A_392] : memref<10240x64xf32, #tpu.memory_space<vmem_shared>> -> memref<10240x64xf32, #tpu.memory_space<vmem_shared>>
        tpu.wait_indirect_dma semaphore(%run_scoped3A_381 : memref<!tpu.dma_semaphore, #tpu.memory_space<semaphore_mem>>) src(%arg14 : memref<64x64xf32, #tpu.memory_space<vmem>>) dst(%dma_wait3A_393 : memref<10240x64xf32, #tpu.memory_space<vmem_shared>>)
        tpu.yield
      }) : () -> ()
      %add3A_347 = arith.constant 8 : i32
      %add3A_348 = arith.addi %add3A_334, %add3A_347 : i32
      %dma_start3A_349 = arith.constant 0 : i32
      %dma_start3A_350 = tpu.memref_slice %arg6[%add3A_348, %dma_start3A_349] : memref<160x64xi32, #tpu.memory_space<vmem>> -> memref<1x64xi32, #tpu.memory_space<vmem>>
      %dma_start3A_351 = tpu.memref_squeeze %dma_start3A_350 : memref<1x64xi32, #tpu.memory_space<vmem>> -> memref<64xi32, #tpu.memory_space<vmem>>
      %dma_start3A_352 = arith.constant 0 : i32
      %dma_start3A_353 = arith.constant 0 : i32
      %dma_start3A_354 = tpu.memref_slice %arg2[%dma_start3A_352, %dma_start3A_353] : memref<10240x64xf32, #tpu.memory_space<hbm>> -> memref<10240x64xf32, #tpu.memory_space<hbm>>
      tpu.enqueue_indirect_dma source(%dma_start3A_354 : memref<10240x64xf32, #tpu.memory_space<hbm>>) target(%arg14 : memref<64x64xf32, #tpu.memory_space<vmem>>) offsets(%dma_start3A_351 : memref<64xi32, #tpu.memory_space<vmem>>) semaphore(%arg23 : memref<!tpu.dma_semaphore, #tpu.memory_space<semaphore_mem>>)
      %mul3A_355 = arith.constant 8 : i32
      %mul3A_356 = arith.muli %scan3A_172, %mul3A_355 : i32
      %add3A_357 = arith.constant 0 : i32
      %add3A_358 = arith.addi %add3A_357, %mul3A_356 : i32
      %add3A_359 = arith.constant 7 : i32
      %add3A_360 = arith.addi %add3A_358, %add3A_359 : i32
      %mul3A_361 = arith.constant 8 : i32
      %mul3A_362 = arith.muli %scan3A_172, %mul3A_361 : i32
      %add3A_363 = arith.constant 0 : i32
      %add3A_364 = arith.addi %add3A_363, %mul3A_362 : i32
      %add3A_365 = arith.constant 7 : i32
      %add3A_366 = arith.addi %add3A_364, %add3A_365 : i32
      %dma_wait3A_367 = arith.constant 0 : i32
      %dma_wait3A_368 = tpu.memref_slice %arg6[%add3A_360, %dma_wait3A_367] : memref<160x64xi32, #tpu.memory_space<vmem>> -> memref<1x64xi32, #tpu.memory_space<vmem>>
      %dma_wait3A_369 = tpu.memref_squeeze %dma_wait3A_368 : memref<1x64xi32, #tpu.memory_space<vmem>> -> memref<64xi32, #tpu.memory_space<vmem>>
      %dma_wait3A_370 = arith.constant 0 : i32
      %dma_wait3A_371 = arith.constant 0 : i32
      %dma_wait3A_372 = tpu.memref_slice %arg2[%dma_wait3A_370, %dma_wait3A_371] : memref<10240x64xf32, #tpu.memory_space<hbm>> -> memref<10240x64xf32, #tpu.memory_space<hbm>>
      tpu.wait_indirect_dma semaphore(%arg24 : memref<!tpu.dma_semaphore, #tpu.memory_space<semaphore_mem>>) src(%dma_wait3A_372 : memref<10240x64xf32, #tpu.memory_space<hbm>>) dst(%arg15 : memref<64x64xf32, #tpu.memory_space<vmem>>)
      "tpu.region"() ({
        %run_scoped3A_381 = tpu.sem_alloc : memref<!tpu.dma_semaphore, #tpu.memory_space<semaphore_mem>>
        %dma_start3A_382 = arith.constant 0 : i32
        %dma_start3A_383 = tpu.memref_slice %arg7[%add3A_366, %dma_start3A_382] : memref<160x64xi32, #tpu.memory_space<vmem>> -> memref<1x64xi32, #tpu.memory_space<vmem>>
        %dma_start3A_384 = tpu.memref_squeeze %dma_start3A_383 : memref<1x64xi32, #tpu.memory_space<vmem>> -> memref<64xi32, #tpu.memory_space<vmem>>
        %dma_start3A_385 = arith.constant 0 : i32
        %dma_start3A_386 = arith.constant 0 : i32
        %dma_start3A_387 = tpu.memref_slice %arg16[%dma_start3A_385, %dma_start3A_386] : memref<10240x64xf32, #tpu.memory_space<vmem_shared>> -> memref<10240x64xf32, #tpu.memory_space<vmem_shared>>
        tpu.enqueue_indirect_dma source(%arg15 : memref<64x64xf32, #tpu.memory_space<vmem>>) target(%dma_start3A_387 : memref<10240x64xf32, #tpu.memory_space<vmem_shared>>) offsets(%dma_start3A_384 : memref<64xi32, #tpu.memory_space<vmem>>) semaphore(%run_scoped3A_381 : memref<!tpu.dma_semaphore, #tpu.memory_space<semaphore_mem>>) {add = true}
        %dma_wait3A_388 = arith.constant 0 : i32
        %dma_wait3A_389 = tpu.memref_slice %arg7[%add3A_366, %dma_wait3A_388] : memref<160x64xi32, #tpu.memory_space<vmem>> -> memref<1x64xi32, #tpu.memory_space<vmem>>
        %dma_wait3A_390 = tpu.memref_squeeze %dma_wait3A_389 : memref<1x64xi32, #tpu.memory_space<vmem>> -> memref<64xi32, #tpu.memory_space<vmem>>
        %dma_wait3A_391 = arith.constant 0 : i32
        %dma_wait3A_392 = arith.constant 0 : i32
        %dma_wait3A_393 = tpu.memref_slice %arg16[%dma_wait3A_391, %dma_wait3A_392] : memref<10240x64xf32, #tpu.memory_space<vmem_shared>> -> memref<10240x64xf32, #tpu.memory_space<vmem_shared>>
        tpu.wait_indirect_dma semaphore(%run_scoped3A_381 : memref<!tpu.dma_semaphore, #tpu.memory_space<semaphore_mem>>) src(%arg15 : memref<64x64xf32, #tpu.memory_space<vmem>>) dst(%dma_wait3A_393 : memref<10240x64xf32, #tpu.memory_space<vmem_shared>>)
        tpu.yield
      }) : () -> ()
      %add3A_373 = arith.constant 8 : i32
      %add3A_374 = arith.addi %add3A_360, %add3A_373 : i32
      %dma_start3A_375 = arith.constant 0 : i32
      %dma_start3A_376 = tpu.memref_slice %arg6[%add3A_374, %dma_start3A_375] : memref<160x64xi32, #tpu.memory_space<vmem>> -> memref<1x64xi32, #tpu.memory_space<vmem>>
      %dma_start3A_377 = tpu.memref_squeeze %dma_start3A_376 : memref<1x64xi32, #tpu.memory_space<vmem>> -> memref<64xi32, #tpu.memory_space<vmem>>
      %dma_start3A_378 = arith.constant 0 : i32
      %dma_start3A_379 = arith.constant 0 : i32
      %dma_start3A_380 = tpu.memref_slice %arg2[%dma_start3A_378, %dma_start3A_379] : memref<10240x64xf32, #tpu.memory_space<hbm>> -> memref<10240x64xf32, #tpu.memory_space<hbm>>
      tpu.enqueue_indirect_dma source(%dma_start3A_380 : memref<10240x64xf32, #tpu.memory_space<hbm>>) target(%arg15 : memref<64x64xf32, #tpu.memory_space<vmem>>) offsets(%dma_start3A_377 : memref<64xi32, #tpu.memory_space<vmem>>) semaphore(%arg24 : memref<!tpu.dma_semaphore, #tpu.memory_space<semaphore_mem>>)
    }
    %scan3A_104 = arith.constant 19 : i32
    %dma_wait3A = arith.constant 152 : i32
    %dma_wait3A_105 = arith.constant 0 : i32
    %dma_wait3A_106 = tpu.memref_slice %arg6[%dma_wait3A, %dma_wait3A_105] : memref<160x64xi32, #tpu.memory_space<vmem>> -> memref<1x64xi32, #tpu.memory_space<vmem>>
    %dma_wait3A_107 = tpu.memref_squeeze %dma_wait3A_106 : memref<1x64xi32, #tpu.memory_space<vmem>> -> memref<64xi32, #tpu.memory_space<vmem>>
    %dma_wait3A_108 = arith.constant 0 : i32
    %dma_wait3A_109 = arith.constant 0 : i32
    %dma_wait3A_110 = tpu.memref_slice %arg2[%dma_wait3A_108, %dma_wait3A_109] : memref<10240x64xf32, #tpu.memory_space<hbm>> -> memref<10240x64xf32, #tpu.memory_space<hbm>>
    tpu.wait_indirect_dma semaphore(%arg17 : memref<!tpu.dma_semaphore, #tpu.memory_space<semaphore_mem>>) src(%dma_wait3A_110 : memref<10240x64xf32, #tpu.memory_space<hbm>>) dst(%arg8 : memref<64x64xf32, #tpu.memory_space<vmem>>)
    %run_scoped3A = arith.constant 152 : i32
    "tpu.region"() ({
      %run_scoped3A_172 = tpu.sem_alloc : memref<!tpu.dma_semaphore, #tpu.memory_space<semaphore_mem>>
      %dma_start3A_173 = arith.constant 0 : i32
      %dma_start3A_174 = tpu.memref_slice %arg7[%run_scoped3A, %dma_start3A_173] : memref<160x64xi32, #tpu.memory_space<vmem>> -> memref<1x64xi32, #tpu.memory_space<vmem>>
      %dma_start3A_175 = tpu.memref_squeeze %dma_start3A_174 : memref<1x64xi32, #tpu.memory_space<vmem>> -> memref<64xi32, #tpu.memory_space<vmem>>
      %dma_start3A_176 = arith.constant 0 : i32
      %dma_start3A_177 = arith.constant 0 : i32
      %dma_start3A_178 = tpu.memref_slice %arg16[%dma_start3A_176, %dma_start3A_177] : memref<10240x64xf32, #tpu.memory_space<vmem_shared>> -> memref<10240x64xf32, #tpu.memory_space<vmem_shared>>
      tpu.enqueue_indirect_dma source(%arg8 : memref<64x64xf32, #tpu.memory_space<vmem>>) target(%dma_start3A_178 : memref<10240x64xf32, #tpu.memory_space<vmem_shared>>) offsets(%dma_start3A_175 : memref<64xi32, #tpu.memory_space<vmem>>) semaphore(%run_scoped3A_172 : memref<!tpu.dma_semaphore, #tpu.memory_space<semaphore_mem>>) {add = true}
      %dma_wait3A_179 = arith.constant 0 : i32
      %dma_wait3A_180 = tpu.memref_slice %arg7[%run_scoped3A, %dma_wait3A_179] : memref<160x64xi32, #tpu.memory_space<vmem>> -> memref<1x64xi32, #tpu.memory_space<vmem>>
      %dma_wait3A_181 = tpu.memref_squeeze %dma_wait3A_180 : memref<1x64xi32, #tpu.memory_space<vmem>> -> memref<64xi32, #tpu.memory_space<vmem>>
      %dma_wait3A_182 = arith.constant 0 : i32
      %dma_wait3A_183 = arith.constant 0 : i32
      %dma_wait3A_184 = tpu.memref_slice %arg16[%dma_wait3A_182, %dma_wait3A_183] : memref<10240x64xf32, #tpu.memory_space<vmem_shared>> -> memref<10240x64xf32, #tpu.memory_space<vmem_shared>>
      tpu.wait_indirect_dma semaphore(%run_scoped3A_172 : memref<!tpu.dma_semaphore, #tpu.memory_space<semaphore_mem>>) src(%arg8 : memref<64x64xf32, #tpu.memory_space<vmem>>) dst(%dma_wait3A_184 : memref<10240x64xf32, #tpu.memory_space<vmem_shared>>)
      tpu.yield
    }) : () -> ()
    %dma_wait3A_111 = arith.constant 153 : i32
    %dma_wait3A_112 = arith.constant 0 : i32
    %dma_wait3A_113 = tpu.memref_slice %arg6[%dma_wait3A_111, %dma_wait3A_112] : memref<160x64xi32, #tpu.memory_space<vmem>> -> memref<1x64xi32, #tpu.memory_space<vmem>>
    %dma_wait3A_114 = tpu.memref_squeeze %dma_wait3A_113 : memref<1x64xi32, #tpu.memory_space<vmem>> -> memref<64xi32, #tpu.memory_space<vmem>>
    %dma_wait3A_115 = arith.constant 0 : i32
    %dma_wait3A_116 = arith.constant 0 : i32
    %dma_wait3A_117 = tpu.memref_slice %arg2[%dma_wait3A_115, %dma_wait3A_116] : memref<10240x64xf32, #tpu.memory_space<hbm>> -> memref<10240x64xf32, #tpu.memory_space<hbm>>
    tpu.wait_indirect_dma semaphore(%arg18 : memref<!tpu.dma_semaphore, #tpu.memory_space<semaphore_mem>>) src(%dma_wait3A_117 : memref<10240x64xf32, #tpu.memory_space<hbm>>) dst(%arg9 : memref<64x64xf32, #tpu.memory_space<vmem>>)
    %run_scoped3A_118 = arith.constant 153 : i32
    "tpu.region"() ({
      %run_scoped3A_172 = tpu.sem_alloc : memref<!tpu.dma_semaphore, #tpu.memory_space<semaphore_mem>>
      %dma_start3A_173 = arith.constant 0 : i32
      %dma_start3A_174 = tpu.memref_slice %arg7[%run_scoped3A_118, %dma_start3A_173] : memref<160x64xi32, #tpu.memory_space<vmem>> -> memref<1x64xi32, #tpu.memory_space<vmem>>
      %dma_start3A_175 = tpu.memref_squeeze %dma_start3A_174 : memref<1x64xi32, #tpu.memory_space<vmem>> -> memref<64xi32, #tpu.memory_space<vmem>>
      %dma_start3A_176 = arith.constant 0 : i32
      %dma_start3A_177 = arith.constant 0 : i32
      %dma_start3A_178 = tpu.memref_slice %arg16[%dma_start3A_176, %dma_start3A_177] : memref<10240x64xf32, #tpu.memory_space<vmem_shared>> -> memref<10240x64xf32, #tpu.memory_space<vmem_shared>>
      tpu.enqueue_indirect_dma source(%arg9 : memref<64x64xf32, #tpu.memory_space<vmem>>) target(%dma_start3A_178 : memref<10240x64xf32, #tpu.memory_space<vmem_shared>>) offsets(%dma_start3A_175 : memref<64xi32, #tpu.memory_space<vmem>>) semaphore(%run_scoped3A_172 : memref<!tpu.dma_semaphore, #tpu.memory_space<semaphore_mem>>) {add = true}
      %dma_wait3A_179 = arith.constant 0 : i32
      %dma_wait3A_180 = tpu.memref_slice %arg7[%run_scoped3A_118, %dma_wait3A_179] : memref<160x64xi32, #tpu.memory_space<vmem>> -> memref<1x64xi32, #tpu.memory_space<vmem>>
      %dma_wait3A_181 = tpu.memref_squeeze %dma_wait3A_180 : memref<1x64xi32, #tpu.memory_space<vmem>> -> memref<64xi32, #tpu.memory_space<vmem>>
      %dma_wait3A_182 = arith.constant 0 : i32
      %dma_wait3A_183 = arith.constant 0 : i32
      %dma_wait3A_184 = tpu.memref_slice %arg16[%dma_wait3A_182, %dma_wait3A_183] : memref<10240x64xf32, #tpu.memory_space<vmem_shared>> -> memref<10240x64xf32, #tpu.memory_space<vmem_shared>>
      tpu.wait_indirect_dma semaphore(%run_scoped3A_172 : memref<!tpu.dma_semaphore, #tpu.memory_space<semaphore_mem>>) src(%arg9 : memref<64x64xf32, #tpu.memory_space<vmem>>) dst(%dma_wait3A_184 : memref<10240x64xf32, #tpu.memory_space<vmem_shared>>)
      tpu.yield
    }) : () -> ()
    %dma_wait3A_119 = arith.constant 154 : i32
    %dma_wait3A_120 = arith.constant 0 : i32
    %dma_wait3A_121 = tpu.memref_slice %arg6[%dma_wait3A_119, %dma_wait3A_120] : memref<160x64xi32, #tpu.memory_space<vmem>> -> memref<1x64xi32, #tpu.memory_space<vmem>>
    %dma_wait3A_122 = tpu.memref_squeeze %dma_wait3A_121 : memref<1x64xi32, #tpu.memory_space<vmem>> -> memref<64xi32, #tpu.memory_space<vmem>>
    %dma_wait3A_123 = arith.constant 0 : i32
    %dma_wait3A_124 = arith.constant 0 : i32
    %dma_wait3A_125 = tpu.memref_slice %arg2[%dma_wait3A_123, %dma_wait3A_124] : memref<10240x64xf32, #tpu.memory_space<hbm>> -> memref<10240x64xf32, #tpu.memory_space<hbm>>
    tpu.wait_indirect_dma semaphore(%arg19 : memref<!tpu.dma_semaphore, #tpu.memory_space<semaphore_mem>>) src(%dma_wait3A_125 : memref<10240x64xf32, #tpu.memory_space<hbm>>) dst(%arg10 : memref<64x64xf32, #tpu.memory_space<vmem>>)
    %run_scoped3A_126 = arith.constant 154 : i32
    "tpu.region"() ({
      %run_scoped3A_172 = tpu.sem_alloc : memref<!tpu.dma_semaphore, #tpu.memory_space<semaphore_mem>>
      %dma_start3A_173 = arith.constant 0 : i32
      %dma_start3A_174 = tpu.memref_slice %arg7[%run_scoped3A_126, %dma_start3A_173] : memref<160x64xi32, #tpu.memory_space<vmem>> -> memref<1x64xi32, #tpu.memory_space<vmem>>
      %dma_start3A_175 = tpu.memref_squeeze %dma_start3A_174 : memref<1x64xi32, #tpu.memory_space<vmem>> -> memref<64xi32, #tpu.memory_space<vmem>>
      %dma_start3A_176 = arith.constant 0 : i32
      %dma_start3A_177 = arith.constant 0 : i32
      %dma_start3A_178 = tpu.memref_slice %arg16[%dma_start3A_176, %dma_start3A_177] : memref<10240x64xf32, #tpu.memory_space<vmem_shared>> -> memref<10240x64xf32, #tpu.memory_space<vmem_shared>>
      tpu.enqueue_indirect_dma source(%arg10 : memref<64x64xf32, #tpu.memory_space<vmem>>) target(%dma_start3A_178 : memref<10240x64xf32, #tpu.memory_space<vmem_shared>>) offsets(%dma_start3A_175 : memref<64xi32, #tpu.memory_space<vmem>>) semaphore(%run_scoped3A_172 : memref<!tpu.dma_semaphore, #tpu.memory_space<semaphore_mem>>) {add = true}
      %dma_wait3A_179 = arith.constant 0 : i32
      %dma_wait3A_180 = tpu.memref_slice %arg7[%run_scoped3A_126, %dma_wait3A_179] : memref<160x64xi32, #tpu.memory_space<vmem>> -> memref<1x64xi32, #tpu.memory_space<vmem>>
      %dma_wait3A_181 = tpu.memref_squeeze %dma_wait3A_180 : memref<1x64xi32, #tpu.memory_space<vmem>> -> memref<64xi32, #tpu.memory_space<vmem>>
      %dma_wait3A_182 = arith.constant 0 : i32
      %dma_wait3A_183 = arith.constant 0 : i32
      %dma_wait3A_184 = tpu.memref_slice %arg16[%dma_wait3A_182, %dma_wait3A_183] : memref<10240x64xf32, #tpu.memory_space<vmem_shared>> -> memref<10240x64xf32, #tpu.memory_space<vmem_shared>>
      tpu.wait_indirect_dma semaphore(%run_scoped3A_172 : memref<!tpu.dma_semaphore, #tpu.memory_space<semaphore_mem>>) src(%arg10 : memref<64x64xf32, #tpu.memory_space<vmem>>) dst(%dma_wait3A_184 : memref<10240x64xf32, #tpu.memory_space<vmem_shared>>)
      tpu.yield
    }) : () -> ()
    %dma_wait3A_127 = arith.constant 155 : i32
    %dma_wait3A_128 = arith.constant 0 : i32
    %dma_wait3A_129 = tpu.memref_slice %arg6[%dma_wait3A_127, %dma_wait3A_128] : memref<160x64xi32, #tpu.memory_space<vmem>> -> memref<1x64xi32, #tpu.memory_space<vmem>>
    %dma_wait3A_130 = tpu.memref_squeeze %dma_wait3A_129 : memref<1x64xi32, #tpu.memory_space<vmem>> -> memref<64xi32, #tpu.memory_space<vmem>>
    %dma_wait3A_131 = arith.constant 0 : i32
    %dma_wait3A_132 = arith.constant 0 : i32
    %dma_wait3A_133 = tpu.memref_slice %arg2[%dma_wait3A_131, %dma_wait3A_132] : memref<10240x64xf32, #tpu.memory_space<hbm>> -> memref<10240x64xf32, #tpu.memory_space<hbm>>
    tpu.wait_indirect_dma semaphore(%arg20 : memref<!tpu.dma_semaphore, #tpu.memory_space<semaphore_mem>>) src(%dma_wait3A_133 : memref<10240x64xf32, #tpu.memory_space<hbm>>) dst(%arg11 : memref<64x64xf32, #tpu.memory_space<vmem>>)
    %run_scoped3A_134 = arith.constant 155 : i32
    "tpu.region"() ({
      %run_scoped3A_172 = tpu.sem_alloc : memref<!tpu.dma_semaphore, #tpu.memory_space<semaphore_mem>>
      %dma_start3A_173 = arith.constant 0 : i32
      %dma_start3A_174 = tpu.memref_slice %arg7[%run_scoped3A_134, %dma_start3A_173] : memref<160x64xi32, #tpu.memory_space<vmem>> -> memref<1x64xi32, #tpu.memory_space<vmem>>
      %dma_start3A_175 = tpu.memref_squeeze %dma_start3A_174 : memref<1x64xi32, #tpu.memory_space<vmem>> -> memref<64xi32, #tpu.memory_space<vmem>>
      %dma_start3A_176 = arith.constant 0 : i32
      %dma_start3A_177 = arith.constant 0 : i32
      %dma_start3A_178 = tpu.memref_slice %arg16[%dma_start3A_176, %dma_start3A_177] : memref<10240x64xf32, #tpu.memory_space<vmem_shared>> -> memref<10240x64xf32, #tpu.memory_space<vmem_shared>>
      tpu.enqueue_indirect_dma source(%arg11 : memref<64x64xf32, #tpu.memory_space<vmem>>) target(%dma_start3A_178 : memref<10240x64xf32, #tpu.memory_space<vmem_shared>>) offsets(%dma_start3A_175 : memref<64xi32, #tpu.memory_space<vmem>>) semaphore(%run_scoped3A_172 : memref<!tpu.dma_semaphore, #tpu.memory_space<semaphore_mem>>) {add = true}
      %dma_wait3A_179 = arith.constant 0 : i32
      %dma_wait3A_180 = tpu.memref_slice %arg7[%run_scoped3A_134, %dma_wait3A_179] : memref<160x64xi32, #tpu.memory_space<vmem>> -> memref<1x64xi32, #tpu.memory_space<vmem>>
      %dma_wait3A_181 = tpu.memref_squeeze %dma_wait3A_180 : memref<1x64xi32, #tpu.memory_space<vmem>> -> memref<64xi32, #tpu.memory_space<vmem>>
      %dma_wait3A_182 = arith.constant 0 : i32
      %dma_wait3A_183 = arith.constant 0 : i32
      %dma_wait3A_184 = tpu.memref_slice %arg16[%dma_wait3A_182, %dma_wait3A_183] : memref<10240x64xf32, #tpu.memory_space<vmem_shared>> -> memref<10240x64xf32, #tpu.memory_space<vmem_shared>>
      tpu.wait_indirect_dma semaphore(%run_scoped3A_172 : memref<!tpu.dma_semaphore, #tpu.memory_space<semaphore_mem>>) src(%arg11 : memref<64x64xf32, #tpu.memory_space<vmem>>) dst(%dma_wait3A_184 : memref<10240x64xf32, #tpu.memory_space<vmem_shared>>)
      tpu.yield
    }) : () -> ()
    %dma_wait3A_135 = arith.constant 156 : i32
    %dma_wait3A_136 = arith.constant 0 : i32
    %dma_wait3A_137 = tpu.memref_slice %arg6[%dma_wait3A_135, %dma_wait3A_136] : memref<160x64xi32, #tpu.memory_space<vmem>> -> memref<1x64xi32, #tpu.memory_space<vmem>>
    %dma_wait3A_138 = tpu.memref_squeeze %dma_wait3A_137 : memref<1x64xi32, #tpu.memory_space<vmem>> -> memref<64xi32, #tpu.memory_space<vmem>>
    %dma_wait3A_139 = arith.constant 0 : i32
    %dma_wait3A_140 = arith.constant 0 : i32
    %dma_wait3A_141 = tpu.memref_slice %arg2[%dma_wait3A_139, %dma_wait3A_140] : memref<10240x64xf32, #tpu.memory_space<hbm>> -> memref<10240x64xf32, #tpu.memory_space<hbm>>
    tpu.wait_indirect_dma semaphore(%arg21 : memref<!tpu.dma_semaphore, #tpu.memory_space<semaphore_mem>>) src(%dma_wait3A_141 : memref<10240x64xf32, #tpu.memory_space<hbm>>) dst(%arg12 : memref<64x64xf32, #tpu.memory_space<vmem>>)
    %run_scoped3A_142 = arith.constant 156 : i32
    "tpu.region"() ({
      %run_scoped3A_172 = tpu.sem_alloc : memref<!tpu.dma_semaphore, #tpu.memory_space<semaphore_mem>>
      %dma_start3A_173 = arith.constant 0 : i32
      %dma_start3A_174 = tpu.memref_slice %arg7[%run_scoped3A_142, %dma_start3A_173] : memref<160x64xi32, #tpu.memory_space<vmem>> -> memref<1x64xi32, #tpu.memory_space<vmem>>
      %dma_start3A_175 = tpu.memref_squeeze %dma_start3A_174 : memref<1x64xi32, #tpu.memory_space<vmem>> -> memref<64xi32, #tpu.memory_space<vmem>>
      %dma_start3A_176 = arith.constant 0 : i32
      %dma_start3A_177 = arith.constant 0 : i32
      %dma_start3A_178 = tpu.memref_slice %arg16[%dma_start3A_176, %dma_start3A_177] : memref<10240x64xf32, #tpu.memory_space<vmem_shared>> -> memref<10240x64xf32, #tpu.memory_space<vmem_shared>>
      tpu.enqueue_indirect_dma source(%arg12 : memref<64x64xf32, #tpu.memory_space<vmem>>) target(%dma_start3A_178 : memref<10240x64xf32, #tpu.memory_space<vmem_shared>>) offsets(%dma_start3A_175 : memref<64xi32, #tpu.memory_space<vmem>>) semaphore(%run_scoped3A_172 : memref<!tpu.dma_semaphore, #tpu.memory_space<semaphore_mem>>) {add = true}
      %dma_wait3A_179 = arith.constant 0 : i32
      %dma_wait3A_180 = tpu.memref_slice %arg7[%run_scoped3A_142, %dma_wait3A_179] : memref<160x64xi32, #tpu.memory_space<vmem>> -> memref<1x64xi32, #tpu.memory_space<vmem>>
      %dma_wait3A_181 = tpu.memref_squeeze %dma_wait3A_180 : memref<1x64xi32, #tpu.memory_space<vmem>> -> memref<64xi32, #tpu.memory_space<vmem>>
      %dma_wait3A_182 = arith.constant 0 : i32
      %dma_wait3A_183 = arith.constant 0 : i32
      %dma_wait3A_184 = tpu.memref_slice %arg16[%dma_wait3A_182, %dma_wait3A_183] : memref<10240x64xf32, #tpu.memory_space<vmem_shared>> -> memref<10240x64xf32, #tpu.memory_space<vmem_shared>>
      tpu.wait_indirect_dma semaphore(%run_scoped3A_172 : memref<!tpu.dma_semaphore, #tpu.memory_space<semaphore_mem>>) src(%arg12 : memref<64x64xf32, #tpu.memory_space<vmem>>) dst(%dma_wait3A_184 : memref<10240x64xf32, #tpu.memory_space<vmem_shared>>)
      tpu.yield
    }) : () -> ()
    %dma_wait3A_143 = arith.constant 157 : i32
    %dma_wait3A_144 = arith.constant 0 : i32
    %dma_wait3A_145 = tpu.memref_slice %arg6[%dma_wait3A_143, %dma_wait3A_144] : memref<160x64xi32, #tpu.memory_space<vmem>> -> memref<1x64xi32, #tpu.memory_space<vmem>>
    %dma_wait3A_146 = tpu.memref_squeeze %dma_wait3A_145 : memref<1x64xi32, #tpu.memory_space<vmem>> -> memref<64xi32, #tpu.memory_space<vmem>>
    %dma_wait3A_147 = arith.constant 0 : i32
    %dma_wait3A_148 = arith.constant 0 : i32
    %dma_wait3A_149 = tpu.memref_slice %arg2[%dma_wait3A_147, %dma_wait3A_148] : memref<10240x64xf32, #tpu.memory_space<hbm>> -> memref<10240x64xf32, #tpu.memory_space<hbm>>
    tpu.wait_indirect_dma semaphore(%arg22 : memref<!tpu.dma_semaphore, #tpu.memory_space<semaphore_mem>>) src(%dma_wait3A_149 : memref<10240x64xf32, #tpu.memory_space<hbm>>) dst(%arg13 : memref<64x64xf32, #tpu.memory_space<vmem>>)
    %run_scoped3A_150 = arith.constant 157 : i32
    "tpu.region"() ({
      %run_scoped3A_172 = tpu.sem_alloc : memref<!tpu.dma_semaphore, #tpu.memory_space<semaphore_mem>>
      %dma_start3A_173 = arith.constant 0 : i32
      %dma_start3A_174 = tpu.memref_slice %arg7[%run_scoped3A_150, %dma_start3A_173] : memref<160x64xi32, #tpu.memory_space<vmem>> -> memref<1x64xi32, #tpu.memory_space<vmem>>
      %dma_start3A_175 = tpu.memref_squeeze %dma_start3A_174 : memref<1x64xi32, #tpu.memory_space<vmem>> -> memref<64xi32, #tpu.memory_space<vmem>>
      %dma_start3A_176 = arith.constant 0 : i32
      %dma_start3A_177 = arith.constant 0 : i32
      %dma_start3A_178 = tpu.memref_slice %arg16[%dma_start3A_176, %dma_start3A_177] : memref<10240x64xf32, #tpu.memory_space<vmem_shared>> -> memref<10240x64xf32, #tpu.memory_space<vmem_shared>>
      tpu.enqueue_indirect_dma source(%arg13 : memref<64x64xf32, #tpu.memory_space<vmem>>) target(%dma_start3A_178 : memref<10240x64xf32, #tpu.memory_space<vmem_shared>>) offsets(%dma_start3A_175 : memref<64xi32, #tpu.memory_space<vmem>>) semaphore(%run_scoped3A_172 : memref<!tpu.dma_semaphore, #tpu.memory_space<semaphore_mem>>) {add = true}
      %dma_wait3A_179 = arith.constant 0 : i32
      %dma_wait3A_180 = tpu.memref_slice %arg7[%run_scoped3A_150, %dma_wait3A_179] : memref<160x64xi32, #tpu.memory_space<vmem>> -> memref<1x64xi32, #tpu.memory_space<vmem>>
      %dma_wait3A_181 = tpu.memref_squeeze %dma_wait3A_180 : memref<1x64xi32, #tpu.memory_space<vmem>> -> memref<64xi32, #tpu.memory_space<vmem>>
      %dma_wait3A_182 = arith.constant 0 : i32
      %dma_wait3A_183 = arith.constant 0 : i32
      %dma_wait3A_184 = tpu.memref_slice %arg16[%dma_wait3A_182, %dma_wait3A_183] : memref<10240x64xf32, #tpu.memory_space<vmem_shared>> -> memref<10240x64xf32, #tpu.memory_space<vmem_shared>>
      tpu.wait_indirect_dma semaphore(%run_scoped3A_172 : memref<!tpu.dma_semaphore, #tpu.memory_space<semaphore_mem>>) src(%arg13 : memref<64x64xf32, #tpu.memory_space<vmem>>) dst(%dma_wait3A_184 : memref<10240x64xf32, #tpu.memory_space<vmem_shared>>)
      tpu.yield
    }) : () -> ()
    %dma_wait3A_151 = arith.constant 158 : i32
    %dma_wait3A_152 = arith.constant 0 : i32
    %dma_wait3A_153 = tpu.memref_slice %arg6[%dma_wait3A_151, %dma_wait3A_152] : memref<160x64xi32, #tpu.memory_space<vmem>> -> memref<1x64xi32, #tpu.memory_space<vmem>>
    %dma_wait3A_154 = tpu.memref_squeeze %dma_wait3A_153 : memref<1x64xi32, #tpu.memory_space<vmem>> -> memref<64xi32, #tpu.memory_space<vmem>>
    %dma_wait3A_155 = arith.constant 0 : i32
    %dma_wait3A_156 = arith.constant 0 : i32
    %dma_wait3A_157 = tpu.memref_slice %arg2[%dma_wait3A_155, %dma_wait3A_156] : memref<10240x64xf32, #tpu.memory_space<hbm>> -> memref<10240x64xf32, #tpu.memory_space<hbm>>
    tpu.wait_indirect_dma semaphore(%arg23 : memref<!tpu.dma_semaphore, #tpu.memory_space<semaphore_mem>>) src(%dma_wait3A_157 : memref<10240x64xf32, #tpu.memory_space<hbm>>) dst(%arg14 : memref<64x64xf32, #tpu.memory_space<vmem>>)
    %run_scoped3A_158 = arith.constant 158 : i32
    "tpu.region"() ({
      %run_scoped3A_172 = tpu.sem_alloc : memref<!tpu.dma_semaphore, #tpu.memory_space<semaphore_mem>>
      %dma_start3A_173 = arith.constant 0 : i32
      %dma_start3A_174 = tpu.memref_slice %arg7[%run_scoped3A_158, %dma_start3A_173] : memref<160x64xi32, #tpu.memory_space<vmem>> -> memref<1x64xi32, #tpu.memory_space<vmem>>
      %dma_start3A_175 = tpu.memref_squeeze %dma_start3A_174 : memref<1x64xi32, #tpu.memory_space<vmem>> -> memref<64xi32, #tpu.memory_space<vmem>>
      %dma_start3A_176 = arith.constant 0 : i32
      %dma_start3A_177 = arith.constant 0 : i32
      %dma_start3A_178 = tpu.memref_slice %arg16[%dma_start3A_176, %dma_start3A_177] : memref<10240x64xf32, #tpu.memory_space<vmem_shared>> -> memref<10240x64xf32, #tpu.memory_space<vmem_shared>>
      tpu.enqueue_indirect_dma source(%arg14 : memref<64x64xf32, #tpu.memory_space<vmem>>) target(%dma_start3A_178 : memref<10240x64xf32, #tpu.memory_space<vmem_shared>>) offsets(%dma_start3A_175 : memref<64xi32, #tpu.memory_space<vmem>>) semaphore(%run_scoped3A_172 : memref<!tpu.dma_semaphore, #tpu.memory_space<semaphore_mem>>) {add = true}
      %dma_wait3A_179 = arith.constant 0 : i32
      %dma_wait3A_180 = tpu.memref_slice %arg7[%run_scoped3A_158, %dma_wait3A_179] : memref<160x64xi32, #tpu.memory_space<vmem>> -> memref<1x64xi32, #tpu.memory_space<vmem>>
      %dma_wait3A_181 = tpu.memref_squeeze %dma_wait3A_180 : memref<1x64xi32, #tpu.memory_space<vmem>> -> memref<64xi32, #tpu.memory_space<vmem>>
      %dma_wait3A_182 = arith.constant 0 : i32
      %dma_wait3A_183 = arith.constant 0 : i32
      %dma_wait3A_184 = tpu.memref_slice %arg16[%dma_wait3A_182, %dma_wait3A_183] : memref<10240x64xf32, #tpu.memory_space<vmem_shared>> -> memref<10240x64xf32, #tpu.memory_space<vmem_shared>>
      tpu.wait_indirect_dma semaphore(%run_scoped3A_172 : memref<!tpu.dma_semaphore, #tpu.memory_space<semaphore_mem>>) src(%arg14 : memref<64x64xf32, #tpu.memory_space<vmem>>) dst(%dma_wait3A_184 : memref<10240x64xf32, #tpu.memory_space<vmem_shared>>)
      tpu.yield
    }) : () -> ()
    %dma_wait3A_159 = arith.constant 159 : i32
    %dma_wait3A_160 = arith.constant 0 : i32
    %dma_wait3A_161 = tpu.memref_slice %arg6[%dma_wait3A_159, %dma_wait3A_160] : memref<160x64xi32, #tpu.memory_space<vmem>> -> memref<1x64xi32, #tpu.memory_space<vmem>>
    %dma_wait3A_162 = tpu.memref_squeeze %dma_wait3A_161 : memref<1x64xi32, #tpu.memory_space<vmem>> -> memref<64xi32, #tpu.memory_space<vmem>>
    %dma_wait3A_163 = arith.constant 0 : i32
    %dma_wait3A_164 = arith.constant 0 : i32
    %dma_wait3A_165 = tpu.memref_slice %arg2[%dma_wait3A_163, %dma_wait3A_164] : memref<10240x64xf32, #tpu.memory_space<hbm>> -> memref<10240x64xf32, #tpu.memory_space<hbm>>
    tpu.wait_indirect_dma semaphore(%arg24 : memref<!tpu.dma_semaphore, #tpu.memory_space<semaphore_mem>>) src(%dma_wait3A_165 : memref<10240x64xf32, #tpu.memory_space<hbm>>) dst(%arg15 : memref<64x64xf32, #tpu.memory_space<vmem>>)
    %run_scoped3A_166 = arith.constant 159 : i32
    "tpu.region"() ({
      %run_scoped3A_172 = tpu.sem_alloc : memref<!tpu.dma_semaphore, #tpu.memory_space<semaphore_mem>>
      %dma_start3A_173 = arith.constant 0 : i32
      %dma_start3A_174 = tpu.memref_slice %arg7[%run_scoped3A_166, %dma_start3A_173] : memref<160x64xi32, #tpu.memory_space<vmem>> -> memref<1x64xi32, #tpu.memory_space<vmem>>
      %dma_start3A_175 = tpu.memref_squeeze %dma_start3A_174 : memref<1x64xi32, #tpu.memory_space<vmem>> -> memref<64xi32, #tpu.memory_space<vmem>>
      %dma_start3A_176 = arith.constant 0 : i32
      %dma_start3A_177 = arith.constant 0 : i32
      %dma_start3A_178 = tpu.memref_slice %arg16[%dma_start3A_176, %dma_start3A_177] : memref<10240x64xf32, #tpu.memory_space<vmem_shared>> -> memref<10240x64xf32, #tpu.memory_space<vmem_shared>>
      tpu.enqueue_indirect_dma source(%arg15 : memref<64x64xf32, #tpu.memory_space<vmem>>) target(%dma_start3A_178 : memref<10240x64xf32, #tpu.memory_space<vmem_shared>>) offsets(%dma_start3A_175 : memref<64xi32, #tpu.memory_space<vmem>>) semaphore(%run_scoped3A_172 : memref<!tpu.dma_semaphore, #tpu.memory_space<semaphore_mem>>) {add = true}
      %dma_wait3A_179 = arith.constant 0 : i32
      %dma_wait3A_180 = tpu.memref_slice %arg7[%run_scoped3A_166, %dma_wait3A_179] : memref<160x64xi32, #tpu.memory_space<vmem>> -> memref<1x64xi32, #tpu.memory_space<vmem>>
      %dma_wait3A_181 = tpu.memref_squeeze %dma_wait3A_180 : memref<1x64xi32, #tpu.memory_space<vmem>> -> memref<64xi32, #tpu.memory_space<vmem>>
      %dma_wait3A_182 = arith.constant 0 : i32
      %dma_wait3A_183 = arith.constant 0 : i32
      %dma_wait3A_184 = tpu.memref_slice %arg16[%dma_wait3A_182, %dma_wait3A_183] : memref<10240x64xf32, #tpu.memory_space<vmem_shared>> -> memref<10240x64xf32, #tpu.memory_space<vmem_shared>>
      tpu.wait_indirect_dma semaphore(%run_scoped3A_172 : memref<!tpu.dma_semaphore, #tpu.memory_space<semaphore_mem>>) src(%arg15 : memref<64x64xf32, #tpu.memory_space<vmem>>) dst(%dma_wait3A_184 : memref<10240x64xf32, #tpu.memory_space<vmem_shared>>)
      tpu.yield
    }) : () -> ()
    %barrier3A_167 = arith.constant 0 : index
    tpu.barrier barrier_id(%barrier3A_167)
    %mul3A_168 = arith.constant 640 : i32
    %mul3A_169 = arith.muli %arg1, %mul3A_168 : i32
    %mul3A_170 = arith.constant 640 : i32
    %mul3A_171 = arith.muli %arg1, %mul3A_170 : i32
    "tpu.region"() ({
      %run_scoped3A_172 = tpu.sem_alloc : memref<!tpu.dma_semaphore, #tpu.memory_space<semaphore_mem>>
      %dma_start3A_173 = arith.constant 0 : i32
      %dma_start3A_174 = tpu.memref_slice %arg5[%arg0, %mul3A_171, %dma_start3A_173] : memref<2x10240x64xf32, #tpu.memory_space<hbm>> -> memref<1x640x64xf32, #tpu.memory_space<hbm>>
      %dma_start3A_175 = tpu.memref_squeeze %dma_start3A_174 : memref<1x640x64xf32, #tpu.memory_space<hbm>> -> memref<640x64xf32, #tpu.memory_space<hbm>>
      %dma_start3A_176 = arith.constant 0 : i32
      %dma_start3A_177 = tpu.memref_slice %arg16[%mul3A_169, %dma_start3A_176] : memref<10240x64xf32, #tpu.memory_space<vmem_shared>> -> memref<640x64xf32, #tpu.memory_space<vmem_shared>>
      tpu.enqueue_dma source(%dma_start3A_177 : memref<640x64xf32, #tpu.memory_space<vmem_shared>>) target(%dma_start3A_175 : memref<640x64xf32, #tpu.memory_space<hbm>>) target_semaphore(%run_scoped3A_172 : memref<!tpu.dma_semaphore, #tpu.memory_space<semaphore_mem>>)
      %dma_wait3A_178 = arith.constant 0 : i32
      %dma_wait3A_179 = tpu.memref_slice %arg5[%arg0, %mul3A_171, %dma_wait3A_178] : memref<2x10240x64xf32, #tpu.memory_space<hbm>> -> memref<1x640x64xf32, #tpu.memory_space<hbm>>
      %dma_wait3A_180 = tpu.memref_squeeze %dma_wait3A_179 : memref<1x640x64xf32, #tpu.memory_space<hbm>> -> memref<640x64xf32, #tpu.memory_space<hbm>>
      %dma_wait3A_181 = arith.constant 0 : i32
      %dma_wait3A_182 = tpu.memref_slice %arg16[%mul3A_169, %dma_wait3A_181] : memref<10240x64xf32, #tpu.memory_space<vmem_shared>> -> memref<640x64xf32, #tpu.memory_space<vmem_shared>>
      tpu.wait_dma2 semaphore(%run_scoped3A_172 : memref<!tpu.dma_semaphore, #tpu.memory_space<semaphore_mem>>) src(%dma_wait3A_182 : memref<640x64xf32, #tpu.memory_space<vmem_shared>>) dst(%dma_wait3A_180 : memref<640x64xf32, #tpu.memory_space<hbm>>)
      tpu.yield
    }) : () -> ()
    return
  }
}

#map = affine_map<(d0, d1) -> (0, 0, 0)>
#map1 = affine_map<(d0, d1) -> (0, 0)>
module attributes {stable_mosaic.version = 14 : i64} {
  func.func @_deg_kernel(%arg0: i32, %arg1: i32, %arg2: memref<32x80x128xi32, #tpu.memory_space<hbm>>, %arg3: memref<2x10240xf32, #tpu.memory_space<hbm>>, %arg4: memref<80x128xi32, #tpu.memory_space<vmem>>, %arg5: memref<128xf32, #tpu.memory_space<vmem>>, %arg6: memref<640xf32, #tpu.memory_space<vmem>>, %arg7: memref<10240xf32, #tpu.memory_space<vmem_shared>>, %arg8: memref<!tpu.dma_semaphore, #tpu.memory_space<semaphore_mem>>, %arg9: memref<!tpu.dma_semaphore, #tpu.memory_space<semaphore_mem>>) attributes {dimension_semantics = [#tpu.dimension_semantics<core_parallel>, #tpu.dimension_semantics<subcore_parallel>], iteration_bounds = array<i64: 2, 16>, scalar_prefetch = 0 : i64, scratch_operands = 6 : i64, tpu.core_type = #tpu.core_type<sc_vector_subcore>, window_params = [{transform_indices = #map}, {transform_indices = #map1}]} {
    %mul3A = arith.constant 2 : i32
    %mul3A_0 = arith.muli %arg1, %mul3A : i32
    %add3A = arith.addi %mul3A_0, %arg0 : i32
    %broadcast_in_dim3A = arith.constant 1.000000e+00 : f32
    %broadcast_in_dim3A_1 = vector.broadcast %broadcast_in_dim3A : f32 to vector<16xf32>
    %swap3A = arith.constant 0 : index
    %swap3A_2 = tpu.vector_load %arg5[%swap3A] {strides = array<i32>} : memref<128xf32, #tpu.memory_space<vmem>>, vector<16xf32>,
    %swap3A_3 = vector.shape_cast %swap3A_2 : vector<16xf32> to vector<16xf32>
    %swap3A_4 = vector.shape_cast %broadcast_in_dim3A_1 : vector<16xf32> to vector<16xf32>
    tpu.vector_store %arg5[%swap3A], %swap3A_4 {strides = array<i32>} : memref<128xf32, #tpu.memory_space<vmem>>, vector<16xf32>,
    %broadcast_in_dim3A_5 = arith.constant 1.000000e+00 : f32
    %broadcast_in_dim3A_6 = vector.broadcast %broadcast_in_dim3A_5 : f32 to vector<16xf32>
    %swap3A_7 = arith.constant 16 : index
    %swap3A_8 = tpu.vector_load %arg5[%swap3A_7] {strides = array<i32>} : memref<128xf32, #tpu.memory_space<vmem>>, vector<16xf32>,
    %swap3A_9 = vector.shape_cast %swap3A_8 : vector<16xf32> to vector<16xf32>
    %swap3A_10 = vector.shape_cast %broadcast_in_dim3A_6 : vector<16xf32> to vector<16xf32>
    tpu.vector_store %arg5[%swap3A_7], %swap3A_10 {strides = array<i32>} : memref<128xf32, #tpu.memory_space<vmem>>, vector<16xf32>,
    %broadcast_in_dim3A_11 = arith.constant 1.000000e+00 : f32
    %broadcast_in_dim3A_12 = vector.broadcast %broadcast_in_dim3A_11 : f32 to vector<16xf32>
    %swap3A_13 = arith.constant 32 : index
    %swap3A_14 = tpu.vector_load %arg5[%swap3A_13] {strides = array<i32>} : memref<128xf32, #tpu.memory_space<vmem>>, vector<16xf32>,
    %swap3A_15 = vector.shape_cast %swap3A_14 : vector<16xf32> to vector<16xf32>
    %swap3A_16 = vector.shape_cast %broadcast_in_dim3A_12 : vector<16xf32> to vector<16xf32>
    tpu.vector_store %arg5[%swap3A_13], %swap3A_16 {strides = array<i32>} : memref<128xf32, #tpu.memory_space<vmem>>, vector<16xf32>,
    %broadcast_in_dim3A_17 = arith.constant 1.000000e+00 : f32
    %broadcast_in_dim3A_18 = vector.broadcast %broadcast_in_dim3A_17 : f32 to vector<16xf32>
    %swap3A_19 = arith.constant 48 : index
    %swap3A_20 = tpu.vector_load %arg5[%swap3A_19] {strides = array<i32>} : memref<128xf32, #tpu.memory_space<vmem>>, vector<16xf32>,
    %swap3A_21 = vector.shape_cast %swap3A_20 : vector<16xf32> to vector<16xf32>
    %swap3A_22 = vector.shape_cast %broadcast_in_dim3A_18 : vector<16xf32> to vector<16xf32>
    tpu.vector_store %arg5[%swap3A_19], %swap3A_22 {strides = array<i32>} : memref<128xf32, #tpu.memory_space<vmem>>, vector<16xf32>,
    %broadcast_in_dim3A_23 = arith.constant 1.000000e+00 : f32
    %broadcast_in_dim3A_24 = vector.broadcast %broadcast_in_dim3A_23 : f32 to vector<16xf32>
    %swap3A_25 = arith.constant 64 : index
    %swap3A_26 = tpu.vector_load %arg5[%swap3A_25] {strides = array<i32>} : memref<128xf32, #tpu.memory_space<vmem>>, vector<16xf32>,
    %swap3A_27 = vector.shape_cast %swap3A_26 : vector<16xf32> to vector<16xf32>
    %swap3A_28 = vector.shape_cast %broadcast_in_dim3A_24 : vector<16xf32> to vector<16xf32>
    tpu.vector_store %arg5[%swap3A_25], %swap3A_28 {strides = array<i32>} : memref<128xf32, #tpu.memory_space<vmem>>, vector<16xf32>,
    %broadcast_in_dim3A_29 = arith.constant 1.000000e+00 : f32
    %broadcast_in_dim3A_30 = vector.broadcast %broadcast_in_dim3A_29 : f32 to vector<16xf32>
    %swap3A_31 = arith.constant 80 : index
    %swap3A_32 = tpu.vector_load %arg5[%swap3A_31] {strides = array<i32>} : memref<128xf32, #tpu.memory_space<vmem>>, vector<16xf32>,
    %swap3A_33 = vector.shape_cast %swap3A_32 : vector<16xf32> to vector<16xf32>
    %swap3A_34 = vector.shape_cast %broadcast_in_dim3A_30 : vector<16xf32> to vector<16xf32>
    tpu.vector_store %arg5[%swap3A_31], %swap3A_34 {strides = array<i32>} : memref<128xf32, #tpu.memory_space<vmem>>, vector<16xf32>,
    %broadcast_in_dim3A_35 = arith.constant 1.000000e+00 : f32
    %broadcast_in_dim3A_36 = vector.broadcast %broadcast_in_dim3A_35 : f32 to vector<16xf32>
    %swap3A_37 = arith.constant 96 : index
    %swap3A_38 = tpu.vector_load %arg5[%swap3A_37] {strides = array<i32>} : memref<128xf32, #tpu.memory_space<vmem>>, vector<16xf32>,
    %swap3A_39 = vector.shape_cast %swap3A_38 : vector<16xf32> to vector<16xf32>
    %swap3A_40 = vector.shape_cast %broadcast_in_dim3A_36 : vector<16xf32> to vector<16xf32>
    tpu.vector_store %arg5[%swap3A_37], %swap3A_40 {strides = array<i32>} : memref<128xf32, #tpu.memory_space<vmem>>, vector<16xf32>,
    %broadcast_in_dim3A_41 = arith.constant 1.000000e+00 : f32
    %broadcast_in_dim3A_42 = vector.broadcast %broadcast_in_dim3A_41 : f32 to vector<16xf32>
    %swap3A_43 = arith.constant 112 : index
    %swap3A_44 = tpu.vector_load %arg5[%swap3A_43] {strides = array<i32>} : memref<128xf32, #tpu.memory_space<vmem>>, vector<16xf32>,
    %swap3A_45 = vector.shape_cast %swap3A_44 : vector<16xf32> to vector<16xf32>
    %swap3A_46 = vector.shape_cast %broadcast_in_dim3A_42 : vector<16xf32> to vector<16xf32>
    tpu.vector_store %arg5[%swap3A_43], %swap3A_46 {strides = array<i32>} : memref<128xf32, #tpu.memory_space<vmem>>, vector<16xf32>,
    %scan3A = arith.constant 0 : i32
    %scan3A_47 = arith.constant 40 : i32
    %scan3A_48 = arith.addi %scan3A, %scan3A_47 : i32
    %scan3A_49 = arith.constant 1 : i32
    scf.for %scan3A_253 = %scan3A to %scan3A_48 step %scan3A_49  : i32 {
      %broadcast_in_dim3A_254 = arith.constant 0.000000e+00 : f32
      %broadcast_in_dim3A_255 = vector.broadcast %broadcast_in_dim3A_254 : f32 to vector<16xf32>
      %mul3A_256 = arith.constant 16 : i32
      %mul3A_257 = arith.muli %scan3A_253, %mul3A_256 : i32
      %swap3A_258 = arith.index_cast %mul3A_257 : i32 to index
      %swap3A_259 = tpu.vector_load %arg6[%swap3A_258] {strides = array<i32>} : memref<640xf32, #tpu.memory_space<vmem>>, vector<16xf32>,
      %swap3A_260 = vector.shape_cast %swap3A_259 : vector<16xf32> to vector<16xf32>
      %swap3A_261 = vector.shape_cast %broadcast_in_dim3A_255 : vector<16xf32> to vector<16xf32>
      tpu.vector_store %arg6[%swap3A_258], %swap3A_261 {strides = array<i32>} : memref<640xf32, #tpu.memory_space<vmem>>, vector<16xf32>,
    }
    %scan3A_50 = arith.constant 40 : i32
    %mul3A_51 = arith.constant 640 : i32
    %mul3A_52 = arith.muli %arg1, %mul3A_51 : i32
    "tpu.region"() ({
      %run_scoped3A = tpu.sem_alloc : memref<!tpu.dma_semaphore, #tpu.memory_space<semaphore_mem>>
      %dma_start3A_253 = tpu.memref_slice %arg7[%mul3A_52] : memref<10240xf32, #tpu.memory_space<vmem_shared>> -> memref<640xf32, #tpu.memory_space<vmem_shared>>
      %dma_start3A_254 = tpu.memref_slice %arg7[%mul3A_52] : memref<10240xf32, #tpu.memory_space<vmem_shared>> -> memref<640xf32, #tpu.memory_space<vmem_shared>>
      tpu.enqueue_dma source(%arg6 : memref<640xf32, #tpu.memory_space<vmem>>) target(%dma_start3A_254 : memref<640xf32, #tpu.memory_space<vmem_shared>>) target_semaphore(%run_scoped3A : memref<!tpu.dma_semaphore, #tpu.memory_space<semaphore_mem>>)
      %dma_wait3A_255 = tpu.memref_slice %arg7[%mul3A_52] : memref<10240xf32, #tpu.memory_space<vmem_shared>> -> memref<640xf32, #tpu.memory_space<vmem_shared>>
      %dma_wait3A_256 = tpu.memref_slice %arg7[%mul3A_52] : memref<10240xf32, #tpu.memory_space<vmem_shared>> -> memref<640xf32, #tpu.memory_space<vmem_shared>>
      tpu.wait_dma2 semaphore(%run_scoped3A : memref<!tpu.dma_semaphore, #tpu.memory_space<semaphore_mem>>) src(%arg6 : memref<640xf32, #tpu.memory_space<vmem>>) dst(%dma_wait3A_256 : memref<640xf32, #tpu.memory_space<vmem_shared>>)
      tpu.yield
    }) : () -> ()
    %barrier3A = arith.constant 0 : index
    tpu.barrier barrier_id(%barrier3A)
    "tpu.region"() ({
      %run_scoped3A = tpu.sem_alloc : memref<!tpu.dma_semaphore, #tpu.memory_space<semaphore_mem>>
      %dma_start3A_253 = arith.constant 0 : i32
      %dma_start3A_254 = arith.constant 0 : i32
      %dma_start3A_255 = tpu.memref_slice %arg2[%add3A, %dma_start3A_253, %dma_start3A_254] : memref<32x80x128xi32, #tpu.memory_space<hbm>> -> memref<1x80x128xi32, #tpu.memory_space<hbm>>
      %dma_start3A_256 = tpu.memref_squeeze %dma_start3A_255 : memref<1x80x128xi32, #tpu.memory_space<hbm>> -> memref<80x128xi32, #tpu.memory_space<hbm>>
      %dma_start3A_257 = arith.constant 0 : i32
      %dma_start3A_258 = arith.constant 0 : i32
      %dma_start3A_259 = tpu.memref_slice %arg2[%add3A, %dma_start3A_257, %dma_start3A_258] : memref<32x80x128xi32, #tpu.memory_space<hbm>> -> memref<1x80x128xi32, #tpu.memory_space<hbm>>
      %dma_start3A_260 = tpu.memref_squeeze %dma_start3A_259 : memref<1x80x128xi32, #tpu.memory_space<hbm>> -> memref<80x128xi32, #tpu.memory_space<hbm>>
      tpu.enqueue_dma source(%dma_start3A_260 : memref<80x128xi32, #tpu.memory_space<hbm>>) target(%arg4 : memref<80x128xi32, #tpu.memory_space<vmem>>) target_semaphore(%run_scoped3A : memref<!tpu.dma_semaphore, #tpu.memory_space<semaphore_mem>>)
      %dma_wait3A_261 = arith.constant 0 : i32
      %dma_wait3A_262 = arith.constant 0 : i32
      %dma_wait3A_263 = tpu.memref_slice %arg2[%add3A, %dma_wait3A_261, %dma_wait3A_262] : memref<32x80x128xi32, #tpu.memory_space<hbm>> -> memref<1x80x128xi32, #tpu.memory_space<hbm>>
      %dma_wait3A_264 = tpu.memref_squeeze %dma_wait3A_263 : memref<1x80x128xi32, #tpu.memory_space<hbm>> -> memref<80x128xi32, #tpu.memory_space<hbm>>
      %dma_wait3A_265 = arith.constant 0 : i32
      %dma_wait3A_266 = arith.constant 0 : i32
      %dma_wait3A_267 = tpu.memref_slice %arg2[%add3A, %dma_wait3A_265, %dma_wait3A_266] : memref<32x80x128xi32, #tpu.memory_space<hbm>> -> memref<1x80x128xi32, #tpu.memory_space<hbm>>
      %dma_wait3A_268 = tpu.memref_squeeze %dma_wait3A_267 : memref<1x80x128xi32, #tpu.memory_space<hbm>> -> memref<80x128xi32, #tpu.memory_space<hbm>>
      tpu.wait_dma2 semaphore(%run_scoped3A : memref<!tpu.dma_semaphore, #tpu.memory_space<semaphore_mem>>) src(%dma_wait3A_268 : memref<80x128xi32, #tpu.memory_space<hbm>>) dst(%arg4 : memref<80x128xi32, #tpu.memory_space<vmem>>)
      tpu.yield
    }) : () -> ()
    %dma_start3A = arith.constant 0 : i32
    %dma_start3A_53 = arith.constant 0 : i32
    %dma_start3A_54 = tpu.memref_slice %arg4[%dma_start3A, %dma_start3A_53] : memref<80x128xi32, #tpu.memory_space<vmem>> -> memref<1x128xi32, #tpu.memory_space<vmem>>
    %dma_start3A_55 = tpu.memref_squeeze %dma_start3A_54 : memref<1x128xi32, #tpu.memory_space<vmem>> -> memref<128xi32, #tpu.memory_space<vmem>>
    %dma_start3A_56 = arith.constant 0 : i32
    %dma_start3A_57 = tpu.memref_slice %arg7[%dma_start3A_56] : memref<10240xf32, #tpu.memory_space<vmem_shared>> -> memref<10240xf32, #tpu.memory_space<vmem_shared>>
    tpu.enqueue_indirect_dma source(%arg5 : memref<128xf32, #tpu.memory_space<vmem>>) target(%dma_start3A_57 : memref<10240xf32, #tpu.memory_space<vmem_shared>>) offsets(%dma_start3A_55 : memref<128xi32, #tpu.memory_space<vmem>>) semaphore(%arg8 : memref<!tpu.dma_semaphore, #tpu.memory_space<semaphore_mem>>) {add = true}
    %dma_start3A_58 = arith.constant 1 : i32
    %dma_start3A_59 = arith.constant 0 : i32
    %dma_start3A_60 = tpu.memref_slice %arg4[%dma_start3A_58, %dma_start3A_59] : memref<80x128xi32, #tpu.memory_space<vmem>> -> memref<1x128xi32, #tpu.memory_space<vmem>>
    %dma_start3A_61 = tpu.memref_squeeze %dma_start3A_60 : memref<1x128xi32, #tpu.memory_space<vmem>> -> memref<128xi32, #tpu.memory_space<vmem>>
    %dma_start3A_62 = arith.constant 0 : i32
    %dma_start3A_63 = tpu.memref_slice %arg7[%dma_start3A_62] : memref<10240xf32, #tpu.memory_space<vmem_shared>> -> memref<10240xf32, #tpu.memory_space<vmem_shared>>
    tpu.enqueue_indirect_dma source(%arg5 : memref<128xf32, #tpu.memory_space<vmem>>) target(%dma_start3A_63 : memref<10240xf32, #tpu.memory_space<vmem_shared>>) offsets(%dma_start3A_61 : memref<128xi32, #tpu.memory_space<vmem>>) semaphore(%arg8 : memref<!tpu.dma_semaphore, #tpu.memory_space<semaphore_mem>>) {add = true}
    %dma_start3A_64 = arith.constant 2 : i32
    %dma_start3A_65 = arith.constant 0 : i32
    %dma_start3A_66 = tpu.memref_slice %arg4[%dma_start3A_64, %dma_start3A_65] : memref<80x128xi32, #tpu.memory_space<vmem>> -> memref<1x128xi32, #tpu.memory_space<vmem>>
    %dma_start3A_67 = tpu.memref_squeeze %dma_start3A_66 : memref<1x128xi32, #tpu.memory_space<vmem>> -> memref<128xi32, #tpu.memory_space<vmem>>
    %dma_start3A_68 = arith.constant 0 : i32
    %dma_start3A_69 = tpu.memref_slice %arg7[%dma_start3A_68] : memref<10240xf32, #tpu.memory_space<vmem_shared>> -> memref<10240xf32, #tpu.memory_space<vmem_shared>>
    tpu.enqueue_indirect_dma source(%arg5 : memref<128xf32, #tpu.memory_space<vmem>>) target(%dma_start3A_69 : memref<10240xf32, #tpu.memory_space<vmem_shared>>) offsets(%dma_start3A_67 : memref<128xi32, #tpu.memory_space<vmem>>) semaphore(%arg8 : memref<!tpu.dma_semaphore, #tpu.memory_space<semaphore_mem>>) {add = true}
    %dma_start3A_70 = arith.constant 3 : i32
    %dma_start3A_71 = arith.constant 0 : i32
    %dma_start3A_72 = tpu.memref_slice %arg4[%dma_start3A_70, %dma_start3A_71] : memref<80x128xi32, #tpu.memory_space<vmem>> -> memref<1x128xi32, #tpu.memory_space<vmem>>
    %dma_start3A_73 = tpu.memref_squeeze %dma_start3A_72 : memref<1x128xi32, #tpu.memory_space<vmem>> -> memref<128xi32, #tpu.memory_space<vmem>>
    %dma_start3A_74 = arith.constant 0 : i32
    %dma_start3A_75 = tpu.memref_slice %arg7[%dma_start3A_74] : memref<10240xf32, #tpu.memory_space<vmem_shared>> -> memref<10240xf32, #tpu.memory_space<vmem_shared>>
    tpu.enqueue_indirect_dma source(%arg5 : memref<128xf32, #tpu.memory_space<vmem>>) target(%dma_start3A_75 : memref<10240xf32, #tpu.memory_space<vmem_shared>>) offsets(%dma_start3A_73 : memref<128xi32, #tpu.memory_space<vmem>>) semaphore(%arg8 : memref<!tpu.dma_semaphore, #tpu.memory_space<semaphore_mem>>) {add = true}
    %dma_start3A_76 = arith.constant 4 : i32
    %dma_start3A_77 = arith.constant 0 : i32
    %dma_start3A_78 = tpu.memref_slice %arg4[%dma_start3A_76, %dma_start3A_77] : memref<80x128xi32, #tpu.memory_space<vmem>> -> memref<1x128xi32, #tpu.memory_space<vmem>>
    %dma_start3A_79 = tpu.memref_squeeze %dma_start3A_78 : memref<1x128xi32, #tpu.memory_space<vmem>> -> memref<128xi32, #tpu.memory_space<vmem>>
    %dma_start3A_80 = arith.constant 0 : i32
    %dma_start3A_81 = tpu.memref_slice %arg7[%dma_start3A_80] : memref<10240xf32, #tpu.memory_space<vmem_shared>> -> memref<10240xf32, #tpu.memory_space<vmem_shared>>
    tpu.enqueue_indirect_dma source(%arg5 : memref<128xf32, #tpu.memory_space<vmem>>) target(%dma_start3A_81 : memref<10240xf32, #tpu.memory_space<vmem_shared>>) offsets(%dma_start3A_79 : memref<128xi32, #tpu.memory_space<vmem>>) semaphore(%arg8 : memref<!tpu.dma_semaphore, #tpu.memory_space<semaphore_mem>>) {add = true}
    %dma_start3A_82 = arith.constant 5 : i32
    %dma_start3A_83 = arith.constant 0 : i32
    %dma_start3A_84 = tpu.memref_slice %arg4[%dma_start3A_82, %dma_start3A_83] : memref<80x128xi32, #tpu.memory_space<vmem>> -> memref<1x128xi32, #tpu.memory_space<vmem>>
    %dma_start3A_85 = tpu.memref_squeeze %dma_start3A_84 : memref<1x128xi32, #tpu.memory_space<vmem>> -> memref<128xi32, #tpu.memory_space<vmem>>
    %dma_start3A_86 = arith.constant 0 : i32
    %dma_start3A_87 = tpu.memref_slice %arg7[%dma_start3A_86] : memref<10240xf32, #tpu.memory_space<vmem_shared>> -> memref<10240xf32, #tpu.memory_space<vmem_shared>>
    tpu.enqueue_indirect_dma source(%arg5 : memref<128xf32, #tpu.memory_space<vmem>>) target(%dma_start3A_87 : memref<10240xf32, #tpu.memory_space<vmem_shared>>) offsets(%dma_start3A_85 : memref<128xi32, #tpu.memory_space<vmem>>) semaphore(%arg8 : memref<!tpu.dma_semaphore, #tpu.memory_space<semaphore_mem>>) {add = true}
    %dma_start3A_88 = arith.constant 6 : i32
    %dma_start3A_89 = arith.constant 0 : i32
    %dma_start3A_90 = tpu.memref_slice %arg4[%dma_start3A_88, %dma_start3A_89] : memref<80x128xi32, #tpu.memory_space<vmem>> -> memref<1x128xi32, #tpu.memory_space<vmem>>
    %dma_start3A_91 = tpu.memref_squeeze %dma_start3A_90 : memref<1x128xi32, #tpu.memory_space<vmem>> -> memref<128xi32, #tpu.memory_space<vmem>>
    %dma_start3A_92 = arith.constant 0 : i32
    %dma_start3A_93 = tpu.memref_slice %arg7[%dma_start3A_92] : memref<10240xf32, #tpu.memory_space<vmem_shared>> -> memref<10240xf32, #tpu.memory_space<vmem_shared>>
    tpu.enqueue_indirect_dma source(%arg5 : memref<128xf32, #tpu.memory_space<vmem>>) target(%dma_start3A_93 : memref<10240xf32, #tpu.memory_space<vmem_shared>>) offsets(%dma_start3A_91 : memref<128xi32, #tpu.memory_space<vmem>>) semaphore(%arg8 : memref<!tpu.dma_semaphore, #tpu.memory_space<semaphore_mem>>) {add = true}
    %dma_start3A_94 = arith.constant 7 : i32
    %dma_start3A_95 = arith.constant 0 : i32
    %dma_start3A_96 = tpu.memref_slice %arg4[%dma_start3A_94, %dma_start3A_95] : memref<80x128xi32, #tpu.memory_space<vmem>> -> memref<1x128xi32, #tpu.memory_space<vmem>>
    %dma_start3A_97 = tpu.memref_squeeze %dma_start3A_96 : memref<1x128xi32, #tpu.memory_space<vmem>> -> memref<128xi32, #tpu.memory_space<vmem>>
    %dma_start3A_98 = arith.constant 0 : i32
    %dma_start3A_99 = tpu.memref_slice %arg7[%dma_start3A_98] : memref<10240xf32, #tpu.memory_space<vmem_shared>> -> memref<10240xf32, #tpu.memory_space<vmem_shared>>
    tpu.enqueue_indirect_dma source(%arg5 : memref<128xf32, #tpu.memory_space<vmem>>) target(%dma_start3A_99 : memref<10240xf32, #tpu.memory_space<vmem_shared>>) offsets(%dma_start3A_97 : memref<128xi32, #tpu.memory_space<vmem>>) semaphore(%arg8 : memref<!tpu.dma_semaphore, #tpu.memory_space<semaphore_mem>>) {add = true}
    %scan3A_100 = arith.constant 0 : i32
    %scan3A_101 = arith.constant 4 : i32
    %scan3A_102 = arith.addi %scan3A_100, %scan3A_101 : i32
    %scan3A_103 = arith.constant 1 : i32
    scf.for %scan3A_253 = %scan3A_100 to %scan3A_102 step %scan3A_103  : i32 {
      %mul3A_254 = arith.constant 2 : i32
      %mul3A_255 = arith.muli %mul3A_254, %scan3A_253 : i32
      %add3A_256 = arith.constant 1 : i32
      %add3A_257 = arith.addi %mul3A_255, %add3A_256 : i32
      %mul3A_258 = arith.constant 8 : i32
      %mul3A_259 = arith.muli %add3A_257, %mul3A_258 : i32
      %add3A_260 = arith.constant 0 : i32
      %add3A_261 = arith.addi %mul3A_259, %add3A_260 : i32
      %dma_start3A_262 = arith.constant 0 : i32
      %dma_start3A_263 = tpu.memref_slice %arg4[%add3A_261, %dma_start3A_262] : memref<80x128xi32, #tpu.memory_space<vmem>> -> memref<1x128xi32, #tpu.memory_space<vmem>>
      %dma_start3A_264 = tpu.memref_squeeze %dma_start3A_263 : memref<1x128xi32, #tpu.memory_space<vmem>> -> memref<128xi32, #tpu.memory_space<vmem>>
      %dma_start3A_265 = arith.constant 0 : i32
      %dma_start3A_266 = tpu.memref_slice %arg7[%dma_start3A_265] : memref<10240xf32, #tpu.memory_space<vmem_shared>> -> memref<10240xf32, #tpu.memory_space<vmem_shared>>
      tpu.enqueue_indirect_dma source(%arg5 : memref<128xf32, #tpu.memory_space<vmem>>) target(%dma_start3A_266 : memref<10240xf32, #tpu.memory_space<vmem_shared>>) offsets(%dma_start3A_264 : memref<128xi32, #tpu.memory_space<vmem>>) semaphore(%arg9 : memref<!tpu.dma_semaphore, #tpu.memory_space<semaphore_mem>>) {add = true}
      %mul3A_267 = arith.constant 8 : i32
      %mul3A_268 = arith.muli %add3A_257, %mul3A_267 : i32
      %add3A_269 = arith.constant 1 : i32
      %add3A_270 = arith.addi %mul3A_268, %add3A_269 : i32
      %dma_start3A_271 = arith.constant 0 : i32
      %dma_start3A_272 = tpu.memref_slice %arg4[%add3A_270, %dma_start3A_271] : memref<80x128xi32, #tpu.memory_space<vmem>> -> memref<1x128xi32, #tpu.memory_space<vmem>>
      %dma_start3A_273 = tpu.memref_squeeze %dma_start3A_272 : memref<1x128xi32, #tpu.memory_space<vmem>> -> memref<128xi32, #tpu.memory_space<vmem>>
      %dma_start3A_274 = arith.constant 0 : i32
      %dma_start3A_275 = tpu.memref_slice %arg7[%dma_start3A_274] : memref<10240xf32, #tpu.memory_space<vmem_shared>> -> memref<10240xf32, #tpu.memory_space<vmem_shared>>
      tpu.enqueue_indirect_dma source(%arg5 : memref<128xf32, #tpu.memory_space<vmem>>) target(%dma_start3A_275 : memref<10240xf32, #tpu.memory_space<vmem_shared>>) offsets(%dma_start3A_273 : memref<128xi32, #tpu.memory_space<vmem>>) semaphore(%arg9 : memref<!tpu.dma_semaphore, #tpu.memory_space<semaphore_mem>>) {add = true}
      %mul3A_276 = arith.constant 8 : i32
      %mul3A_277 = arith.muli %add3A_257, %mul3A_276 : i32
      %add3A_278 = arith.constant 2 : i32
      %add3A_279 = arith.addi %mul3A_277, %add3A_278 : i32
      %dma_start3A_280 = arith.constant 0 : i32
      %dma_start3A_281 = tpu.memref_slice %arg4[%add3A_279, %dma_start3A_280] : memref<80x128xi32, #tpu.memory_space<vmem>> -> memref<1x128xi32, #tpu.memory_space<vmem>>
      %dma_start3A_282 = tpu.memref_squeeze %dma_start3A_281 : memref<1x128xi32, #tpu.memory_space<vmem>> -> memref<128xi32, #tpu.memory_space<vmem>>
      %dma_start3A_283 = arith.constant 0 : i32
      %dma_start3A_284 = tpu.memref_slice %arg7[%dma_start3A_283] : memref<10240xf32, #tpu.memory_space<vmem_shared>> -> memref<10240xf32, #tpu.memory_space<vmem_shared>>
      tpu.enqueue_indirect_dma source(%arg5 : memref<128xf32, #tpu.memory_space<vmem>>) target(%dma_start3A_284 : memref<10240xf32, #tpu.memory_space<vmem_shared>>) offsets(%dma_start3A_282 : memref<128xi32, #tpu.memory_space<vmem>>) semaphore(%arg9 : memref<!tpu.dma_semaphore, #tpu.memory_space<semaphore_mem>>) {add = true}
      %mul3A_285 = arith.constant 8 : i32
      %mul3A_286 = arith.muli %add3A_257, %mul3A_285 : i32
      %add3A_287 = arith.constant 3 : i32
      %add3A_288 = arith.addi %mul3A_286, %add3A_287 : i32
      %dma_start3A_289 = arith.constant 0 : i32
      %dma_start3A_290 = tpu.memref_slice %arg4[%add3A_288, %dma_start3A_289] : memref<80x128xi32, #tpu.memory_space<vmem>> -> memref<1x128xi32, #tpu.memory_space<vmem>>
      %dma_start3A_291 = tpu.memref_squeeze %dma_start3A_290 : memref<1x128xi32, #tpu.memory_space<vmem>> -> memref<128xi32, #tpu.memory_space<vmem>>
      %dma_start3A_292 = arith.constant 0 : i32
      %dma_start3A_293 = tpu.memref_slice %arg7[%dma_start3A_292] : memref<10240xf32, #tpu.memory_space<vmem_shared>> -> memref<10240xf32, #tpu.memory_space<vmem_shared>>
      tpu.enqueue_indirect_dma source(%arg5 : memref<128xf32, #tpu.memory_space<vmem>>) target(%dma_start3A_293 : memref<10240xf32, #tpu.memory_space<vmem_shared>>) offsets(%dma_start3A_291 : memref<128xi32, #tpu.memory_space<vmem>>) semaphore(%arg9 : memref<!tpu.dma_semaphore, #tpu.memory_space<semaphore_mem>>) {add = true}
      %mul3A_294 = arith.constant 8 : i32
      %mul3A_295 = arith.muli %add3A_257, %mul3A_294 : i32
      %add3A_296 = arith.constant 4 : i32
      %add3A_297 = arith.addi %mul3A_295, %add3A_296 : i32
      %dma_start3A_298 = arith.constant 0 : i32
      %dma_start3A_299 = tpu.memref_slice %arg4[%add3A_297, %dma_start3A_298] : memref<80x128xi32, #tpu.memory_space<vmem>> -> memref<1x128xi32, #tpu.memory_space<vmem>>
      %dma_start3A_300 = tpu.memref_squeeze %dma_start3A_299 : memref<1x128xi32, #tpu.memory_space<vmem>> -> memref<128xi32, #tpu.memory_space<vmem>>
      %dma_start3A_301 = arith.constant 0 : i32
      %dma_start3A_302 = tpu.memref_slice %arg7[%dma_start3A_301] : memref<10240xf32, #tpu.memory_space<vmem_shared>> -> memref<10240xf32, #tpu.memory_space<vmem_shared>>
      tpu.enqueue_indirect_dma source(%arg5 : memref<128xf32, #tpu.memory_space<vmem>>) target(%dma_start3A_302 : memref<10240xf32, #tpu.memory_space<vmem_shared>>) offsets(%dma_start3A_300 : memref<128xi32, #tpu.memory_space<vmem>>) semaphore(%arg9 : memref<!tpu.dma_semaphore, #tpu.memory_space<semaphore_mem>>) {add = true}
      %mul3A_303 = arith.constant 8 : i32
      %mul3A_304 = arith.muli %add3A_257, %mul3A_303 : i32
      %add3A_305 = arith.constant 5 : i32
      %add3A_306 = arith.addi %mul3A_304, %add3A_305 : i32
      %dma_start3A_307 = arith.constant 0 : i32
      %dma_start3A_308 = tpu.memref_slice %arg4[%add3A_306, %dma_start3A_307] : memref<80x128xi32, #tpu.memory_space<vmem>> -> memref<1x128xi32, #tpu.memory_space<vmem>>
      %dma_start3A_309 = tpu.memref_squeeze %dma_start3A_308 : memref<1x128xi32, #tpu.memory_space<vmem>> -> memref<128xi32, #tpu.memory_space<vmem>>
      %dma_start3A_310 = arith.constant 0 : i32
      %dma_start3A_311 = tpu.memref_slice %arg7[%dma_start3A_310] : memref<10240xf32, #tpu.memory_space<vmem_shared>> -> memref<10240xf32, #tpu.memory_space<vmem_shared>>
      tpu.enqueue_indirect_dma source(%arg5 : memref<128xf32, #tpu.memory_space<vmem>>) target(%dma_start3A_311 : memref<10240xf32, #tpu.memory_space<vmem_shared>>) offsets(%dma_start3A_309 : memref<128xi32, #tpu.memory_space<vmem>>) semaphore(%arg9 : memref<!tpu.dma_semaphore, #tpu.memory_space<semaphore_mem>>) {add = true}
      %mul3A_312 = arith.constant 8 : i32
      %mul3A_313 = arith.muli %add3A_257, %mul3A_312 : i32
      %add3A_314 = arith.constant 6 : i32
      %add3A_315 = arith.addi %mul3A_313, %add3A_314 : i32
      %dma_start3A_316 = arith.constant 0 : i32
      %dma_start3A_317 = tpu.memref_slice %arg4[%add3A_315, %dma_start3A_316] : memref<80x128xi32, #tpu.memory_space<vmem>> -> memref<1x128xi32, #tpu.memory_space<vmem>>
      %dma_start3A_318 = tpu.memref_squeeze %dma_start3A_317 : memref<1x128xi32, #tpu.memory_space<vmem>> -> memref<128xi32, #tpu.memory_space<vmem>>
      %dma_start3A_319 = arith.constant 0 : i32
      %dma_start3A_320 = tpu.memref_slice %arg7[%dma_start3A_319] : memref<10240xf32, #tpu.memory_space<vmem_shared>> -> memref<10240xf32, #tpu.memory_space<vmem_shared>>
      tpu.enqueue_indirect_dma source(%arg5 : memref<128xf32, #tpu.memory_space<vmem>>) target(%dma_start3A_320 : memref<10240xf32, #tpu.memory_space<vmem_shared>>) offsets(%dma_start3A_318 : memref<128xi32, #tpu.memory_space<vmem>>) semaphore(%arg9 : memref<!tpu.dma_semaphore, #tpu.memory_space<semaphore_mem>>) {add = true}
      %mul3A_321 = arith.constant 8 : i32
      %mul3A_322 = arith.muli %add3A_257, %mul3A_321 : i32
      %add3A_323 = arith.constant 7 : i32
      %add3A_324 = arith.addi %mul3A_322, %add3A_323 : i32
      %dma_start3A_325 = arith.constant 0 : i32
      %dma_start3A_326 = tpu.memref_slice %arg4[%add3A_324, %dma_start3A_325] : memref<80x128xi32, #tpu.memory_space<vmem>> -> memref<1x128xi32, #tpu.memory_space<vmem>>
      %dma_start3A_327 = tpu.memref_squeeze %dma_start3A_326 : memref<1x128xi32, #tpu.memory_space<vmem>> -> memref<128xi32, #tpu.memory_space<vmem>>
      %dma_start3A_328 = arith.constant 0 : i32
      %dma_start3A_329 = tpu.memref_slice %arg7[%dma_start3A_328] : memref<10240xf32, #tpu.memory_space<vmem_shared>> -> memref<10240xf32, #tpu.memory_space<vmem_shared>>
      tpu.enqueue_indirect_dma source(%arg5 : memref<128xf32, #tpu.memory_space<vmem>>) target(%dma_start3A_329 : memref<10240xf32, #tpu.memory_space<vmem_shared>>) offsets(%dma_start3A_327 : memref<128xi32, #tpu.memory_space<vmem>>) semaphore(%arg9 : memref<!tpu.dma_semaphore, #tpu.memory_space<semaphore_mem>>) {add = true}
      %mul3A_330 = arith.constant 2 : i32
      %mul3A_331 = arith.muli %mul3A_330, %scan3A_253 : i32
      %mul3A_332 = arith.constant 8 : i32
      %mul3A_333 = arith.muli %mul3A_331, %mul3A_332 : i32
      %add3A_334 = arith.constant 0 : i32
      %add3A_335 = arith.addi %mul3A_333, %add3A_334 : i32
      %dma_wait3A_336 = arith.constant 0 : i32
      %dma_wait3A_337 = tpu.memref_slice %arg4[%add3A_335, %dma_wait3A_336] : memref<80x128xi32, #tpu.memory_space<vmem>> -> memref<1x128xi32, #tpu.memory_space<vmem>>
      %dma_wait3A_338 = tpu.memref_squeeze %dma_wait3A_337 : memref<1x128xi32, #tpu.memory_space<vmem>> -> memref<128xi32, #tpu.memory_space<vmem>>
      %dma_wait3A_339 = arith.constant 0 : i32
      %dma_wait3A_340 = tpu.memref_slice %arg7[%dma_wait3A_339] : memref<10240xf32, #tpu.memory_space<vmem_shared>> -> memref<10240xf32, #tpu.memory_space<vmem_shared>>
      tpu.wait_indirect_dma semaphore(%arg8 : memref<!tpu.dma_semaphore, #tpu.memory_space<semaphore_mem>>) src(%arg5 : memref<128xf32, #tpu.memory_space<vmem>>) dst(%dma_wait3A_340 : memref<10240xf32, #tpu.memory_space<vmem_shared>>)
      %mul3A_341 = arith.constant 8 : i32
      %mul3A_342 = arith.muli %mul3A_331, %mul3A_341 : i32
      %add3A_343 = arith.constant 1 : i32
      %add3A_344 = arith.addi %mul3A_342, %add3A_343 : i32
      %dma_wait3A_345 = arith.constant 0 : i32
      %dma_wait3A_346 = tpu.memref_slice %arg4[%add3A_344, %dma_wait3A_345] : memref<80x128xi32, #tpu.memory_space<vmem>> -> memref<1x128xi32, #tpu.memory_space<vmem>>
      %dma_wait3A_347 = tpu.memref_squeeze %dma_wait3A_346 : memref<1x128xi32, #tpu.memory_space<vmem>> -> memref<128xi32, #tpu.memory_space<vmem>>
      %dma_wait3A_348 = arith.constant 0 : i32
      %dma_wait3A_349 = tpu.memref_slice %arg7[%dma_wait3A_348] : memref<10240xf32, #tpu.memory_space<vmem_shared>> -> memref<10240xf32, #tpu.memory_space<vmem_shared>>
      tpu.wait_indirect_dma semaphore(%arg8 : memref<!tpu.dma_semaphore, #tpu.memory_space<semaphore_mem>>) src(%arg5 : memref<128xf32, #tpu.memory_space<vmem>>) dst(%dma_wait3A_349 : memref<10240xf32, #tpu.memory_space<vmem_shared>>)
      %mul3A_350 = arith.constant 8 : i32
      %mul3A_351 = arith.muli %mul3A_331, %mul3A_350 : i32
      %add3A_352 = arith.constant 2 : i32
      %add3A_353 = arith.addi %mul3A_351, %add3A_352 : i32
      %dma_wait3A_354 = arith.constant 0 : i32
      %dma_wait3A_355 = tpu.memref_slice %arg4[%add3A_353, %dma_wait3A_354] : memref<80x128xi32, #tpu.memory_space<vmem>> -> memref<1x128xi32, #tpu.memory_space<vmem>>
      %dma_wait3A_356 = tpu.memref_squeeze %dma_wait3A_355 : memref<1x128xi32, #tpu.memory_space<vmem>> -> memref<128xi32, #tpu.memory_space<vmem>>
      %dma_wait3A_357 = arith.constant 0 : i32
      %dma_wait3A_358 = tpu.memref_slice %arg7[%dma_wait3A_357] : memref<10240xf32, #tpu.memory_space<vmem_shared>> -> memref<10240xf32, #tpu.memory_space<vmem_shared>>
      tpu.wait_indirect_dma semaphore(%arg8 : memref<!tpu.dma_semaphore, #tpu.memory_space<semaphore_mem>>) src(%arg5 : memref<128xf32, #tpu.memory_space<vmem>>) dst(%dma_wait3A_358 : memref<10240xf32, #tpu.memory_space<vmem_shared>>)
      %mul3A_359 = arith.constant 8 : i32
      %mul3A_360 = arith.muli %mul3A_331, %mul3A_359 : i32
      %add3A_361 = arith.constant 3 : i32
      %add3A_362 = arith.addi %mul3A_360, %add3A_361 : i32
      %dma_wait3A_363 = arith.constant 0 : i32
      %dma_wait3A_364 = tpu.memref_slice %arg4[%add3A_362, %dma_wait3A_363] : memref<80x128xi32, #tpu.memory_space<vmem>> -> memref<1x128xi32, #tpu.memory_space<vmem>>
      %dma_wait3A_365 = tpu.memref_squeeze %dma_wait3A_364 : memref<1x128xi32, #tpu.memory_space<vmem>> -> memref<128xi32, #tpu.memory_space<vmem>>
      %dma_wait3A_366 = arith.constant 0 : i32
      %dma_wait3A_367 = tpu.memref_slice %arg7[%dma_wait3A_366] : memref<10240xf32, #tpu.memory_space<vmem_shared>> -> memref<10240xf32, #tpu.memory_space<vmem_shared>>
      tpu.wait_indirect_dma semaphore(%arg8 : memref<!tpu.dma_semaphore, #tpu.memory_space<semaphore_mem>>) src(%arg5 : memref<128xf32, #tpu.memory_space<vmem>>) dst(%dma_wait3A_367 : memref<10240xf32, #tpu.memory_space<vmem_shared>>)
      %mul3A_368 = arith.constant 8 : i32
      %mul3A_369 = arith.muli %mul3A_331, %mul3A_368 : i32
      %add3A_370 = arith.constant 4 : i32
      %add3A_371 = arith.addi %mul3A_369, %add3A_370 : i32
      %dma_wait3A_372 = arith.constant 0 : i32
      %dma_wait3A_373 = tpu.memref_slice %arg4[%add3A_371, %dma_wait3A_372] : memref<80x128xi32, #tpu.memory_space<vmem>> -> memref<1x128xi32, #tpu.memory_space<vmem>>
      %dma_wait3A_374 = tpu.memref_squeeze %dma_wait3A_373 : memref<1x128xi32, #tpu.memory_space<vmem>> -> memref<128xi32, #tpu.memory_space<vmem>>
      %dma_wait3A_375 = arith.constant 0 : i32
      %dma_wait3A_376 = tpu.memref_slice %arg7[%dma_wait3A_375] : memref<10240xf32, #tpu.memory_space<vmem_shared>> -> memref<10240xf32, #tpu.memory_space<vmem_shared>>
      tpu.wait_indirect_dma semaphore(%arg8 : memref<!tpu.dma_semaphore, #tpu.memory_space<semaphore_mem>>) src(%arg5 : memref<128xf32, #tpu.memory_space<vmem>>) dst(%dma_wait3A_376 : memref<10240xf32, #tpu.memory_space<vmem_shared>>)
      %mul3A_377 = arith.constant 8 : i32
      %mul3A_378 = arith.muli %mul3A_331, %mul3A_377 : i32
      %add3A_379 = arith.constant 5 : i32
      %add3A_380 = arith.addi %mul3A_378, %add3A_379 : i32
      %dma_wait3A_381 = arith.constant 0 : i32
      %dma_wait3A_382 = tpu.memref_slice %arg4[%add3A_380, %dma_wait3A_381] : memref<80x128xi32, #tpu.memory_space<vmem>> -> memref<1x128xi32, #tpu.memory_space<vmem>>
      %dma_wait3A_383 = tpu.memref_squeeze %dma_wait3A_382 : memref<1x128xi32, #tpu.memory_space<vmem>> -> memref<128xi32, #tpu.memory_space<vmem>>
      %dma_wait3A_384 = arith.constant 0 : i32
      %dma_wait3A_385 = tpu.memref_slice %arg7[%dma_wait3A_384] : memref<10240xf32, #tpu.memory_space<vmem_shared>> -> memref<10240xf32, #tpu.memory_space<vmem_shared>>
      tpu.wait_indirect_dma semaphore(%arg8 : memref<!tpu.dma_semaphore, #tpu.memory_space<semaphore_mem>>) src(%arg5 : memref<128xf32, #tpu.memory_space<vmem>>) dst(%dma_wait3A_385 : memref<10240xf32, #tpu.memory_space<vmem_shared>>)
      %mul3A_386 = arith.constant 8 : i32
      %mul3A_387 = arith.muli %mul3A_331, %mul3A_386 : i32
      %add3A_388 = arith.constant 6 : i32
      %add3A_389 = arith.addi %mul3A_387, %add3A_388 : i32
      %dma_wait3A_390 = arith.constant 0 : i32
      %dma_wait3A_391 = tpu.memref_slice %arg4[%add3A_389, %dma_wait3A_390] : memref<80x128xi32, #tpu.memory_space<vmem>> -> memref<1x128xi32, #tpu.memory_space<vmem>>
      %dma_wait3A_392 = tpu.memref_squeeze %dma_wait3A_391 : memref<1x128xi32, #tpu.memory_space<vmem>> -> memref<128xi32, #tpu.memory_space<vmem>>
      %dma_wait3A_393 = arith.constant 0 : i32
      %dma_wait3A_394 = tpu.memref_slice %arg7[%dma_wait3A_393] : memref<10240xf32, #tpu.memory_space<vmem_shared>> -> memref<10240xf32, #tpu.memory_space<vmem_shared>>
      tpu.wait_indirect_dma semaphore(%arg8 : memref<!tpu.dma_semaphore, #tpu.memory_space<semaphore_mem>>) src(%arg5 : memref<128xf32, #tpu.memory_space<vmem>>) dst(%dma_wait3A_394 : memref<10240xf32, #tpu.memory_space<vmem_shared>>)
      %mul3A_395 = arith.constant 8 : i32
      %mul3A_396 = arith.muli %mul3A_331, %mul3A_395 : i32
      %add3A_397 = arith.constant 7 : i32
      %add3A_398 = arith.addi %mul3A_396, %add3A_397 : i32
      %dma_wait3A_399 = arith.constant 0 : i32
      %dma_wait3A_400 = tpu.memref_slice %arg4[%add3A_398, %dma_wait3A_399] : memref<80x128xi32, #tpu.memory_space<vmem>> -> memref<1x128xi32, #tpu.memory_space<vmem>>
      %dma_wait3A_401 = tpu.memref_squeeze %dma_wait3A_400 : memref<1x128xi32, #tpu.memory_space<vmem>> -> memref<128xi32, #tpu.memory_space<vmem>>
      %dma_wait3A_402 = arith.constant 0 : i32
      %dma_wait3A_403 = tpu.memref_slice %arg7[%dma_wait3A_402] : memref<10240xf32, #tpu.memory_space<vmem_shared>> -> memref<10240xf32, #tpu.memory_space<vmem_shared>>
      tpu.wait_indirect_dma semaphore(%arg8 : memref<!tpu.dma_semaphore, #tpu.memory_space<semaphore_mem>>) src(%arg5 : memref<128xf32, #tpu.memory_space<vmem>>) dst(%dma_wait3A_403 : memref<10240xf32, #tpu.memory_space<vmem_shared>>)
      %mul3A_404 = arith.constant 2 : i32
      %mul3A_405 = arith.muli %mul3A_404, %scan3A_253 : i32
      %add3A_406 = arith.constant 2 : i32
      %add3A_407 = arith.addi %mul3A_405, %add3A_406 : i32
      %mul3A_408 = arith.constant 8 : i32
      %mul3A_409 = arith.muli %add3A_407, %mul3A_408 : i32
      %add3A_410 = arith.constant 0 : i32
      %add3A_411 = arith.addi %mul3A_409, %add3A_410 : i32
      %dma_start3A_412 = arith.constant 0 : i32
      %dma_start3A_413 = tpu.memref_slice %arg4[%add3A_411, %dma_start3A_412] : memref<80x128xi32, #tpu.memory_space<vmem>> -> memref<1x128xi32, #tpu.memory_space<vmem>>
      %dma_start3A_414 = tpu.memref_squeeze %dma_start3A_413 : memref<1x128xi32, #tpu.memory_space<vmem>> -> memref<128xi32, #tpu.memory_space<vmem>>
      %dma_start3A_415 = arith.constant 0 : i32
      %dma_start3A_416 = tpu.memref_slice %arg7[%dma_start3A_415] : memref<10240xf32, #tpu.memory_space<vmem_shared>> -> memref<10240xf32, #tpu.memory_space<vmem_shared>>
      tpu.enqueue_indirect_dma source(%arg5 : memref<128xf32, #tpu.memory_space<vmem>>) target(%dma_start3A_416 : memref<10240xf32, #tpu.memory_space<vmem_shared>>) offsets(%dma_start3A_414 : memref<128xi32, #tpu.memory_space<vmem>>) semaphore(%arg8 : memref<!tpu.dma_semaphore, #tpu.memory_space<semaphore_mem>>) {add = true}
      %mul3A_417 = arith.constant 8 : i32
      %mul3A_418 = arith.muli %add3A_407, %mul3A_417 : i32
      %add3A_419 = arith.constant 1 : i32
      %add3A_420 = arith.addi %mul3A_418, %add3A_419 : i32
      %dma_start3A_421 = arith.constant 0 : i32
      %dma_start3A_422 = tpu.memref_slice %arg4[%add3A_420, %dma_start3A_421] : memref<80x128xi32, #tpu.memory_space<vmem>> -> memref<1x128xi32, #tpu.memory_space<vmem>>
      %dma_start3A_423 = tpu.memref_squeeze %dma_start3A_422 : memref<1x128xi32, #tpu.memory_space<vmem>> -> memref<128xi32, #tpu.memory_space<vmem>>
      %dma_start3A_424 = arith.constant 0 : i32
      %dma_start3A_425 = tpu.memref_slice %arg7[%dma_start3A_424] : memref<10240xf32, #tpu.memory_space<vmem_shared>> -> memref<10240xf32, #tpu.memory_space<vmem_shared>>
      tpu.enqueue_indirect_dma source(%arg5 : memref<128xf32, #tpu.memory_space<vmem>>) target(%dma_start3A_425 : memref<10240xf32, #tpu.memory_space<vmem_shared>>) offsets(%dma_start3A_423 : memref<128xi32, #tpu.memory_space<vmem>>) semaphore(%arg8 : memref<!tpu.dma_semaphore, #tpu.memory_space<semaphore_mem>>) {add = true}
      %mul3A_426 = arith.constant 8 : i32
      %mul3A_427 = arith.muli %add3A_407, %mul3A_426 : i32
      %add3A_428 = arith.constant 2 : i32
      %add3A_429 = arith.addi %mul3A_427, %add3A_428 : i32
      %dma_start3A_430 = arith.constant 0 : i32
      %dma_start3A_431 = tpu.memref_slice %arg4[%add3A_429, %dma_start3A_430] : memref<80x128xi32, #tpu.memory_space<vmem>> -> memref<1x128xi32, #tpu.memory_space<vmem>>
      %dma_start3A_432 = tpu.memref_squeeze %dma_start3A_431 : memref<1x128xi32, #tpu.memory_space<vmem>> -> memref<128xi32, #tpu.memory_space<vmem>>
      %dma_start3A_433 = arith.constant 0 : i32
      %dma_start3A_434 = tpu.memref_slice %arg7[%dma_start3A_433] : memref<10240xf32, #tpu.memory_space<vmem_shared>> -> memref<10240xf32, #tpu.memory_space<vmem_shared>>
      tpu.enqueue_indirect_dma source(%arg5 : memref<128xf32, #tpu.memory_space<vmem>>) target(%dma_start3A_434 : memref<10240xf32, #tpu.memory_space<vmem_shared>>) offsets(%dma_start3A_432 : memref<128xi32, #tpu.memory_space<vmem>>) semaphore(%arg8 : memref<!tpu.dma_semaphore, #tpu.memory_space<semaphore_mem>>) {add = true}
      %mul3A_435 = arith.constant 8 : i32
      %mul3A_436 = arith.muli %add3A_407, %mul3A_435 : i32
      %add3A_437 = arith.constant 3 : i32
      %add3A_438 = arith.addi %mul3A_436, %add3A_437 : i32
      %dma_start3A_439 = arith.constant 0 : i32
      %dma_start3A_440 = tpu.memref_slice %arg4[%add3A_438, %dma_start3A_439] : memref<80x128xi32, #tpu.memory_space<vmem>> -> memref<1x128xi32, #tpu.memory_space<vmem>>
      %dma_start3A_441 = tpu.memref_squeeze %dma_start3A_440 : memref<1x128xi32, #tpu.memory_space<vmem>> -> memref<128xi32, #tpu.memory_space<vmem>>
      %dma_start3A_442 = arith.constant 0 : i32
      %dma_start3A_443 = tpu.memref_slice %arg7[%dma_start3A_442] : memref<10240xf32, #tpu.memory_space<vmem_shared>> -> memref<10240xf32, #tpu.memory_space<vmem_shared>>
      tpu.enqueue_indirect_dma source(%arg5 : memref<128xf32, #tpu.memory_space<vmem>>) target(%dma_start3A_443 : memref<10240xf32, #tpu.memory_space<vmem_shared>>) offsets(%dma_start3A_441 : memref<128xi32, #tpu.memory_space<vmem>>) semaphore(%arg8 : memref<!tpu.dma_semaphore, #tpu.memory_space<semaphore_mem>>) {add = true}
      %mul3A_444 = arith.constant 8 : i32
      %mul3A_445 = arith.muli %add3A_407, %mul3A_444 : i32
      %add3A_446 = arith.constant 4 : i32
      %add3A_447 = arith.addi %mul3A_445, %add3A_446 : i32
      %dma_start3A_448 = arith.constant 0 : i32
      %dma_start3A_449 = tpu.memref_slice %arg4[%add3A_447, %dma_start3A_448] : memref<80x128xi32, #tpu.memory_space<vmem>> -> memref<1x128xi32, #tpu.memory_space<vmem>>
      %dma_start3A_450 = tpu.memref_squeeze %dma_start3A_449 : memref<1x128xi32, #tpu.memory_space<vmem>> -> memref<128xi32, #tpu.memory_space<vmem>>
      %dma_start3A_451 = arith.constant 0 : i32
      %dma_start3A_452 = tpu.memref_slice %arg7[%dma_start3A_451] : memref<10240xf32, #tpu.memory_space<vmem_shared>> -> memref<10240xf32, #tpu.memory_space<vmem_shared>>
      tpu.enqueue_indirect_dma source(%arg5 : memref<128xf32, #tpu.memory_space<vmem>>) target(%dma_start3A_452 : memref<10240xf32, #tpu.memory_space<vmem_shared>>) offsets(%dma_start3A_450 : memref<128xi32, #tpu.memory_space<vmem>>) semaphore(%arg8 : memref<!tpu.dma_semaphore, #tpu.memory_space<semaphore_mem>>) {add = true}
      %mul3A_453 = arith.constant 8 : i32
      %mul3A_454 = arith.muli %add3A_407, %mul3A_453 : i32
      %add3A_455 = arith.constant 5 : i32
      %add3A_456 = arith.addi %mul3A_454, %add3A_455 : i32
      %dma_start3A_457 = arith.constant 0 : i32
      %dma_start3A_458 = tpu.memref_slice %arg4[%add3A_456, %dma_start3A_457] : memref<80x128xi32, #tpu.memory_space<vmem>> -> memref<1x128xi32, #tpu.memory_space<vmem>>
      %dma_start3A_459 = tpu.memref_squeeze %dma_start3A_458 : memref<1x128xi32, #tpu.memory_space<vmem>> -> memref<128xi32, #tpu.memory_space<vmem>>
      %dma_start3A_460 = arith.constant 0 : i32
      %dma_start3A_461 = tpu.memref_slice %arg7[%dma_start3A_460] : memref<10240xf32, #tpu.memory_space<vmem_shared>> -> memref<10240xf32, #tpu.memory_space<vmem_shared>>
      tpu.enqueue_indirect_dma source(%arg5 : memref<128xf32, #tpu.memory_space<vmem>>) target(%dma_start3A_461 : memref<10240xf32, #tpu.memory_space<vmem_shared>>) offsets(%dma_start3A_459 : memref<128xi32, #tpu.memory_space<vmem>>) semaphore(%arg8 : memref<!tpu.dma_semaphore, #tpu.memory_space<semaphore_mem>>) {add = true}
      %mul3A_462 = arith.constant 8 : i32
      %mul3A_463 = arith.muli %add3A_407, %mul3A_462 : i32
      %add3A_464 = arith.constant 6 : i32
      %add3A_465 = arith.addi %mul3A_463, %add3A_464 : i32
      %dma_start3A_466 = arith.constant 0 : i32
      %dma_start3A_467 = tpu.memref_slice %arg4[%add3A_465, %dma_start3A_466] : memref<80x128xi32, #tpu.memory_space<vmem>> -> memref<1x128xi32, #tpu.memory_space<vmem>>
      %dma_start3A_468 = tpu.memref_squeeze %dma_start3A_467 : memref<1x128xi32, #tpu.memory_space<vmem>> -> memref<128xi32, #tpu.memory_space<vmem>>
      %dma_start3A_469 = arith.constant 0 : i32
      %dma_start3A_470 = tpu.memref_slice %arg7[%dma_start3A_469] : memref<10240xf32, #tpu.memory_space<vmem_shared>> -> memref<10240xf32, #tpu.memory_space<vmem_shared>>
      tpu.enqueue_indirect_dma source(%arg5 : memref<128xf32, #tpu.memory_space<vmem>>) target(%dma_start3A_470 : memref<10240xf32, #tpu.memory_space<vmem_shared>>) offsets(%dma_start3A_468 : memref<128xi32, #tpu.memory_space<vmem>>) semaphore(%arg8 : memref<!tpu.dma_semaphore, #tpu.memory_space<semaphore_mem>>) {add = true}
      %mul3A_471 = arith.constant 8 : i32
      %mul3A_472 = arith.muli %add3A_407, %mul3A_471 : i32
      %add3A_473 = arith.constant 7 : i32
      %add3A_474 = arith.addi %mul3A_472, %add3A_473 : i32
      %dma_start3A_475 = arith.constant 0 : i32
      %dma_start3A_476 = tpu.memref_slice %arg4[%add3A_474, %dma_start3A_475] : memref<80x128xi32, #tpu.memory_space<vmem>> -> memref<1x128xi32, #tpu.memory_space<vmem>>
      %dma_start3A_477 = tpu.memref_squeeze %dma_start3A_476 : memref<1x128xi32, #tpu.memory_space<vmem>> -> memref<128xi32, #tpu.memory_space<vmem>>
      %dma_start3A_478 = arith.constant 0 : i32
      %dma_start3A_479 = tpu.memref_slice %arg7[%dma_start3A_478] : memref<10240xf32, #tpu.memory_space<vmem_shared>> -> memref<10240xf32, #tpu.memory_space<vmem_shared>>
      tpu.enqueue_indirect_dma source(%arg5 : memref<128xf32, #tpu.memory_space<vmem>>) target(%dma_start3A_479 : memref<10240xf32, #tpu.memory_space<vmem_shared>>) offsets(%dma_start3A_477 : memref<128xi32, #tpu.memory_space<vmem>>) semaphore(%arg8 : memref<!tpu.dma_semaphore, #tpu.memory_space<semaphore_mem>>) {add = true}
      %mul3A_480 = arith.constant 2 : i32
      %mul3A_481 = arith.muli %mul3A_480, %scan3A_253 : i32
      %add3A_482 = arith.constant 1 : i32
      %add3A_483 = arith.addi %mul3A_481, %add3A_482 : i32
      %mul3A_484 = arith.constant 8 : i32
      %mul3A_485 = arith.muli %add3A_483, %mul3A_484 : i32
      %add3A_486 = arith.constant 0 : i32
      %add3A_487 = arith.addi %mul3A_485, %add3A_486 : i32
      %dma_wait3A_488 = arith.constant 0 : i32
      %dma_wait3A_489 = tpu.memref_slice %arg4[%add3A_487, %dma_wait3A_488] : memref<80x128xi32, #tpu.memory_space<vmem>> -> memref<1x128xi32, #tpu.memory_space<vmem>>
      %dma_wait3A_490 = tpu.memref_squeeze %dma_wait3A_489 : memref<1x128xi32, #tpu.memory_space<vmem>> -> memref<128xi32, #tpu.memory_space<vmem>>
      %dma_wait3A_491 = arith.constant 0 : i32
      %dma_wait3A_492 = tpu.memref_slice %arg7[%dma_wait3A_491] : memref<10240xf32, #tpu.memory_space<vmem_shared>> -> memref<10240xf32, #tpu.memory_space<vmem_shared>>
      tpu.wait_indirect_dma semaphore(%arg9 : memref<!tpu.dma_semaphore, #tpu.memory_space<semaphore_mem>>) src(%arg5 : memref<128xf32, #tpu.memory_space<vmem>>) dst(%dma_wait3A_492 : memref<10240xf32, #tpu.memory_space<vmem_shared>>)
      %mul3A_493 = arith.constant 8 : i32
      %mul3A_494 = arith.muli %add3A_483, %mul3A_493 : i32
      %add3A_495 = arith.constant 1 : i32
      %add3A_496 = arith.addi %mul3A_494, %add3A_495 : i32
      %dma_wait3A_497 = arith.constant 0 : i32
      %dma_wait3A_498 = tpu.memref_slice %arg4[%add3A_496, %dma_wait3A_497] : memref<80x128xi32, #tpu.memory_space<vmem>> -> memref<1x128xi32, #tpu.memory_space<vmem>>
      %dma_wait3A_499 = tpu.memref_squeeze %dma_wait3A_498 : memref<1x128xi32, #tpu.memory_space<vmem>> -> memref<128xi32, #tpu.memory_space<vmem>>
      %dma_wait3A_500 = arith.constant 0 : i32
      %dma_wait3A_501 = tpu.memref_slice %arg7[%dma_wait3A_500] : memref<10240xf32, #tpu.memory_space<vmem_shared>> -> memref<10240xf32, #tpu.memory_space<vmem_shared>>
      tpu.wait_indirect_dma semaphore(%arg9 : memref<!tpu.dma_semaphore, #tpu.memory_space<semaphore_mem>>) src(%arg5 : memref<128xf32, #tpu.memory_space<vmem>>) dst(%dma_wait3A_501 : memref<10240xf32, #tpu.memory_space<vmem_shared>>)
      %mul3A_502 = arith.constant 8 : i32
      %mul3A_503 = arith.muli %add3A_483, %mul3A_502 : i32
      %add3A_504 = arith.constant 2 : i32
      %add3A_505 = arith.addi %mul3A_503, %add3A_504 : i32
      %dma_wait3A_506 = arith.constant 0 : i32
      %dma_wait3A_507 = tpu.memref_slice %arg4[%add3A_505, %dma_wait3A_506] : memref<80x128xi32, #tpu.memory_space<vmem>> -> memref<1x128xi32, #tpu.memory_space<vmem>>
      %dma_wait3A_508 = tpu.memref_squeeze %dma_wait3A_507 : memref<1x128xi32, #tpu.memory_space<vmem>> -> memref<128xi32, #tpu.memory_space<vmem>>
      %dma_wait3A_509 = arith.constant 0 : i32
      %dma_wait3A_510 = tpu.memref_slice %arg7[%dma_wait3A_509] : memref<10240xf32, #tpu.memory_space<vmem_shared>> -> memref<10240xf32, #tpu.memory_space<vmem_shared>>
      tpu.wait_indirect_dma semaphore(%arg9 : memref<!tpu.dma_semaphore, #tpu.memory_space<semaphore_mem>>) src(%arg5 : memref<128xf32, #tpu.memory_space<vmem>>) dst(%dma_wait3A_510 : memref<10240xf32, #tpu.memory_space<vmem_shared>>)
      %mul3A_511 = arith.constant 8 : i32
      %mul3A_512 = arith.muli %add3A_483, %mul3A_511 : i32
      %add3A_513 = arith.constant 3 : i32
      %add3A_514 = arith.addi %mul3A_512, %add3A_513 : i32
      %dma_wait3A_515 = arith.constant 0 : i32
      %dma_wait3A_516 = tpu.memref_slice %arg4[%add3A_514, %dma_wait3A_515] : memref<80x128xi32, #tpu.memory_space<vmem>> -> memref<1x128xi32, #tpu.memory_space<vmem>>
      %dma_wait3A_517 = tpu.memref_squeeze %dma_wait3A_516 : memref<1x128xi32, #tpu.memory_space<vmem>> -> memref<128xi32, #tpu.memory_space<vmem>>
      %dma_wait3A_518 = arith.constant 0 : i32
      %dma_wait3A_519 = tpu.memref_slice %arg7[%dma_wait3A_518] : memref<10240xf32, #tpu.memory_space<vmem_shared>> -> memref<10240xf32, #tpu.memory_space<vmem_shared>>
      tpu.wait_indirect_dma semaphore(%arg9 : memref<!tpu.dma_semaphore, #tpu.memory_space<semaphore_mem>>) src(%arg5 : memref<128xf32, #tpu.memory_space<vmem>>) dst(%dma_wait3A_519 : memref<10240xf32, #tpu.memory_space<vmem_shared>>)
      %mul3A_520 = arith.constant 8 : i32
      %mul3A_521 = arith.muli %add3A_483, %mul3A_520 : i32
      %add3A_522 = arith.constant 4 : i32
      %add3A_523 = arith.addi %mul3A_521, %add3A_522 : i32
      %dma_wait3A_524 = arith.constant 0 : i32
      %dma_wait3A_525 = tpu.memref_slice %arg4[%add3A_523, %dma_wait3A_524] : memref<80x128xi32, #tpu.memory_space<vmem>> -> memref<1x128xi32, #tpu.memory_space<vmem>>
      %dma_wait3A_526 = tpu.memref_squeeze %dma_wait3A_525 : memref<1x128xi32, #tpu.memory_space<vmem>> -> memref<128xi32, #tpu.memory_space<vmem>>
      %dma_wait3A_527 = arith.constant 0 : i32
      %dma_wait3A_528 = tpu.memref_slice %arg7[%dma_wait3A_527] : memref<10240xf32, #tpu.memory_space<vmem_shared>> -> memref<10240xf32, #tpu.memory_space<vmem_shared>>
      tpu.wait_indirect_dma semaphore(%arg9 : memref<!tpu.dma_semaphore, #tpu.memory_space<semaphore_mem>>) src(%arg5 : memref<128xf32, #tpu.memory_space<vmem>>) dst(%dma_wait3A_528 : memref<10240xf32, #tpu.memory_space<vmem_shared>>)
      %mul3A_529 = arith.constant 8 : i32
      %mul3A_530 = arith.muli %add3A_483, %mul3A_529 : i32
      %add3A_531 = arith.constant 5 : i32
      %add3A_532 = arith.addi %mul3A_530, %add3A_531 : i32
      %dma_wait3A_533 = arith.constant 0 : i32
      %dma_wait3A_534 = tpu.memref_slice %arg4[%add3A_532, %dma_wait3A_533] : memref<80x128xi32, #tpu.memory_space<vmem>> -> memref<1x128xi32, #tpu.memory_space<vmem>>
      %dma_wait3A_535 = tpu.memref_squeeze %dma_wait3A_534 : memref<1x128xi32, #tpu.memory_space<vmem>> -> memref<128xi32, #tpu.memory_space<vmem>>
      %dma_wait3A_536 = arith.constant 0 : i32
      %dma_wait3A_537 = tpu.memref_slice %arg7[%dma_wait3A_536] : memref<10240xf32, #tpu.memory_space<vmem_shared>> -> memref<10240xf32, #tpu.memory_space<vmem_shared>>
      tpu.wait_indirect_dma semaphore(%arg9 : memref<!tpu.dma_semaphore, #tpu.memory_space<semaphore_mem>>) src(%arg5 : memref<128xf32, #tpu.memory_space<vmem>>) dst(%dma_wait3A_537 : memref<10240xf32, #tpu.memory_space<vmem_shared>>)
      %mul3A_538 = arith.constant 8 : i32
      %mul3A_539 = arith.muli %add3A_483, %mul3A_538 : i32
      %add3A_540 = arith.constant 6 : i32
      %add3A_541 = arith.addi %mul3A_539, %add3A_540 : i32
      %dma_wait3A_542 = arith.constant 0 : i32
      %dma_wait3A_543 = tpu.memref_slice %arg4[%add3A_541, %dma_wait3A_542] : memref<80x128xi32, #tpu.memory_space<vmem>> -> memref<1x128xi32, #tpu.memory_space<vmem>>
      %dma_wait3A_544 = tpu.memref_squeeze %dma_wait3A_543 : memref<1x128xi32, #tpu.memory_space<vmem>> -> memref<128xi32, #tpu.memory_space<vmem>>
      %dma_wait3A_545 = arith.constant 0 : i32
      %dma_wait3A_546 = tpu.memref_slice %arg7[%dma_wait3A_545] : memref<10240xf32, #tpu.memory_space<vmem_shared>> -> memref<10240xf32, #tpu.memory_space<vmem_shared>>
      tpu.wait_indirect_dma semaphore(%arg9 : memref<!tpu.dma_semaphore, #tpu.memory_space<semaphore_mem>>) src(%arg5 : memref<128xf32, #tpu.memory_space<vmem>>) dst(%dma_wait3A_546 : memref<10240xf32, #tpu.memory_space<vmem_shared>>)
      %mul3A_547 = arith.constant 8 : i32
      %mul3A_548 = arith.muli %add3A_483, %mul3A_547 : i32
      %add3A_549 = arith.constant 7 : i32
      %add3A_550 = arith.addi %mul3A_548, %add3A_549 : i32
      %dma_wait3A_551 = arith.constant 0 : i32
      %dma_wait3A_552 = tpu.memref_slice %arg4[%add3A_550, %dma_wait3A_551] : memref<80x128xi32, #tpu.memory_space<vmem>> -> memref<1x128xi32, #tpu.memory_space<vmem>>
      %dma_wait3A_553 = tpu.memref_squeeze %dma_wait3A_552 : memref<1x128xi32, #tpu.memory_space<vmem>> -> memref<128xi32, #tpu.memory_space<vmem>>
      %dma_wait3A_554 = arith.constant 0 : i32
      %dma_wait3A_555 = tpu.memref_slice %arg7[%dma_wait3A_554] : memref<10240xf32, #tpu.memory_space<vmem_shared>> -> memref<10240xf32, #tpu.memory_space<vmem_shared>>
      tpu.wait_indirect_dma semaphore(%arg9 : memref<!tpu.dma_semaphore, #tpu.memory_space<semaphore_mem>>) src(%arg5 : memref<128xf32, #tpu.memory_space<vmem>>) dst(%dma_wait3A_555 : memref<10240xf32, #tpu.memory_space<vmem_shared>>)
    }
    %scan3A_104 = arith.constant 4 : i32
    %dma_start3A_105 = arith.constant 72 : i32
    %dma_start3A_106 = arith.constant 0 : i32
    %dma_start3A_107 = tpu.memref_slice %arg4[%dma_start3A_105, %dma_start3A_106] : memref<80x128xi32, #tpu.memory_space<vmem>> -> memref<1x128xi32, #tpu.memory_space<vmem>>
    %dma_start3A_108 = tpu.memref_squeeze %dma_start3A_107 : memref<1x128xi32, #tpu.memory_space<vmem>> -> memref<128xi32, #tpu.memory_space<vmem>>
    %dma_start3A_109 = arith.constant 0 : i32
    %dma_start3A_110 = tpu.memref_slice %arg7[%dma_start3A_109] : memref<10240xf32, #tpu.memory_space<vmem_shared>> -> memref<10240xf32, #tpu.memory_space<vmem_shared>>
    tpu.enqueue_indirect_dma source(%arg5 : memref<128xf32, #tpu.memory_space<vmem>>) target(%dma_start3A_110 : memref<10240xf32, #tpu.memory_space<vmem_shared>>) offsets(%dma_start3A_108 : memref<128xi32, #tpu.memory_space<vmem>>) semaphore(%arg9 : memref<!tpu.dma_semaphore, #tpu.memory_space<semaphore_mem>>) {add = true}
    %dma_start3A_111 = arith.constant 73 : i32
    %dma_start3A_112 = arith.constant 0 : i32
    %dma_start3A_113 = tpu.memref_slice %arg4[%dma_start3A_111, %dma_start3A_112] : memref<80x128xi32, #tpu.memory_space<vmem>> -> memref<1x128xi32, #tpu.memory_space<vmem>>
    %dma_start3A_114 = tpu.memref_squeeze %dma_start3A_113 : memref<1x128xi32, #tpu.memory_space<vmem>> -> memref<128xi32, #tpu.memory_space<vmem>>
    %dma_start3A_115 = arith.constant 0 : i32
    %dma_start3A_116 = tpu.memref_slice %arg7[%dma_start3A_115] : memref<10240xf32, #tpu.memory_space<vmem_shared>> -> memref<10240xf32, #tpu.memory_space<vmem_shared>>
    tpu.enqueue_indirect_dma source(%arg5 : memref<128xf32, #tpu.memory_space<vmem>>) target(%dma_start3A_116 : memref<10240xf32, #tpu.memory_space<vmem_shared>>) offsets(%dma_start3A_114 : memref<128xi32, #tpu.memory_space<vmem>>) semaphore(%arg9 : memref<!tpu.dma_semaphore, #tpu.memory_space<semaphore_mem>>) {add = true}
    %dma_start3A_117 = arith.constant 74 : i32
    %dma_start3A_118 = arith.constant 0 : i32
    %dma_start3A_119 = tpu.memref_slice %arg4[%dma_start3A_117, %dma_start3A_118] : memref<80x128xi32, #tpu.memory_space<vmem>> -> memref<1x128xi32, #tpu.memory_space<vmem>>
    %dma_start3A_120 = tpu.memref_squeeze %dma_start3A_119 : memref<1x128xi32, #tpu.memory_space<vmem>> -> memref<128xi32, #tpu.memory_space<vmem>>
    %dma_start3A_121 = arith.constant 0 : i32
    %dma_start3A_122 = tpu.memref_slice %arg7[%dma_start3A_121] : memref<10240xf32, #tpu.memory_space<vmem_shared>> -> memref<10240xf32, #tpu.memory_space<vmem_shared>>
    tpu.enqueue_indirect_dma source(%arg5 : memref<128xf32, #tpu.memory_space<vmem>>) target(%dma_start3A_122 : memref<10240xf32, #tpu.memory_space<vmem_shared>>) offsets(%dma_start3A_120 : memref<128xi32, #tpu.memory_space<vmem>>) semaphore(%arg9 : memref<!tpu.dma_semaphore, #tpu.memory_space<semaphore_mem>>) {add = true}
    %dma_start3A_123 = arith.constant 75 : i32
    %dma_start3A_124 = arith.constant 0 : i32
    %dma_start3A_125 = tpu.memref_slice %arg4[%dma_start3A_123, %dma_start3A_124] : memref<80x128xi32, #tpu.memory_space<vmem>> -> memref<1x128xi32, #tpu.memory_space<vmem>>
    %dma_start3A_126 = tpu.memref_squeeze %dma_start3A_125 : memref<1x128xi32, #tpu.memory_space<vmem>> -> memref<128xi32, #tpu.memory_space<vmem>>
    %dma_start3A_127 = arith.constant 0 : i32
    %dma_start3A_128 = tpu.memref_slice %arg7[%dma_start3A_127] : memref<10240xf32, #tpu.memory_space<vmem_shared>> -> memref<10240xf32, #tpu.memory_space<vmem_shared>>
    tpu.enqueue_indirect_dma source(%arg5 : memref<128xf32, #tpu.memory_space<vmem>>) target(%dma_start3A_128 : memref<10240xf32, #tpu.memory_space<vmem_shared>>) offsets(%dma_start3A_126 : memref<128xi32, #tpu.memory_space<vmem>>) semaphore(%arg9 : memref<!tpu.dma_semaphore, #tpu.memory_space<semaphore_mem>>) {add = true}
    %dma_start3A_129 = arith.constant 76 : i32
    %dma_start3A_130 = arith.constant 0 : i32
    %dma_start3A_131 = tpu.memref_slice %arg4[%dma_start3A_129, %dma_start3A_130] : memref<80x128xi32, #tpu.memory_space<vmem>> -> memref<1x128xi32, #tpu.memory_space<vmem>>
    %dma_start3A_132 = tpu.memref_squeeze %dma_start3A_131 : memref<1x128xi32, #tpu.memory_space<vmem>> -> memref<128xi32, #tpu.memory_space<vmem>>
    %dma_start3A_133 = arith.constant 0 : i32
    %dma_start3A_134 = tpu.memref_slice %arg7[%dma_start3A_133] : memref<10240xf32, #tpu.memory_space<vmem_shared>> -> memref<10240xf32, #tpu.memory_space<vmem_shared>>
    tpu.enqueue_indirect_dma source(%arg5 : memref<128xf32, #tpu.memory_space<vmem>>) target(%dma_start3A_134 : memref<10240xf32, #tpu.memory_space<vmem_shared>>) offsets(%dma_start3A_132 : memref<128xi32, #tpu.memory_space<vmem>>) semaphore(%arg9 : memref<!tpu.dma_semaphore, #tpu.memory_space<semaphore_mem>>) {add = true}
    %dma_start3A_135 = arith.constant 77 : i32
    %dma_start3A_136 = arith.constant 0 : i32
    %dma_start3A_137 = tpu.memref_slice %arg4[%dma_start3A_135, %dma_start3A_136] : memref<80x128xi32, #tpu.memory_space<vmem>> -> memref<1x128xi32, #tpu.memory_space<vmem>>
    %dma_start3A_138 = tpu.memref_squeeze %dma_start3A_137 : memref<1x128xi32, #tpu.memory_space<vmem>> -> memref<128xi32, #tpu.memory_space<vmem>>
    %dma_start3A_139 = arith.constant 0 : i32
    %dma_start3A_140 = tpu.memref_slice %arg7[%dma_start3A_139] : memref<10240xf32, #tpu.memory_space<vmem_shared>> -> memref<10240xf32, #tpu.memory_space<vmem_shared>>
    tpu.enqueue_indirect_dma source(%arg5 : memref<128xf32, #tpu.memory_space<vmem>>) target(%dma_start3A_140 : memref<10240xf32, #tpu.memory_space<vmem_shared>>) offsets(%dma_start3A_138 : memref<128xi32, #tpu.memory_space<vmem>>) semaphore(%arg9 : memref<!tpu.dma_semaphore, #tpu.memory_space<semaphore_mem>>) {add = true}
    %dma_start3A_141 = arith.constant 78 : i32
    %dma_start3A_142 = arith.constant 0 : i32
    %dma_start3A_143 = tpu.memref_slice %arg4[%dma_start3A_141, %dma_start3A_142] : memref<80x128xi32, #tpu.memory_space<vmem>> -> memref<1x128xi32, #tpu.memory_space<vmem>>
    %dma_start3A_144 = tpu.memref_squeeze %dma_start3A_143 : memref<1x128xi32, #tpu.memory_space<vmem>> -> memref<128xi32, #tpu.memory_space<vmem>>
    %dma_start3A_145 = arith.constant 0 : i32
    %dma_start3A_146 = tpu.memref_slice %arg7[%dma_start3A_145] : memref<10240xf32, #tpu.memory_space<vmem_shared>> -> memref<10240xf32, #tpu.memory_space<vmem_shared>>
    tpu.enqueue_indirect_dma source(%arg5 : memref<128xf32, #tpu.memory_space<vmem>>) target(%dma_start3A_146 : memref<10240xf32, #tpu.memory_space<vmem_shared>>) offsets(%dma_start3A_144 : memref<128xi32, #tpu.memory_space<vmem>>) semaphore(%arg9 : memref<!tpu.dma_semaphore, #tpu.memory_space<semaphore_mem>>) {add = true}
    %dma_start3A_147 = arith.constant 79 : i32
    %dma_start3A_148 = arith.constant 0 : i32
    %dma_start3A_149 = tpu.memref_slice %arg4[%dma_start3A_147, %dma_start3A_148] : memref<80x128xi32, #tpu.memory_space<vmem>> -> memref<1x128xi32, #tpu.memory_space<vmem>>
    %dma_start3A_150 = tpu.memref_squeeze %dma_start3A_149 : memref<1x128xi32, #tpu.memory_space<vmem>> -> memref<128xi32, #tpu.memory_space<vmem>>
    %dma_start3A_151 = arith.constant 0 : i32
    %dma_start3A_152 = tpu.memref_slice %arg7[%dma_start3A_151] : memref<10240xf32, #tpu.memory_space<vmem_shared>> -> memref<10240xf32, #tpu.memory_space<vmem_shared>>
    tpu.enqueue_indirect_dma source(%arg5 : memref<128xf32, #tpu.memory_space<vmem>>) target(%dma_start3A_152 : memref<10240xf32, #tpu.memory_space<vmem_shared>>) offsets(%dma_start3A_150 : memref<128xi32, #tpu.memory_space<vmem>>) semaphore(%arg9 : memref<!tpu.dma_semaphore, #tpu.memory_space<semaphore_mem>>) {add = true}
    %dma_wait3A = arith.constant 64 : i32
    %dma_wait3A_153 = arith.constant 0 : i32
    %dma_wait3A_154 = tpu.memref_slice %arg4[%dma_wait3A, %dma_wait3A_153] : memref<80x128xi32, #tpu.memory_space<vmem>> -> memref<1x128xi32, #tpu.memory_space<vmem>>
    %dma_wait3A_155 = tpu.memref_squeeze %dma_wait3A_154 : memref<1x128xi32, #tpu.memory_space<vmem>> -> memref<128xi32, #tpu.memory_space<vmem>>
    %dma_wait3A_156 = arith.constant 0 : i32
    %dma_wait3A_157 = tpu.memref_slice %arg7[%dma_wait3A_156] : memref<10240xf32, #tpu.memory_space<vmem_shared>> -> memref<10240xf32, #tpu.memory_space<vmem_shared>>
    tpu.wait_indirect_dma semaphore(%arg8 : memref<!tpu.dma_semaphore, #tpu.memory_space<semaphore_mem>>) src(%arg5 : memref<128xf32, #tpu.memory_space<vmem>>) dst(%dma_wait3A_157 : memref<10240xf32, #tpu.memory_space<vmem_shared>>)
    %dma_wait3A_158 = arith.constant 65 : i32
    %dma_wait3A_159 = arith.constant 0 : i32
    %dma_wait3A_160 = tpu.memref_slice %arg4[%dma_wait3A_158, %dma_wait3A_159] : memref<80x128xi32, #tpu.memory_space<vmem>> -> memref<1x128xi32, #tpu.memory_space<vmem>>
    %dma_wait3A_161 = tpu.memref_squeeze %dma_wait3A_160 : memref<1x128xi32, #tpu.memory_space<vmem>> -> memref<128xi32, #tpu.memory_space<vmem>>
    %dma_wait3A_162 = arith.constant 0 : i32
    %dma_wait3A_163 = tpu.memref_slice %arg7[%dma_wait3A_162] : memref<10240xf32, #tpu.memory_space<vmem_shared>> -> memref<10240xf32, #tpu.memory_space<vmem_shared>>
    tpu.wait_indirect_dma semaphore(%arg8 : memref<!tpu.dma_semaphore, #tpu.memory_space<semaphore_mem>>) src(%arg5 : memref<128xf32, #tpu.memory_space<vmem>>) dst(%dma_wait3A_163 : memref<10240xf32, #tpu.memory_space<vmem_shared>>)
    %dma_wait3A_164 = arith.constant 66 : i32
    %dma_wait3A_165 = arith.constant 0 : i32
    %dma_wait3A_166 = tpu.memref_slice %arg4[%dma_wait3A_164, %dma_wait3A_165] : memref<80x128xi32, #tpu.memory_space<vmem>> -> memref<1x128xi32, #tpu.memory_space<vmem>>
    %dma_wait3A_167 = tpu.memref_squeeze %dma_wait3A_166 : memref<1x128xi32, #tpu.memory_space<vmem>> -> memref<128xi32, #tpu.memory_space<vmem>>
    %dma_wait3A_168 = arith.constant 0 : i32
    %dma_wait3A_169 = tpu.memref_slice %arg7[%dma_wait3A_168] : memref<10240xf32, #tpu.memory_space<vmem_shared>> -> memref<10240xf32, #tpu.memory_space<vmem_shared>>
    tpu.wait_indirect_dma semaphore(%arg8 : memref<!tpu.dma_semaphore, #tpu.memory_space<semaphore_mem>>) src(%arg5 : memref<128xf32, #tpu.memory_space<vmem>>) dst(%dma_wait3A_169 : memref<10240xf32, #tpu.memory_space<vmem_shared>>)
    %dma_wait3A_170 = arith.constant 67 : i32
    %dma_wait3A_171 = arith.constant 0 : i32
    %dma_wait3A_172 = tpu.memref_slice %arg4[%dma_wait3A_170, %dma_wait3A_171] : memref<80x128xi32, #tpu.memory_space<vmem>> -> memref<1x128xi32, #tpu.memory_space<vmem>>
    %dma_wait3A_173 = tpu.memref_squeeze %dma_wait3A_172 : memref<1x128xi32, #tpu.memory_space<vmem>> -> memref<128xi32, #tpu.memory_space<vmem>>
    %dma_wait3A_174 = arith.constant 0 : i32
    %dma_wait3A_175 = tpu.memref_slice %arg7[%dma_wait3A_174] : memref<10240xf32, #tpu.memory_space<vmem_shared>> -> memref<10240xf32, #tpu.memory_space<vmem_shared>>
    tpu.wait_indirect_dma semaphore(%arg8 : memref<!tpu.dma_semaphore, #tpu.memory_space<semaphore_mem>>) src(%arg5 : memref<128xf32, #tpu.memory_space<vmem>>) dst(%dma_wait3A_175 : memref<10240xf32, #tpu.memory_space<vmem_shared>>)
    %dma_wait3A_176 = arith.constant 68 : i32
    %dma_wait3A_177 = arith.constant 0 : i32
    %dma_wait3A_178 = tpu.memref_slice %arg4[%dma_wait3A_176, %dma_wait3A_177] : memref<80x128xi32, #tpu.memory_space<vmem>> -> memref<1x128xi32, #tpu.memory_space<vmem>>
    %dma_wait3A_179 = tpu.memref_squeeze %dma_wait3A_178 : memref<1x128xi32, #tpu.memory_space<vmem>> -> memref<128xi32, #tpu.memory_space<vmem>>
    %dma_wait3A_180 = arith.constant 0 : i32
    %dma_wait3A_181 = tpu.memref_slice %arg7[%dma_wait3A_180] : memref<10240xf32, #tpu.memory_space<vmem_shared>> -> memref<10240xf32, #tpu.memory_space<vmem_shared>>
    tpu.wait_indirect_dma semaphore(%arg8 : memref<!tpu.dma_semaphore, #tpu.memory_space<semaphore_mem>>) src(%arg5 : memref<128xf32, #tpu.memory_space<vmem>>) dst(%dma_wait3A_181 : memref<10240xf32, #tpu.memory_space<vmem_shared>>)
    %dma_wait3A_182 = arith.constant 69 : i32
    %dma_wait3A_183 = arith.constant 0 : i32
    %dma_wait3A_184 = tpu.memref_slice %arg4[%dma_wait3A_182, %dma_wait3A_183] : memref<80x128xi32, #tpu.memory_space<vmem>> -> memref<1x128xi32, #tpu.memory_space<vmem>>
    %dma_wait3A_185 = tpu.memref_squeeze %dma_wait3A_184 : memref<1x128xi32, #tpu.memory_space<vmem>> -> memref<128xi32, #tpu.memory_space<vmem>>
    %dma_wait3A_186 = arith.constant 0 : i32
    %dma_wait3A_187 = tpu.memref_slice %arg7[%dma_wait3A_186] : memref<10240xf32, #tpu.memory_space<vmem_shared>> -> memref<10240xf32, #tpu.memory_space<vmem_shared>>
    tpu.wait_indirect_dma semaphore(%arg8 : memref<!tpu.dma_semaphore, #tpu.memory_space<semaphore_mem>>) src(%arg5 : memref<128xf32, #tpu.memory_space<vmem>>) dst(%dma_wait3A_187 : memref<10240xf32, #tpu.memory_space<vmem_shared>>)
    %dma_wait3A_188 = arith.constant 70 : i32
    %dma_wait3A_189 = arith.constant 0 : i32
    %dma_wait3A_190 = tpu.memref_slice %arg4[%dma_wait3A_188, %dma_wait3A_189] : memref<80x128xi32, #tpu.memory_space<vmem>> -> memref<1x128xi32, #tpu.memory_space<vmem>>
    %dma_wait3A_191 = tpu.memref_squeeze %dma_wait3A_190 : memref<1x128xi32, #tpu.memory_space<vmem>> -> memref<128xi32, #tpu.memory_space<vmem>>
    %dma_wait3A_192 = arith.constant 0 : i32
    %dma_wait3A_193 = tpu.memref_slice %arg7[%dma_wait3A_192] : memref<10240xf32, #tpu.memory_space<vmem_shared>> -> memref<10240xf32, #tpu.memory_space<vmem_shared>>
    tpu.wait_indirect_dma semaphore(%arg8 : memref<!tpu.dma_semaphore, #tpu.memory_space<semaphore_mem>>) src(%arg5 : memref<128xf32, #tpu.memory_space<vmem>>) dst(%dma_wait3A_193 : memref<10240xf32, #tpu.memory_space<vmem_shared>>)
    %dma_wait3A_194 = arith.constant 71 : i32
    %dma_wait3A_195 = arith.constant 0 : i32
    %dma_wait3A_196 = tpu.memref_slice %arg4[%dma_wait3A_194, %dma_wait3A_195] : memref<80x128xi32, #tpu.memory_space<vmem>> -> memref<1x128xi32, #tpu.memory_space<vmem>>
    %dma_wait3A_197 = tpu.memref_squeeze %dma_wait3A_196 : memref<1x128xi32, #tpu.memory_space<vmem>> -> memref<128xi32, #tpu.memory_space<vmem>>
    %dma_wait3A_198 = arith.constant 0 : i32
    %dma_wait3A_199 = tpu.memref_slice %arg7[%dma_wait3A_198] : memref<10240xf32, #tpu.memory_space<vmem_shared>> -> memref<10240xf32, #tpu.memory_space<vmem_shared>>
    tpu.wait_indirect_dma semaphore(%arg8 : memref<!tpu.dma_semaphore, #tpu.memory_space<semaphore_mem>>) src(%arg5 : memref<128xf32, #tpu.memory_space<vmem>>) dst(%dma_wait3A_199 : memref<10240xf32, #tpu.memory_space<vmem_shared>>)
    %dma_wait3A_200 = arith.constant 72 : i32
    %dma_wait3A_201 = arith.constant 0 : i32
    %dma_wait3A_202 = tpu.memref_slice %arg4[%dma_wait3A_200, %dma_wait3A_201] : memref<80x128xi32, #tpu.memory_space<vmem>> -> memref<1x128xi32, #tpu.memory_space<vmem>>
    %dma_wait3A_203 = tpu.memref_squeeze %dma_wait3A_202 : memref<1x128xi32, #tpu.memory_space<vmem>> -> memref<128xi32, #tpu.memory_space<vmem>>
    %dma_wait3A_204 = arith.constant 0 : i32
    %dma_wait3A_205 = tpu.memref_slice %arg7[%dma_wait3A_204] : memref<10240xf32, #tpu.memory_space<vmem_shared>> -> memref<10240xf32, #tpu.memory_space<vmem_shared>>
    tpu.wait_indirect_dma semaphore(%arg9 : memref<!tpu.dma_semaphore, #tpu.memory_space<semaphore_mem>>) src(%arg5 : memref<128xf32, #tpu.memory_space<vmem>>) dst(%dma_wait3A_205 : memref<10240xf32, #tpu.memory_space<vmem_shared>>)
    %dma_wait3A_206 = arith.constant 73 : i32
    %dma_wait3A_207 = arith.constant 0 : i32
    %dma_wait3A_208 = tpu.memref_slice %arg4[%dma_wait3A_206, %dma_wait3A_207] : memref<80x128xi32, #tpu.memory_space<vmem>> -> memref<1x128xi32, #tpu.memory_space<vmem>>
    %dma_wait3A_209 = tpu.memref_squeeze %dma_wait3A_208 : memref<1x128xi32, #tpu.memory_space<vmem>> -> memref<128xi32, #tpu.memory_space<vmem>>
    %dma_wait3A_210 = arith.constant 0 : i32
    %dma_wait3A_211 = tpu.memref_slice %arg7[%dma_wait3A_210] : memref<10240xf32, #tpu.memory_space<vmem_shared>> -> memref<10240xf32, #tpu.memory_space<vmem_shared>>
    tpu.wait_indirect_dma semaphore(%arg9 : memref<!tpu.dma_semaphore, #tpu.memory_space<semaphore_mem>>) src(%arg5 : memref<128xf32, #tpu.memory_space<vmem>>) dst(%dma_wait3A_211 : memref<10240xf32, #tpu.memory_space<vmem_shared>>)
    %dma_wait3A_212 = arith.constant 74 : i32
    %dma_wait3A_213 = arith.constant 0 : i32
    %dma_wait3A_214 = tpu.memref_slice %arg4[%dma_wait3A_212, %dma_wait3A_213] : memref<80x128xi32, #tpu.memory_space<vmem>> -> memref<1x128xi32, #tpu.memory_space<vmem>>
    %dma_wait3A_215 = tpu.memref_squeeze %dma_wait3A_214 : memref<1x128xi32, #tpu.memory_space<vmem>> -> memref<128xi32, #tpu.memory_space<vmem>>
    %dma_wait3A_216 = arith.constant 0 : i32
    %dma_wait3A_217 = tpu.memref_slice %arg7[%dma_wait3A_216] : memref<10240xf32, #tpu.memory_space<vmem_shared>> -> memref<10240xf32, #tpu.memory_space<vmem_shared>>
    tpu.wait_indirect_dma semaphore(%arg9 : memref<!tpu.dma_semaphore, #tpu.memory_space<semaphore_mem>>) src(%arg5 : memref<128xf32, #tpu.memory_space<vmem>>) dst(%dma_wait3A_217 : memref<10240xf32, #tpu.memory_space<vmem_shared>>)
    %dma_wait3A_218 = arith.constant 75 : i32
    %dma_wait3A_219 = arith.constant 0 : i32
    %dma_wait3A_220 = tpu.memref_slice %arg4[%dma_wait3A_218, %dma_wait3A_219] : memref<80x128xi32, #tpu.memory_space<vmem>> -> memref<1x128xi32, #tpu.memory_space<vmem>>
    %dma_wait3A_221 = tpu.memref_squeeze %dma_wait3A_220 : memref<1x128xi32, #tpu.memory_space<vmem>> -> memref<128xi32, #tpu.memory_space<vmem>>
    %dma_wait3A_222 = arith.constant 0 : i32
    %dma_wait3A_223 = tpu.memref_slice %arg7[%dma_wait3A_222] : memref<10240xf32, #tpu.memory_space<vmem_shared>> -> memref<10240xf32, #tpu.memory_space<vmem_shared>>
    tpu.wait_indirect_dma semaphore(%arg9 : memref<!tpu.dma_semaphore, #tpu.memory_space<semaphore_mem>>) src(%arg5 : memref<128xf32, #tpu.memory_space<vmem>>) dst(%dma_wait3A_223 : memref<10240xf32, #tpu.memory_space<vmem_shared>>)
    %dma_wait3A_224 = arith.constant 76 : i32
    %dma_wait3A_225 = arith.constant 0 : i32
    %dma_wait3A_226 = tpu.memref_slice %arg4[%dma_wait3A_224, %dma_wait3A_225] : memref<80x128xi32, #tpu.memory_space<vmem>> -> memref<1x128xi32, #tpu.memory_space<vmem>>
    %dma_wait3A_227 = tpu.memref_squeeze %dma_wait3A_226 : memref<1x128xi32, #tpu.memory_space<vmem>> -> memref<128xi32, #tpu.memory_space<vmem>>
    %dma_wait3A_228 = arith.constant 0 : i32
    %dma_wait3A_229 = tpu.memref_slice %arg7[%dma_wait3A_228] : memref<10240xf32, #tpu.memory_space<vmem_shared>> -> memref<10240xf32, #tpu.memory_space<vmem_shared>>
    tpu.wait_indirect_dma semaphore(%arg9 : memref<!tpu.dma_semaphore, #tpu.memory_space<semaphore_mem>>) src(%arg5 : memref<128xf32, #tpu.memory_space<vmem>>) dst(%dma_wait3A_229 : memref<10240xf32, #tpu.memory_space<vmem_shared>>)
    %dma_wait3A_230 = arith.constant 77 : i32
    %dma_wait3A_231 = arith.constant 0 : i32
    %dma_wait3A_232 = tpu.memref_slice %arg4[%dma_wait3A_230, %dma_wait3A_231] : memref<80x128xi32, #tpu.memory_space<vmem>> -> memref<1x128xi32, #tpu.memory_space<vmem>>
    %dma_wait3A_233 = tpu.memref_squeeze %dma_wait3A_232 : memref<1x128xi32, #tpu.memory_space<vmem>> -> memref<128xi32, #tpu.memory_space<vmem>>
    %dma_wait3A_234 = arith.constant 0 : i32
    %dma_wait3A_235 = tpu.memref_slice %arg7[%dma_wait3A_234] : memref<10240xf32, #tpu.memory_space<vmem_shared>> -> memref<10240xf32, #tpu.memory_space<vmem_shared>>
    tpu.wait_indirect_dma semaphore(%arg9 : memref<!tpu.dma_semaphore, #tpu.memory_space<semaphore_mem>>) src(%arg5 : memref<128xf32, #tpu.memory_space<vmem>>) dst(%dma_wait3A_235 : memref<10240xf32, #tpu.memory_space<vmem_shared>>)
    %dma_wait3A_236 = arith.constant 78 : i32
    %dma_wait3A_237 = arith.constant 0 : i32
    %dma_wait3A_238 = tpu.memref_slice %arg4[%dma_wait3A_236, %dma_wait3A_237] : memref<80x128xi32, #tpu.memory_space<vmem>> -> memref<1x128xi32, #tpu.memory_space<vmem>>
    %dma_wait3A_239 = tpu.memref_squeeze %dma_wait3A_238 : memref<1x128xi32, #tpu.memory_space<vmem>> -> memref<128xi32, #tpu.memory_space<vmem>>
    %dma_wait3A_240 = arith.constant 0 : i32
    %dma_wait3A_241 = tpu.memref_slice %arg7[%dma_wait3A_240] : memref<10240xf32, #tpu.memory_space<vmem_shared>> -> memref<10240xf32, #tpu.memory_space<vmem_shared>>
    tpu.wait_indirect_dma semaphore(%arg9 : memref<!tpu.dma_semaphore, #tpu.memory_space<semaphore_mem>>) src(%arg5 : memref<128xf32, #tpu.memory_space<vmem>>) dst(%dma_wait3A_241 : memref<10240xf32, #tpu.memory_space<vmem_shared>>)
    %dma_wait3A_242 = arith.constant 79 : i32
    %dma_wait3A_243 = arith.constant 0 : i32
    %dma_wait3A_244 = tpu.memref_slice %arg4[%dma_wait3A_242, %dma_wait3A_243] : memref<80x128xi32, #tpu.memory_space<vmem>> -> memref<1x128xi32, #tpu.memory_space<vmem>>
    %dma_wait3A_245 = tpu.memref_squeeze %dma_wait3A_244 : memref<1x128xi32, #tpu.memory_space<vmem>> -> memref<128xi32, #tpu.memory_space<vmem>>
    %dma_wait3A_246 = arith.constant 0 : i32
    %dma_wait3A_247 = tpu.memref_slice %arg7[%dma_wait3A_246] : memref<10240xf32, #tpu.memory_space<vmem_shared>> -> memref<10240xf32, #tpu.memory_space<vmem_shared>>
    tpu.wait_indirect_dma semaphore(%arg9 : memref<!tpu.dma_semaphore, #tpu.memory_space<semaphore_mem>>) src(%arg5 : memref<128xf32, #tpu.memory_space<vmem>>) dst(%dma_wait3A_247 : memref<10240xf32, #tpu.memory_space<vmem_shared>>)
    %barrier3A_248 = arith.constant 0 : index
    tpu.barrier barrier_id(%barrier3A_248)
    %mul3A_249 = arith.constant 640 : i32
    %mul3A_250 = arith.muli %arg1, %mul3A_249 : i32
    %mul3A_251 = arith.constant 640 : i32
    %mul3A_252 = arith.muli %arg1, %mul3A_251 : i32
    "tpu.region"() ({
      %run_scoped3A = tpu.sem_alloc : memref<!tpu.dma_semaphore, #tpu.memory_space<semaphore_mem>>
      %dma_start3A_253 = tpu.memref_slice %arg3[%arg0, %mul3A_252] : memref<2x10240xf32, #tpu.memory_space<hbm>> -> memref<1x640xf32, #tpu.memory_space<hbm>>
      %dma_start3A_254 = tpu.memref_squeeze %dma_start3A_253 : memref<1x640xf32, #tpu.memory_space<hbm>> -> memref<640xf32, #tpu.memory_space<hbm>>
      %dma_start3A_255 = tpu.memref_slice %arg7[%mul3A_250] : memref<10240xf32, #tpu.memory_space<vmem_shared>> -> memref<640xf32, #tpu.memory_space<vmem_shared>>
      tpu.enqueue_dma source(%dma_start3A_255 : memref<640xf32, #tpu.memory_space<vmem_shared>>) target(%dma_start3A_254 : memref<640xf32, #tpu.memory_space<hbm>>) target_semaphore(%run_scoped3A : memref<!tpu.dma_semaphore, #tpu.memory_space<semaphore_mem>>)
      %dma_wait3A_256 = tpu.memref_slice %arg3[%arg0, %mul3A_252] : memref<2x10240xf32, #tpu.memory_space<hbm>> -> memref<1x640xf32, #tpu.memory_space<hbm>>
      %dma_wait3A_257 = tpu.memref_squeeze %dma_wait3A_256 : memref<1x640xf32, #tpu.memory_space<hbm>> -> memref<640xf32, #tpu.memory_space<hbm>>
      %dma_wait3A_258 = tpu.memref_slice %arg7[%mul3A_250] : memref<10240xf32, #tpu.memory_space<vmem_shared>> -> memref<640xf32, #tpu.memory_space<vmem_shared>>
      tpu.wait_dma2 semaphore(%run_scoped3A : memref<!tpu.dma_semaphore, #tpu.memory_space<semaphore_mem>>) src(%dma_wait3A_258 : memref<640xf32, #tpu.memory_space<vmem_shared>>) dst(%dma_wait3A_257 : memref<640xf32, #tpu.memory_space<hbm>>)
      tpu.yield
    }) : () -> ()
    return
  }
}

#map = affine_map<(d0, d1) -> (0, 0)>
#map1 = affine_map<(d0, d1) -> (0, 0, 0)>
module attributes {stable_mosaic.version = 14 : i64} {
  func.func @_agg(%arg0: i32, %arg1: i32, %arg2: memref<10240x128xf32, #tpu.memory_space<hbm>>, %arg3: memref<32x320x32xi32, #tpu.memory_space<hbm>>, %arg4: memref<32x320x32xi32, #tpu.memory_space<hbm>>, %arg5: memref<2x10240x128xf32, #tpu.memory_space<hbm>>, %arg6: memref<320x32xi32, #tpu.memory_space<vmem>>, %arg7: memref<160x32xi32, #tpu.memory_space<vmem>>, %arg8: memref<32x128xf32, #tpu.memory_space<vmem>>, %arg9: memref<32x128xf32, #tpu.memory_space<vmem>>, %arg10: memref<32x128xf32, #tpu.memory_space<vmem>>, %arg11: memref<32x128xf32, #tpu.memory_space<vmem>>, %arg12: memref<32x128xf32, #tpu.memory_space<vmem>>, %arg13: memref<32x128xf32, #tpu.memory_space<vmem>>, %arg14: memref<32x128xf32, #tpu.memory_space<vmem>>, %arg15: memref<32x128xf32, #tpu.memory_space<vmem>>, %arg16: memref<10240x128xf32, #tpu.memory_space<vmem_shared>>, %arg17: memref<!tpu.dma_semaphore, #tpu.memory_space<semaphore_mem>>, %arg18: memref<!tpu.dma_semaphore, #tpu.memory_space<semaphore_mem>>, %arg19: memref<!tpu.dma_semaphore, #tpu.memory_space<semaphore_mem>>, %arg20: memref<!tpu.dma_semaphore, #tpu.memory_space<semaphore_mem>>, %arg21: memref<!tpu.dma_semaphore, #tpu.memory_space<semaphore_mem>>, %arg22: memref<!tpu.dma_semaphore, #tpu.memory_space<semaphore_mem>>, %arg23: memref<!tpu.dma_semaphore, #tpu.memory_space<semaphore_mem>>, %arg24: memref<!tpu.dma_semaphore, #tpu.memory_space<semaphore_mem>>) attributes {dimension_semantics = [#tpu.dimension_semantics<core_parallel>, #tpu.dimension_semantics<subcore_parallel>], iteration_bounds = array<i64: 2, 16>, scalar_prefetch = 0 : i64, scratch_operands = 19 : i64, tpu.core_type = #tpu.core_type<sc_vector_subcore>, window_params = [{transform_indices = #map}, {transform_indices = #map1}, {transform_indices = #map1}, {transform_indices = #map1}]} {
    %mul3A = arith.constant 2 : i32
    %mul3A_0 = arith.muli %arg1, %mul3A : i32
    %add3A = arith.addi %mul3A_0, %arg0 : i32
    %scan3A = arith.constant 0 : i32
    %scan3A_1 = arith.constant 256 : i32
    %scan3A_2 = arith.addi %scan3A, %scan3A_1 : i32
    %scan3A_3 = arith.constant 1 : i32
    scf.for %scan3A_217 = %scan3A to %scan3A_2 step %scan3A_3  : i32 {
      %jit3A = arith.constant 8 : i32
      %div3A = arith.divsi %scan3A_217, %jit3A : i32
      %sign3A = arith.constant 0 : i32
      %sign3A_218 = arith.cmpi sgt, %scan3A_217, %sign3A : i32
      %sign3A_219 = arith.extui %sign3A_218 : i1 to i32
      %sign3A_220 = arith.constant 0 : i32
      %sign3A_221 = arith.cmpi slt, %scan3A_217, %sign3A_220 : i32
      %sign3A_222 = arith.extui %sign3A_221 : i1 to i32
      %sign3A_223 = arith.subi %sign3A_219, %sign3A_222 : i32
      %sign3A_224 = arith.constant 0 : i32
      %sign3A_225 = arith.cmpi sgt, %jit3A, %sign3A_224 : i32
      %sign3A_226 = arith.extui %sign3A_225 : i1 to i32
      %sign3A_227 = arith.constant 0 : i32
      %sign3A_228 = arith.cmpi slt, %jit3A, %sign3A_227 : i32
      %sign3A_229 = arith.extui %sign3A_228 : i1 to i32
      %sign3A_230 = arith.subi %sign3A_226, %sign3A_229 : i32
      %ne3A = arith.cmpi ne, %sign3A_223, %sign3A_230 : i32
      %rem3A = arith.remsi %scan3A_217, %jit3A : i32
      %ne3A_231 = arith.constant 0 : i32
      %ne3A_232 = arith.cmpi ne, %rem3A, %ne3A_231 : i32
      %and3A = arith.andi %ne3A, %ne3A_232 : i1
      %sub3A = arith.constant 1 : i32
      %sub3A_233 = arith.subi %div3A, %sub3A : i32
      %select_n3A = arith.select %and3A, %sub3A_233, %div3A : i32
      %jit3A_234 = arith.constant 8 : i32
      %eq3A = arith.constant 0 : i32
      %eq3A_235 = arith.cmpi eq, %jit3A_234, %eq3A : i32
      %jit3A_236 = arith.constant 1 : i32
      %select_n3A_237 = arith.select %eq3A_235, %jit3A_236, %jit3A_234 : i32
      %rem3A_238 = arith.remsi %scan3A_217, %select_n3A_237 : i32
      %ne3A_239 = arith.constant 0 : i32
      %ne3A_240 = arith.cmpi ne, %rem3A_238, %ne3A_239 : i32
      %lt3A = arith.constant 0 : i32
      %lt3A_241 = arith.cmpi slt, %rem3A_238, %lt3A : i32
      %lt3A_242 = arith.constant 0 : i32
      %lt3A_243 = arith.cmpi slt, %select_n3A_237, %lt3A_242 : i32
      %ne3A_244 = arith.xori %lt3A_241, %lt3A_243 : i1
      %and3A_245 = arith.andi %ne3A_244, %ne3A_240 : i1
      %add3A_246 = arith.addi %rem3A_238, %select_n3A_237 : i32
      %select_n3A_247 = arith.select %and3A_245, %add3A_246, %rem3A_238 : i32
      %broadcast_in_dim3A = arith.constant 0.000000e+00 : f32
      %broadcast_in_dim3A_248 = vector.broadcast %broadcast_in_dim3A : f32 to vector<16xf32>
      %mul3A_249 = arith.constant 16 : i32
      %mul3A_250 = arith.muli %select_n3A_247, %mul3A_249 : i32
      %swap3A = arith.index_cast %select_n3A : i32 to index
      %swap3A_251 = arith.index_cast %mul3A_250 : i32 to index
      %swap3A_252 = tpu.vector_load %arg8[%swap3A, %swap3A_251] {strides = array<i32>} : memref<32x128xf32, #tpu.memory_space<vmem>>, vector<1x16xf32>,
      %swap3A_253 = vector.shape_cast %swap3A_252 : vector<1x16xf32> to vector<16xf32>
      %swap3A_254 = vector.shape_cast %broadcast_in_dim3A_248 : vector<16xf32> to vector<1x16xf32>
      tpu.vector_store %arg8[%swap3A, %swap3A_251], %swap3A_254 {strides = array<i32>} : memref<32x128xf32, #tpu.memory_space<vmem>>, vector<1x16xf32>,
    }
    %scan3A_4 = arith.constant 256 : i32
    %mul3A_5 = arith.constant 640 : i32
    %mul3A_6 = arith.muli %arg1, %mul3A_5 : i32
    %add3A_7 = arith.constant 0 : i32
    %add3A_8 = arith.addi %mul3A_6, %add3A_7 : i32
    "tpu.region"() ({
      %run_scoped3A_217 = tpu.sem_alloc : memref<!tpu.dma_semaphore, #tpu.memory_space<semaphore_mem>>
      %dma_start3A_218 = arith.constant 0 : i32
      %dma_start3A_219 = tpu.memref_slice %arg16[%add3A_8, %dma_start3A_218] : memref<10240x128xf32, #tpu.memory_space<vmem_shared>> -> memref<32x128xf32, #tpu.memory_space<vmem_shared>>
      %dma_start3A_220 = arith.constant 0 : i32
      %dma_start3A_221 = tpu.memref_slice %arg16[%add3A_8, %dma_start3A_220] : memref<10240x128xf32, #tpu.memory_space<vmem_shared>> -> memref<32x128xf32, #tpu.memory_space<vmem_shared>>
      tpu.enqueue_dma source(%arg8 : memref<32x128xf32, #tpu.memory_space<vmem>>) target(%dma_start3A_221 : memref<32x128xf32, #tpu.memory_space<vmem_shared>>) target_semaphore(%run_scoped3A_217 : memref<!tpu.dma_semaphore, #tpu.memory_space<semaphore_mem>>)
      %dma_wait3A_222 = arith.constant 0 : i32
      %dma_wait3A_223 = tpu.memref_slice %arg16[%add3A_8, %dma_wait3A_222] : memref<10240x128xf32, #tpu.memory_space<vmem_shared>> -> memref<32x128xf32, #tpu.memory_space<vmem_shared>>
      %dma_wait3A_224 = arith.constant 0 : i32
      %dma_wait3A_225 = tpu.memref_slice %arg16[%add3A_8, %dma_wait3A_224] : memref<10240x128xf32, #tpu.memory_space<vmem_shared>> -> memref<32x128xf32, #tpu.memory_space<vmem_shared>>
      tpu.wait_dma2 semaphore(%run_scoped3A_217 : memref<!tpu.dma_semaphore, #tpu.memory_space<semaphore_mem>>) src(%arg8 : memref<32x128xf32, #tpu.memory_space<vmem>>) dst(%dma_wait3A_225 : memref<32x128xf32, #tpu.memory_space<vmem_shared>>)
      tpu.yield
    }) : () -> ()
    %mul3A_9 = arith.constant 640 : i32
    %mul3A_10 = arith.muli %arg1, %mul3A_9 : i32
    %add3A_11 = arith.constant 32 : i32
    %add3A_12 = arith.addi %mul3A_10, %add3A_11 : i32
    "tpu.region"() ({
      %run_scoped3A_217 = tpu.sem_alloc : memref<!tpu.dma_semaphore, #tpu.memory_space<semaphore_mem>>
      %dma_start3A_218 = arith.constant 0 : i32
      %dma_start3A_219 = tpu.memref_slice %arg16[%add3A_12, %dma_start3A_218] : memref<10240x128xf32, #tpu.memory_space<vmem_shared>> -> memref<32x128xf32, #tpu.memory_space<vmem_shared>>
      %dma_start3A_220 = arith.constant 0 : i32
      %dma_start3A_221 = tpu.memref_slice %arg16[%add3A_12, %dma_start3A_220] : memref<10240x128xf32, #tpu.memory_space<vmem_shared>> -> memref<32x128xf32, #tpu.memory_space<vmem_shared>>
      tpu.enqueue_dma source(%arg8 : memref<32x128xf32, #tpu.memory_space<vmem>>) target(%dma_start3A_221 : memref<32x128xf32, #tpu.memory_space<vmem_shared>>) target_semaphore(%run_scoped3A_217 : memref<!tpu.dma_semaphore, #tpu.memory_space<semaphore_mem>>)
      %dma_wait3A_222 = arith.constant 0 : i32
      %dma_wait3A_223 = tpu.memref_slice %arg16[%add3A_12, %dma_wait3A_222] : memref<10240x128xf32, #tpu.memory_space<vmem_shared>> -> memref<32x128xf32, #tpu.memory_space<vmem_shared>>
      %dma_wait3A_224 = arith.constant 0 : i32
      %dma_wait3A_225 = tpu.memref_slice %arg16[%add3A_12, %dma_wait3A_224] : memref<10240x128xf32, #tpu.memory_space<vmem_shared>> -> memref<32x128xf32, #tpu.memory_space<vmem_shared>>
      tpu.wait_dma2 semaphore(%run_scoped3A_217 : memref<!tpu.dma_semaphore, #tpu.memory_space<semaphore_mem>>) src(%arg8 : memref<32x128xf32, #tpu.memory_space<vmem>>) dst(%dma_wait3A_225 : memref<32x128xf32, #tpu.memory_space<vmem_shared>>)
      tpu.yield
    }) : () -> ()
    %mul3A_13 = arith.constant 640 : i32
    %mul3A_14 = arith.muli %arg1, %mul3A_13 : i32
    %add3A_15 = arith.constant 64 : i32
    %add3A_16 = arith.addi %mul3A_14, %add3A_15 : i32
    "tpu.region"() ({
      %run_scoped3A_217 = tpu.sem_alloc : memref<!tpu.dma_semaphore, #tpu.memory_space<semaphore_mem>>
      %dma_start3A_218 = arith.constant 0 : i32
      %dma_start3A_219 = tpu.memref_slice %arg16[%add3A_16, %dma_start3A_218] : memref<10240x128xf32, #tpu.memory_space<vmem_shared>> -> memref<32x128xf32, #tpu.memory_space<vmem_shared>>
      %dma_start3A_220 = arith.constant 0 : i32
      %dma_start3A_221 = tpu.memref_slice %arg16[%add3A_16, %dma_start3A_220] : memref<10240x128xf32, #tpu.memory_space<vmem_shared>> -> memref<32x128xf32, #tpu.memory_space<vmem_shared>>
      tpu.enqueue_dma source(%arg8 : memref<32x128xf32, #tpu.memory_space<vmem>>) target(%dma_start3A_221 : memref<32x128xf32, #tpu.memory_space<vmem_shared>>) target_semaphore(%run_scoped3A_217 : memref<!tpu.dma_semaphore, #tpu.memory_space<semaphore_mem>>)
      %dma_wait3A_222 = arith.constant 0 : i32
      %dma_wait3A_223 = tpu.memref_slice %arg16[%add3A_16, %dma_wait3A_222] : memref<10240x128xf32, #tpu.memory_space<vmem_shared>> -> memref<32x128xf32, #tpu.memory_space<vmem_shared>>
      %dma_wait3A_224 = arith.constant 0 : i32
      %dma_wait3A_225 = tpu.memref_slice %arg16[%add3A_16, %dma_wait3A_224] : memref<10240x128xf32, #tpu.memory_space<vmem_shared>> -> memref<32x128xf32, #tpu.memory_space<vmem_shared>>
      tpu.wait_dma2 semaphore(%run_scoped3A_217 : memref<!tpu.dma_semaphore, #tpu.memory_space<semaphore_mem>>) src(%arg8 : memref<32x128xf32, #tpu.memory_space<vmem>>) dst(%dma_wait3A_225 : memref<32x128xf32, #tpu.memory_space<vmem_shared>>)
      tpu.yield
    }) : () -> ()
    %mul3A_17 = arith.constant 640 : i32
    %mul3A_18 = arith.muli %arg1, %mul3A_17 : i32
    %add3A_19 = arith.constant 96 : i32
    %add3A_20 = arith.addi %mul3A_18, %add3A_19 : i32
    "tpu.region"() ({
      %run_scoped3A_217 = tpu.sem_alloc : memref<!tpu.dma_semaphore, #tpu.memory_space<semaphore_mem>>
      %dma_start3A_218 = arith.constant 0 : i32
      %dma_start3A_219 = tpu.memref_slice %arg16[%add3A_20, %dma_start3A_218] : memref<10240x128xf32, #tpu.memory_space<vmem_shared>> -> memref<32x128xf32, #tpu.memory_space<vmem_shared>>
      %dma_start3A_220 = arith.constant 0 : i32
      %dma_start3A_221 = tpu.memref_slice %arg16[%add3A_20, %dma_start3A_220] : memref<10240x128xf32, #tpu.memory_space<vmem_shared>> -> memref<32x128xf32, #tpu.memory_space<vmem_shared>>
      tpu.enqueue_dma source(%arg8 : memref<32x128xf32, #tpu.memory_space<vmem>>) target(%dma_start3A_221 : memref<32x128xf32, #tpu.memory_space<vmem_shared>>) target_semaphore(%run_scoped3A_217 : memref<!tpu.dma_semaphore, #tpu.memory_space<semaphore_mem>>)
      %dma_wait3A_222 = arith.constant 0 : i32
      %dma_wait3A_223 = tpu.memref_slice %arg16[%add3A_20, %dma_wait3A_222] : memref<10240x128xf32, #tpu.memory_space<vmem_shared>> -> memref<32x128xf32, #tpu.memory_space<vmem_shared>>
      %dma_wait3A_224 = arith.constant 0 : i32
      %dma_wait3A_225 = tpu.memref_slice %arg16[%add3A_20, %dma_wait3A_224] : memref<10240x128xf32, #tpu.memory_space<vmem_shared>> -> memref<32x128xf32, #tpu.memory_space<vmem_shared>>
      tpu.wait_dma2 semaphore(%run_scoped3A_217 : memref<!tpu.dma_semaphore, #tpu.memory_space<semaphore_mem>>) src(%arg8 : memref<32x128xf32, #tpu.memory_space<vmem>>) dst(%dma_wait3A_225 : memref<32x128xf32, #tpu.memory_space<vmem_shared>>)
      tpu.yield
    }) : () -> ()
    %mul3A_21 = arith.constant 640 : i32
    %mul3A_22 = arith.muli %arg1, %mul3A_21 : i32
    %add3A_23 = arith.constant 128 : i32
    %add3A_24 = arith.addi %mul3A_22, %add3A_23 : i32
    "tpu.region"() ({
      %run_scoped3A_217 = tpu.sem_alloc : memref<!tpu.dma_semaphore, #tpu.memory_space<semaphore_mem>>
      %dma_start3A_218 = arith.constant 0 : i32
      %dma_start3A_219 = tpu.memref_slice %arg16[%add3A_24, %dma_start3A_218] : memref<10240x128xf32, #tpu.memory_space<vmem_shared>> -> memref<32x128xf32, #tpu.memory_space<vmem_shared>>
      %dma_start3A_220 = arith.constant 0 : i32
      %dma_start3A_221 = tpu.memref_slice %arg16[%add3A_24, %dma_start3A_220] : memref<10240x128xf32, #tpu.memory_space<vmem_shared>> -> memref<32x128xf32, #tpu.memory_space<vmem_shared>>
      tpu.enqueue_dma source(%arg8 : memref<32x128xf32, #tpu.memory_space<vmem>>) target(%dma_start3A_221 : memref<32x128xf32, #tpu.memory_space<vmem_shared>>) target_semaphore(%run_scoped3A_217 : memref<!tpu.dma_semaphore, #tpu.memory_space<semaphore_mem>>)
      %dma_wait3A_222 = arith.constant 0 : i32
      %dma_wait3A_223 = tpu.memref_slice %arg16[%add3A_24, %dma_wait3A_222] : memref<10240x128xf32, #tpu.memory_space<vmem_shared>> -> memref<32x128xf32, #tpu.memory_space<vmem_shared>>
      %dma_wait3A_224 = arith.constant 0 : i32
      %dma_wait3A_225 = tpu.memref_slice %arg16[%add3A_24, %dma_wait3A_224] : memref<10240x128xf32, #tpu.memory_space<vmem_shared>> -> memref<32x128xf32, #tpu.memory_space<vmem_shared>>
      tpu.wait_dma2 semaphore(%run_scoped3A_217 : memref<!tpu.dma_semaphore, #tpu.memory_space<semaphore_mem>>) src(%arg8 : memref<32x128xf32, #tpu.memory_space<vmem>>) dst(%dma_wait3A_225 : memref<32x128xf32, #tpu.memory_space<vmem_shared>>)
      tpu.yield
    }) : () -> ()
    %mul3A_25 = arith.constant 640 : i32
    %mul3A_26 = arith.muli %arg1, %mul3A_25 : i32
    %add3A_27 = arith.constant 160 : i32
    %add3A_28 = arith.addi %mul3A_26, %add3A_27 : i32
    "tpu.region"() ({
      %run_scoped3A_217 = tpu.sem_alloc : memref<!tpu.dma_semaphore, #tpu.memory_space<semaphore_mem>>
      %dma_start3A_218 = arith.constant 0 : i32
      %dma_start3A_219 = tpu.memref_slice %arg16[%add3A_28, %dma_start3A_218] : memref<10240x128xf32, #tpu.memory_space<vmem_shared>> -> memref<32x128xf32, #tpu.memory_space<vmem_shared>>
      %dma_start3A_220 = arith.constant 0 : i32
      %dma_start3A_221 = tpu.memref_slice %arg16[%add3A_28, %dma_start3A_220] : memref<10240x128xf32, #tpu.memory_space<vmem_shared>> -> memref<32x128xf32, #tpu.memory_space<vmem_shared>>
      tpu.enqueue_dma source(%arg8 : memref<32x128xf32, #tpu.memory_space<vmem>>) target(%dma_start3A_221 : memref<32x128xf32, #tpu.memory_space<vmem_shared>>) target_semaphore(%run_scoped3A_217 : memref<!tpu.dma_semaphore, #tpu.memory_space<semaphore_mem>>)
      %dma_wait3A_222 = arith.constant 0 : i32
      %dma_wait3A_223 = tpu.memref_slice %arg16[%add3A_28, %dma_wait3A_222] : memref<10240x128xf32, #tpu.memory_space<vmem_shared>> -> memref<32x128xf32, #tpu.memory_space<vmem_shared>>
      %dma_wait3A_224 = arith.constant 0 : i32
      %dma_wait3A_225 = tpu.memref_slice %arg16[%add3A_28, %dma_wait3A_224] : memref<10240x128xf32, #tpu.memory_space<vmem_shared>> -> memref<32x128xf32, #tpu.memory_space<vmem_shared>>
      tpu.wait_dma2 semaphore(%run_scoped3A_217 : memref<!tpu.dma_semaphore, #tpu.memory_space<semaphore_mem>>) src(%arg8 : memref<32x128xf32, #tpu.memory_space<vmem>>) dst(%dma_wait3A_225 : memref<32x128xf32, #tpu.memory_space<vmem_shared>>)
      tpu.yield
    }) : () -> ()
    %mul3A_29 = arith.constant 640 : i32
    %mul3A_30 = arith.muli %arg1, %mul3A_29 : i32
    %add3A_31 = arith.constant 192 : i32
    %add3A_32 = arith.addi %mul3A_30, %add3A_31 : i32
    "tpu.region"() ({
      %run_scoped3A_217 = tpu.sem_alloc : memref<!tpu.dma_semaphore, #tpu.memory_space<semaphore_mem>>
      %dma_start3A_218 = arith.constant 0 : i32
      %dma_start3A_219 = tpu.memref_slice %arg16[%add3A_32, %dma_start3A_218] : memref<10240x128xf32, #tpu.memory_space<vmem_shared>> -> memref<32x128xf32, #tpu.memory_space<vmem_shared>>
      %dma_start3A_220 = arith.constant 0 : i32
      %dma_start3A_221 = tpu.memref_slice %arg16[%add3A_32, %dma_start3A_220] : memref<10240x128xf32, #tpu.memory_space<vmem_shared>> -> memref<32x128xf32, #tpu.memory_space<vmem_shared>>
      tpu.enqueue_dma source(%arg8 : memref<32x128xf32, #tpu.memory_space<vmem>>) target(%dma_start3A_221 : memref<32x128xf32, #tpu.memory_space<vmem_shared>>) target_semaphore(%run_scoped3A_217 : memref<!tpu.dma_semaphore, #tpu.memory_space<semaphore_mem>>)
      %dma_wait3A_222 = arith.constant 0 : i32
      %dma_wait3A_223 = tpu.memref_slice %arg16[%add3A_32, %dma_wait3A_222] : memref<10240x128xf32, #tpu.memory_space<vmem_shared>> -> memref<32x128xf32, #tpu.memory_space<vmem_shared>>
      %dma_wait3A_224 = arith.constant 0 : i32
      %dma_wait3A_225 = tpu.memref_slice %arg16[%add3A_32, %dma_wait3A_224] : memref<10240x128xf32, #tpu.memory_space<vmem_shared>> -> memref<32x128xf32, #tpu.memory_space<vmem_shared>>
      tpu.wait_dma2 semaphore(%run_scoped3A_217 : memref<!tpu.dma_semaphore, #tpu.memory_space<semaphore_mem>>) src(%arg8 : memref<32x128xf32, #tpu.memory_space<vmem>>) dst(%dma_wait3A_225 : memref<32x128xf32, #tpu.memory_space<vmem_shared>>)
      tpu.yield
    }) : () -> ()
    %mul3A_33 = arith.constant 640 : i32
    %mul3A_34 = arith.muli %arg1, %mul3A_33 : i32
    %add3A_35 = arith.constant 224 : i32
    %add3A_36 = arith.addi %mul3A_34, %add3A_35 : i32
    "tpu.region"() ({
      %run_scoped3A_217 = tpu.sem_alloc : memref<!tpu.dma_semaphore, #tpu.memory_space<semaphore_mem>>
      %dma_start3A_218 = arith.constant 0 : i32
      %dma_start3A_219 = tpu.memref_slice %arg16[%add3A_36, %dma_start3A_218] : memref<10240x128xf32, #tpu.memory_space<vmem_shared>> -> memref<32x128xf32, #tpu.memory_space<vmem_shared>>
      %dma_start3A_220 = arith.constant 0 : i32
      %dma_start3A_221 = tpu.memref_slice %arg16[%add3A_36, %dma_start3A_220] : memref<10240x128xf32, #tpu.memory_space<vmem_shared>> -> memref<32x128xf32, #tpu.memory_space<vmem_shared>>
      tpu.enqueue_dma source(%arg8 : memref<32x128xf32, #tpu.memory_space<vmem>>) target(%dma_start3A_221 : memref<32x128xf32, #tpu.memory_space<vmem_shared>>) target_semaphore(%run_scoped3A_217 : memref<!tpu.dma_semaphore, #tpu.memory_space<semaphore_mem>>)
      %dma_wait3A_222 = arith.constant 0 : i32
      %dma_wait3A_223 = tpu.memref_slice %arg16[%add3A_36, %dma_wait3A_222] : memref<10240x128xf32, #tpu.memory_space<vmem_shared>> -> memref<32x128xf32, #tpu.memory_space<vmem_shared>>
      %dma_wait3A_224 = arith.constant 0 : i32
      %dma_wait3A_225 = tpu.memref_slice %arg16[%add3A_36, %dma_wait3A_224] : memref<10240x128xf32, #tpu.memory_space<vmem_shared>> -> memref<32x128xf32, #tpu.memory_space<vmem_shared>>
      tpu.wait_dma2 semaphore(%run_scoped3A_217 : memref<!tpu.dma_semaphore, #tpu.memory_space<semaphore_mem>>) src(%arg8 : memref<32x128xf32, #tpu.memory_space<vmem>>) dst(%dma_wait3A_225 : memref<32x128xf32, #tpu.memory_space<vmem_shared>>)
      tpu.yield
    }) : () -> ()
    %mul3A_37 = arith.constant 640 : i32
    %mul3A_38 = arith.muli %arg1, %mul3A_37 : i32
    %add3A_39 = arith.constant 256 : i32
    %add3A_40 = arith.addi %mul3A_38, %add3A_39 : i32
    "tpu.region"() ({
      %run_scoped3A_217 = tpu.sem_alloc : memref<!tpu.dma_semaphore, #tpu.memory_space<semaphore_mem>>
      %dma_start3A_218 = arith.constant 0 : i32
      %dma_start3A_219 = tpu.memref_slice %arg16[%add3A_40, %dma_start3A_218] : memref<10240x128xf32, #tpu.memory_space<vmem_shared>> -> memref<32x128xf32, #tpu.memory_space<vmem_shared>>
      %dma_start3A_220 = arith.constant 0 : i32
      %dma_start3A_221 = tpu.memref_slice %arg16[%add3A_40, %dma_start3A_220] : memref<10240x128xf32, #tpu.memory_space<vmem_shared>> -> memref<32x128xf32, #tpu.memory_space<vmem_shared>>
      tpu.enqueue_dma source(%arg8 : memref<32x128xf32, #tpu.memory_space<vmem>>) target(%dma_start3A_221 : memref<32x128xf32, #tpu.memory_space<vmem_shared>>) target_semaphore(%run_scoped3A_217 : memref<!tpu.dma_semaphore, #tpu.memory_space<semaphore_mem>>)
      %dma_wait3A_222 = arith.constant 0 : i32
      %dma_wait3A_223 = tpu.memref_slice %arg16[%add3A_40, %dma_wait3A_222] : memref<10240x128xf32, #tpu.memory_space<vmem_shared>> -> memref<32x128xf32, #tpu.memory_space<vmem_shared>>
      %dma_wait3A_224 = arith.constant 0 : i32
      %dma_wait3A_225 = tpu.memref_slice %arg16[%add3A_40, %dma_wait3A_224] : memref<10240x128xf32, #tpu.memory_space<vmem_shared>> -> memref<32x128xf32, #tpu.memory_space<vmem_shared>>
      tpu.wait_dma2 semaphore(%run_scoped3A_217 : memref<!tpu.dma_semaphore, #tpu.memory_space<semaphore_mem>>) src(%arg8 : memref<32x128xf32, #tpu.memory_space<vmem>>) dst(%dma_wait3A_225 : memref<32x128xf32, #tpu.memory_space<vmem_shared>>)
      tpu.yield
    }) : () -> ()
    %mul3A_41 = arith.constant 640 : i32
    %mul3A_42 = arith.muli %arg1, %mul3A_41 : i32
    %add3A_43 = arith.constant 288 : i32
    %add3A_44 = arith.addi %mul3A_42, %add3A_43 : i32
    "tpu.region"() ({
      %run_scoped3A_217 = tpu.sem_alloc : memref<!tpu.dma_semaphore, #tpu.memory_space<semaphore_mem>>
      %dma_start3A_218 = arith.constant 0 : i32
      %dma_start3A_219 = tpu.memref_slice %arg16[%add3A_44, %dma_start3A_218] : memref<10240x128xf32, #tpu.memory_space<vmem_shared>> -> memref<32x128xf32, #tpu.memory_space<vmem_shared>>
      %dma_start3A_220 = arith.constant 0 : i32
      %dma_start3A_221 = tpu.memref_slice %arg16[%add3A_44, %dma_start3A_220] : memref<10240x128xf32, #tpu.memory_space<vmem_shared>> -> memref<32x128xf32, #tpu.memory_space<vmem_shared>>
      tpu.enqueue_dma source(%arg8 : memref<32x128xf32, #tpu.memory_space<vmem>>) target(%dma_start3A_221 : memref<32x128xf32, #tpu.memory_space<vmem_shared>>) target_semaphore(%run_scoped3A_217 : memref<!tpu.dma_semaphore, #tpu.memory_space<semaphore_mem>>)
      %dma_wait3A_222 = arith.constant 0 : i32
      %dma_wait3A_223 = tpu.memref_slice %arg16[%add3A_44, %dma_wait3A_222] : memref<10240x128xf32, #tpu.memory_space<vmem_shared>> -> memref<32x128xf32, #tpu.memory_space<vmem_shared>>
      %dma_wait3A_224 = arith.constant 0 : i32
      %dma_wait3A_225 = tpu.memref_slice %arg16[%add3A_44, %dma_wait3A_224] : memref<10240x128xf32, #tpu.memory_space<vmem_shared>> -> memref<32x128xf32, #tpu.memory_space<vmem_shared>>
      tpu.wait_dma2 semaphore(%run_scoped3A_217 : memref<!tpu.dma_semaphore, #tpu.memory_space<semaphore_mem>>) src(%arg8 : memref<32x128xf32, #tpu.memory_space<vmem>>) dst(%dma_wait3A_225 : memref<32x128xf32, #tpu.memory_space<vmem_shared>>)
      tpu.yield
    }) : () -> ()
    %mul3A_45 = arith.constant 640 : i32
    %mul3A_46 = arith.muli %arg1, %mul3A_45 : i32
    %add3A_47 = arith.constant 320 : i32
    %add3A_48 = arith.addi %mul3A_46, %add3A_47 : i32
    "tpu.region"() ({
      %run_scoped3A_217 = tpu.sem_alloc : memref<!tpu.dma_semaphore, #tpu.memory_space<semaphore_mem>>
      %dma_start3A_218 = arith.constant 0 : i32
      %dma_start3A_219 = tpu.memref_slice %arg16[%add3A_48, %dma_start3A_218] : memref<10240x128xf32, #tpu.memory_space<vmem_shared>> -> memref<32x128xf32, #tpu.memory_space<vmem_shared>>
      %dma_start3A_220 = arith.constant 0 : i32
      %dma_start3A_221 = tpu.memref_slice %arg16[%add3A_48, %dma_start3A_220] : memref<10240x128xf32, #tpu.memory_space<vmem_shared>> -> memref<32x128xf32, #tpu.memory_space<vmem_shared>>
      tpu.enqueue_dma source(%arg8 : memref<32x128xf32, #tpu.memory_space<vmem>>) target(%dma_start3A_221 : memref<32x128xf32, #tpu.memory_space<vmem_shared>>) target_semaphore(%run_scoped3A_217 : memref<!tpu.dma_semaphore, #tpu.memory_space<semaphore_mem>>)
      %dma_wait3A_222 = arith.constant 0 : i32
      %dma_wait3A_223 = tpu.memref_slice %arg16[%add3A_48, %dma_wait3A_222] : memref<10240x128xf32, #tpu.memory_space<vmem_shared>> -> memref<32x128xf32, #tpu.memory_space<vmem_shared>>
      %dma_wait3A_224 = arith.constant 0 : i32
      %dma_wait3A_225 = tpu.memref_slice %arg16[%add3A_48, %dma_wait3A_224] : memref<10240x128xf32, #tpu.memory_space<vmem_shared>> -> memref<32x128xf32, #tpu.memory_space<vmem_shared>>
      tpu.wait_dma2 semaphore(%run_scoped3A_217 : memref<!tpu.dma_semaphore, #tpu.memory_space<semaphore_mem>>) src(%arg8 : memref<32x128xf32, #tpu.memory_space<vmem>>) dst(%dma_wait3A_225 : memref<32x128xf32, #tpu.memory_space<vmem_shared>>)
      tpu.yield
    }) : () -> ()
    %mul3A_49 = arith.constant 640 : i32
    %mul3A_50 = arith.muli %arg1, %mul3A_49 : i32
    %add3A_51 = arith.constant 352 : i32
    %add3A_52 = arith.addi %mul3A_50, %add3A_51 : i32
    "tpu.region"() ({
      %run_scoped3A_217 = tpu.sem_alloc : memref<!tpu.dma_semaphore, #tpu.memory_space<semaphore_mem>>
      %dma_start3A_218 = arith.constant 0 : i32
      %dma_start3A_219 = tpu.memref_slice %arg16[%add3A_52, %dma_start3A_218] : memref<10240x128xf32, #tpu.memory_space<vmem_shared>> -> memref<32x128xf32, #tpu.memory_space<vmem_shared>>
      %dma_start3A_220 = arith.constant 0 : i32
      %dma_start3A_221 = tpu.memref_slice %arg16[%add3A_52, %dma_start3A_220] : memref<10240x128xf32, #tpu.memory_space<vmem_shared>> -> memref<32x128xf32, #tpu.memory_space<vmem_shared>>
      tpu.enqueue_dma source(%arg8 : memref<32x128xf32, #tpu.memory_space<vmem>>) target(%dma_start3A_221 : memref<32x128xf32, #tpu.memory_space<vmem_shared>>) target_semaphore(%run_scoped3A_217 : memref<!tpu.dma_semaphore, #tpu.memory_space<semaphore_mem>>)
      %dma_wait3A_222 = arith.constant 0 : i32
      %dma_wait3A_223 = tpu.memref_slice %arg16[%add3A_52, %dma_wait3A_222] : memref<10240x128xf32, #tpu.memory_space<vmem_shared>> -> memref<32x128xf32, #tpu.memory_space<vmem_shared>>
      %dma_wait3A_224 = arith.constant 0 : i32
      %dma_wait3A_225 = tpu.memref_slice %arg16[%add3A_52, %dma_wait3A_224] : memref<10240x128xf32, #tpu.memory_space<vmem_shared>> -> memref<32x128xf32, #tpu.memory_space<vmem_shared>>
      tpu.wait_dma2 semaphore(%run_scoped3A_217 : memref<!tpu.dma_semaphore, #tpu.memory_space<semaphore_mem>>) src(%arg8 : memref<32x128xf32, #tpu.memory_space<vmem>>) dst(%dma_wait3A_225 : memref<32x128xf32, #tpu.memory_space<vmem_shared>>)
      tpu.yield
    }) : () -> ()
    %mul3A_53 = arith.constant 640 : i32
    %mul3A_54 = arith.muli %arg1, %mul3A_53 : i32
    %add3A_55 = arith.constant 384 : i32
    %add3A_56 = arith.addi %mul3A_54, %add3A_55 : i32
    "tpu.region"() ({
      %run_scoped3A_217 = tpu.sem_alloc : memref<!tpu.dma_semaphore, #tpu.memory_space<semaphore_mem>>
      %dma_start3A_218 = arith.constant 0 : i32
      %dma_start3A_219 = tpu.memref_slice %arg16[%add3A_56, %dma_start3A_218] : memref<10240x128xf32, #tpu.memory_space<vmem_shared>> -> memref<32x128xf32, #tpu.memory_space<vmem_shared>>
      %dma_start3A_220 = arith.constant 0 : i32
      %dma_start3A_221 = tpu.memref_slice %arg16[%add3A_56, %dma_start3A_220] : memref<10240x128xf32, #tpu.memory_space<vmem_shared>> -> memref<32x128xf32, #tpu.memory_space<vmem_shared>>
      tpu.enqueue_dma source(%arg8 : memref<32x128xf32, #tpu.memory_space<vmem>>) target(%dma_start3A_221 : memref<32x128xf32, #tpu.memory_space<vmem_shared>>) target_semaphore(%run_scoped3A_217 : memref<!tpu.dma_semaphore, #tpu.memory_space<semaphore_mem>>)
      %dma_wait3A_222 = arith.constant 0 : i32
      %dma_wait3A_223 = tpu.memref_slice %arg16[%add3A_56, %dma_wait3A_222] : memref<10240x128xf32, #tpu.memory_space<vmem_shared>> -> memref<32x128xf32, #tpu.memory_space<vmem_shared>>
      %dma_wait3A_224 = arith.constant 0 : i32
      %dma_wait3A_225 = tpu.memref_slice %arg16[%add3A_56, %dma_wait3A_224] : memref<10240x128xf32, #tpu.memory_space<vmem_shared>> -> memref<32x128xf32, #tpu.memory_space<vmem_shared>>
      tpu.wait_dma2 semaphore(%run_scoped3A_217 : memref<!tpu.dma_semaphore, #tpu.memory_space<semaphore_mem>>) src(%arg8 : memref<32x128xf32, #tpu.memory_space<vmem>>) dst(%dma_wait3A_225 : memref<32x128xf32, #tpu.memory_space<vmem_shared>>)
      tpu.yield
    }) : () -> ()
    %mul3A_57 = arith.constant 640 : i32
    %mul3A_58 = arith.muli %arg1, %mul3A_57 : i32
    %add3A_59 = arith.constant 416 : i32
    %add3A_60 = arith.addi %mul3A_58, %add3A_59 : i32
    "tpu.region"() ({
      %run_scoped3A_217 = tpu.sem_alloc : memref<!tpu.dma_semaphore, #tpu.memory_space<semaphore_mem>>
      %dma_start3A_218 = arith.constant 0 : i32
      %dma_start3A_219 = tpu.memref_slice %arg16[%add3A_60, %dma_start3A_218] : memref<10240x128xf32, #tpu.memory_space<vmem_shared>> -> memref<32x128xf32, #tpu.memory_space<vmem_shared>>
      %dma_start3A_220 = arith.constant 0 : i32
      %dma_start3A_221 = tpu.memref_slice %arg16[%add3A_60, %dma_start3A_220] : memref<10240x128xf32, #tpu.memory_space<vmem_shared>> -> memref<32x128xf32, #tpu.memory_space<vmem_shared>>
      tpu.enqueue_dma source(%arg8 : memref<32x128xf32, #tpu.memory_space<vmem>>) target(%dma_start3A_221 : memref<32x128xf32, #tpu.memory_space<vmem_shared>>) target_semaphore(%run_scoped3A_217 : memref<!tpu.dma_semaphore, #tpu.memory_space<semaphore_mem>>)
      %dma_wait3A_222 = arith.constant 0 : i32
      %dma_wait3A_223 = tpu.memref_slice %arg16[%add3A_60, %dma_wait3A_222] : memref<10240x128xf32, #tpu.memory_space<vmem_shared>> -> memref<32x128xf32, #tpu.memory_space<vmem_shared>>
      %dma_wait3A_224 = arith.constant 0 : i32
      %dma_wait3A_225 = tpu.memref_slice %arg16[%add3A_60, %dma_wait3A_224] : memref<10240x128xf32, #tpu.memory_space<vmem_shared>> -> memref<32x128xf32, #tpu.memory_space<vmem_shared>>
      tpu.wait_dma2 semaphore(%run_scoped3A_217 : memref<!tpu.dma_semaphore, #tpu.memory_space<semaphore_mem>>) src(%arg8 : memref<32x128xf32, #tpu.memory_space<vmem>>) dst(%dma_wait3A_225 : memref<32x128xf32, #tpu.memory_space<vmem_shared>>)
      tpu.yield
    }) : () -> ()
    %mul3A_61 = arith.constant 640 : i32
    %mul3A_62 = arith.muli %arg1, %mul3A_61 : i32
    %add3A_63 = arith.constant 448 : i32
    %add3A_64 = arith.addi %mul3A_62, %add3A_63 : i32
    "tpu.region"() ({
      %run_scoped3A_217 = tpu.sem_alloc : memref<!tpu.dma_semaphore, #tpu.memory_space<semaphore_mem>>
      %dma_start3A_218 = arith.constant 0 : i32
      %dma_start3A_219 = tpu.memref_slice %arg16[%add3A_64, %dma_start3A_218] : memref<10240x128xf32, #tpu.memory_space<vmem_shared>> -> memref<32x128xf32, #tpu.memory_space<vmem_shared>>
      %dma_start3A_220 = arith.constant 0 : i32
      %dma_start3A_221 = tpu.memref_slice %arg16[%add3A_64, %dma_start3A_220] : memref<10240x128xf32, #tpu.memory_space<vmem_shared>> -> memref<32x128xf32, #tpu.memory_space<vmem_shared>>
      tpu.enqueue_dma source(%arg8 : memref<32x128xf32, #tpu.memory_space<vmem>>) target(%dma_start3A_221 : memref<32x128xf32, #tpu.memory_space<vmem_shared>>) target_semaphore(%run_scoped3A_217 : memref<!tpu.dma_semaphore, #tpu.memory_space<semaphore_mem>>)
      %dma_wait3A_222 = arith.constant 0 : i32
      %dma_wait3A_223 = tpu.memref_slice %arg16[%add3A_64, %dma_wait3A_222] : memref<10240x128xf32, #tpu.memory_space<vmem_shared>> -> memref<32x128xf32, #tpu.memory_space<vmem_shared>>
      %dma_wait3A_224 = arith.constant 0 : i32
      %dma_wait3A_225 = tpu.memref_slice %arg16[%add3A_64, %dma_wait3A_224] : memref<10240x128xf32, #tpu.memory_space<vmem_shared>> -> memref<32x128xf32, #tpu.memory_space<vmem_shared>>
      tpu.wait_dma2 semaphore(%run_scoped3A_217 : memref<!tpu.dma_semaphore, #tpu.memory_space<semaphore_mem>>) src(%arg8 : memref<32x128xf32, #tpu.memory_space<vmem>>) dst(%dma_wait3A_225 : memref<32x128xf32, #tpu.memory_space<vmem_shared>>)
      tpu.yield
    }) : () -> ()
    %mul3A_65 = arith.constant 640 : i32
    %mul3A_66 = arith.muli %arg1, %mul3A_65 : i32
    %add3A_67 = arith.constant 480 : i32
    %add3A_68 = arith.addi %mul3A_66, %add3A_67 : i32
    "tpu.region"() ({
      %run_scoped3A_217 = tpu.sem_alloc : memref<!tpu.dma_semaphore, #tpu.memory_space<semaphore_mem>>
      %dma_start3A_218 = arith.constant 0 : i32
      %dma_start3A_219 = tpu.memref_slice %arg16[%add3A_68, %dma_start3A_218] : memref<10240x128xf32, #tpu.memory_space<vmem_shared>> -> memref<32x128xf32, #tpu.memory_space<vmem_shared>>
      %dma_start3A_220 = arith.constant 0 : i32
      %dma_start3A_221 = tpu.memref_slice %arg16[%add3A_68, %dma_start3A_220] : memref<10240x128xf32, #tpu.memory_space<vmem_shared>> -> memref<32x128xf32, #tpu.memory_space<vmem_shared>>
      tpu.enqueue_dma source(%arg8 : memref<32x128xf32, #tpu.memory_space<vmem>>) target(%dma_start3A_221 : memref<32x128xf32, #tpu.memory_space<vmem_shared>>) target_semaphore(%run_scoped3A_217 : memref<!tpu.dma_semaphore, #tpu.memory_space<semaphore_mem>>)
      %dma_wait3A_222 = arith.constant 0 : i32
      %dma_wait3A_223 = tpu.memref_slice %arg16[%add3A_68, %dma_wait3A_222] : memref<10240x128xf32, #tpu.memory_space<vmem_shared>> -> memref<32x128xf32, #tpu.memory_space<vmem_shared>>
      %dma_wait3A_224 = arith.constant 0 : i32
      %dma_wait3A_225 = tpu.memref_slice %arg16[%add3A_68, %dma_wait3A_224] : memref<10240x128xf32, #tpu.memory_space<vmem_shared>> -> memref<32x128xf32, #tpu.memory_space<vmem_shared>>
      tpu.wait_dma2 semaphore(%run_scoped3A_217 : memref<!tpu.dma_semaphore, #tpu.memory_space<semaphore_mem>>) src(%arg8 : memref<32x128xf32, #tpu.memory_space<vmem>>) dst(%dma_wait3A_225 : memref<32x128xf32, #tpu.memory_space<vmem_shared>>)
      tpu.yield
    }) : () -> ()
    %mul3A_69 = arith.constant 640 : i32
    %mul3A_70 = arith.muli %arg1, %mul3A_69 : i32
    %add3A_71 = arith.constant 512 : i32
    %add3A_72 = arith.addi %mul3A_70, %add3A_71 : i32
    "tpu.region"() ({
      %run_scoped3A_217 = tpu.sem_alloc : memref<!tpu.dma_semaphore, #tpu.memory_space<semaphore_mem>>
      %dma_start3A_218 = arith.constant 0 : i32
      %dma_start3A_219 = tpu.memref_slice %arg16[%add3A_72, %dma_start3A_218] : memref<10240x128xf32, #tpu.memory_space<vmem_shared>> -> memref<32x128xf32, #tpu.memory_space<vmem_shared>>
      %dma_start3A_220 = arith.constant 0 : i32
      %dma_start3A_221 = tpu.memref_slice %arg16[%add3A_72, %dma_start3A_220] : memref<10240x128xf32, #tpu.memory_space<vmem_shared>> -> memref<32x128xf32, #tpu.memory_space<vmem_shared>>
      tpu.enqueue_dma source(%arg8 : memref<32x128xf32, #tpu.memory_space<vmem>>) target(%dma_start3A_221 : memref<32x128xf32, #tpu.memory_space<vmem_shared>>) target_semaphore(%run_scoped3A_217 : memref<!tpu.dma_semaphore, #tpu.memory_space<semaphore_mem>>)
      %dma_wait3A_222 = arith.constant 0 : i32
      %dma_wait3A_223 = tpu.memref_slice %arg16[%add3A_72, %dma_wait3A_222] : memref<10240x128xf32, #tpu.memory_space<vmem_shared>> -> memref<32x128xf32, #tpu.memory_space<vmem_shared>>
      %dma_wait3A_224 = arith.constant 0 : i32
      %dma_wait3A_225 = tpu.memref_slice %arg16[%add3A_72, %dma_wait3A_224] : memref<10240x128xf32, #tpu.memory_space<vmem_shared>> -> memref<32x128xf32, #tpu.memory_space<vmem_shared>>
      tpu.wait_dma2 semaphore(%run_scoped3A_217 : memref<!tpu.dma_semaphore, #tpu.memory_space<semaphore_mem>>) src(%arg8 : memref<32x128xf32, #tpu.memory_space<vmem>>) dst(%dma_wait3A_225 : memref<32x128xf32, #tpu.memory_space<vmem_shared>>)
      tpu.yield
    }) : () -> ()
    %mul3A_73 = arith.constant 640 : i32
    %mul3A_74 = arith.muli %arg1, %mul3A_73 : i32
    %add3A_75 = arith.constant 544 : i32
    %add3A_76 = arith.addi %mul3A_74, %add3A_75 : i32
    "tpu.region"() ({
      %run_scoped3A_217 = tpu.sem_alloc : memref<!tpu.dma_semaphore, #tpu.memory_space<semaphore_mem>>
      %dma_start3A_218 = arith.constant 0 : i32
      %dma_start3A_219 = tpu.memref_slice %arg16[%add3A_76, %dma_start3A_218] : memref<10240x128xf32, #tpu.memory_space<vmem_shared>> -> memref<32x128xf32, #tpu.memory_space<vmem_shared>>
      %dma_start3A_220 = arith.constant 0 : i32
      %dma_start3A_221 = tpu.memref_slice %arg16[%add3A_76, %dma_start3A_220] : memref<10240x128xf32, #tpu.memory_space<vmem_shared>> -> memref<32x128xf32, #tpu.memory_space<vmem_shared>>
      tpu.enqueue_dma source(%arg8 : memref<32x128xf32, #tpu.memory_space<vmem>>) target(%dma_start3A_221 : memref<32x128xf32, #tpu.memory_space<vmem_shared>>) target_semaphore(%run_scoped3A_217 : memref<!tpu.dma_semaphore, #tpu.memory_space<semaphore_mem>>)
      %dma_wait3A_222 = arith.constant 0 : i32
      %dma_wait3A_223 = tpu.memref_slice %arg16[%add3A_76, %dma_wait3A_222] : memref<10240x128xf32, #tpu.memory_space<vmem_shared>> -> memref<32x128xf32, #tpu.memory_space<vmem_shared>>
      %dma_wait3A_224 = arith.constant 0 : i32
      %dma_wait3A_225 = tpu.memref_slice %arg16[%add3A_76, %dma_wait3A_224] : memref<10240x128xf32, #tpu.memory_space<vmem_shared>> -> memref<32x128xf32, #tpu.memory_space<vmem_shared>>
      tpu.wait_dma2 semaphore(%run_scoped3A_217 : memref<!tpu.dma_semaphore, #tpu.memory_space<semaphore_mem>>) src(%arg8 : memref<32x128xf32, #tpu.memory_space<vmem>>) dst(%dma_wait3A_225 : memref<32x128xf32, #tpu.memory_space<vmem_shared>>)
      tpu.yield
    }) : () -> ()
    %mul3A_77 = arith.constant 640 : i32
    %mul3A_78 = arith.muli %arg1, %mul3A_77 : i32
    %add3A_79 = arith.constant 576 : i32
    %add3A_80 = arith.addi %mul3A_78, %add3A_79 : i32
    "tpu.region"() ({
      %run_scoped3A_217 = tpu.sem_alloc : memref<!tpu.dma_semaphore, #tpu.memory_space<semaphore_mem>>
      %dma_start3A_218 = arith.constant 0 : i32
      %dma_start3A_219 = tpu.memref_slice %arg16[%add3A_80, %dma_start3A_218] : memref<10240x128xf32, #tpu.memory_space<vmem_shared>> -> memref<32x128xf32, #tpu.memory_space<vmem_shared>>
      %dma_start3A_220 = arith.constant 0 : i32
      %dma_start3A_221 = tpu.memref_slice %arg16[%add3A_80, %dma_start3A_220] : memref<10240x128xf32, #tpu.memory_space<vmem_shared>> -> memref<32x128xf32, #tpu.memory_space<vmem_shared>>
      tpu.enqueue_dma source(%arg8 : memref<32x128xf32, #tpu.memory_space<vmem>>) target(%dma_start3A_221 : memref<32x128xf32, #tpu.memory_space<vmem_shared>>) target_semaphore(%run_scoped3A_217 : memref<!tpu.dma_semaphore, #tpu.memory_space<semaphore_mem>>)
      %dma_wait3A_222 = arith.constant 0 : i32
      %dma_wait3A_223 = tpu.memref_slice %arg16[%add3A_80, %dma_wait3A_222] : memref<10240x128xf32, #tpu.memory_space<vmem_shared>> -> memref<32x128xf32, #tpu.memory_space<vmem_shared>>
      %dma_wait3A_224 = arith.constant 0 : i32
      %dma_wait3A_225 = tpu.memref_slice %arg16[%add3A_80, %dma_wait3A_224] : memref<10240x128xf32, #tpu.memory_space<vmem_shared>> -> memref<32x128xf32, #tpu.memory_space<vmem_shared>>
      tpu.wait_dma2 semaphore(%run_scoped3A_217 : memref<!tpu.dma_semaphore, #tpu.memory_space<semaphore_mem>>) src(%arg8 : memref<32x128xf32, #tpu.memory_space<vmem>>) dst(%dma_wait3A_225 : memref<32x128xf32, #tpu.memory_space<vmem_shared>>)
      tpu.yield
    }) : () -> ()
    %mul3A_81 = arith.constant 640 : i32
    %mul3A_82 = arith.muli %arg1, %mul3A_81 : i32
    %add3A_83 = arith.constant 608 : i32
    %add3A_84 = arith.addi %mul3A_82, %add3A_83 : i32
    "tpu.region"() ({
      %run_scoped3A_217 = tpu.sem_alloc : memref<!tpu.dma_semaphore, #tpu.memory_space<semaphore_mem>>
      %dma_start3A_218 = arith.constant 0 : i32
      %dma_start3A_219 = tpu.memref_slice %arg16[%add3A_84, %dma_start3A_218] : memref<10240x128xf32, #tpu.memory_space<vmem_shared>> -> memref<32x128xf32, #tpu.memory_space<vmem_shared>>
      %dma_start3A_220 = arith.constant 0 : i32
      %dma_start3A_221 = tpu.memref_slice %arg16[%add3A_84, %dma_start3A_220] : memref<10240x128xf32, #tpu.memory_space<vmem_shared>> -> memref<32x128xf32, #tpu.memory_space<vmem_shared>>
      tpu.enqueue_dma source(%arg8 : memref<32x128xf32, #tpu.memory_space<vmem>>) target(%dma_start3A_221 : memref<32x128xf32, #tpu.memory_space<vmem_shared>>) target_semaphore(%run_scoped3A_217 : memref<!tpu.dma_semaphore, #tpu.memory_space<semaphore_mem>>)
      %dma_wait3A_222 = arith.constant 0 : i32
      %dma_wait3A_223 = tpu.memref_slice %arg16[%add3A_84, %dma_wait3A_222] : memref<10240x128xf32, #tpu.memory_space<vmem_shared>> -> memref<32x128xf32, #tpu.memory_space<vmem_shared>>
      %dma_wait3A_224 = arith.constant 0 : i32
      %dma_wait3A_225 = tpu.memref_slice %arg16[%add3A_84, %dma_wait3A_224] : memref<10240x128xf32, #tpu.memory_space<vmem_shared>> -> memref<32x128xf32, #tpu.memory_space<vmem_shared>>
      tpu.wait_dma2 semaphore(%run_scoped3A_217 : memref<!tpu.dma_semaphore, #tpu.memory_space<semaphore_mem>>) src(%arg8 : memref<32x128xf32, #tpu.memory_space<vmem>>) dst(%dma_wait3A_225 : memref<32x128xf32, #tpu.memory_space<vmem_shared>>)
      tpu.yield
    }) : () -> ()
    %barrier3A = arith.constant 0 : index
    tpu.barrier barrier_id(%barrier3A)
    "tpu.region"() ({
      %run_scoped3A_217 = tpu.sem_alloc : memref<!tpu.dma_semaphore, #tpu.memory_space<semaphore_mem>>
      %dma_start3A_218 = arith.constant 0 : i32
      %dma_start3A_219 = arith.constant 0 : i32
      %dma_start3A_220 = tpu.memref_slice %arg3[%add3A, %dma_start3A_218, %dma_start3A_219] : memref<32x320x32xi32, #tpu.memory_space<hbm>> -> memref<1x320x32xi32, #tpu.memory_space<hbm>>
      %dma_start3A_221 = tpu.memref_squeeze %dma_start3A_220 : memref<1x320x32xi32, #tpu.memory_space<hbm>> -> memref<320x32xi32, #tpu.memory_space<hbm>>
      %dma_start3A_222 = arith.constant 0 : i32
      %dma_start3A_223 = arith.constant 0 : i32
      %dma_start3A_224 = tpu.memref_slice %arg3[%add3A, %dma_start3A_222, %dma_start3A_223] : memref<32x320x32xi32, #tpu.memory_space<hbm>> -> memref<1x320x32xi32, #tpu.memory_space<hbm>>
      %dma_start3A_225 = tpu.memref_squeeze %dma_start3A_224 : memref<1x320x32xi32, #tpu.memory_space<hbm>> -> memref<320x32xi32, #tpu.memory_space<hbm>>
      tpu.enqueue_dma source(%dma_start3A_225 : memref<320x32xi32, #tpu.memory_space<hbm>>) target(%arg6 : memref<320x32xi32, #tpu.memory_space<vmem>>) target_semaphore(%run_scoped3A_217 : memref<!tpu.dma_semaphore, #tpu.memory_space<semaphore_mem>>)
      %dma_wait3A_226 = arith.constant 0 : i32
      %dma_wait3A_227 = arith.constant 0 : i32
      %dma_wait3A_228 = tpu.memref_slice %arg3[%add3A, %dma_wait3A_226, %dma_wait3A_227] : memref<32x320x32xi32, #tpu.memory_space<hbm>> -> memref<1x320x32xi32, #tpu.memory_space<hbm>>
      %dma_wait3A_229 = tpu.memref_squeeze %dma_wait3A_228 : memref<1x320x32xi32, #tpu.memory_space<hbm>> -> memref<320x32xi32, #tpu.memory_space<hbm>>
      %dma_wait3A_230 = arith.constant 0 : i32
      %dma_wait3A_231 = arith.constant 0 : i32
      %dma_wait3A_232 = tpu.memref_slice %arg3[%add3A, %dma_wait3A_230, %dma_wait3A_231] : memref<32x320x32xi32, #tpu.memory_space<hbm>> -> memref<1x320x32xi32, #tpu.memory_space<hbm>>
      %dma_wait3A_233 = tpu.memref_squeeze %dma_wait3A_232 : memref<1x320x32xi32, #tpu.memory_space<hbm>> -> memref<320x32xi32, #tpu.memory_space<hbm>>
      tpu.wait_dma2 semaphore(%run_scoped3A_217 : memref<!tpu.dma_semaphore, #tpu.memory_space<semaphore_mem>>) src(%dma_wait3A_233 : memref<320x32xi32, #tpu.memory_space<hbm>>) dst(%arg6 : memref<320x32xi32, #tpu.memory_space<vmem>>)
      tpu.yield
    }) : () -> ()
    %dma_start3A = arith.constant 0 : i32
    %dma_start3A_85 = arith.constant 0 : i32
    %dma_start3A_86 = tpu.memref_slice %arg6[%dma_start3A, %dma_start3A_85] : memref<320x32xi32, #tpu.memory_space<vmem>> -> memref<1x32xi32, #tpu.memory_space<vmem>>
    %dma_start3A_87 = tpu.memref_squeeze %dma_start3A_86 : memref<1x32xi32, #tpu.memory_space<vmem>> -> memref<32xi32, #tpu.memory_space<vmem>>
    %dma_start3A_88 = arith.constant 0 : i32
    %dma_start3A_89 = arith.constant 0 : i32
    %dma_start3A_90 = tpu.memref_slice %arg2[%dma_start3A_88, %dma_start3A_89] : memref<10240x128xf32, #tpu.memory_space<hbm>> -> memref<10240x128xf32, #tpu.memory_space<hbm>>
    tpu.enqueue_indirect_dma source(%dma_start3A_90 : memref<10240x128xf32, #tpu.memory_space<hbm>>) target(%arg8 : memref<32x128xf32, #tpu.memory_space<vmem>>) offsets(%dma_start3A_87 : memref<32xi32, #tpu.memory_space<vmem>>) semaphore(%arg17 : memref<!tpu.dma_semaphore, #tpu.memory_space<semaphore_mem>>)
    %dma_start3A_91 = arith.constant 1 : i32
    %dma_start3A_92 = arith.constant 0 : i32
    %dma_start3A_93 = tpu.memref_slice %arg6[%dma_start3A_91, %dma_start3A_92] : memref<320x32xi32, #tpu.memory_space<vmem>> -> memref<1x32xi32, #tpu.memory_space<vmem>>
    %dma_start3A_94 = tpu.memref_squeeze %dma_start3A_93 : memref<1x32xi32, #tpu.memory_space<vmem>> -> memref<32xi32, #tpu.memory_space<vmem>>
    %dma_start3A_95 = arith.constant 0 : i32
    %dma_start3A_96 = arith.constant 0 : i32
    %dma_start3A_97 = tpu.memref_slice %arg2[%dma_start3A_95, %dma_start3A_96] : memref<10240x128xf32, #tpu.memory_space<hbm>> -> memref<10240x128xf32, #tpu.memory_space<hbm>>
    tpu.enqueue_indirect_dma source(%dma_start3A_97 : memref<10240x128xf32, #tpu.memory_space<hbm>>) target(%arg9 : memref<32x128xf32, #tpu.memory_space<vmem>>) offsets(%dma_start3A_94 : memref<32xi32, #tpu.memory_space<vmem>>) semaphore(%arg18 : memref<!tpu.dma_semaphore, #tpu.memory_space<semaphore_mem>>)
    %dma_start3A_98 = arith.constant 2 : i32
    %dma_start3A_99 = arith.constant 0 : i32
    %dma_start3A_100 = tpu.memref_slice %arg6[%dma_start3A_98, %dma_start3A_99] : memref<320x32xi32, #tpu.memory_space<vmem>> -> memref<1x32xi32, #tpu.memory_space<vmem>>
    %dma_start3A_101 = tpu.memref_squeeze %dma_start3A_100 : memref<1x32xi32, #tpu.memory_space<vmem>> -> memref<32xi32, #tpu.memory_space<vmem>>
    %dma_start3A_102 = arith.constant 0 : i32
    %dma_start3A_103 = arith.constant 0 : i32
    %dma_start3A_104 = tpu.memref_slice %arg2[%dma_start3A_102, %dma_start3A_103] : memref<10240x128xf32, #tpu.memory_space<hbm>> -> memref<10240x128xf32, #tpu.memory_space<hbm>>
    tpu.enqueue_indirect_dma source(%dma_start3A_104 : memref<10240x128xf32, #tpu.memory_space<hbm>>) target(%arg10 : memref<32x128xf32, #tpu.memory_space<vmem>>) offsets(%dma_start3A_101 : memref<32xi32, #tpu.memory_space<vmem>>) semaphore(%arg19 : memref<!tpu.dma_semaphore, #tpu.memory_space<semaphore_mem>>)
    %dma_start3A_105 = arith.constant 3 : i32
    %dma_start3A_106 = arith.constant 0 : i32
    %dma_start3A_107 = tpu.memref_slice %arg6[%dma_start3A_105, %dma_start3A_106] : memref<320x32xi32, #tpu.memory_space<vmem>> -> memref<1x32xi32, #tpu.memory_space<vmem>>
    %dma_start3A_108 = tpu.memref_squeeze %dma_start3A_107 : memref<1x32xi32, #tpu.memory_space<vmem>> -> memref<32xi32, #tpu.memory_space<vmem>>
    %dma_start3A_109 = arith.constant 0 : i32
    %dma_start3A_110 = arith.constant 0 : i32
    %dma_start3A_111 = tpu.memref_slice %arg2[%dma_start3A_109, %dma_start3A_110] : memref<10240x128xf32, #tpu.memory_space<hbm>> -> memref<10240x128xf32, #tpu.memory_space<hbm>>
    tpu.enqueue_indirect_dma source(%dma_start3A_111 : memref<10240x128xf32, #tpu.memory_space<hbm>>) target(%arg11 : memref<32x128xf32, #tpu.memory_space<vmem>>) offsets(%dma_start3A_108 : memref<32xi32, #tpu.memory_space<vmem>>) semaphore(%arg20 : memref<!tpu.dma_semaphore, #tpu.memory_space<semaphore_mem>>)
    %dma_start3A_112 = arith.constant 4 : i32
    %dma_start3A_113 = arith.constant 0 : i32
    %dma_start3A_114 = tpu.memref_slice %arg6[%dma_start3A_112, %dma_start3A_113] : memref<320x32xi32, #tpu.memory_space<vmem>> -> memref<1x32xi32, #tpu.memory_space<vmem>>
    %dma_start3A_115 = tpu.memref_squeeze %dma_start3A_114 : memref<1x32xi32, #tpu.memory_space<vmem>> -> memref<32xi32, #tpu.memory_space<vmem>>
    %dma_start3A_116 = arith.constant 0 : i32
    %dma_start3A_117 = arith.constant 0 : i32
    %dma_start3A_118 = tpu.memref_slice %arg2[%dma_start3A_116, %dma_start3A_117] : memref<10240x128xf32, #tpu.memory_space<hbm>> -> memref<10240x128xf32, #tpu.memory_space<hbm>>
    tpu.enqueue_indirect_dma source(%dma_start3A_118 : memref<10240x128xf32, #tpu.memory_space<hbm>>) target(%arg12 : memref<32x128xf32, #tpu.memory_space<vmem>>) offsets(%dma_start3A_115 : memref<32xi32, #tpu.memory_space<vmem>>) semaphore(%arg21 : memref<!tpu.dma_semaphore, #tpu.memory_space<semaphore_mem>>)
    %dma_start3A_119 = arith.constant 5 : i32
    %dma_start3A_120 = arith.constant 0 : i32
    %dma_start3A_121 = tpu.memref_slice %arg6[%dma_start3A_119, %dma_start3A_120] : memref<320x32xi32, #tpu.memory_space<vmem>> -> memref<1x32xi32, #tpu.memory_space<vmem>>
    %dma_start3A_122 = tpu.memref_squeeze %dma_start3A_121 : memref<1x32xi32, #tpu.memory_space<vmem>> -> memref<32xi32, #tpu.memory_space<vmem>>
    %dma_start3A_123 = arith.constant 0 : i32
    %dma_start3A_124 = arith.constant 0 : i32
    %dma_start3A_125 = tpu.memref_slice %arg2[%dma_start3A_123, %dma_start3A_124] : memref<10240x128xf32, #tpu.memory_space<hbm>> -> memref<10240x128xf32, #tpu.memory_space<hbm>>
    tpu.enqueue_indirect_dma source(%dma_start3A_125 : memref<10240x128xf32, #tpu.memory_space<hbm>>) target(%arg13 : memref<32x128xf32, #tpu.memory_space<vmem>>) offsets(%dma_start3A_122 : memref<32xi32, #tpu.memory_space<vmem>>) semaphore(%arg22 : memref<!tpu.dma_semaphore, #tpu.memory_space<semaphore_mem>>)
    %dma_start3A_126 = arith.constant 6 : i32
    %dma_start3A_127 = arith.constant 0 : i32
    %dma_start3A_128 = tpu.memref_slice %arg6[%dma_start3A_126, %dma_start3A_127] : memref<320x32xi32, #tpu.memory_space<vmem>> -> memref<1x32xi32, #tpu.memory_space<vmem>>
    %dma_start3A_129 = tpu.memref_squeeze %dma_start3A_128 : memref<1x32xi32, #tpu.memory_space<vmem>> -> memref<32xi32, #tpu.memory_space<vmem>>
    %dma_start3A_130 = arith.constant 0 : i32
    %dma_start3A_131 = arith.constant 0 : i32
    %dma_start3A_132 = tpu.memref_slice %arg2[%dma_start3A_130, %dma_start3A_131] : memref<10240x128xf32, #tpu.memory_space<hbm>> -> memref<10240x128xf32, #tpu.memory_space<hbm>>
    tpu.enqueue_indirect_dma source(%dma_start3A_132 : memref<10240x128xf32, #tpu.memory_space<hbm>>) target(%arg14 : memref<32x128xf32, #tpu.memory_space<vmem>>) offsets(%dma_start3A_129 : memref<32xi32, #tpu.memory_space<vmem>>) semaphore(%arg23 : memref<!tpu.dma_semaphore, #tpu.memory_space<semaphore_mem>>)
    %dma_start3A_133 = arith.constant 7 : i32
    %dma_start3A_134 = arith.constant 0 : i32
    %dma_start3A_135 = tpu.memref_slice %arg6[%dma_start3A_133, %dma_start3A_134] : memref<320x32xi32, #tpu.memory_space<vmem>> -> memref<1x32xi32, #tpu.memory_space<vmem>>
    %dma_start3A_136 = tpu.memref_squeeze %dma_start3A_135 : memref<1x32xi32, #tpu.memory_space<vmem>> -> memref<32xi32, #tpu.memory_space<vmem>>
    %dma_start3A_137 = arith.constant 0 : i32
    %dma_start3A_138 = arith.constant 0 : i32
    %dma_start3A_139 = tpu.memref_slice %arg2[%dma_start3A_137, %dma_start3A_138] : memref<10240x128xf32, #tpu.memory_space<hbm>> -> memref<10240x128xf32, #tpu.memory_space<hbm>>
    tpu.enqueue_indirect_dma source(%dma_start3A_139 : memref<10240x128xf32, #tpu.memory_space<hbm>>) target(%arg15 : memref<32x128xf32, #tpu.memory_space<vmem>>) offsets(%dma_start3A_136 : memref<32xi32, #tpu.memory_space<vmem>>) semaphore(%arg24 : memref<!tpu.dma_semaphore, #tpu.memory_space<semaphore_mem>>)
    "tpu.region"() ({
      %run_scoped3A_217 = tpu.sem_alloc : memref<!tpu.dma_semaphore, #tpu.memory_space<semaphore_mem>>
      %dma_start3A_218 = arith.constant 0 : i32
      %dma_start3A_219 = arith.constant 0 : i32
      %dma_start3A_220 = tpu.memref_slice %arg4[%add3A, %dma_start3A_218, %dma_start3A_219] : memref<32x320x32xi32, #tpu.memory_space<hbm>> -> memref<1x160x32xi32, #tpu.memory_space<hbm>>
      %dma_start3A_221 = tpu.memref_squeeze %dma_start3A_220 : memref<1x160x32xi32, #tpu.memory_space<hbm>> -> memref<160x32xi32, #tpu.memory_space<hbm>>
      %dma_start3A_222 = arith.constant 0 : i32
      %dma_start3A_223 = arith.constant 0 : i32
      %dma_start3A_224 = tpu.memref_slice %arg4[%add3A, %dma_start3A_222, %dma_start3A_223] : memref<32x320x32xi32, #tpu.memory_space<hbm>> -> memref<1x160x32xi32, #tpu.memory_space<hbm>>
      %dma_start3A_225 = tpu.memref_squeeze %dma_start3A_224 : memref<1x160x32xi32, #tpu.memory_space<hbm>> -> memref<160x32xi32, #tpu.memory_space<hbm>>
      tpu.enqueue_dma source(%dma_start3A_225 : memref<160x32xi32, #tpu.memory_space<hbm>>) target(%arg7 : memref<160x32xi32, #tpu.memory_space<vmem>>) target_semaphore(%run_scoped3A_217 : memref<!tpu.dma_semaphore, #tpu.memory_space<semaphore_mem>>)
      %dma_wait3A_226 = arith.constant 0 : i32
      %dma_wait3A_227 = arith.constant 0 : i32
      %dma_wait3A_228 = tpu.memref_slice %arg4[%add3A, %dma_wait3A_226, %dma_wait3A_227] : memref<32x320x32xi32, #tpu.memory_space<hbm>> -> memref<1x160x32xi32, #tpu.memory_space<hbm>>
      %dma_wait3A_229 = tpu.memref_squeeze %dma_wait3A_228 : memref<1x160x32xi32, #tpu.memory_space<hbm>> -> memref<160x32xi32, #tpu.memory_space<hbm>>
      %dma_wait3A_230 = arith.constant 0 : i32
      %dma_wait3A_231 = arith.constant 0 : i32
      %dma_wait3A_232 = tpu.memref_slice %arg4[%add3A, %dma_wait3A_230, %dma_wait3A_231] : memref<32x320x32xi32, #tpu.memory_space<hbm>> -> memref<1x160x32xi32, #tpu.memory_space<hbm>>
      %dma_wait3A_233 = tpu.memref_squeeze %dma_wait3A_232 : memref<1x160x32xi32, #tpu.memory_space<hbm>> -> memref<160x32xi32, #tpu.memory_space<hbm>>
      tpu.wait_dma2 semaphore(%run_scoped3A_217 : memref<!tpu.dma_semaphore, #tpu.memory_space<semaphore_mem>>) src(%dma_wait3A_233 : memref<160x32xi32, #tpu.memory_space<hbm>>) dst(%arg7 : memref<160x32xi32, #tpu.memory_space<vmem>>)
      tpu.yield
    }) : () -> ()
    %scan3A_140 = arith.constant 0 : i32
    %scan3A_141 = arith.constant 20 : i32
    %scan3A_142 = arith.addi %scan3A_140, %scan3A_141 : i32
    %scan3A_143 = arith.constant 1 : i32
    scf.for %scan3A_217 = %scan3A_140 to %scan3A_142 step %scan3A_143  : i32 {
      %mul3A_218 = arith.constant 8 : i32
      %mul3A_219 = arith.muli %scan3A_217, %mul3A_218 : i32
      %add3A_220 = arith.constant 0 : i32
      %add3A_221 = arith.addi %add3A_220, %mul3A_219 : i32
      %add3A_222 = arith.constant 0 : i32
      %add3A_223 = arith.addi %add3A_221, %add3A_222 : i32
      %mul3A_224 = arith.constant 8 : i32
      %mul3A_225 = arith.muli %scan3A_217, %mul3A_224 : i32
      %add3A_226 = arith.constant 0 : i32
      %add3A_227 = arith.addi %add3A_226, %mul3A_225 : i32
      %add3A_228 = arith.constant 0 : i32
      %add3A_229 = arith.addi %add3A_227, %add3A_228 : i32
      %dma_wait3A_230 = arith.constant 0 : i32
      %dma_wait3A_231 = tpu.memref_slice %arg6[%add3A_223, %dma_wait3A_230] : memref<320x32xi32, #tpu.memory_space<vmem>> -> memref<1x32xi32, #tpu.memory_space<vmem>>
      %dma_wait3A_232 = tpu.memref_squeeze %dma_wait3A_231 : memref<1x32xi32, #tpu.memory_space<vmem>> -> memref<32xi32, #tpu.memory_space<vmem>>
      %dma_wait3A_233 = arith.constant 0 : i32
      %dma_wait3A_234 = arith.constant 0 : i32
      %dma_wait3A_235 = tpu.memref_slice %arg2[%dma_wait3A_233, %dma_wait3A_234] : memref<10240x128xf32, #tpu.memory_space<hbm>> -> memref<10240x128xf32, #tpu.memory_space<hbm>>
      tpu.wait_indirect_dma semaphore(%arg17 : memref<!tpu.dma_semaphore, #tpu.memory_space<semaphore_mem>>) src(%dma_wait3A_235 : memref<10240x128xf32, #tpu.memory_space<hbm>>) dst(%arg8 : memref<32x128xf32, #tpu.memory_space<vmem>>)
      "tpu.region"() ({
        %run_scoped3A_426 = tpu.sem_alloc : memref<!tpu.dma_semaphore, #tpu.memory_space<semaphore_mem>>
        %dma_start3A_427 = arith.constant 0 : i32
        %dma_start3A_428 = tpu.memref_slice %arg7[%add3A_229, %dma_start3A_427] : memref<160x32xi32, #tpu.memory_space<vmem>> -> memref<1x32xi32, #tpu.memory_space<vmem>>
        %dma_start3A_429 = tpu.memref_squeeze %dma_start3A_428 : memref<1x32xi32, #tpu.memory_space<vmem>> -> memref<32xi32, #tpu.memory_space<vmem>>
        %dma_start3A_430 = arith.constant 0 : i32
        %dma_start3A_431 = arith.constant 0 : i32
        %dma_start3A_432 = tpu.memref_slice %arg16[%dma_start3A_430, %dma_start3A_431] : memref<10240x128xf32, #tpu.memory_space<vmem_shared>> -> memref<10240x128xf32, #tpu.memory_space<vmem_shared>>
        tpu.enqueue_indirect_dma source(%arg8 : memref<32x128xf32, #tpu.memory_space<vmem>>) target(%dma_start3A_432 : memref<10240x128xf32, #tpu.memory_space<vmem_shared>>) offsets(%dma_start3A_429 : memref<32xi32, #tpu.memory_space<vmem>>) semaphore(%run_scoped3A_426 : memref<!tpu.dma_semaphore, #tpu.memory_space<semaphore_mem>>) {add = true}
        %dma_wait3A_433 = arith.constant 0 : i32
        %dma_wait3A_434 = tpu.memref_slice %arg7[%add3A_229, %dma_wait3A_433] : memref<160x32xi32, #tpu.memory_space<vmem>> -> memref<1x32xi32, #tpu.memory_space<vmem>>
        %dma_wait3A_435 = tpu.memref_squeeze %dma_wait3A_434 : memref<1x32xi32, #tpu.memory_space<vmem>> -> memref<32xi32, #tpu.memory_space<vmem>>
        %dma_wait3A_436 = arith.constant 0 : i32
        %dma_wait3A_437 = arith.constant 0 : i32
        %dma_wait3A_438 = tpu.memref_slice %arg16[%dma_wait3A_436, %dma_wait3A_437] : memref<10240x128xf32, #tpu.memory_space<vmem_shared>> -> memref<10240x128xf32, #tpu.memory_space<vmem_shared>>
        tpu.wait_indirect_dma semaphore(%run_scoped3A_426 : memref<!tpu.dma_semaphore, #tpu.memory_space<semaphore_mem>>) src(%arg8 : memref<32x128xf32, #tpu.memory_space<vmem>>) dst(%dma_wait3A_438 : memref<10240x128xf32, #tpu.memory_space<vmem_shared>>)
        tpu.yield
      }) : () -> ()
      %add3A_236 = arith.constant 8 : i32
      %add3A_237 = arith.addi %add3A_223, %add3A_236 : i32
      %dma_start3A_238 = arith.constant 0 : i32
      %dma_start3A_239 = tpu.memref_slice %arg6[%add3A_237, %dma_start3A_238] : memref<320x32xi32, #tpu.memory_space<vmem>> -> memref<1x32xi32, #tpu.memory_space<vmem>>
      %dma_start3A_240 = tpu.memref_squeeze %dma_start3A_239 : memref<1x32xi32, #tpu.memory_space<vmem>> -> memref<32xi32, #tpu.memory_space<vmem>>
      %dma_start3A_241 = arith.constant 0 : i32
      %dma_start3A_242 = arith.constant 0 : i32
      %dma_start3A_243 = tpu.memref_slice %arg2[%dma_start3A_241, %dma_start3A_242] : memref<10240x128xf32, #tpu.memory_space<hbm>> -> memref<10240x128xf32, #tpu.memory_space<hbm>>
      tpu.enqueue_indirect_dma source(%dma_start3A_243 : memref<10240x128xf32, #tpu.memory_space<hbm>>) target(%arg8 : memref<32x128xf32, #tpu.memory_space<vmem>>) offsets(%dma_start3A_240 : memref<32xi32, #tpu.memory_space<vmem>>) semaphore(%arg17 : memref<!tpu.dma_semaphore, #tpu.memory_space<semaphore_mem>>)
      %mul3A_244 = arith.constant 8 : i32
      %mul3A_245 = arith.muli %scan3A_217, %mul3A_244 : i32
      %add3A_246 = arith.constant 0 : i32
      %add3A_247 = arith.addi %add3A_246, %mul3A_245 : i32
      %add3A_248 = arith.constant 1 : i32
      %add3A_249 = arith.addi %add3A_247, %add3A_248 : i32
      %mul3A_250 = arith.constant 8 : i32
      %mul3A_251 = arith.muli %scan3A_217, %mul3A_250 : i32
      %add3A_252 = arith.constant 0 : i32
      %add3A_253 = arith.addi %add3A_252, %mul3A_251 : i32
      %add3A_254 = arith.constant 1 : i32
      %add3A_255 = arith.addi %add3A_253, %add3A_254 : i32
      %dma_wait3A_256 = arith.constant 0 : i32
      %dma_wait3A_257 = tpu.memref_slice %arg6[%add3A_249, %dma_wait3A_256] : memref<320x32xi32, #tpu.memory_space<vmem>> -> memref<1x32xi32, #tpu.memory_space<vmem>>
      %dma_wait3A_258 = tpu.memref_squeeze %dma_wait3A_257 : memref<1x32xi32, #tpu.memory_space<vmem>> -> memref<32xi32, #tpu.memory_space<vmem>>
      %dma_wait3A_259 = arith.constant 0 : i32
      %dma_wait3A_260 = arith.constant 0 : i32
      %dma_wait3A_261 = tpu.memref_slice %arg2[%dma_wait3A_259, %dma_wait3A_260] : memref<10240x128xf32, #tpu.memory_space<hbm>> -> memref<10240x128xf32, #tpu.memory_space<hbm>>
      tpu.wait_indirect_dma semaphore(%arg18 : memref<!tpu.dma_semaphore, #tpu.memory_space<semaphore_mem>>) src(%dma_wait3A_261 : memref<10240x128xf32, #tpu.memory_space<hbm>>) dst(%arg9 : memref<32x128xf32, #tpu.memory_space<vmem>>)
      "tpu.region"() ({
        %run_scoped3A_426 = tpu.sem_alloc : memref<!tpu.dma_semaphore, #tpu.memory_space<semaphore_mem>>
        %dma_start3A_427 = arith.constant 0 : i32
        %dma_start3A_428 = tpu.memref_slice %arg7[%add3A_255, %dma_start3A_427] : memref<160x32xi32, #tpu.memory_space<vmem>> -> memref<1x32xi32, #tpu.memory_space<vmem>>
        %dma_start3A_429 = tpu.memref_squeeze %dma_start3A_428 : memref<1x32xi32, #tpu.memory_space<vmem>> -> memref<32xi32, #tpu.memory_space<vmem>>
        %dma_start3A_430 = arith.constant 0 : i32
        %dma_start3A_431 = arith.constant 0 : i32
        %dma_start3A_432 = tpu.memref_slice %arg16[%dma_start3A_430, %dma_start3A_431] : memref<10240x128xf32, #tpu.memory_space<vmem_shared>> -> memref<10240x128xf32, #tpu.memory_space<vmem_shared>>
        tpu.enqueue_indirect_dma source(%arg9 : memref<32x128xf32, #tpu.memory_space<vmem>>) target(%dma_start3A_432 : memref<10240x128xf32, #tpu.memory_space<vmem_shared>>) offsets(%dma_start3A_429 : memref<32xi32, #tpu.memory_space<vmem>>) semaphore(%run_scoped3A_426 : memref<!tpu.dma_semaphore, #tpu.memory_space<semaphore_mem>>) {add = true}
        %dma_wait3A_433 = arith.constant 0 : i32
        %dma_wait3A_434 = tpu.memref_slice %arg7[%add3A_255, %dma_wait3A_433] : memref<160x32xi32, #tpu.memory_space<vmem>> -> memref<1x32xi32, #tpu.memory_space<vmem>>
        %dma_wait3A_435 = tpu.memref_squeeze %dma_wait3A_434 : memref<1x32xi32, #tpu.memory_space<vmem>> -> memref<32xi32, #tpu.memory_space<vmem>>
        %dma_wait3A_436 = arith.constant 0 : i32
        %dma_wait3A_437 = arith.constant 0 : i32
        %dma_wait3A_438 = tpu.memref_slice %arg16[%dma_wait3A_436, %dma_wait3A_437] : memref<10240x128xf32, #tpu.memory_space<vmem_shared>> -> memref<10240x128xf32, #tpu.memory_space<vmem_shared>>
        tpu.wait_indirect_dma semaphore(%run_scoped3A_426 : memref<!tpu.dma_semaphore, #tpu.memory_space<semaphore_mem>>) src(%arg9 : memref<32x128xf32, #tpu.memory_space<vmem>>) dst(%dma_wait3A_438 : memref<10240x128xf32, #tpu.memory_space<vmem_shared>>)
        tpu.yield
      }) : () -> ()
      %add3A_262 = arith.constant 8 : i32
      %add3A_263 = arith.addi %add3A_249, %add3A_262 : i32
      %dma_start3A_264 = arith.constant 0 : i32
      %dma_start3A_265 = tpu.memref_slice %arg6[%add3A_263, %dma_start3A_264] : memref<320x32xi32, #tpu.memory_space<vmem>> -> memref<1x32xi32, #tpu.memory_space<vmem>>
      %dma_start3A_266 = tpu.memref_squeeze %dma_start3A_265 : memref<1x32xi32, #tpu.memory_space<vmem>> -> memref<32xi32, #tpu.memory_space<vmem>>
      %dma_start3A_267 = arith.constant 0 : i32
      %dma_start3A_268 = arith.constant 0 : i32
      %dma_start3A_269 = tpu.memref_slice %arg2[%dma_start3A_267, %dma_start3A_268] : memref<10240x128xf32, #tpu.memory_space<hbm>> -> memref<10240x128xf32, #tpu.memory_space<hbm>>
      tpu.enqueue_indirect_dma source(%dma_start3A_269 : memref<10240x128xf32, #tpu.memory_space<hbm>>) target(%arg9 : memref<32x128xf32, #tpu.memory_space<vmem>>) offsets(%dma_start3A_266 : memref<32xi32, #tpu.memory_space<vmem>>) semaphore(%arg18 : memref<!tpu.dma_semaphore, #tpu.memory_space<semaphore_mem>>)
      %mul3A_270 = arith.constant 8 : i32
      %mul3A_271 = arith.muli %scan3A_217, %mul3A_270 : i32
      %add3A_272 = arith.constant 0 : i32
      %add3A_273 = arith.addi %add3A_272, %mul3A_271 : i32
      %add3A_274 = arith.constant 2 : i32
      %add3A_275 = arith.addi %add3A_273, %add3A_274 : i32
      %mul3A_276 = arith.constant 8 : i32
      %mul3A_277 = arith.muli %scan3A_217, %mul3A_276 : i32
      %add3A_278 = arith.constant 0 : i32
      %add3A_279 = arith.addi %add3A_278, %mul3A_277 : i32
      %add3A_280 = arith.constant 2 : i32
      %add3A_281 = arith.addi %add3A_279, %add3A_280 : i32
      %dma_wait3A_282 = arith.constant 0 : i32
      %dma_wait3A_283 = tpu.memref_slice %arg6[%add3A_275, %dma_wait3A_282] : memref<320x32xi32, #tpu.memory_space<vmem>> -> memref<1x32xi32, #tpu.memory_space<vmem>>
      %dma_wait3A_284 = tpu.memref_squeeze %dma_wait3A_283 : memref<1x32xi32, #tpu.memory_space<vmem>> -> memref<32xi32, #tpu.memory_space<vmem>>
      %dma_wait3A_285 = arith.constant 0 : i32
      %dma_wait3A_286 = arith.constant 0 : i32
      %dma_wait3A_287 = tpu.memref_slice %arg2[%dma_wait3A_285, %dma_wait3A_286] : memref<10240x128xf32, #tpu.memory_space<hbm>> -> memref<10240x128xf32, #tpu.memory_space<hbm>>
      tpu.wait_indirect_dma semaphore(%arg19 : memref<!tpu.dma_semaphore, #tpu.memory_space<semaphore_mem>>) src(%dma_wait3A_287 : memref<10240x128xf32, #tpu.memory_space<hbm>>) dst(%arg10 : memref<32x128xf32, #tpu.memory_space<vmem>>)
      "tpu.region"() ({
        %run_scoped3A_426 = tpu.sem_alloc : memref<!tpu.dma_semaphore, #tpu.memory_space<semaphore_mem>>
        %dma_start3A_427 = arith.constant 0 : i32
        %dma_start3A_428 = tpu.memref_slice %arg7[%add3A_281, %dma_start3A_427] : memref<160x32xi32, #tpu.memory_space<vmem>> -> memref<1x32xi32, #tpu.memory_space<vmem>>
        %dma_start3A_429 = tpu.memref_squeeze %dma_start3A_428 : memref<1x32xi32, #tpu.memory_space<vmem>> -> memref<32xi32, #tpu.memory_space<vmem>>
        %dma_start3A_430 = arith.constant 0 : i32
        %dma_start3A_431 = arith.constant 0 : i32
        %dma_start3A_432 = tpu.memref_slice %arg16[%dma_start3A_430, %dma_start3A_431] : memref<10240x128xf32, #tpu.memory_space<vmem_shared>> -> memref<10240x128xf32, #tpu.memory_space<vmem_shared>>
        tpu.enqueue_indirect_dma source(%arg10 : memref<32x128xf32, #tpu.memory_space<vmem>>) target(%dma_start3A_432 : memref<10240x128xf32, #tpu.memory_space<vmem_shared>>) offsets(%dma_start3A_429 : memref<32xi32, #tpu.memory_space<vmem>>) semaphore(%run_scoped3A_426 : memref<!tpu.dma_semaphore, #tpu.memory_space<semaphore_mem>>) {add = true}
        %dma_wait3A_433 = arith.constant 0 : i32
        %dma_wait3A_434 = tpu.memref_slice %arg7[%add3A_281, %dma_wait3A_433] : memref<160x32xi32, #tpu.memory_space<vmem>> -> memref<1x32xi32, #tpu.memory_space<vmem>>
        %dma_wait3A_435 = tpu.memref_squeeze %dma_wait3A_434 : memref<1x32xi32, #tpu.memory_space<vmem>> -> memref<32xi32, #tpu.memory_space<vmem>>
        %dma_wait3A_436 = arith.constant 0 : i32
        %dma_wait3A_437 = arith.constant 0 : i32
        %dma_wait3A_438 = tpu.memref_slice %arg16[%dma_wait3A_436, %dma_wait3A_437] : memref<10240x128xf32, #tpu.memory_space<vmem_shared>> -> memref<10240x128xf32, #tpu.memory_space<vmem_shared>>
        tpu.wait_indirect_dma semaphore(%run_scoped3A_426 : memref<!tpu.dma_semaphore, #tpu.memory_space<semaphore_mem>>) src(%arg10 : memref<32x128xf32, #tpu.memory_space<vmem>>) dst(%dma_wait3A_438 : memref<10240x128xf32, #tpu.memory_space<vmem_shared>>)
        tpu.yield
      }) : () -> ()
      %add3A_288 = arith.constant 8 : i32
      %add3A_289 = arith.addi %add3A_275, %add3A_288 : i32
      %dma_start3A_290 = arith.constant 0 : i32
      %dma_start3A_291 = tpu.memref_slice %arg6[%add3A_289, %dma_start3A_290] : memref<320x32xi32, #tpu.memory_space<vmem>> -> memref<1x32xi32, #tpu.memory_space<vmem>>
      %dma_start3A_292 = tpu.memref_squeeze %dma_start3A_291 : memref<1x32xi32, #tpu.memory_space<vmem>> -> memref<32xi32, #tpu.memory_space<vmem>>
      %dma_start3A_293 = arith.constant 0 : i32
      %dma_start3A_294 = arith.constant 0 : i32
      %dma_start3A_295 = tpu.memref_slice %arg2[%dma_start3A_293, %dma_start3A_294] : memref<10240x128xf32, #tpu.memory_space<hbm>> -> memref<10240x128xf32, #tpu.memory_space<hbm>>
      tpu.enqueue_indirect_dma source(%dma_start3A_295 : memref<10240x128xf32, #tpu.memory_space<hbm>>) target(%arg10 : memref<32x128xf32, #tpu.memory_space<vmem>>) offsets(%dma_start3A_292 : memref<32xi32, #tpu.memory_space<vmem>>) semaphore(%arg19 : memref<!tpu.dma_semaphore, #tpu.memory_space<semaphore_mem>>)
      %mul3A_296 = arith.constant 8 : i32
      %mul3A_297 = arith.muli %scan3A_217, %mul3A_296 : i32
      %add3A_298 = arith.constant 0 : i32
      %add3A_299 = arith.addi %add3A_298, %mul3A_297 : i32
      %add3A_300 = arith.constant 3 : i32
      %add3A_301 = arith.addi %add3A_299, %add3A_300 : i32
      %mul3A_302 = arith.constant 8 : i32
      %mul3A_303 = arith.muli %scan3A_217, %mul3A_302 : i32
      %add3A_304 = arith.constant 0 : i32
      %add3A_305 = arith.addi %add3A_304, %mul3A_303 : i32
      %add3A_306 = arith.constant 3 : i32
      %add3A_307 = arith.addi %add3A_305, %add3A_306 : i32
      %dma_wait3A_308 = arith.constant 0 : i32
      %dma_wait3A_309 = tpu.memref_slice %arg6[%add3A_301, %dma_wait3A_308] : memref<320x32xi32, #tpu.memory_space<vmem>> -> memref<1x32xi32, #tpu.memory_space<vmem>>
      %dma_wait3A_310 = tpu.memref_squeeze %dma_wait3A_309 : memref<1x32xi32, #tpu.memory_space<vmem>> -> memref<32xi32, #tpu.memory_space<vmem>>
      %dma_wait3A_311 = arith.constant 0 : i32
      %dma_wait3A_312 = arith.constant 0 : i32
      %dma_wait3A_313 = tpu.memref_slice %arg2[%dma_wait3A_311, %dma_wait3A_312] : memref<10240x128xf32, #tpu.memory_space<hbm>> -> memref<10240x128xf32, #tpu.memory_space<hbm>>
      tpu.wait_indirect_dma semaphore(%arg20 : memref<!tpu.dma_semaphore, #tpu.memory_space<semaphore_mem>>) src(%dma_wait3A_313 : memref<10240x128xf32, #tpu.memory_space<hbm>>) dst(%arg11 : memref<32x128xf32, #tpu.memory_space<vmem>>)
      "tpu.region"() ({
        %run_scoped3A_426 = tpu.sem_alloc : memref<!tpu.dma_semaphore, #tpu.memory_space<semaphore_mem>>
        %dma_start3A_427 = arith.constant 0 : i32
        %dma_start3A_428 = tpu.memref_slice %arg7[%add3A_307, %dma_start3A_427] : memref<160x32xi32, #tpu.memory_space<vmem>> -> memref<1x32xi32, #tpu.memory_space<vmem>>
        %dma_start3A_429 = tpu.memref_squeeze %dma_start3A_428 : memref<1x32xi32, #tpu.memory_space<vmem>> -> memref<32xi32, #tpu.memory_space<vmem>>
        %dma_start3A_430 = arith.constant 0 : i32
        %dma_start3A_431 = arith.constant 0 : i32
        %dma_start3A_432 = tpu.memref_slice %arg16[%dma_start3A_430, %dma_start3A_431] : memref<10240x128xf32, #tpu.memory_space<vmem_shared>> -> memref<10240x128xf32, #tpu.memory_space<vmem_shared>>
        tpu.enqueue_indirect_dma source(%arg11 : memref<32x128xf32, #tpu.memory_space<vmem>>) target(%dma_start3A_432 : memref<10240x128xf32, #tpu.memory_space<vmem_shared>>) offsets(%dma_start3A_429 : memref<32xi32, #tpu.memory_space<vmem>>) semaphore(%run_scoped3A_426 : memref<!tpu.dma_semaphore, #tpu.memory_space<semaphore_mem>>) {add = true}
        %dma_wait3A_433 = arith.constant 0 : i32
        %dma_wait3A_434 = tpu.memref_slice %arg7[%add3A_307, %dma_wait3A_433] : memref<160x32xi32, #tpu.memory_space<vmem>> -> memref<1x32xi32, #tpu.memory_space<vmem>>
        %dma_wait3A_435 = tpu.memref_squeeze %dma_wait3A_434 : memref<1x32xi32, #tpu.memory_space<vmem>> -> memref<32xi32, #tpu.memory_space<vmem>>
        %dma_wait3A_436 = arith.constant 0 : i32
        %dma_wait3A_437 = arith.constant 0 : i32
        %dma_wait3A_438 = tpu.memref_slice %arg16[%dma_wait3A_436, %dma_wait3A_437] : memref<10240x128xf32, #tpu.memory_space<vmem_shared>> -> memref<10240x128xf32, #tpu.memory_space<vmem_shared>>
        tpu.wait_indirect_dma semaphore(%run_scoped3A_426 : memref<!tpu.dma_semaphore, #tpu.memory_space<semaphore_mem>>) src(%arg11 : memref<32x128xf32, #tpu.memory_space<vmem>>) dst(%dma_wait3A_438 : memref<10240x128xf32, #tpu.memory_space<vmem_shared>>)
        tpu.yield
      }) : () -> ()
      %add3A_314 = arith.constant 8 : i32
      %add3A_315 = arith.addi %add3A_301, %add3A_314 : i32
      %dma_start3A_316 = arith.constant 0 : i32
      %dma_start3A_317 = tpu.memref_slice %arg6[%add3A_315, %dma_start3A_316] : memref<320x32xi32, #tpu.memory_space<vmem>> -> memref<1x32xi32, #tpu.memory_space<vmem>>
      %dma_start3A_318 = tpu.memref_squeeze %dma_start3A_317 : memref<1x32xi32, #tpu.memory_space<vmem>> -> memref<32xi32, #tpu.memory_space<vmem>>
      %dma_start3A_319 = arith.constant 0 : i32
      %dma_start3A_320 = arith.constant 0 : i32
      %dma_start3A_321 = tpu.memref_slice %arg2[%dma_start3A_319, %dma_start3A_320] : memref<10240x128xf32, #tpu.memory_space<hbm>> -> memref<10240x128xf32, #tpu.memory_space<hbm>>
      tpu.enqueue_indirect_dma source(%dma_start3A_321 : memref<10240x128xf32, #tpu.memory_space<hbm>>) target(%arg11 : memref<32x128xf32, #tpu.memory_space<vmem>>) offsets(%dma_start3A_318 : memref<32xi32, #tpu.memory_space<vmem>>) semaphore(%arg20 : memref<!tpu.dma_semaphore, #tpu.memory_space<semaphore_mem>>)
      %mul3A_322 = arith.constant 8 : i32
      %mul3A_323 = arith.muli %scan3A_217, %mul3A_322 : i32
      %add3A_324 = arith.constant 0 : i32
      %add3A_325 = arith.addi %add3A_324, %mul3A_323 : i32
      %add3A_326 = arith.constant 4 : i32
      %add3A_327 = arith.addi %add3A_325, %add3A_326 : i32
      %mul3A_328 = arith.constant 8 : i32
      %mul3A_329 = arith.muli %scan3A_217, %mul3A_328 : i32
      %add3A_330 = arith.constant 0 : i32
      %add3A_331 = arith.addi %add3A_330, %mul3A_329 : i32
      %add3A_332 = arith.constant 4 : i32
      %add3A_333 = arith.addi %add3A_331, %add3A_332 : i32
      %dma_wait3A_334 = arith.constant 0 : i32
      %dma_wait3A_335 = tpu.memref_slice %arg6[%add3A_327, %dma_wait3A_334] : memref<320x32xi32, #tpu.memory_space<vmem>> -> memref<1x32xi32, #tpu.memory_space<vmem>>
      %dma_wait3A_336 = tpu.memref_squeeze %dma_wait3A_335 : memref<1x32xi32, #tpu.memory_space<vmem>> -> memref<32xi32, #tpu.memory_space<vmem>>
      %dma_wait3A_337 = arith.constant 0 : i32
      %dma_wait3A_338 = arith.constant 0 : i32
      %dma_wait3A_339 = tpu.memref_slice %arg2[%dma_wait3A_337, %dma_wait3A_338] : memref<10240x128xf32, #tpu.memory_space<hbm>> -> memref<10240x128xf32, #tpu.memory_space<hbm>>
      tpu.wait_indirect_dma semaphore(%arg21 : memref<!tpu.dma_semaphore, #tpu.memory_space<semaphore_mem>>) src(%dma_wait3A_339 : memref<10240x128xf32, #tpu.memory_space<hbm>>) dst(%arg12 : memref<32x128xf32, #tpu.memory_space<vmem>>)
      "tpu.region"() ({
        %run_scoped3A_426 = tpu.sem_alloc : memref<!tpu.dma_semaphore, #tpu.memory_space<semaphore_mem>>
        %dma_start3A_427 = arith.constant 0 : i32
        %dma_start3A_428 = tpu.memref_slice %arg7[%add3A_333, %dma_start3A_427] : memref<160x32xi32, #tpu.memory_space<vmem>> -> memref<1x32xi32, #tpu.memory_space<vmem>>
        %dma_start3A_429 = tpu.memref_squeeze %dma_start3A_428 : memref<1x32xi32, #tpu.memory_space<vmem>> -> memref<32xi32, #tpu.memory_space<vmem>>
        %dma_start3A_430 = arith.constant 0 : i32
        %dma_start3A_431 = arith.constant 0 : i32
        %dma_start3A_432 = tpu.memref_slice %arg16[%dma_start3A_430, %dma_start3A_431] : memref<10240x128xf32, #tpu.memory_space<vmem_shared>> -> memref<10240x128xf32, #tpu.memory_space<vmem_shared>>
        tpu.enqueue_indirect_dma source(%arg12 : memref<32x128xf32, #tpu.memory_space<vmem>>) target(%dma_start3A_432 : memref<10240x128xf32, #tpu.memory_space<vmem_shared>>) offsets(%dma_start3A_429 : memref<32xi32, #tpu.memory_space<vmem>>) semaphore(%run_scoped3A_426 : memref<!tpu.dma_semaphore, #tpu.memory_space<semaphore_mem>>) {add = true}
        %dma_wait3A_433 = arith.constant 0 : i32
        %dma_wait3A_434 = tpu.memref_slice %arg7[%add3A_333, %dma_wait3A_433] : memref<160x32xi32, #tpu.memory_space<vmem>> -> memref<1x32xi32, #tpu.memory_space<vmem>>
        %dma_wait3A_435 = tpu.memref_squeeze %dma_wait3A_434 : memref<1x32xi32, #tpu.memory_space<vmem>> -> memref<32xi32, #tpu.memory_space<vmem>>
        %dma_wait3A_436 = arith.constant 0 : i32
        %dma_wait3A_437 = arith.constant 0 : i32
        %dma_wait3A_438 = tpu.memref_slice %arg16[%dma_wait3A_436, %dma_wait3A_437] : memref<10240x128xf32, #tpu.memory_space<vmem_shared>> -> memref<10240x128xf32, #tpu.memory_space<vmem_shared>>
        tpu.wait_indirect_dma semaphore(%run_scoped3A_426 : memref<!tpu.dma_semaphore, #tpu.memory_space<semaphore_mem>>) src(%arg12 : memref<32x128xf32, #tpu.memory_space<vmem>>) dst(%dma_wait3A_438 : memref<10240x128xf32, #tpu.memory_space<vmem_shared>>)
        tpu.yield
      }) : () -> ()
      %add3A_340 = arith.constant 8 : i32
      %add3A_341 = arith.addi %add3A_327, %add3A_340 : i32
      %dma_start3A_342 = arith.constant 0 : i32
      %dma_start3A_343 = tpu.memref_slice %arg6[%add3A_341, %dma_start3A_342] : memref<320x32xi32, #tpu.memory_space<vmem>> -> memref<1x32xi32, #tpu.memory_space<vmem>>
      %dma_start3A_344 = tpu.memref_squeeze %dma_start3A_343 : memref<1x32xi32, #tpu.memory_space<vmem>> -> memref<32xi32, #tpu.memory_space<vmem>>
      %dma_start3A_345 = arith.constant 0 : i32
      %dma_start3A_346 = arith.constant 0 : i32
      %dma_start3A_347 = tpu.memref_slice %arg2[%dma_start3A_345, %dma_start3A_346] : memref<10240x128xf32, #tpu.memory_space<hbm>> -> memref<10240x128xf32, #tpu.memory_space<hbm>>
      tpu.enqueue_indirect_dma source(%dma_start3A_347 : memref<10240x128xf32, #tpu.memory_space<hbm>>) target(%arg12 : memref<32x128xf32, #tpu.memory_space<vmem>>) offsets(%dma_start3A_344 : memref<32xi32, #tpu.memory_space<vmem>>) semaphore(%arg21 : memref<!tpu.dma_semaphore, #tpu.memory_space<semaphore_mem>>)
      %mul3A_348 = arith.constant 8 : i32
      %mul3A_349 = arith.muli %scan3A_217, %mul3A_348 : i32
      %add3A_350 = arith.constant 0 : i32
      %add3A_351 = arith.addi %add3A_350, %mul3A_349 : i32
      %add3A_352 = arith.constant 5 : i32
      %add3A_353 = arith.addi %add3A_351, %add3A_352 : i32
      %mul3A_354 = arith.constant 8 : i32
      %mul3A_355 = arith.muli %scan3A_217, %mul3A_354 : i32
      %add3A_356 = arith.constant 0 : i32
      %add3A_357 = arith.addi %add3A_356, %mul3A_355 : i32
      %add3A_358 = arith.constant 5 : i32
      %add3A_359 = arith.addi %add3A_357, %add3A_358 : i32
      %dma_wait3A_360 = arith.constant 0 : i32
      %dma_wait3A_361 = tpu.memref_slice %arg6[%add3A_353, %dma_wait3A_360] : memref<320x32xi32, #tpu.memory_space<vmem>> -> memref<1x32xi32, #tpu.memory_space<vmem>>
      %dma_wait3A_362 = tpu.memref_squeeze %dma_wait3A_361 : memref<1x32xi32, #tpu.memory_space<vmem>> -> memref<32xi32, #tpu.memory_space<vmem>>
      %dma_wait3A_363 = arith.constant 0 : i32
      %dma_wait3A_364 = arith.constant 0 : i32
      %dma_wait3A_365 = tpu.memref_slice %arg2[%dma_wait3A_363, %dma_wait3A_364] : memref<10240x128xf32, #tpu.memory_space<hbm>> -> memref<10240x128xf32, #tpu.memory_space<hbm>>
      tpu.wait_indirect_dma semaphore(%arg22 : memref<!tpu.dma_semaphore, #tpu.memory_space<semaphore_mem>>) src(%dma_wait3A_365 : memref<10240x128xf32, #tpu.memory_space<hbm>>) dst(%arg13 : memref<32x128xf32, #tpu.memory_space<vmem>>)
      "tpu.region"() ({
        %run_scoped3A_426 = tpu.sem_alloc : memref<!tpu.dma_semaphore, #tpu.memory_space<semaphore_mem>>
        %dma_start3A_427 = arith.constant 0 : i32
        %dma_start3A_428 = tpu.memref_slice %arg7[%add3A_359, %dma_start3A_427] : memref<160x32xi32, #tpu.memory_space<vmem>> -> memref<1x32xi32, #tpu.memory_space<vmem>>
        %dma_start3A_429 = tpu.memref_squeeze %dma_start3A_428 : memref<1x32xi32, #tpu.memory_space<vmem>> -> memref<32xi32, #tpu.memory_space<vmem>>
        %dma_start3A_430 = arith.constant 0 : i32
        %dma_start3A_431 = arith.constant 0 : i32
        %dma_start3A_432 = tpu.memref_slice %arg16[%dma_start3A_430, %dma_start3A_431] : memref<10240x128xf32, #tpu.memory_space<vmem_shared>> -> memref<10240x128xf32, #tpu.memory_space<vmem_shared>>
        tpu.enqueue_indirect_dma source(%arg13 : memref<32x128xf32, #tpu.memory_space<vmem>>) target(%dma_start3A_432 : memref<10240x128xf32, #tpu.memory_space<vmem_shared>>) offsets(%dma_start3A_429 : memref<32xi32, #tpu.memory_space<vmem>>) semaphore(%run_scoped3A_426 : memref<!tpu.dma_semaphore, #tpu.memory_space<semaphore_mem>>) {add = true}
        %dma_wait3A_433 = arith.constant 0 : i32
        %dma_wait3A_434 = tpu.memref_slice %arg7[%add3A_359, %dma_wait3A_433] : memref<160x32xi32, #tpu.memory_space<vmem>> -> memref<1x32xi32, #tpu.memory_space<vmem>>
        %dma_wait3A_435 = tpu.memref_squeeze %dma_wait3A_434 : memref<1x32xi32, #tpu.memory_space<vmem>> -> memref<32xi32, #tpu.memory_space<vmem>>
        %dma_wait3A_436 = arith.constant 0 : i32
        %dma_wait3A_437 = arith.constant 0 : i32
        %dma_wait3A_438 = tpu.memref_slice %arg16[%dma_wait3A_436, %dma_wait3A_437] : memref<10240x128xf32, #tpu.memory_space<vmem_shared>> -> memref<10240x128xf32, #tpu.memory_space<vmem_shared>>
        tpu.wait_indirect_dma semaphore(%run_scoped3A_426 : memref<!tpu.dma_semaphore, #tpu.memory_space<semaphore_mem>>) src(%arg13 : memref<32x128xf32, #tpu.memory_space<vmem>>) dst(%dma_wait3A_438 : memref<10240x128xf32, #tpu.memory_space<vmem_shared>>)
        tpu.yield
      }) : () -> ()
      %add3A_366 = arith.constant 8 : i32
      %add3A_367 = arith.addi %add3A_353, %add3A_366 : i32
      %dma_start3A_368 = arith.constant 0 : i32
      %dma_start3A_369 = tpu.memref_slice %arg6[%add3A_367, %dma_start3A_368] : memref<320x32xi32, #tpu.memory_space<vmem>> -> memref<1x32xi32, #tpu.memory_space<vmem>>
      %dma_start3A_370 = tpu.memref_squeeze %dma_start3A_369 : memref<1x32xi32, #tpu.memory_space<vmem>> -> memref<32xi32, #tpu.memory_space<vmem>>
      %dma_start3A_371 = arith.constant 0 : i32
      %dma_start3A_372 = arith.constant 0 : i32
      %dma_start3A_373 = tpu.memref_slice %arg2[%dma_start3A_371, %dma_start3A_372] : memref<10240x128xf32, #tpu.memory_space<hbm>> -> memref<10240x128xf32, #tpu.memory_space<hbm>>
      tpu.enqueue_indirect_dma source(%dma_start3A_373 : memref<10240x128xf32, #tpu.memory_space<hbm>>) target(%arg13 : memref<32x128xf32, #tpu.memory_space<vmem>>) offsets(%dma_start3A_370 : memref<32xi32, #tpu.memory_space<vmem>>) semaphore(%arg22 : memref<!tpu.dma_semaphore, #tpu.memory_space<semaphore_mem>>)
      %mul3A_374 = arith.constant 8 : i32
      %mul3A_375 = arith.muli %scan3A_217, %mul3A_374 : i32
      %add3A_376 = arith.constant 0 : i32
      %add3A_377 = arith.addi %add3A_376, %mul3A_375 : i32
      %add3A_378 = arith.constant 6 : i32
      %add3A_379 = arith.addi %add3A_377, %add3A_378 : i32
      %mul3A_380 = arith.constant 8 : i32
      %mul3A_381 = arith.muli %scan3A_217, %mul3A_380 : i32
      %add3A_382 = arith.constant 0 : i32
      %add3A_383 = arith.addi %add3A_382, %mul3A_381 : i32
      %add3A_384 = arith.constant 6 : i32
      %add3A_385 = arith.addi %add3A_383, %add3A_384 : i32
      %dma_wait3A_386 = arith.constant 0 : i32
      %dma_wait3A_387 = tpu.memref_slice %arg6[%add3A_379, %dma_wait3A_386] : memref<320x32xi32, #tpu.memory_space<vmem>> -> memref<1x32xi32, #tpu.memory_space<vmem>>
      %dma_wait3A_388 = tpu.memref_squeeze %dma_wait3A_387 : memref<1x32xi32, #tpu.memory_space<vmem>> -> memref<32xi32, #tpu.memory_space<vmem>>
      %dma_wait3A_389 = arith.constant 0 : i32
      %dma_wait3A_390 = arith.constant 0 : i32
      %dma_wait3A_391 = tpu.memref_slice %arg2[%dma_wait3A_389, %dma_wait3A_390] : memref<10240x128xf32, #tpu.memory_space<hbm>> -> memref<10240x128xf32, #tpu.memory_space<hbm>>
      tpu.wait_indirect_dma semaphore(%arg23 : memref<!tpu.dma_semaphore, #tpu.memory_space<semaphore_mem>>) src(%dma_wait3A_391 : memref<10240x128xf32, #tpu.memory_space<hbm>>) dst(%arg14 : memref<32x128xf32, #tpu.memory_space<vmem>>)
      "tpu.region"() ({
        %run_scoped3A_426 = tpu.sem_alloc : memref<!tpu.dma_semaphore, #tpu.memory_space<semaphore_mem>>
        %dma_start3A_427 = arith.constant 0 : i32
        %dma_start3A_428 = tpu.memref_slice %arg7[%add3A_385, %dma_start3A_427] : memref<160x32xi32, #tpu.memory_space<vmem>> -> memref<1x32xi32, #tpu.memory_space<vmem>>
        %dma_start3A_429 = tpu.memref_squeeze %dma_start3A_428 : memref<1x32xi32, #tpu.memory_space<vmem>> -> memref<32xi32, #tpu.memory_space<vmem>>
        %dma_start3A_430 = arith.constant 0 : i32
        %dma_start3A_431 = arith.constant 0 : i32
        %dma_start3A_432 = tpu.memref_slice %arg16[%dma_start3A_430, %dma_start3A_431] : memref<10240x128xf32, #tpu.memory_space<vmem_shared>> -> memref<10240x128xf32, #tpu.memory_space<vmem_shared>>
        tpu.enqueue_indirect_dma source(%arg14 : memref<32x128xf32, #tpu.memory_space<vmem>>) target(%dma_start3A_432 : memref<10240x128xf32, #tpu.memory_space<vmem_shared>>) offsets(%dma_start3A_429 : memref<32xi32, #tpu.memory_space<vmem>>) semaphore(%run_scoped3A_426 : memref<!tpu.dma_semaphore, #tpu.memory_space<semaphore_mem>>) {add = true}
        %dma_wait3A_433 = arith.constant 0 : i32
        %dma_wait3A_434 = tpu.memref_slice %arg7[%add3A_385, %dma_wait3A_433] : memref<160x32xi32, #tpu.memory_space<vmem>> -> memref<1x32xi32, #tpu.memory_space<vmem>>
        %dma_wait3A_435 = tpu.memref_squeeze %dma_wait3A_434 : memref<1x32xi32, #tpu.memory_space<vmem>> -> memref<32xi32, #tpu.memory_space<vmem>>
        %dma_wait3A_436 = arith.constant 0 : i32
        %dma_wait3A_437 = arith.constant 0 : i32
        %dma_wait3A_438 = tpu.memref_slice %arg16[%dma_wait3A_436, %dma_wait3A_437] : memref<10240x128xf32, #tpu.memory_space<vmem_shared>> -> memref<10240x128xf32, #tpu.memory_space<vmem_shared>>
        tpu.wait_indirect_dma semaphore(%run_scoped3A_426 : memref<!tpu.dma_semaphore, #tpu.memory_space<semaphore_mem>>) src(%arg14 : memref<32x128xf32, #tpu.memory_space<vmem>>) dst(%dma_wait3A_438 : memref<10240x128xf32, #tpu.memory_space<vmem_shared>>)
        tpu.yield
      }) : () -> ()
      %add3A_392 = arith.constant 8 : i32
      %add3A_393 = arith.addi %add3A_379, %add3A_392 : i32
      %dma_start3A_394 = arith.constant 0 : i32
      %dma_start3A_395 = tpu.memref_slice %arg6[%add3A_393, %dma_start3A_394] : memref<320x32xi32, #tpu.memory_space<vmem>> -> memref<1x32xi32, #tpu.memory_space<vmem>>
      %dma_start3A_396 = tpu.memref_squeeze %dma_start3A_395 : memref<1x32xi32, #tpu.memory_space<vmem>> -> memref<32xi32, #tpu.memory_space<vmem>>
      %dma_start3A_397 = arith.constant 0 : i32
      %dma_start3A_398 = arith.constant 0 : i32
      %dma_start3A_399 = tpu.memref_slice %arg2[%dma_start3A_397, %dma_start3A_398] : memref<10240x128xf32, #tpu.memory_space<hbm>> -> memref<10240x128xf32, #tpu.memory_space<hbm>>
      tpu.enqueue_indirect_dma source(%dma_start3A_399 : memref<10240x128xf32, #tpu.memory_space<hbm>>) target(%arg14 : memref<32x128xf32, #tpu.memory_space<vmem>>) offsets(%dma_start3A_396 : memref<32xi32, #tpu.memory_space<vmem>>) semaphore(%arg23 : memref<!tpu.dma_semaphore, #tpu.memory_space<semaphore_mem>>)
      %mul3A_400 = arith.constant 8 : i32
      %mul3A_401 = arith.muli %scan3A_217, %mul3A_400 : i32
      %add3A_402 = arith.constant 0 : i32
      %add3A_403 = arith.addi %add3A_402, %mul3A_401 : i32
      %add3A_404 = arith.constant 7 : i32
      %add3A_405 = arith.addi %add3A_403, %add3A_404 : i32
      %mul3A_406 = arith.constant 8 : i32
      %mul3A_407 = arith.muli %scan3A_217, %mul3A_406 : i32
      %add3A_408 = arith.constant 0 : i32
      %add3A_409 = arith.addi %add3A_408, %mul3A_407 : i32
      %add3A_410 = arith.constant 7 : i32
      %add3A_411 = arith.addi %add3A_409, %add3A_410 : i32
      %dma_wait3A_412 = arith.constant 0 : i32
      %dma_wait3A_413 = tpu.memref_slice %arg6[%add3A_405, %dma_wait3A_412] : memref<320x32xi32, #tpu.memory_space<vmem>> -> memref<1x32xi32, #tpu.memory_space<vmem>>
      %dma_wait3A_414 = tpu.memref_squeeze %dma_wait3A_413 : memref<1x32xi32, #tpu.memory_space<vmem>> -> memref<32xi32, #tpu.memory_space<vmem>>
      %dma_wait3A_415 = arith.constant 0 : i32
      %dma_wait3A_416 = arith.constant 0 : i32
      %dma_wait3A_417 = tpu.memref_slice %arg2[%dma_wait3A_415, %dma_wait3A_416] : memref<10240x128xf32, #tpu.memory_space<hbm>> -> memref<10240x128xf32, #tpu.memory_space<hbm>>
      tpu.wait_indirect_dma semaphore(%arg24 : memref<!tpu.dma_semaphore, #tpu.memory_space<semaphore_mem>>) src(%dma_wait3A_417 : memref<10240x128xf32, #tpu.memory_space<hbm>>) dst(%arg15 : memref<32x128xf32, #tpu.memory_space<vmem>>)
      "tpu.region"() ({
        %run_scoped3A_426 = tpu.sem_alloc : memref<!tpu.dma_semaphore, #tpu.memory_space<semaphore_mem>>
        %dma_start3A_427 = arith.constant 0 : i32
        %dma_start3A_428 = tpu.memref_slice %arg7[%add3A_411, %dma_start3A_427] : memref<160x32xi32, #tpu.memory_space<vmem>> -> memref<1x32xi32, #tpu.memory_space<vmem>>
        %dma_start3A_429 = tpu.memref_squeeze %dma_start3A_428 : memref<1x32xi32, #tpu.memory_space<vmem>> -> memref<32xi32, #tpu.memory_space<vmem>>
        %dma_start3A_430 = arith.constant 0 : i32
        %dma_start3A_431 = arith.constant 0 : i32
        %dma_start3A_432 = tpu.memref_slice %arg16[%dma_start3A_430, %dma_start3A_431] : memref<10240x128xf32, #tpu.memory_space<vmem_shared>> -> memref<10240x128xf32, #tpu.memory_space<vmem_shared>>
        tpu.enqueue_indirect_dma source(%arg15 : memref<32x128xf32, #tpu.memory_space<vmem>>) target(%dma_start3A_432 : memref<10240x128xf32, #tpu.memory_space<vmem_shared>>) offsets(%dma_start3A_429 : memref<32xi32, #tpu.memory_space<vmem>>) semaphore(%run_scoped3A_426 : memref<!tpu.dma_semaphore, #tpu.memory_space<semaphore_mem>>) {add = true}
        %dma_wait3A_433 = arith.constant 0 : i32
        %dma_wait3A_434 = tpu.memref_slice %arg7[%add3A_411, %dma_wait3A_433] : memref<160x32xi32, #tpu.memory_space<vmem>> -> memref<1x32xi32, #tpu.memory_space<vmem>>
        %dma_wait3A_435 = tpu.memref_squeeze %dma_wait3A_434 : memref<1x32xi32, #tpu.memory_space<vmem>> -> memref<32xi32, #tpu.memory_space<vmem>>
        %dma_wait3A_436 = arith.constant 0 : i32
        %dma_wait3A_437 = arith.constant 0 : i32
        %dma_wait3A_438 = tpu.memref_slice %arg16[%dma_wait3A_436, %dma_wait3A_437] : memref<10240x128xf32, #tpu.memory_space<vmem_shared>> -> memref<10240x128xf32, #tpu.memory_space<vmem_shared>>
        tpu.wait_indirect_dma semaphore(%run_scoped3A_426 : memref<!tpu.dma_semaphore, #tpu.memory_space<semaphore_mem>>) src(%arg15 : memref<32x128xf32, #tpu.memory_space<vmem>>) dst(%dma_wait3A_438 : memref<10240x128xf32, #tpu.memory_space<vmem_shared>>)
        tpu.yield
      }) : () -> ()
      %add3A_418 = arith.constant 8 : i32
      %add3A_419 = arith.addi %add3A_405, %add3A_418 : i32
      %dma_start3A_420 = arith.constant 0 : i32
      %dma_start3A_421 = tpu.memref_slice %arg6[%add3A_419, %dma_start3A_420] : memref<320x32xi32, #tpu.memory_space<vmem>> -> memref<1x32xi32, #tpu.memory_space<vmem>>
      %dma_start3A_422 = tpu.memref_squeeze %dma_start3A_421 : memref<1x32xi32, #tpu.memory_space<vmem>> -> memref<32xi32, #tpu.memory_space<vmem>>
      %dma_start3A_423 = arith.constant 0 : i32
      %dma_start3A_424 = arith.constant 0 : i32
      %dma_start3A_425 = tpu.memref_slice %arg2[%dma_start3A_423, %dma_start3A_424] : memref<10240x128xf32, #tpu.memory_space<hbm>> -> memref<10240x128xf32, #tpu.memory_space<hbm>>
      tpu.enqueue_indirect_dma source(%dma_start3A_425 : memref<10240x128xf32, #tpu.memory_space<hbm>>) target(%arg15 : memref<32x128xf32, #tpu.memory_space<vmem>>) offsets(%dma_start3A_422 : memref<32xi32, #tpu.memory_space<vmem>>) semaphore(%arg24 : memref<!tpu.dma_semaphore, #tpu.memory_space<semaphore_mem>>)
    }
    %scan3A_144 = arith.constant 20 : i32
    "tpu.region"() ({
      %run_scoped3A_217 = tpu.sem_alloc : memref<!tpu.dma_semaphore, #tpu.memory_space<semaphore_mem>>
      %dma_start3A_218 = arith.constant 160 : i32
      %dma_start3A_219 = arith.constant 0 : i32
      %dma_start3A_220 = tpu.memref_slice %arg4[%add3A, %dma_start3A_218, %dma_start3A_219] : memref<32x320x32xi32, #tpu.memory_space<hbm>> -> memref<1x160x32xi32, #tpu.memory_space<hbm>>
      %dma_start3A_221 = tpu.memref_squeeze %dma_start3A_220 : memref<1x160x32xi32, #tpu.memory_space<hbm>> -> memref<160x32xi32, #tpu.memory_space<hbm>>
      %dma_start3A_222 = arith.constant 160 : i32
      %dma_start3A_223 = arith.constant 0 : i32
      %dma_start3A_224 = tpu.memref_slice %arg4[%add3A, %dma_start3A_222, %dma_start3A_223] : memref<32x320x32xi32, #tpu.memory_space<hbm>> -> memref<1x160x32xi32, #tpu.memory_space<hbm>>
      %dma_start3A_225 = tpu.memref_squeeze %dma_start3A_224 : memref<1x160x32xi32, #tpu.memory_space<hbm>> -> memref<160x32xi32, #tpu.memory_space<hbm>>
      tpu.enqueue_dma source(%dma_start3A_225 : memref<160x32xi32, #tpu.memory_space<hbm>>) target(%arg7 : memref<160x32xi32, #tpu.memory_space<vmem>>) target_semaphore(%run_scoped3A_217 : memref<!tpu.dma_semaphore, #tpu.memory_space<semaphore_mem>>)
      %dma_wait3A_226 = arith.constant 160 : i32
      %dma_wait3A_227 = arith.constant 0 : i32
      %dma_wait3A_228 = tpu.memref_slice %arg4[%add3A, %dma_wait3A_226, %dma_wait3A_227] : memref<32x320x32xi32, #tpu.memory_space<hbm>> -> memref<1x160x32xi32, #tpu.memory_space<hbm>>
      %dma_wait3A_229 = tpu.memref_squeeze %dma_wait3A_228 : memref<1x160x32xi32, #tpu.memory_space<hbm>> -> memref<160x32xi32, #tpu.memory_space<hbm>>
      %dma_wait3A_230 = arith.constant 160 : i32
      %dma_wait3A_231 = arith.constant 0 : i32
      %dma_wait3A_232 = tpu.memref_slice %arg4[%add3A, %dma_wait3A_230, %dma_wait3A_231] : memref<32x320x32xi32, #tpu.memory_space<hbm>> -> memref<1x160x32xi32, #tpu.memory_space<hbm>>
      %dma_wait3A_233 = tpu.memref_squeeze %dma_wait3A_232 : memref<1x160x32xi32, #tpu.memory_space<hbm>> -> memref<160x32xi32, #tpu.memory_space<hbm>>
      tpu.wait_dma2 semaphore(%run_scoped3A_217 : memref<!tpu.dma_semaphore, #tpu.memory_space<semaphore_mem>>) src(%dma_wait3A_233 : memref<160x32xi32, #tpu.memory_space<hbm>>) dst(%arg7 : memref<160x32xi32, #tpu.memory_space<vmem>>)
      tpu.yield
    }) : () -> ()
    %scan3A_145 = arith.constant 0 : i32
    %scan3A_146 = arith.constant 19 : i32
    %scan3A_147 = arith.addi %scan3A_145, %scan3A_146 : i32
    %scan3A_148 = arith.constant 1 : i32
    scf.for %scan3A_217 = %scan3A_145 to %scan3A_147 step %scan3A_148  : i32 {
      %mul3A_218 = arith.constant 8 : i32
      %mul3A_219 = arith.muli %scan3A_217, %mul3A_218 : i32
      %add3A_220 = arith.constant 160 : i32
      %add3A_221 = arith.addi %add3A_220, %mul3A_219 : i32
      %add3A_222 = arith.constant 0 : i32
      %add3A_223 = arith.addi %add3A_221, %add3A_222 : i32
      %mul3A_224 = arith.constant 8 : i32
      %mul3A_225 = arith.muli %scan3A_217, %mul3A_224 : i32
      %add3A_226 = arith.constant 0 : i32
      %add3A_227 = arith.addi %add3A_226, %mul3A_225 : i32
      %add3A_228 = arith.constant 0 : i32
      %add3A_229 = arith.addi %add3A_227, %add3A_228 : i32
      %dma_wait3A_230 = arith.constant 0 : i32
      %dma_wait3A_231 = tpu.memref_slice %arg6[%add3A_223, %dma_wait3A_230] : memref<320x32xi32, #tpu.memory_space<vmem>> -> memref<1x32xi32, #tpu.memory_space<vmem>>
      %dma_wait3A_232 = tpu.memref_squeeze %dma_wait3A_231 : memref<1x32xi32, #tpu.memory_space<vmem>> -> memref<32xi32, #tpu.memory_space<vmem>>
      %dma_wait3A_233 = arith.constant 0 : i32
      %dma_wait3A_234 = arith.constant 0 : i32
      %dma_wait3A_235 = tpu.memref_slice %arg2[%dma_wait3A_233, %dma_wait3A_234] : memref<10240x128xf32, #tpu.memory_space<hbm>> -> memref<10240x128xf32, #tpu.memory_space<hbm>>
      tpu.wait_indirect_dma semaphore(%arg17 : memref<!tpu.dma_semaphore, #tpu.memory_space<semaphore_mem>>) src(%dma_wait3A_235 : memref<10240x128xf32, #tpu.memory_space<hbm>>) dst(%arg8 : memref<32x128xf32, #tpu.memory_space<vmem>>)
      "tpu.region"() ({
        %run_scoped3A_426 = tpu.sem_alloc : memref<!tpu.dma_semaphore, #tpu.memory_space<semaphore_mem>>
        %dma_start3A_427 = arith.constant 0 : i32
        %dma_start3A_428 = tpu.memref_slice %arg7[%add3A_229, %dma_start3A_427] : memref<160x32xi32, #tpu.memory_space<vmem>> -> memref<1x32xi32, #tpu.memory_space<vmem>>
        %dma_start3A_429 = tpu.memref_squeeze %dma_start3A_428 : memref<1x32xi32, #tpu.memory_space<vmem>> -> memref<32xi32, #tpu.memory_space<vmem>>
        %dma_start3A_430 = arith.constant 0 : i32
        %dma_start3A_431 = arith.constant 0 : i32
        %dma_start3A_432 = tpu.memref_slice %arg16[%dma_start3A_430, %dma_start3A_431] : memref<10240x128xf32, #tpu.memory_space<vmem_shared>> -> memref<10240x128xf32, #tpu.memory_space<vmem_shared>>
        tpu.enqueue_indirect_dma source(%arg8 : memref<32x128xf32, #tpu.memory_space<vmem>>) target(%dma_start3A_432 : memref<10240x128xf32, #tpu.memory_space<vmem_shared>>) offsets(%dma_start3A_429 : memref<32xi32, #tpu.memory_space<vmem>>) semaphore(%run_scoped3A_426 : memref<!tpu.dma_semaphore, #tpu.memory_space<semaphore_mem>>) {add = true}
        %dma_wait3A_433 = arith.constant 0 : i32
        %dma_wait3A_434 = tpu.memref_slice %arg7[%add3A_229, %dma_wait3A_433] : memref<160x32xi32, #tpu.memory_space<vmem>> -> memref<1x32xi32, #tpu.memory_space<vmem>>
        %dma_wait3A_435 = tpu.memref_squeeze %dma_wait3A_434 : memref<1x32xi32, #tpu.memory_space<vmem>> -> memref<32xi32, #tpu.memory_space<vmem>>
        %dma_wait3A_436 = arith.constant 0 : i32
        %dma_wait3A_437 = arith.constant 0 : i32
        %dma_wait3A_438 = tpu.memref_slice %arg16[%dma_wait3A_436, %dma_wait3A_437] : memref<10240x128xf32, #tpu.memory_space<vmem_shared>> -> memref<10240x128xf32, #tpu.memory_space<vmem_shared>>
        tpu.wait_indirect_dma semaphore(%run_scoped3A_426 : memref<!tpu.dma_semaphore, #tpu.memory_space<semaphore_mem>>) src(%arg8 : memref<32x128xf32, #tpu.memory_space<vmem>>) dst(%dma_wait3A_438 : memref<10240x128xf32, #tpu.memory_space<vmem_shared>>)
        tpu.yield
      }) : () -> ()
      %add3A_236 = arith.constant 8 : i32
      %add3A_237 = arith.addi %add3A_223, %add3A_236 : i32
      %dma_start3A_238 = arith.constant 0 : i32
      %dma_start3A_239 = tpu.memref_slice %arg6[%add3A_237, %dma_start3A_238] : memref<320x32xi32, #tpu.memory_space<vmem>> -> memref<1x32xi32, #tpu.memory_space<vmem>>
      %dma_start3A_240 = tpu.memref_squeeze %dma_start3A_239 : memref<1x32xi32, #tpu.memory_space<vmem>> -> memref<32xi32, #tpu.memory_space<vmem>>
      %dma_start3A_241 = arith.constant 0 : i32
      %dma_start3A_242 = arith.constant 0 : i32
      %dma_start3A_243 = tpu.memref_slice %arg2[%dma_start3A_241, %dma_start3A_242] : memref<10240x128xf32, #tpu.memory_space<hbm>> -> memref<10240x128xf32, #tpu.memory_space<hbm>>
      tpu.enqueue_indirect_dma source(%dma_start3A_243 : memref<10240x128xf32, #tpu.memory_space<hbm>>) target(%arg8 : memref<32x128xf32, #tpu.memory_space<vmem>>) offsets(%dma_start3A_240 : memref<32xi32, #tpu.memory_space<vmem>>) semaphore(%arg17 : memref<!tpu.dma_semaphore, #tpu.memory_space<semaphore_mem>>)
      %mul3A_244 = arith.constant 8 : i32
      %mul3A_245 = arith.muli %scan3A_217, %mul3A_244 : i32
      %add3A_246 = arith.constant 160 : i32
      %add3A_247 = arith.addi %add3A_246, %mul3A_245 : i32
      %add3A_248 = arith.constant 1 : i32
      %add3A_249 = arith.addi %add3A_247, %add3A_248 : i32
      %mul3A_250 = arith.constant 8 : i32
      %mul3A_251 = arith.muli %scan3A_217, %mul3A_250 : i32
      %add3A_252 = arith.constant 0 : i32
      %add3A_253 = arith.addi %add3A_252, %mul3A_251 : i32
      %add3A_254 = arith.constant 1 : i32
      %add3A_255 = arith.addi %add3A_253, %add3A_254 : i32
      %dma_wait3A_256 = arith.constant 0 : i32
      %dma_wait3A_257 = tpu.memref_slice %arg6[%add3A_249, %dma_wait3A_256] : memref<320x32xi32, #tpu.memory_space<vmem>> -> memref<1x32xi32, #tpu.memory_space<vmem>>
      %dma_wait3A_258 = tpu.memref_squeeze %dma_wait3A_257 : memref<1x32xi32, #tpu.memory_space<vmem>> -> memref<32xi32, #tpu.memory_space<vmem>>
      %dma_wait3A_259 = arith.constant 0 : i32
      %dma_wait3A_260 = arith.constant 0 : i32
      %dma_wait3A_261 = tpu.memref_slice %arg2[%dma_wait3A_259, %dma_wait3A_260] : memref<10240x128xf32, #tpu.memory_space<hbm>> -> memref<10240x128xf32, #tpu.memory_space<hbm>>
      tpu.wait_indirect_dma semaphore(%arg18 : memref<!tpu.dma_semaphore, #tpu.memory_space<semaphore_mem>>) src(%dma_wait3A_261 : memref<10240x128xf32, #tpu.memory_space<hbm>>) dst(%arg9 : memref<32x128xf32, #tpu.memory_space<vmem>>)
      "tpu.region"() ({
        %run_scoped3A_426 = tpu.sem_alloc : memref<!tpu.dma_semaphore, #tpu.memory_space<semaphore_mem>>
        %dma_start3A_427 = arith.constant 0 : i32
        %dma_start3A_428 = tpu.memref_slice %arg7[%add3A_255, %dma_start3A_427] : memref<160x32xi32, #tpu.memory_space<vmem>> -> memref<1x32xi32, #tpu.memory_space<vmem>>
        %dma_start3A_429 = tpu.memref_squeeze %dma_start3A_428 : memref<1x32xi32, #tpu.memory_space<vmem>> -> memref<32xi32, #tpu.memory_space<vmem>>
        %dma_start3A_430 = arith.constant 0 : i32
        %dma_start3A_431 = arith.constant 0 : i32
        %dma_start3A_432 = tpu.memref_slice %arg16[%dma_start3A_430, %dma_start3A_431] : memref<10240x128xf32, #tpu.memory_space<vmem_shared>> -> memref<10240x128xf32, #tpu.memory_space<vmem_shared>>
        tpu.enqueue_indirect_dma source(%arg9 : memref<32x128xf32, #tpu.memory_space<vmem>>) target(%dma_start3A_432 : memref<10240x128xf32, #tpu.memory_space<vmem_shared>>) offsets(%dma_start3A_429 : memref<32xi32, #tpu.memory_space<vmem>>) semaphore(%run_scoped3A_426 : memref<!tpu.dma_semaphore, #tpu.memory_space<semaphore_mem>>) {add = true}
        %dma_wait3A_433 = arith.constant 0 : i32
        %dma_wait3A_434 = tpu.memref_slice %arg7[%add3A_255, %dma_wait3A_433] : memref<160x32xi32, #tpu.memory_space<vmem>> -> memref<1x32xi32, #tpu.memory_space<vmem>>
        %dma_wait3A_435 = tpu.memref_squeeze %dma_wait3A_434 : memref<1x32xi32, #tpu.memory_space<vmem>> -> memref<32xi32, #tpu.memory_space<vmem>>
        %dma_wait3A_436 = arith.constant 0 : i32
        %dma_wait3A_437 = arith.constant 0 : i32
        %dma_wait3A_438 = tpu.memref_slice %arg16[%dma_wait3A_436, %dma_wait3A_437] : memref<10240x128xf32, #tpu.memory_space<vmem_shared>> -> memref<10240x128xf32, #tpu.memory_space<vmem_shared>>
        tpu.wait_indirect_dma semaphore(%run_scoped3A_426 : memref<!tpu.dma_semaphore, #tpu.memory_space<semaphore_mem>>) src(%arg9 : memref<32x128xf32, #tpu.memory_space<vmem>>) dst(%dma_wait3A_438 : memref<10240x128xf32, #tpu.memory_space<vmem_shared>>)
        tpu.yield
      }) : () -> ()
      %add3A_262 = arith.constant 8 : i32
      %add3A_263 = arith.addi %add3A_249, %add3A_262 : i32
      %dma_start3A_264 = arith.constant 0 : i32
      %dma_start3A_265 = tpu.memref_slice %arg6[%add3A_263, %dma_start3A_264] : memref<320x32xi32, #tpu.memory_space<vmem>> -> memref<1x32xi32, #tpu.memory_space<vmem>>
      %dma_start3A_266 = tpu.memref_squeeze %dma_start3A_265 : memref<1x32xi32, #tpu.memory_space<vmem>> -> memref<32xi32, #tpu.memory_space<vmem>>
      %dma_start3A_267 = arith.constant 0 : i32
      %dma_start3A_268 = arith.constant 0 : i32
      %dma_start3A_269 = tpu.memref_slice %arg2[%dma_start3A_267, %dma_start3A_268] : memref<10240x128xf32, #tpu.memory_space<hbm>> -> memref<10240x128xf32, #tpu.memory_space<hbm>>
      tpu.enqueue_indirect_dma source(%dma_start3A_269 : memref<10240x128xf32, #tpu.memory_space<hbm>>) target(%arg9 : memref<32x128xf32, #tpu.memory_space<vmem>>) offsets(%dma_start3A_266 : memref<32xi32, #tpu.memory_space<vmem>>) semaphore(%arg18 : memref<!tpu.dma_semaphore, #tpu.memory_space<semaphore_mem>>)
      %mul3A_270 = arith.constant 8 : i32
      %mul3A_271 = arith.muli %scan3A_217, %mul3A_270 : i32
      %add3A_272 = arith.constant 160 : i32
      %add3A_273 = arith.addi %add3A_272, %mul3A_271 : i32
      %add3A_274 = arith.constant 2 : i32
      %add3A_275 = arith.addi %add3A_273, %add3A_274 : i32
      %mul3A_276 = arith.constant 8 : i32
      %mul3A_277 = arith.muli %scan3A_217, %mul3A_276 : i32
      %add3A_278 = arith.constant 0 : i32
      %add3A_279 = arith.addi %add3A_278, %mul3A_277 : i32
      %add3A_280 = arith.constant 2 : i32
      %add3A_281 = arith.addi %add3A_279, %add3A_280 : i32
      %dma_wait3A_282 = arith.constant 0 : i32
      %dma_wait3A_283 = tpu.memref_slice %arg6[%add3A_275, %dma_wait3A_282] : memref<320x32xi32, #tpu.memory_space<vmem>> -> memref<1x32xi32, #tpu.memory_space<vmem>>
      %dma_wait3A_284 = tpu.memref_squeeze %dma_wait3A_283 : memref<1x32xi32, #tpu.memory_space<vmem>> -> memref<32xi32, #tpu.memory_space<vmem>>
      %dma_wait3A_285 = arith.constant 0 : i32
      %dma_wait3A_286 = arith.constant 0 : i32
      %dma_wait3A_287 = tpu.memref_slice %arg2[%dma_wait3A_285, %dma_wait3A_286] : memref<10240x128xf32, #tpu.memory_space<hbm>> -> memref<10240x128xf32, #tpu.memory_space<hbm>>
      tpu.wait_indirect_dma semaphore(%arg19 : memref<!tpu.dma_semaphore, #tpu.memory_space<semaphore_mem>>) src(%dma_wait3A_287 : memref<10240x128xf32, #tpu.memory_space<hbm>>) dst(%arg10 : memref<32x128xf32, #tpu.memory_space<vmem>>)
      "tpu.region"() ({
        %run_scoped3A_426 = tpu.sem_alloc : memref<!tpu.dma_semaphore, #tpu.memory_space<semaphore_mem>>
        %dma_start3A_427 = arith.constant 0 : i32
        %dma_start3A_428 = tpu.memref_slice %arg7[%add3A_281, %dma_start3A_427] : memref<160x32xi32, #tpu.memory_space<vmem>> -> memref<1x32xi32, #tpu.memory_space<vmem>>
        %dma_start3A_429 = tpu.memref_squeeze %dma_start3A_428 : memref<1x32xi32, #tpu.memory_space<vmem>> -> memref<32xi32, #tpu.memory_space<vmem>>
        %dma_start3A_430 = arith.constant 0 : i32
        %dma_start3A_431 = arith.constant 0 : i32
        %dma_start3A_432 = tpu.memref_slice %arg16[%dma_start3A_430, %dma_start3A_431] : memref<10240x128xf32, #tpu.memory_space<vmem_shared>> -> memref<10240x128xf32, #tpu.memory_space<vmem_shared>>
        tpu.enqueue_indirect_dma source(%arg10 : memref<32x128xf32, #tpu.memory_space<vmem>>) target(%dma_start3A_432 : memref<10240x128xf32, #tpu.memory_space<vmem_shared>>) offsets(%dma_start3A_429 : memref<32xi32, #tpu.memory_space<vmem>>) semaphore(%run_scoped3A_426 : memref<!tpu.dma_semaphore, #tpu.memory_space<semaphore_mem>>) {add = true}
        %dma_wait3A_433 = arith.constant 0 : i32
        %dma_wait3A_434 = tpu.memref_slice %arg7[%add3A_281, %dma_wait3A_433] : memref<160x32xi32, #tpu.memory_space<vmem>> -> memref<1x32xi32, #tpu.memory_space<vmem>>
        %dma_wait3A_435 = tpu.memref_squeeze %dma_wait3A_434 : memref<1x32xi32, #tpu.memory_space<vmem>> -> memref<32xi32, #tpu.memory_space<vmem>>
        %dma_wait3A_436 = arith.constant 0 : i32
        %dma_wait3A_437 = arith.constant 0 : i32
        %dma_wait3A_438 = tpu.memref_slice %arg16[%dma_wait3A_436, %dma_wait3A_437] : memref<10240x128xf32, #tpu.memory_space<vmem_shared>> -> memref<10240x128xf32, #tpu.memory_space<vmem_shared>>
        tpu.wait_indirect_dma semaphore(%run_scoped3A_426 : memref<!tpu.dma_semaphore, #tpu.memory_space<semaphore_mem>>) src(%arg10 : memref<32x128xf32, #tpu.memory_space<vmem>>) dst(%dma_wait3A_438 : memref<10240x128xf32, #tpu.memory_space<vmem_shared>>)
        tpu.yield
      }) : () -> ()
      %add3A_288 = arith.constant 8 : i32
      %add3A_289 = arith.addi %add3A_275, %add3A_288 : i32
      %dma_start3A_290 = arith.constant 0 : i32
      %dma_start3A_291 = tpu.memref_slice %arg6[%add3A_289, %dma_start3A_290] : memref<320x32xi32, #tpu.memory_space<vmem>> -> memref<1x32xi32, #tpu.memory_space<vmem>>
      %dma_start3A_292 = tpu.memref_squeeze %dma_start3A_291 : memref<1x32xi32, #tpu.memory_space<vmem>> -> memref<32xi32, #tpu.memory_space<vmem>>
      %dma_start3A_293 = arith.constant 0 : i32
      %dma_start3A_294 = arith.constant 0 : i32
      %dma_start3A_295 = tpu.memref_slice %arg2[%dma_start3A_293, %dma_start3A_294] : memref<10240x128xf32, #tpu.memory_space<hbm>> -> memref<10240x128xf32, #tpu.memory_space<hbm>>
      tpu.enqueue_indirect_dma source(%dma_start3A_295 : memref<10240x128xf32, #tpu.memory_space<hbm>>) target(%arg10 : memref<32x128xf32, #tpu.memory_space<vmem>>) offsets(%dma_start3A_292 : memref<32xi32, #tpu.memory_space<vmem>>) semaphore(%arg19 : memref<!tpu.dma_semaphore, #tpu.memory_space<semaphore_mem>>)
      %mul3A_296 = arith.constant 8 : i32
      %mul3A_297 = arith.muli %scan3A_217, %mul3A_296 : i32
      %add3A_298 = arith.constant 160 : i32
      %add3A_299 = arith.addi %add3A_298, %mul3A_297 : i32
      %add3A_300 = arith.constant 3 : i32
      %add3A_301 = arith.addi %add3A_299, %add3A_300 : i32
      %mul3A_302 = arith.constant 8 : i32
      %mul3A_303 = arith.muli %scan3A_217, %mul3A_302 : i32
      %add3A_304 = arith.constant 0 : i32
      %add3A_305 = arith.addi %add3A_304, %mul3A_303 : i32
      %add3A_306 = arith.constant 3 : i32
      %add3A_307 = arith.addi %add3A_305, %add3A_306 : i32
      %dma_wait3A_308 = arith.constant 0 : i32
      %dma_wait3A_309 = tpu.memref_slice %arg6[%add3A_301, %dma_wait3A_308] : memref<320x32xi32, #tpu.memory_space<vmem>> -> memref<1x32xi32, #tpu.memory_space<vmem>>
      %dma_wait3A_310 = tpu.memref_squeeze %dma_wait3A_309 : memref<1x32xi32, #tpu.memory_space<vmem>> -> memref<32xi32, #tpu.memory_space<vmem>>
      %dma_wait3A_311 = arith.constant 0 : i32
      %dma_wait3A_312 = arith.constant 0 : i32
      %dma_wait3A_313 = tpu.memref_slice %arg2[%dma_wait3A_311, %dma_wait3A_312] : memref<10240x128xf32, #tpu.memory_space<hbm>> -> memref<10240x128xf32, #tpu.memory_space<hbm>>
      tpu.wait_indirect_dma semaphore(%arg20 : memref<!tpu.dma_semaphore, #tpu.memory_space<semaphore_mem>>) src(%dma_wait3A_313 : memref<10240x128xf32, #tpu.memory_space<hbm>>) dst(%arg11 : memref<32x128xf32, #tpu.memory_space<vmem>>)
      "tpu.region"() ({
        %run_scoped3A_426 = tpu.sem_alloc : memref<!tpu.dma_semaphore, #tpu.memory_space<semaphore_mem>>
        %dma_start3A_427 = arith.constant 0 : i32
        %dma_start3A_428 = tpu.memref_slice %arg7[%add3A_307, %dma_start3A_427] : memref<160x32xi32, #tpu.memory_space<vmem>> -> memref<1x32xi32, #tpu.memory_space<vmem>>
        %dma_start3A_429 = tpu.memref_squeeze %dma_start3A_428 : memref<1x32xi32, #tpu.memory_space<vmem>> -> memref<32xi32, #tpu.memory_space<vmem>>
        %dma_start3A_430 = arith.constant 0 : i32
        %dma_start3A_431 = arith.constant 0 : i32
        %dma_start3A_432 = tpu.memref_slice %arg16[%dma_start3A_430, %dma_start3A_431] : memref<10240x128xf32, #tpu.memory_space<vmem_shared>> -> memref<10240x128xf32, #tpu.memory_space<vmem_shared>>
        tpu.enqueue_indirect_dma source(%arg11 : memref<32x128xf32, #tpu.memory_space<vmem>>) target(%dma_start3A_432 : memref<10240x128xf32, #tpu.memory_space<vmem_shared>>) offsets(%dma_start3A_429 : memref<32xi32, #tpu.memory_space<vmem>>) semaphore(%run_scoped3A_426 : memref<!tpu.dma_semaphore, #tpu.memory_space<semaphore_mem>>) {add = true}
        %dma_wait3A_433 = arith.constant 0 : i32
        %dma_wait3A_434 = tpu.memref_slice %arg7[%add3A_307, %dma_wait3A_433] : memref<160x32xi32, #tpu.memory_space<vmem>> -> memref<1x32xi32, #tpu.memory_space<vmem>>
        %dma_wait3A_435 = tpu.memref_squeeze %dma_wait3A_434 : memref<1x32xi32, #tpu.memory_space<vmem>> -> memref<32xi32, #tpu.memory_space<vmem>>
        %dma_wait3A_436 = arith.constant 0 : i32
        %dma_wait3A_437 = arith.constant 0 : i32
        %dma_wait3A_438 = tpu.memref_slice %arg16[%dma_wait3A_436, %dma_wait3A_437] : memref<10240x128xf32, #tpu.memory_space<vmem_shared>> -> memref<10240x128xf32, #tpu.memory_space<vmem_shared>>
        tpu.wait_indirect_dma semaphore(%run_scoped3A_426 : memref<!tpu.dma_semaphore, #tpu.memory_space<semaphore_mem>>) src(%arg11 : memref<32x128xf32, #tpu.memory_space<vmem>>) dst(%dma_wait3A_438 : memref<10240x128xf32, #tpu.memory_space<vmem_shared>>)
        tpu.yield
      }) : () -> ()
      %add3A_314 = arith.constant 8 : i32
      %add3A_315 = arith.addi %add3A_301, %add3A_314 : i32
      %dma_start3A_316 = arith.constant 0 : i32
      %dma_start3A_317 = tpu.memref_slice %arg6[%add3A_315, %dma_start3A_316] : memref<320x32xi32, #tpu.memory_space<vmem>> -> memref<1x32xi32, #tpu.memory_space<vmem>>
      %dma_start3A_318 = tpu.memref_squeeze %dma_start3A_317 : memref<1x32xi32, #tpu.memory_space<vmem>> -> memref<32xi32, #tpu.memory_space<vmem>>
      %dma_start3A_319 = arith.constant 0 : i32
      %dma_start3A_320 = arith.constant 0 : i32
      %dma_start3A_321 = tpu.memref_slice %arg2[%dma_start3A_319, %dma_start3A_320] : memref<10240x128xf32, #tpu.memory_space<hbm>> -> memref<10240x128xf32, #tpu.memory_space<hbm>>
      tpu.enqueue_indirect_dma source(%dma_start3A_321 : memref<10240x128xf32, #tpu.memory_space<hbm>>) target(%arg11 : memref<32x128xf32, #tpu.memory_space<vmem>>) offsets(%dma_start3A_318 : memref<32xi32, #tpu.memory_space<vmem>>) semaphore(%arg20 : memref<!tpu.dma_semaphore, #tpu.memory_space<semaphore_mem>>)
      %mul3A_322 = arith.constant 8 : i32
      %mul3A_323 = arith.muli %scan3A_217, %mul3A_322 : i32
      %add3A_324 = arith.constant 160 : i32
      %add3A_325 = arith.addi %add3A_324, %mul3A_323 : i32
      %add3A_326 = arith.constant 4 : i32
      %add3A_327 = arith.addi %add3A_325, %add3A_326 : i32
      %mul3A_328 = arith.constant 8 : i32
      %mul3A_329 = arith.muli %scan3A_217, %mul3A_328 : i32
      %add3A_330 = arith.constant 0 : i32
      %add3A_331 = arith.addi %add3A_330, %mul3A_329 : i32
      %add3A_332 = arith.constant 4 : i32
      %add3A_333 = arith.addi %add3A_331, %add3A_332 : i32
      %dma_wait3A_334 = arith.constant 0 : i32
      %dma_wait3A_335 = tpu.memref_slice %arg6[%add3A_327, %dma_wait3A_334] : memref<320x32xi32, #tpu.memory_space<vmem>> -> memref<1x32xi32, #tpu.memory_space<vmem>>
      %dma_wait3A_336 = tpu.memref_squeeze %dma_wait3A_335 : memref<1x32xi32, #tpu.memory_space<vmem>> -> memref<32xi32, #tpu.memory_space<vmem>>
      %dma_wait3A_337 = arith.constant 0 : i32
      %dma_wait3A_338 = arith.constant 0 : i32
      %dma_wait3A_339 = tpu.memref_slice %arg2[%dma_wait3A_337, %dma_wait3A_338] : memref<10240x128xf32, #tpu.memory_space<hbm>> -> memref<10240x128xf32, #tpu.memory_space<hbm>>
      tpu.wait_indirect_dma semaphore(%arg21 : memref<!tpu.dma_semaphore, #tpu.memory_space<semaphore_mem>>) src(%dma_wait3A_339 : memref<10240x128xf32, #tpu.memory_space<hbm>>) dst(%arg12 : memref<32x128xf32, #tpu.memory_space<vmem>>)
      "tpu.region"() ({
        %run_scoped3A_426 = tpu.sem_alloc : memref<!tpu.dma_semaphore, #tpu.memory_space<semaphore_mem>>
        %dma_start3A_427 = arith.constant 0 : i32
        %dma_start3A_428 = tpu.memref_slice %arg7[%add3A_333, %dma_start3A_427] : memref<160x32xi32, #tpu.memory_space<vmem>> -> memref<1x32xi32, #tpu.memory_space<vmem>>
        %dma_start3A_429 = tpu.memref_squeeze %dma_start3A_428 : memref<1x32xi32, #tpu.memory_space<vmem>> -> memref<32xi32, #tpu.memory_space<vmem>>
        %dma_start3A_430 = arith.constant 0 : i32
        %dma_start3A_431 = arith.constant 0 : i32
        %dma_start3A_432 = tpu.memref_slice %arg16[%dma_start3A_430, %dma_start3A_431] : memref<10240x128xf32, #tpu.memory_space<vmem_shared>> -> memref<10240x128xf32, #tpu.memory_space<vmem_shared>>
        tpu.enqueue_indirect_dma source(%arg12 : memref<32x128xf32, #tpu.memory_space<vmem>>) target(%dma_start3A_432 : memref<10240x128xf32, #tpu.memory_space<vmem_shared>>) offsets(%dma_start3A_429 : memref<32xi32, #tpu.memory_space<vmem>>) semaphore(%run_scoped3A_426 : memref<!tpu.dma_semaphore, #tpu.memory_space<semaphore_mem>>) {add = true}
        %dma_wait3A_433 = arith.constant 0 : i32
        %dma_wait3A_434 = tpu.memref_slice %arg7[%add3A_333, %dma_wait3A_433] : memref<160x32xi32, #tpu.memory_space<vmem>> -> memref<1x32xi32, #tpu.memory_space<vmem>>
        %dma_wait3A_435 = tpu.memref_squeeze %dma_wait3A_434 : memref<1x32xi32, #tpu.memory_space<vmem>> -> memref<32xi32, #tpu.memory_space<vmem>>
        %dma_wait3A_436 = arith.constant 0 : i32
        %dma_wait3A_437 = arith.constant 0 : i32
        %dma_wait3A_438 = tpu.memref_slice %arg16[%dma_wait3A_436, %dma_wait3A_437] : memref<10240x128xf32, #tpu.memory_space<vmem_shared>> -> memref<10240x128xf32, #tpu.memory_space<vmem_shared>>
        tpu.wait_indirect_dma semaphore(%run_scoped3A_426 : memref<!tpu.dma_semaphore, #tpu.memory_space<semaphore_mem>>) src(%arg12 : memref<32x128xf32, #tpu.memory_space<vmem>>) dst(%dma_wait3A_438 : memref<10240x128xf32, #tpu.memory_space<vmem_shared>>)
        tpu.yield
      }) : () -> ()
      %add3A_340 = arith.constant 8 : i32
      %add3A_341 = arith.addi %add3A_327, %add3A_340 : i32
      %dma_start3A_342 = arith.constant 0 : i32
      %dma_start3A_343 = tpu.memref_slice %arg6[%add3A_341, %dma_start3A_342] : memref<320x32xi32, #tpu.memory_space<vmem>> -> memref<1x32xi32, #tpu.memory_space<vmem>>
      %dma_start3A_344 = tpu.memref_squeeze %dma_start3A_343 : memref<1x32xi32, #tpu.memory_space<vmem>> -> memref<32xi32, #tpu.memory_space<vmem>>
      %dma_start3A_345 = arith.constant 0 : i32
      %dma_start3A_346 = arith.constant 0 : i32
      %dma_start3A_347 = tpu.memref_slice %arg2[%dma_start3A_345, %dma_start3A_346] : memref<10240x128xf32, #tpu.memory_space<hbm>> -> memref<10240x128xf32, #tpu.memory_space<hbm>>
      tpu.enqueue_indirect_dma source(%dma_start3A_347 : memref<10240x128xf32, #tpu.memory_space<hbm>>) target(%arg12 : memref<32x128xf32, #tpu.memory_space<vmem>>) offsets(%dma_start3A_344 : memref<32xi32, #tpu.memory_space<vmem>>) semaphore(%arg21 : memref<!tpu.dma_semaphore, #tpu.memory_space<semaphore_mem>>)
      %mul3A_348 = arith.constant 8 : i32
      %mul3A_349 = arith.muli %scan3A_217, %mul3A_348 : i32
      %add3A_350 = arith.constant 160 : i32
      %add3A_351 = arith.addi %add3A_350, %mul3A_349 : i32
      %add3A_352 = arith.constant 5 : i32
      %add3A_353 = arith.addi %add3A_351, %add3A_352 : i32
      %mul3A_354 = arith.constant 8 : i32
      %mul3A_355 = arith.muli %scan3A_217, %mul3A_354 : i32
      %add3A_356 = arith.constant 0 : i32
      %add3A_357 = arith.addi %add3A_356, %mul3A_355 : i32
      %add3A_358 = arith.constant 5 : i32
      %add3A_359 = arith.addi %add3A_357, %add3A_358 : i32
      %dma_wait3A_360 = arith.constant 0 : i32
      %dma_wait3A_361 = tpu.memref_slice %arg6[%add3A_353, %dma_wait3A_360] : memref<320x32xi32, #tpu.memory_space<vmem>> -> memref<1x32xi32, #tpu.memory_space<vmem>>
      %dma_wait3A_362 = tpu.memref_squeeze %dma_wait3A_361 : memref<1x32xi32, #tpu.memory_space<vmem>> -> memref<32xi32, #tpu.memory_space<vmem>>
      %dma_wait3A_363 = arith.constant 0 : i32
      %dma_wait3A_364 = arith.constant 0 : i32
      %dma_wait3A_365 = tpu.memref_slice %arg2[%dma_wait3A_363, %dma_wait3A_364] : memref<10240x128xf32, #tpu.memory_space<hbm>> -> memref<10240x128xf32, #tpu.memory_space<hbm>>
      tpu.wait_indirect_dma semaphore(%arg22 : memref<!tpu.dma_semaphore, #tpu.memory_space<semaphore_mem>>) src(%dma_wait3A_365 : memref<10240x128xf32, #tpu.memory_space<hbm>>) dst(%arg13 : memref<32x128xf32, #tpu.memory_space<vmem>>)
      "tpu.region"() ({
        %run_scoped3A_426 = tpu.sem_alloc : memref<!tpu.dma_semaphore, #tpu.memory_space<semaphore_mem>>
        %dma_start3A_427 = arith.constant 0 : i32
        %dma_start3A_428 = tpu.memref_slice %arg7[%add3A_359, %dma_start3A_427] : memref<160x32xi32, #tpu.memory_space<vmem>> -> memref<1x32xi32, #tpu.memory_space<vmem>>
        %dma_start3A_429 = tpu.memref_squeeze %dma_start3A_428 : memref<1x32xi32, #tpu.memory_space<vmem>> -> memref<32xi32, #tpu.memory_space<vmem>>
        %dma_start3A_430 = arith.constant 0 : i32
        %dma_start3A_431 = arith.constant 0 : i32
        %dma_start3A_432 = tpu.memref_slice %arg16[%dma_start3A_430, %dma_start3A_431] : memref<10240x128xf32, #tpu.memory_space<vmem_shared>> -> memref<10240x128xf32, #tpu.memory_space<vmem_shared>>
        tpu.enqueue_indirect_dma source(%arg13 : memref<32x128xf32, #tpu.memory_space<vmem>>) target(%dma_start3A_432 : memref<10240x128xf32, #tpu.memory_space<vmem_shared>>) offsets(%dma_start3A_429 : memref<32xi32, #tpu.memory_space<vmem>>) semaphore(%run_scoped3A_426 : memref<!tpu.dma_semaphore, #tpu.memory_space<semaphore_mem>>) {add = true}
        %dma_wait3A_433 = arith.constant 0 : i32
        %dma_wait3A_434 = tpu.memref_slice %arg7[%add3A_359, %dma_wait3A_433] : memref<160x32xi32, #tpu.memory_space<vmem>> -> memref<1x32xi32, #tpu.memory_space<vmem>>
        %dma_wait3A_435 = tpu.memref_squeeze %dma_wait3A_434 : memref<1x32xi32, #tpu.memory_space<vmem>> -> memref<32xi32, #tpu.memory_space<vmem>>
        %dma_wait3A_436 = arith.constant 0 : i32
        %dma_wait3A_437 = arith.constant 0 : i32
        %dma_wait3A_438 = tpu.memref_slice %arg16[%dma_wait3A_436, %dma_wait3A_437] : memref<10240x128xf32, #tpu.memory_space<vmem_shared>> -> memref<10240x128xf32, #tpu.memory_space<vmem_shared>>
        tpu.wait_indirect_dma semaphore(%run_scoped3A_426 : memref<!tpu.dma_semaphore, #tpu.memory_space<semaphore_mem>>) src(%arg13 : memref<32x128xf32, #tpu.memory_space<vmem>>) dst(%dma_wait3A_438 : memref<10240x128xf32, #tpu.memory_space<vmem_shared>>)
        tpu.yield
      }) : () -> ()
      %add3A_366 = arith.constant 8 : i32
      %add3A_367 = arith.addi %add3A_353, %add3A_366 : i32
      %dma_start3A_368 = arith.constant 0 : i32
      %dma_start3A_369 = tpu.memref_slice %arg6[%add3A_367, %dma_start3A_368] : memref<320x32xi32, #tpu.memory_space<vmem>> -> memref<1x32xi32, #tpu.memory_space<vmem>>
      %dma_start3A_370 = tpu.memref_squeeze %dma_start3A_369 : memref<1x32xi32, #tpu.memory_space<vmem>> -> memref<32xi32, #tpu.memory_space<vmem>>
      %dma_start3A_371 = arith.constant 0 : i32
      %dma_start3A_372 = arith.constant 0 : i32
      %dma_start3A_373 = tpu.memref_slice %arg2[%dma_start3A_371, %dma_start3A_372] : memref<10240x128xf32, #tpu.memory_space<hbm>> -> memref<10240x128xf32, #tpu.memory_space<hbm>>
      tpu.enqueue_indirect_dma source(%dma_start3A_373 : memref<10240x128xf32, #tpu.memory_space<hbm>>) target(%arg13 : memref<32x128xf32, #tpu.memory_space<vmem>>) offsets(%dma_start3A_370 : memref<32xi32, #tpu.memory_space<vmem>>) semaphore(%arg22 : memref<!tpu.dma_semaphore, #tpu.memory_space<semaphore_mem>>)
      %mul3A_374 = arith.constant 8 : i32
      %mul3A_375 = arith.muli %scan3A_217, %mul3A_374 : i32
      %add3A_376 = arith.constant 160 : i32
      %add3A_377 = arith.addi %add3A_376, %mul3A_375 : i32
      %add3A_378 = arith.constant 6 : i32
      %add3A_379 = arith.addi %add3A_377, %add3A_378 : i32
      %mul3A_380 = arith.constant 8 : i32
      %mul3A_381 = arith.muli %scan3A_217, %mul3A_380 : i32
      %add3A_382 = arith.constant 0 : i32
      %add3A_383 = arith.addi %add3A_382, %mul3A_381 : i32
      %add3A_384 = arith.constant 6 : i32
      %add3A_385 = arith.addi %add3A_383, %add3A_384 : i32
      %dma_wait3A_386 = arith.constant 0 : i32
      %dma_wait3A_387 = tpu.memref_slice %arg6[%add3A_379, %dma_wait3A_386] : memref<320x32xi32, #tpu.memory_space<vmem>> -> memref<1x32xi32, #tpu.memory_space<vmem>>
      %dma_wait3A_388 = tpu.memref_squeeze %dma_wait3A_387 : memref<1x32xi32, #tpu.memory_space<vmem>> -> memref<32xi32, #tpu.memory_space<vmem>>
      %dma_wait3A_389 = arith.constant 0 : i32
      %dma_wait3A_390 = arith.constant 0 : i32
      %dma_wait3A_391 = tpu.memref_slice %arg2[%dma_wait3A_389, %dma_wait3A_390] : memref<10240x128xf32, #tpu.memory_space<hbm>> -> memref<10240x128xf32, #tpu.memory_space<hbm>>
      tpu.wait_indirect_dma semaphore(%arg23 : memref<!tpu.dma_semaphore, #tpu.memory_space<semaphore_mem>>) src(%dma_wait3A_391 : memref<10240x128xf32, #tpu.memory_space<hbm>>) dst(%arg14 : memref<32x128xf32, #tpu.memory_space<vmem>>)
      "tpu.region"() ({
        %run_scoped3A_426 = tpu.sem_alloc : memref<!tpu.dma_semaphore, #tpu.memory_space<semaphore_mem>>
        %dma_start3A_427 = arith.constant 0 : i32
        %dma_start3A_428 = tpu.memref_slice %arg7[%add3A_385, %dma_start3A_427] : memref<160x32xi32, #tpu.memory_space<vmem>> -> memref<1x32xi32, #tpu.memory_space<vmem>>
        %dma_start3A_429 = tpu.memref_squeeze %dma_start3A_428 : memref<1x32xi32, #tpu.memory_space<vmem>> -> memref<32xi32, #tpu.memory_space<vmem>>
        %dma_start3A_430 = arith.constant 0 : i32
        %dma_start3A_431 = arith.constant 0 : i32
        %dma_start3A_432 = tpu.memref_slice %arg16[%dma_start3A_430, %dma_start3A_431] : memref<10240x128xf32, #tpu.memory_space<vmem_shared>> -> memref<10240x128xf32, #tpu.memory_space<vmem_shared>>
        tpu.enqueue_indirect_dma source(%arg14 : memref<32x128xf32, #tpu.memory_space<vmem>>) target(%dma_start3A_432 : memref<10240x128xf32, #tpu.memory_space<vmem_shared>>) offsets(%dma_start3A_429 : memref<32xi32, #tpu.memory_space<vmem>>) semaphore(%run_scoped3A_426 : memref<!tpu.dma_semaphore, #tpu.memory_space<semaphore_mem>>) {add = true}
        %dma_wait3A_433 = arith.constant 0 : i32
        %dma_wait3A_434 = tpu.memref_slice %arg7[%add3A_385, %dma_wait3A_433] : memref<160x32xi32, #tpu.memory_space<vmem>> -> memref<1x32xi32, #tpu.memory_space<vmem>>
        %dma_wait3A_435 = tpu.memref_squeeze %dma_wait3A_434 : memref<1x32xi32, #tpu.memory_space<vmem>> -> memref<32xi32, #tpu.memory_space<vmem>>
        %dma_wait3A_436 = arith.constant 0 : i32
        %dma_wait3A_437 = arith.constant 0 : i32
        %dma_wait3A_438 = tpu.memref_slice %arg16[%dma_wait3A_436, %dma_wait3A_437] : memref<10240x128xf32, #tpu.memory_space<vmem_shared>> -> memref<10240x128xf32, #tpu.memory_space<vmem_shared>>
        tpu.wait_indirect_dma semaphore(%run_scoped3A_426 : memref<!tpu.dma_semaphore, #tpu.memory_space<semaphore_mem>>) src(%arg14 : memref<32x128xf32, #tpu.memory_space<vmem>>) dst(%dma_wait3A_438 : memref<10240x128xf32, #tpu.memory_space<vmem_shared>>)
        tpu.yield
      }) : () -> ()
      %add3A_392 = arith.constant 8 : i32
      %add3A_393 = arith.addi %add3A_379, %add3A_392 : i32
      %dma_start3A_394 = arith.constant 0 : i32
      %dma_start3A_395 = tpu.memref_slice %arg6[%add3A_393, %dma_start3A_394] : memref<320x32xi32, #tpu.memory_space<vmem>> -> memref<1x32xi32, #tpu.memory_space<vmem>>
      %dma_start3A_396 = tpu.memref_squeeze %dma_start3A_395 : memref<1x32xi32, #tpu.memory_space<vmem>> -> memref<32xi32, #tpu.memory_space<vmem>>
      %dma_start3A_397 = arith.constant 0 : i32
      %dma_start3A_398 = arith.constant 0 : i32
      %dma_start3A_399 = tpu.memref_slice %arg2[%dma_start3A_397, %dma_start3A_398] : memref<10240x128xf32, #tpu.memory_space<hbm>> -> memref<10240x128xf32, #tpu.memory_space<hbm>>
      tpu.enqueue_indirect_dma source(%dma_start3A_399 : memref<10240x128xf32, #tpu.memory_space<hbm>>) target(%arg14 : memref<32x128xf32, #tpu.memory_space<vmem>>) offsets(%dma_start3A_396 : memref<32xi32, #tpu.memory_space<vmem>>) semaphore(%arg23 : memref<!tpu.dma_semaphore, #tpu.memory_space<semaphore_mem>>)
      %mul3A_400 = arith.constant 8 : i32
      %mul3A_401 = arith.muli %scan3A_217, %mul3A_400 : i32
      %add3A_402 = arith.constant 160 : i32
      %add3A_403 = arith.addi %add3A_402, %mul3A_401 : i32
      %add3A_404 = arith.constant 7 : i32
      %add3A_405 = arith.addi %add3A_403, %add3A_404 : i32
      %mul3A_406 = arith.constant 8 : i32
      %mul3A_407 = arith.muli %scan3A_217, %mul3A_406 : i32
      %add3A_408 = arith.constant 0 : i32
      %add3A_409 = arith.addi %add3A_408, %mul3A_407 : i32
      %add3A_410 = arith.constant 7 : i32
      %add3A_411 = arith.addi %add3A_409, %add3A_410 : i32
      %dma_wait3A_412 = arith.constant 0 : i32
      %dma_wait3A_413 = tpu.memref_slice %arg6[%add3A_405, %dma_wait3A_412] : memref<320x32xi32, #tpu.memory_space<vmem>> -> memref<1x32xi32, #tpu.memory_space<vmem>>
      %dma_wait3A_414 = tpu.memref_squeeze %dma_wait3A_413 : memref<1x32xi32, #tpu.memory_space<vmem>> -> memref<32xi32, #tpu.memory_space<vmem>>
      %dma_wait3A_415 = arith.constant 0 : i32
      %dma_wait3A_416 = arith.constant 0 : i32
      %dma_wait3A_417 = tpu.memref_slice %arg2[%dma_wait3A_415, %dma_wait3A_416] : memref<10240x128xf32, #tpu.memory_space<hbm>> -> memref<10240x128xf32, #tpu.memory_space<hbm>>
      tpu.wait_indirect_dma semaphore(%arg24 : memref<!tpu.dma_semaphore, #tpu.memory_space<semaphore_mem>>) src(%dma_wait3A_417 : memref<10240x128xf32, #tpu.memory_space<hbm>>) dst(%arg15 : memref<32x128xf32, #tpu.memory_space<vmem>>)
      "tpu.region"() ({
        %run_scoped3A_426 = tpu.sem_alloc : memref<!tpu.dma_semaphore, #tpu.memory_space<semaphore_mem>>
        %dma_start3A_427 = arith.constant 0 : i32
        %dma_start3A_428 = tpu.memref_slice %arg7[%add3A_411, %dma_start3A_427] : memref<160x32xi32, #tpu.memory_space<vmem>> -> memref<1x32xi32, #tpu.memory_space<vmem>>
        %dma_start3A_429 = tpu.memref_squeeze %dma_start3A_428 : memref<1x32xi32, #tpu.memory_space<vmem>> -> memref<32xi32, #tpu.memory_space<vmem>>
        %dma_start3A_430 = arith.constant 0 : i32
        %dma_start3A_431 = arith.constant 0 : i32
        %dma_start3A_432 = tpu.memref_slice %arg16[%dma_start3A_430, %dma_start3A_431] : memref<10240x128xf32, #tpu.memory_space<vmem_shared>> -> memref<10240x128xf32, #tpu.memory_space<vmem_shared>>
        tpu.enqueue_indirect_dma source(%arg15 : memref<32x128xf32, #tpu.memory_space<vmem>>) target(%dma_start3A_432 : memref<10240x128xf32, #tpu.memory_space<vmem_shared>>) offsets(%dma_start3A_429 : memref<32xi32, #tpu.memory_space<vmem>>) semaphore(%run_scoped3A_426 : memref<!tpu.dma_semaphore, #tpu.memory_space<semaphore_mem>>) {add = true}
        %dma_wait3A_433 = arith.constant 0 : i32
        %dma_wait3A_434 = tpu.memref_slice %arg7[%add3A_411, %dma_wait3A_433] : memref<160x32xi32, #tpu.memory_space<vmem>> -> memref<1x32xi32, #tpu.memory_space<vmem>>
        %dma_wait3A_435 = tpu.memref_squeeze %dma_wait3A_434 : memref<1x32xi32, #tpu.memory_space<vmem>> -> memref<32xi32, #tpu.memory_space<vmem>>
        %dma_wait3A_436 = arith.constant 0 : i32
        %dma_wait3A_437 = arith.constant 0 : i32
        %dma_wait3A_438 = tpu.memref_slice %arg16[%dma_wait3A_436, %dma_wait3A_437] : memref<10240x128xf32, #tpu.memory_space<vmem_shared>> -> memref<10240x128xf32, #tpu.memory_space<vmem_shared>>
        tpu.wait_indirect_dma semaphore(%run_scoped3A_426 : memref<!tpu.dma_semaphore, #tpu.memory_space<semaphore_mem>>) src(%arg15 : memref<32x128xf32, #tpu.memory_space<vmem>>) dst(%dma_wait3A_438 : memref<10240x128xf32, #tpu.memory_space<vmem_shared>>)
        tpu.yield
      }) : () -> ()
      %add3A_418 = arith.constant 8 : i32
      %add3A_419 = arith.addi %add3A_405, %add3A_418 : i32
      %dma_start3A_420 = arith.constant 0 : i32
      %dma_start3A_421 = tpu.memref_slice %arg6[%add3A_419, %dma_start3A_420] : memref<320x32xi32, #tpu.memory_space<vmem>> -> memref<1x32xi32, #tpu.memory_space<vmem>>
      %dma_start3A_422 = tpu.memref_squeeze %dma_start3A_421 : memref<1x32xi32, #tpu.memory_space<vmem>> -> memref<32xi32, #tpu.memory_space<vmem>>
      %dma_start3A_423 = arith.constant 0 : i32
      %dma_start3A_424 = arith.constant 0 : i32
      %dma_start3A_425 = tpu.memref_slice %arg2[%dma_start3A_423, %dma_start3A_424] : memref<10240x128xf32, #tpu.memory_space<hbm>> -> memref<10240x128xf32, #tpu.memory_space<hbm>>
      tpu.enqueue_indirect_dma source(%dma_start3A_425 : memref<10240x128xf32, #tpu.memory_space<hbm>>) target(%arg15 : memref<32x128xf32, #tpu.memory_space<vmem>>) offsets(%dma_start3A_422 : memref<32xi32, #tpu.memory_space<vmem>>) semaphore(%arg24 : memref<!tpu.dma_semaphore, #tpu.memory_space<semaphore_mem>>)
    }
    %scan3A_149 = arith.constant 19 : i32
    %dma_wait3A = arith.constant 312 : i32
    %dma_wait3A_150 = arith.constant 0 : i32
    %dma_wait3A_151 = tpu.memref_slice %arg6[%dma_wait3A, %dma_wait3A_150] : memref<320x32xi32, #tpu.memory_space<vmem>> -> memref<1x32xi32, #tpu.memory_space<vmem>>
    %dma_wait3A_152 = tpu.memref_squeeze %dma_wait3A_151 : memref<1x32xi32, #tpu.memory_space<vmem>> -> memref<32xi32, #tpu.memory_space<vmem>>
    %dma_wait3A_153 = arith.constant 0 : i32
    %dma_wait3A_154 = arith.constant 0 : i32
    %dma_wait3A_155 = tpu.memref_slice %arg2[%dma_wait3A_153, %dma_wait3A_154] : memref<10240x128xf32, #tpu.memory_space<hbm>> -> memref<10240x128xf32, #tpu.memory_space<hbm>>
    tpu.wait_indirect_dma semaphore(%arg17 : memref<!tpu.dma_semaphore, #tpu.memory_space<semaphore_mem>>) src(%dma_wait3A_155 : memref<10240x128xf32, #tpu.memory_space<hbm>>) dst(%arg8 : memref<32x128xf32, #tpu.memory_space<vmem>>)
    %run_scoped3A = arith.constant 152 : i32
    "tpu.region"() ({
      %run_scoped3A_217 = tpu.sem_alloc : memref<!tpu.dma_semaphore, #tpu.memory_space<semaphore_mem>>
      %dma_start3A_218 = arith.constant 0 : i32
      %dma_start3A_219 = tpu.memref_slice %arg7[%run_scoped3A, %dma_start3A_218] : memref<160x32xi32, #tpu.memory_space<vmem>> -> memref<1x32xi32, #tpu.memory_space<vmem>>
      %dma_start3A_220 = tpu.memref_squeeze %dma_start3A_219 : memref<1x32xi32, #tpu.memory_space<vmem>> -> memref<32xi32, #tpu.memory_space<vmem>>
      %dma_start3A_221 = arith.constant 0 : i32
      %dma_start3A_222 = arith.constant 0 : i32
      %dma_start3A_223 = tpu.memref_slice %arg16[%dma_start3A_221, %dma_start3A_222] : memref<10240x128xf32, #tpu.memory_space<vmem_shared>> -> memref<10240x128xf32, #tpu.memory_space<vmem_shared>>
      tpu.enqueue_indirect_dma source(%arg8 : memref<32x128xf32, #tpu.memory_space<vmem>>) target(%dma_start3A_223 : memref<10240x128xf32, #tpu.memory_space<vmem_shared>>) offsets(%dma_start3A_220 : memref<32xi32, #tpu.memory_space<vmem>>) semaphore(%run_scoped3A_217 : memref<!tpu.dma_semaphore, #tpu.memory_space<semaphore_mem>>) {add = true}
      %dma_wait3A_224 = arith.constant 0 : i32
      %dma_wait3A_225 = tpu.memref_slice %arg7[%run_scoped3A, %dma_wait3A_224] : memref<160x32xi32, #tpu.memory_space<vmem>> -> memref<1x32xi32, #tpu.memory_space<vmem>>
      %dma_wait3A_226 = tpu.memref_squeeze %dma_wait3A_225 : memref<1x32xi32, #tpu.memory_space<vmem>> -> memref<32xi32, #tpu.memory_space<vmem>>
      %dma_wait3A_227 = arith.constant 0 : i32
      %dma_wait3A_228 = arith.constant 0 : i32
      %dma_wait3A_229 = tpu.memref_slice %arg16[%dma_wait3A_227, %dma_wait3A_228] : memref<10240x128xf32, #tpu.memory_space<vmem_shared>> -> memref<10240x128xf32, #tpu.memory_space<vmem_shared>>
      tpu.wait_indirect_dma semaphore(%run_scoped3A_217 : memref<!tpu.dma_semaphore, #tpu.memory_space<semaphore_mem>>) src(%arg8 : memref<32x128xf32, #tpu.memory_space<vmem>>) dst(%dma_wait3A_229 : memref<10240x128xf32, #tpu.memory_space<vmem_shared>>)
      tpu.yield
    }) : () -> ()
    %dma_wait3A_156 = arith.constant 313 : i32
    %dma_wait3A_157 = arith.constant 0 : i32
    %dma_wait3A_158 = tpu.memref_slice %arg6[%dma_wait3A_156, %dma_wait3A_157] : memref<320x32xi32, #tpu.memory_space<vmem>> -> memref<1x32xi32, #tpu.memory_space<vmem>>
    %dma_wait3A_159 = tpu.memref_squeeze %dma_wait3A_158 : memref<1x32xi32, #tpu.memory_space<vmem>> -> memref<32xi32, #tpu.memory_space<vmem>>
    %dma_wait3A_160 = arith.constant 0 : i32
    %dma_wait3A_161 = arith.constant 0 : i32
    %dma_wait3A_162 = tpu.memref_slice %arg2[%dma_wait3A_160, %dma_wait3A_161] : memref<10240x128xf32, #tpu.memory_space<hbm>> -> memref<10240x128xf32, #tpu.memory_space<hbm>>
    tpu.wait_indirect_dma semaphore(%arg18 : memref<!tpu.dma_semaphore, #tpu.memory_space<semaphore_mem>>) src(%dma_wait3A_162 : memref<10240x128xf32, #tpu.memory_space<hbm>>) dst(%arg9 : memref<32x128xf32, #tpu.memory_space<vmem>>)
    %run_scoped3A_163 = arith.constant 153 : i32
    "tpu.region"() ({
      %run_scoped3A_217 = tpu.sem_alloc : memref<!tpu.dma_semaphore, #tpu.memory_space<semaphore_mem>>
      %dma_start3A_218 = arith.constant 0 : i32
      %dma_start3A_219 = tpu.memref_slice %arg7[%run_scoped3A_163, %dma_start3A_218] : memref<160x32xi32, #tpu.memory_space<vmem>> -> memref<1x32xi32, #tpu.memory_space<vmem>>
      %dma_start3A_220 = tpu.memref_squeeze %dma_start3A_219 : memref<1x32xi32, #tpu.memory_space<vmem>> -> memref<32xi32, #tpu.memory_space<vmem>>
      %dma_start3A_221 = arith.constant 0 : i32
      %dma_start3A_222 = arith.constant 0 : i32
      %dma_start3A_223 = tpu.memref_slice %arg16[%dma_start3A_221, %dma_start3A_222] : memref<10240x128xf32, #tpu.memory_space<vmem_shared>> -> memref<10240x128xf32, #tpu.memory_space<vmem_shared>>
      tpu.enqueue_indirect_dma source(%arg9 : memref<32x128xf32, #tpu.memory_space<vmem>>) target(%dma_start3A_223 : memref<10240x128xf32, #tpu.memory_space<vmem_shared>>) offsets(%dma_start3A_220 : memref<32xi32, #tpu.memory_space<vmem>>) semaphore(%run_scoped3A_217 : memref<!tpu.dma_semaphore, #tpu.memory_space<semaphore_mem>>) {add = true}
      %dma_wait3A_224 = arith.constant 0 : i32
      %dma_wait3A_225 = tpu.memref_slice %arg7[%run_scoped3A_163, %dma_wait3A_224] : memref<160x32xi32, #tpu.memory_space<vmem>> -> memref<1x32xi32, #tpu.memory_space<vmem>>
      %dma_wait3A_226 = tpu.memref_squeeze %dma_wait3A_225 : memref<1x32xi32, #tpu.memory_space<vmem>> -> memref<32xi32, #tpu.memory_space<vmem>>
      %dma_wait3A_227 = arith.constant 0 : i32
      %dma_wait3A_228 = arith.constant 0 : i32
      %dma_wait3A_229 = tpu.memref_slice %arg16[%dma_wait3A_227, %dma_wait3A_228] : memref<10240x128xf32, #tpu.memory_space<vmem_shared>> -> memref<10240x128xf32, #tpu.memory_space<vmem_shared>>
      tpu.wait_indirect_dma semaphore(%run_scoped3A_217 : memref<!tpu.dma_semaphore, #tpu.memory_space<semaphore_mem>>) src(%arg9 : memref<32x128xf32, #tpu.memory_space<vmem>>) dst(%dma_wait3A_229 : memref<10240x128xf32, #tpu.memory_space<vmem_shared>>)
      tpu.yield
    }) : () -> ()
    %dma_wait3A_164 = arith.constant 314 : i32
    %dma_wait3A_165 = arith.constant 0 : i32
    %dma_wait3A_166 = tpu.memref_slice %arg6[%dma_wait3A_164, %dma_wait3A_165] : memref<320x32xi32, #tpu.memory_space<vmem>> -> memref<1x32xi32, #tpu.memory_space<vmem>>
    %dma_wait3A_167 = tpu.memref_squeeze %dma_wait3A_166 : memref<1x32xi32, #tpu.memory_space<vmem>> -> memref<32xi32, #tpu.memory_space<vmem>>
    %dma_wait3A_168 = arith.constant 0 : i32
    %dma_wait3A_169 = arith.constant 0 : i32
    %dma_wait3A_170 = tpu.memref_slice %arg2[%dma_wait3A_168, %dma_wait3A_169] : memref<10240x128xf32, #tpu.memory_space<hbm>> -> memref<10240x128xf32, #tpu.memory_space<hbm>>
    tpu.wait_indirect_dma semaphore(%arg19 : memref<!tpu.dma_semaphore, #tpu.memory_space<semaphore_mem>>) src(%dma_wait3A_170 : memref<10240x128xf32, #tpu.memory_space<hbm>>) dst(%arg10 : memref<32x128xf32, #tpu.memory_space<vmem>>)
    %run_scoped3A_171 = arith.constant 154 : i32
    "tpu.region"() ({
      %run_scoped3A_217 = tpu.sem_alloc : memref<!tpu.dma_semaphore, #tpu.memory_space<semaphore_mem>>
      %dma_start3A_218 = arith.constant 0 : i32
      %dma_start3A_219 = tpu.memref_slice %arg7[%run_scoped3A_171, %dma_start3A_218] : memref<160x32xi32, #tpu.memory_space<vmem>> -> memref<1x32xi32, #tpu.memory_space<vmem>>
      %dma_start3A_220 = tpu.memref_squeeze %dma_start3A_219 : memref<1x32xi32, #tpu.memory_space<vmem>> -> memref<32xi32, #tpu.memory_space<vmem>>
      %dma_start3A_221 = arith.constant 0 : i32
      %dma_start3A_222 = arith.constant 0 : i32
      %dma_start3A_223 = tpu.memref_slice %arg16[%dma_start3A_221, %dma_start3A_222] : memref<10240x128xf32, #tpu.memory_space<vmem_shared>> -> memref<10240x128xf32, #tpu.memory_space<vmem_shared>>
      tpu.enqueue_indirect_dma source(%arg10 : memref<32x128xf32, #tpu.memory_space<vmem>>) target(%dma_start3A_223 : memref<10240x128xf32, #tpu.memory_space<vmem_shared>>) offsets(%dma_start3A_220 : memref<32xi32, #tpu.memory_space<vmem>>) semaphore(%run_scoped3A_217 : memref<!tpu.dma_semaphore, #tpu.memory_space<semaphore_mem>>) {add = true}
      %dma_wait3A_224 = arith.constant 0 : i32
      %dma_wait3A_225 = tpu.memref_slice %arg7[%run_scoped3A_171, %dma_wait3A_224] : memref<160x32xi32, #tpu.memory_space<vmem>> -> memref<1x32xi32, #tpu.memory_space<vmem>>
      %dma_wait3A_226 = tpu.memref_squeeze %dma_wait3A_225 : memref<1x32xi32, #tpu.memory_space<vmem>> -> memref<32xi32, #tpu.memory_space<vmem>>
      %dma_wait3A_227 = arith.constant 0 : i32
      %dma_wait3A_228 = arith.constant 0 : i32
      %dma_wait3A_229 = tpu.memref_slice %arg16[%dma_wait3A_227, %dma_wait3A_228] : memref<10240x128xf32, #tpu.memory_space<vmem_shared>> -> memref<10240x128xf32, #tpu.memory_space<vmem_shared>>
      tpu.wait_indirect_dma semaphore(%run_scoped3A_217 : memref<!tpu.dma_semaphore, #tpu.memory_space<semaphore_mem>>) src(%arg10 : memref<32x128xf32, #tpu.memory_space<vmem>>) dst(%dma_wait3A_229 : memref<10240x128xf32, #tpu.memory_space<vmem_shared>>)
      tpu.yield
    }) : () -> ()
    %dma_wait3A_172 = arith.constant 315 : i32
    %dma_wait3A_173 = arith.constant 0 : i32
    %dma_wait3A_174 = tpu.memref_slice %arg6[%dma_wait3A_172, %dma_wait3A_173] : memref<320x32xi32, #tpu.memory_space<vmem>> -> memref<1x32xi32, #tpu.memory_space<vmem>>
    %dma_wait3A_175 = tpu.memref_squeeze %dma_wait3A_174 : memref<1x32xi32, #tpu.memory_space<vmem>> -> memref<32xi32, #tpu.memory_space<vmem>>
    %dma_wait3A_176 = arith.constant 0 : i32
    %dma_wait3A_177 = arith.constant 0 : i32
    %dma_wait3A_178 = tpu.memref_slice %arg2[%dma_wait3A_176, %dma_wait3A_177] : memref<10240x128xf32, #tpu.memory_space<hbm>> -> memref<10240x128xf32, #tpu.memory_space<hbm>>
    tpu.wait_indirect_dma semaphore(%arg20 : memref<!tpu.dma_semaphore, #tpu.memory_space<semaphore_mem>>) src(%dma_wait3A_178 : memref<10240x128xf32, #tpu.memory_space<hbm>>) dst(%arg11 : memref<32x128xf32, #tpu.memory_space<vmem>>)
    %run_scoped3A_179 = arith.constant 155 : i32
    "tpu.region"() ({
      %run_scoped3A_217 = tpu.sem_alloc : memref<!tpu.dma_semaphore, #tpu.memory_space<semaphore_mem>>
      %dma_start3A_218 = arith.constant 0 : i32
      %dma_start3A_219 = tpu.memref_slice %arg7[%run_scoped3A_179, %dma_start3A_218] : memref<160x32xi32, #tpu.memory_space<vmem>> -> memref<1x32xi32, #tpu.memory_space<vmem>>
      %dma_start3A_220 = tpu.memref_squeeze %dma_start3A_219 : memref<1x32xi32, #tpu.memory_space<vmem>> -> memref<32xi32, #tpu.memory_space<vmem>>
      %dma_start3A_221 = arith.constant 0 : i32
      %dma_start3A_222 = arith.constant 0 : i32
      %dma_start3A_223 = tpu.memref_slice %arg16[%dma_start3A_221, %dma_start3A_222] : memref<10240x128xf32, #tpu.memory_space<vmem_shared>> -> memref<10240x128xf32, #tpu.memory_space<vmem_shared>>
      tpu.enqueue_indirect_dma source(%arg11 : memref<32x128xf32, #tpu.memory_space<vmem>>) target(%dma_start3A_223 : memref<10240x128xf32, #tpu.memory_space<vmem_shared>>) offsets(%dma_start3A_220 : memref<32xi32, #tpu.memory_space<vmem>>) semaphore(%run_scoped3A_217 : memref<!tpu.dma_semaphore, #tpu.memory_space<semaphore_mem>>) {add = true}
      %dma_wait3A_224 = arith.constant 0 : i32
      %dma_wait3A_225 = tpu.memref_slice %arg7[%run_scoped3A_179, %dma_wait3A_224] : memref<160x32xi32, #tpu.memory_space<vmem>> -> memref<1x32xi32, #tpu.memory_space<vmem>>
      %dma_wait3A_226 = tpu.memref_squeeze %dma_wait3A_225 : memref<1x32xi32, #tpu.memory_space<vmem>> -> memref<32xi32, #tpu.memory_space<vmem>>
      %dma_wait3A_227 = arith.constant 0 : i32
      %dma_wait3A_228 = arith.constant 0 : i32
      %dma_wait3A_229 = tpu.memref_slice %arg16[%dma_wait3A_227, %dma_wait3A_228] : memref<10240x128xf32, #tpu.memory_space<vmem_shared>> -> memref<10240x128xf32, #tpu.memory_space<vmem_shared>>
      tpu.wait_indirect_dma semaphore(%run_scoped3A_217 : memref<!tpu.dma_semaphore, #tpu.memory_space<semaphore_mem>>) src(%arg11 : memref<32x128xf32, #tpu.memory_space<vmem>>) dst(%dma_wait3A_229 : memref<10240x128xf32, #tpu.memory_space<vmem_shared>>)
      tpu.yield
    }) : () -> ()
    %dma_wait3A_180 = arith.constant 316 : i32
    %dma_wait3A_181 = arith.constant 0 : i32
    %dma_wait3A_182 = tpu.memref_slice %arg6[%dma_wait3A_180, %dma_wait3A_181] : memref<320x32xi32, #tpu.memory_space<vmem>> -> memref<1x32xi32, #tpu.memory_space<vmem>>
    %dma_wait3A_183 = tpu.memref_squeeze %dma_wait3A_182 : memref<1x32xi32, #tpu.memory_space<vmem>> -> memref<32xi32, #tpu.memory_space<vmem>>
    %dma_wait3A_184 = arith.constant 0 : i32
    %dma_wait3A_185 = arith.constant 0 : i32
    %dma_wait3A_186 = tpu.memref_slice %arg2[%dma_wait3A_184, %dma_wait3A_185] : memref<10240x128xf32, #tpu.memory_space<hbm>> -> memref<10240x128xf32, #tpu.memory_space<hbm>>
    tpu.wait_indirect_dma semaphore(%arg21 : memref<!tpu.dma_semaphore, #tpu.memory_space<semaphore_mem>>) src(%dma_wait3A_186 : memref<10240x128xf32, #tpu.memory_space<hbm>>) dst(%arg12 : memref<32x128xf32, #tpu.memory_space<vmem>>)
    %run_scoped3A_187 = arith.constant 156 : i32
    "tpu.region"() ({
      %run_scoped3A_217 = tpu.sem_alloc : memref<!tpu.dma_semaphore, #tpu.memory_space<semaphore_mem>>
      %dma_start3A_218 = arith.constant 0 : i32
      %dma_start3A_219 = tpu.memref_slice %arg7[%run_scoped3A_187, %dma_start3A_218] : memref<160x32xi32, #tpu.memory_space<vmem>> -> memref<1x32xi32, #tpu.memory_space<vmem>>
      %dma_start3A_220 = tpu.memref_squeeze %dma_start3A_219 : memref<1x32xi32, #tpu.memory_space<vmem>> -> memref<32xi32, #tpu.memory_space<vmem>>
      %dma_start3A_221 = arith.constant 0 : i32
      %dma_start3A_222 = arith.constant 0 : i32
      %dma_start3A_223 = tpu.memref_slice %arg16[%dma_start3A_221, %dma_start3A_222] : memref<10240x128xf32, #tpu.memory_space<vmem_shared>> -> memref<10240x128xf32, #tpu.memory_space<vmem_shared>>
      tpu.enqueue_indirect_dma source(%arg12 : memref<32x128xf32, #tpu.memory_space<vmem>>) target(%dma_start3A_223 : memref<10240x128xf32, #tpu.memory_space<vmem_shared>>) offsets(%dma_start3A_220 : memref<32xi32, #tpu.memory_space<vmem>>) semaphore(%run_scoped3A_217 : memref<!tpu.dma_semaphore, #tpu.memory_space<semaphore_mem>>) {add = true}
      %dma_wait3A_224 = arith.constant 0 : i32
      %dma_wait3A_225 = tpu.memref_slice %arg7[%run_scoped3A_187, %dma_wait3A_224] : memref<160x32xi32, #tpu.memory_space<vmem>> -> memref<1x32xi32, #tpu.memory_space<vmem>>
      %dma_wait3A_226 = tpu.memref_squeeze %dma_wait3A_225 : memref<1x32xi32, #tpu.memory_space<vmem>> -> memref<32xi32, #tpu.memory_space<vmem>>
      %dma_wait3A_227 = arith.constant 0 : i32
      %dma_wait3A_228 = arith.constant 0 : i32
      %dma_wait3A_229 = tpu.memref_slice %arg16[%dma_wait3A_227, %dma_wait3A_228] : memref<10240x128xf32, #tpu.memory_space<vmem_shared>> -> memref<10240x128xf32, #tpu.memory_space<vmem_shared>>
      tpu.wait_indirect_dma semaphore(%run_scoped3A_217 : memref<!tpu.dma_semaphore, #tpu.memory_space<semaphore_mem>>) src(%arg12 : memref<32x128xf32, #tpu.memory_space<vmem>>) dst(%dma_wait3A_229 : memref<10240x128xf32, #tpu.memory_space<vmem_shared>>)
      tpu.yield
    }) : () -> ()
    %dma_wait3A_188 = arith.constant 317 : i32
    %dma_wait3A_189 = arith.constant 0 : i32
    %dma_wait3A_190 = tpu.memref_slice %arg6[%dma_wait3A_188, %dma_wait3A_189] : memref<320x32xi32, #tpu.memory_space<vmem>> -> memref<1x32xi32, #tpu.memory_space<vmem>>
    %dma_wait3A_191 = tpu.memref_squeeze %dma_wait3A_190 : memref<1x32xi32, #tpu.memory_space<vmem>> -> memref<32xi32, #tpu.memory_space<vmem>>
    %dma_wait3A_192 = arith.constant 0 : i32
    %dma_wait3A_193 = arith.constant 0 : i32
    %dma_wait3A_194 = tpu.memref_slice %arg2[%dma_wait3A_192, %dma_wait3A_193] : memref<10240x128xf32, #tpu.memory_space<hbm>> -> memref<10240x128xf32, #tpu.memory_space<hbm>>
    tpu.wait_indirect_dma semaphore(%arg22 : memref<!tpu.dma_semaphore, #tpu.memory_space<semaphore_mem>>) src(%dma_wait3A_194 : memref<10240x128xf32, #tpu.memory_space<hbm>>) dst(%arg13 : memref<32x128xf32, #tpu.memory_space<vmem>>)
    %run_scoped3A_195 = arith.constant 157 : i32
    "tpu.region"() ({
      %run_scoped3A_217 = tpu.sem_alloc : memref<!tpu.dma_semaphore, #tpu.memory_space<semaphore_mem>>
      %dma_start3A_218 = arith.constant 0 : i32
      %dma_start3A_219 = tpu.memref_slice %arg7[%run_scoped3A_195, %dma_start3A_218] : memref<160x32xi32, #tpu.memory_space<vmem>> -> memref<1x32xi32, #tpu.memory_space<vmem>>
      %dma_start3A_220 = tpu.memref_squeeze %dma_start3A_219 : memref<1x32xi32, #tpu.memory_space<vmem>> -> memref<32xi32, #tpu.memory_space<vmem>>
      %dma_start3A_221 = arith.constant 0 : i32
      %dma_start3A_222 = arith.constant 0 : i32
      %dma_start3A_223 = tpu.memref_slice %arg16[%dma_start3A_221, %dma_start3A_222] : memref<10240x128xf32, #tpu.memory_space<vmem_shared>> -> memref<10240x128xf32, #tpu.memory_space<vmem_shared>>
      tpu.enqueue_indirect_dma source(%arg13 : memref<32x128xf32, #tpu.memory_space<vmem>>) target(%dma_start3A_223 : memref<10240x128xf32, #tpu.memory_space<vmem_shared>>) offsets(%dma_start3A_220 : memref<32xi32, #tpu.memory_space<vmem>>) semaphore(%run_scoped3A_217 : memref<!tpu.dma_semaphore, #tpu.memory_space<semaphore_mem>>) {add = true}
      %dma_wait3A_224 = arith.constant 0 : i32
      %dma_wait3A_225 = tpu.memref_slice %arg7[%run_scoped3A_195, %dma_wait3A_224] : memref<160x32xi32, #tpu.memory_space<vmem>> -> memref<1x32xi32, #tpu.memory_space<vmem>>
      %dma_wait3A_226 = tpu.memref_squeeze %dma_wait3A_225 : memref<1x32xi32, #tpu.memory_space<vmem>> -> memref<32xi32, #tpu.memory_space<vmem>>
      %dma_wait3A_227 = arith.constant 0 : i32
      %dma_wait3A_228 = arith.constant 0 : i32
      %dma_wait3A_229 = tpu.memref_slice %arg16[%dma_wait3A_227, %dma_wait3A_228] : memref<10240x128xf32, #tpu.memory_space<vmem_shared>> -> memref<10240x128xf32, #tpu.memory_space<vmem_shared>>
      tpu.wait_indirect_dma semaphore(%run_scoped3A_217 : memref<!tpu.dma_semaphore, #tpu.memory_space<semaphore_mem>>) src(%arg13 : memref<32x128xf32, #tpu.memory_space<vmem>>) dst(%dma_wait3A_229 : memref<10240x128xf32, #tpu.memory_space<vmem_shared>>)
      tpu.yield
    }) : () -> ()
    %dma_wait3A_196 = arith.constant 318 : i32
    %dma_wait3A_197 = arith.constant 0 : i32
    %dma_wait3A_198 = tpu.memref_slice %arg6[%dma_wait3A_196, %dma_wait3A_197] : memref<320x32xi32, #tpu.memory_space<vmem>> -> memref<1x32xi32, #tpu.memory_space<vmem>>
    %dma_wait3A_199 = tpu.memref_squeeze %dma_wait3A_198 : memref<1x32xi32, #tpu.memory_space<vmem>> -> memref<32xi32, #tpu.memory_space<vmem>>
    %dma_wait3A_200 = arith.constant 0 : i32
    %dma_wait3A_201 = arith.constant 0 : i32
    %dma_wait3A_202 = tpu.memref_slice %arg2[%dma_wait3A_200, %dma_wait3A_201] : memref<10240x128xf32, #tpu.memory_space<hbm>> -> memref<10240x128xf32, #tpu.memory_space<hbm>>
    tpu.wait_indirect_dma semaphore(%arg23 : memref<!tpu.dma_semaphore, #tpu.memory_space<semaphore_mem>>) src(%dma_wait3A_202 : memref<10240x128xf32, #tpu.memory_space<hbm>>) dst(%arg14 : memref<32x128xf32, #tpu.memory_space<vmem>>)
    %run_scoped3A_203 = arith.constant 158 : i32
    "tpu.region"() ({
      %run_scoped3A_217 = tpu.sem_alloc : memref<!tpu.dma_semaphore, #tpu.memory_space<semaphore_mem>>
      %dma_start3A_218 = arith.constant 0 : i32
      %dma_start3A_219 = tpu.memref_slice %arg7[%run_scoped3A_203, %dma_start3A_218] : memref<160x32xi32, #tpu.memory_space<vmem>> -> memref<1x32xi32, #tpu.memory_space<vmem>>
      %dma_start3A_220 = tpu.memref_squeeze %dma_start3A_219 : memref<1x32xi32, #tpu.memory_space<vmem>> -> memref<32xi32, #tpu.memory_space<vmem>>
      %dma_start3A_221 = arith.constant 0 : i32
      %dma_start3A_222 = arith.constant 0 : i32
      %dma_start3A_223 = tpu.memref_slice %arg16[%dma_start3A_221, %dma_start3A_222] : memref<10240x128xf32, #tpu.memory_space<vmem_shared>> -> memref<10240x128xf32, #tpu.memory_space<vmem_shared>>
      tpu.enqueue_indirect_dma source(%arg14 : memref<32x128xf32, #tpu.memory_space<vmem>>) target(%dma_start3A_223 : memref<10240x128xf32, #tpu.memory_space<vmem_shared>>) offsets(%dma_start3A_220 : memref<32xi32, #tpu.memory_space<vmem>>) semaphore(%run_scoped3A_217 : memref<!tpu.dma_semaphore, #tpu.memory_space<semaphore_mem>>) {add = true}
      %dma_wait3A_224 = arith.constant 0 : i32
      %dma_wait3A_225 = tpu.memref_slice %arg7[%run_scoped3A_203, %dma_wait3A_224] : memref<160x32xi32, #tpu.memory_space<vmem>> -> memref<1x32xi32, #tpu.memory_space<vmem>>
      %dma_wait3A_226 = tpu.memref_squeeze %dma_wait3A_225 : memref<1x32xi32, #tpu.memory_space<vmem>> -> memref<32xi32, #tpu.memory_space<vmem>>
      %dma_wait3A_227 = arith.constant 0 : i32
      %dma_wait3A_228 = arith.constant 0 : i32
      %dma_wait3A_229 = tpu.memref_slice %arg16[%dma_wait3A_227, %dma_wait3A_228] : memref<10240x128xf32, #tpu.memory_space<vmem_shared>> -> memref<10240x128xf32, #tpu.memory_space<vmem_shared>>
      tpu.wait_indirect_dma semaphore(%run_scoped3A_217 : memref<!tpu.dma_semaphore, #tpu.memory_space<semaphore_mem>>) src(%arg14 : memref<32x128xf32, #tpu.memory_space<vmem>>) dst(%dma_wait3A_229 : memref<10240x128xf32, #tpu.memory_space<vmem_shared>>)
      tpu.yield
    }) : () -> ()
    %dma_wait3A_204 = arith.constant 319 : i32
    %dma_wait3A_205 = arith.constant 0 : i32
    %dma_wait3A_206 = tpu.memref_slice %arg6[%dma_wait3A_204, %dma_wait3A_205] : memref<320x32xi32, #tpu.memory_space<vmem>> -> memref<1x32xi32, #tpu.memory_space<vmem>>
    %dma_wait3A_207 = tpu.memref_squeeze %dma_wait3A_206 : memref<1x32xi32, #tpu.memory_space<vmem>> -> memref<32xi32, #tpu.memory_space<vmem>>
    %dma_wait3A_208 = arith.constant 0 : i32
    %dma_wait3A_209 = arith.constant 0 : i32
    %dma_wait3A_210 = tpu.memref_slice %arg2[%dma_wait3A_208, %dma_wait3A_209] : memref<10240x128xf32, #tpu.memory_space<hbm>> -> memref<10240x128xf32, #tpu.memory_space<hbm>>
    tpu.wait_indirect_dma semaphore(%arg24 : memref<!tpu.dma_semaphore, #tpu.memory_space<semaphore_mem>>) src(%dma_wait3A_210 : memref<10240x128xf32, #tpu.memory_space<hbm>>) dst(%arg15 : memref<32x128xf32, #tpu.memory_space<vmem>>)
    %run_scoped3A_211 = arith.constant 159 : i32
    "tpu.region"() ({
      %run_scoped3A_217 = tpu.sem_alloc : memref<!tpu.dma_semaphore, #tpu.memory_space<semaphore_mem>>
      %dma_start3A_218 = arith.constant 0 : i32
      %dma_start3A_219 = tpu.memref_slice %arg7[%run_scoped3A_211, %dma_start3A_218] : memref<160x32xi32, #tpu.memory_space<vmem>> -> memref<1x32xi32, #tpu.memory_space<vmem>>
      %dma_start3A_220 = tpu.memref_squeeze %dma_start3A_219 : memref<1x32xi32, #tpu.memory_space<vmem>> -> memref<32xi32, #tpu.memory_space<vmem>>
      %dma_start3A_221 = arith.constant 0 : i32
      %dma_start3A_222 = arith.constant 0 : i32
      %dma_start3A_223 = tpu.memref_slice %arg16[%dma_start3A_221, %dma_start3A_222] : memref<10240x128xf32, #tpu.memory_space<vmem_shared>> -> memref<10240x128xf32, #tpu.memory_space<vmem_shared>>
      tpu.enqueue_indirect_dma source(%arg15 : memref<32x128xf32, #tpu.memory_space<vmem>>) target(%dma_start3A_223 : memref<10240x128xf32, #tpu.memory_space<vmem_shared>>) offsets(%dma_start3A_220 : memref<32xi32, #tpu.memory_space<vmem>>) semaphore(%run_scoped3A_217 : memref<!tpu.dma_semaphore, #tpu.memory_space<semaphore_mem>>) {add = true}
      %dma_wait3A_224 = arith.constant 0 : i32
      %dma_wait3A_225 = tpu.memref_slice %arg7[%run_scoped3A_211, %dma_wait3A_224] : memref<160x32xi32, #tpu.memory_space<vmem>> -> memref<1x32xi32, #tpu.memory_space<vmem>>
      %dma_wait3A_226 = tpu.memref_squeeze %dma_wait3A_225 : memref<1x32xi32, #tpu.memory_space<vmem>> -> memref<32xi32, #tpu.memory_space<vmem>>
      %dma_wait3A_227 = arith.constant 0 : i32
      %dma_wait3A_228 = arith.constant 0 : i32
      %dma_wait3A_229 = tpu.memref_slice %arg16[%dma_wait3A_227, %dma_wait3A_228] : memref<10240x128xf32, #tpu.memory_space<vmem_shared>> -> memref<10240x128xf32, #tpu.memory_space<vmem_shared>>
      tpu.wait_indirect_dma semaphore(%run_scoped3A_217 : memref<!tpu.dma_semaphore, #tpu.memory_space<semaphore_mem>>) src(%arg15 : memref<32x128xf32, #tpu.memory_space<vmem>>) dst(%dma_wait3A_229 : memref<10240x128xf32, #tpu.memory_space<vmem_shared>>)
      tpu.yield
    }) : () -> ()
    %barrier3A_212 = arith.constant 0 : index
    tpu.barrier barrier_id(%barrier3A_212)
    %mul3A_213 = arith.constant 640 : i32
    %mul3A_214 = arith.muli %arg1, %mul3A_213 : i32
    %mul3A_215 = arith.constant 640 : i32
    %mul3A_216 = arith.muli %arg1, %mul3A_215 : i32
    "tpu.region"() ({
      %run_scoped3A_217 = tpu.sem_alloc : memref<!tpu.dma_semaphore, #tpu.memory_space<semaphore_mem>>
      %dma_start3A_218 = arith.constant 0 : i32
      %dma_start3A_219 = tpu.memref_slice %arg5[%arg0, %mul3A_216, %dma_start3A_218] : memref<2x10240x128xf32, #tpu.memory_space<hbm>> -> memref<1x640x128xf32, #tpu.memory_space<hbm>>
      %dma_start3A_220 = tpu.memref_squeeze %dma_start3A_219 : memref<1x640x128xf32, #tpu.memory_space<hbm>> -> memref<640x128xf32, #tpu.memory_space<hbm>>
      %dma_start3A_221 = arith.constant 0 : i32
      %dma_start3A_222 = tpu.memref_slice %arg16[%mul3A_214, %dma_start3A_221] : memref<10240x128xf32, #tpu.memory_space<vmem_shared>> -> memref<640x128xf32, #tpu.memory_space<vmem_shared>>
      tpu.enqueue_dma source(%dma_start3A_222 : memref<640x128xf32, #tpu.memory_space<vmem_shared>>) target(%dma_start3A_220 : memref<640x128xf32, #tpu.memory_space<hbm>>) target_semaphore(%run_scoped3A_217 : memref<!tpu.dma_semaphore, #tpu.memory_space<semaphore_mem>>)
      %dma_wait3A_223 = arith.constant 0 : i32
      %dma_wait3A_224 = tpu.memref_slice %arg5[%arg0, %mul3A_216, %dma_wait3A_223] : memref<2x10240x128xf32, #tpu.memory_space<hbm>> -> memref<1x640x128xf32, #tpu.memory_space<hbm>>
      %dma_wait3A_225 = tpu.memref_squeeze %dma_wait3A_224 : memref<1x640x128xf32, #tpu.memory_space<hbm>> -> memref<640x128xf32, #tpu.memory_space<hbm>>
      %dma_wait3A_226 = arith.constant 0 : i32
      %dma_wait3A_227 = tpu.memref_slice %arg16[%mul3A_214, %dma_wait3A_226] : memref<10240x128xf32, #tpu.memory_space<vmem_shared>> -> memref<640x128xf32, #tpu.memory_space<vmem_shared>>
      tpu.wait_dma2 semaphore(%run_scoped3A_217 : memref<!tpu.dma_semaphore, #tpu.memory_space<semaphore_mem>>) src(%dma_wait3A_227 : memref<640x128xf32, #tpu.memory_space<vmem_shared>>) dst(%dma_wait3A_225 : memref<640x128xf32, #tpu.memory_space<hbm>>)
      tpu.yield
    }) : () -> ()
    return
  }
}

module attributes {stable_mosaic.version = 14 : i64} {
  func.func @_g1_body(%arg0: i32, %arg1: memref<2x1280xf32, #tpu.memory_space<vmem>>, %arg2: memref<1280x128xf32, #tpu.memory_space<vmem>>, %arg3: memref<128x128xf32, #tpu.memory_space<vmem>>, %arg4: memref<1280x128xf32, #tpu.memory_space<vmem>>) attributes {dimension_semantics = [#tpu.dimension_semantics<arbitrary>], iteration_bounds = array<i64: 8>, scalar_prefetch = 0 : i64, scratch_operands = 0 : i64, tpu.core_type = #tpu.core_type<tc>, window_params = [{transform_indices = @transform_0, window_bounds = array<i64: 2, 1280>}, {transform_indices = @transform_1, window_bounds = array<i64: 1280, 128>}, {pipeline_mode = #tpu.pipeline_mode<synchronous>, transform_indices = @transform_2, window_bounds = array<i64: 128, 128>}, {transform_indices = @transform_3, window_bounds = array<i64: 1280, 128>}]} {
    %get3A = arith.constant 0 : index
    %get3A_0 = arith.constant 0 : index
    %get3A_1 = vector.load %arg2[%get3A, %get3A_0] : memref<1280x128xf32, #tpu.memory_space<vmem>>, vector<1280x128xf32>
    %get3A_2 = arith.constant 0 : index
    %get3A_3 = arith.constant 0 : index
    %get3A_4 = vector.load %arg3[%get3A_2, %get3A_3] : memref<128x128xf32, #tpu.memory_space<vmem>>, vector<128x128xf32>
    %dot_general3A = arith.constant dense<0.000000e+00> : vector<1280x128xf32>
    %dot_general3A_5 = tpu.matmul %get3A_1, %get3A_4, %dot_general3A {dimension_numbers = #tpu.dot_dimension_numbers<[1], [0], [0], [1], [0, 0, 1, 1], [], []>, transpose_lhs_hint = false} : vector<1280x128xf32>, vector<128x128xf32>, vector<1280x128xf32> -> vector<1280x128xf32>
    %get3A_6 = arith.constant 0 : index
    %get3A_7 = arith.constant 0 : index
    %get3A_8 = vector.load %arg1[%get3A_6, %get3A_7] : memref<2x1280xf32, #tpu.memory_space<vmem>>, vector<1x1280xf32>
    %get3A_9 = vector.shape_cast %get3A_8 : vector<1x1280xf32> to vector<1280xf32>
    %get3A_10 = arith.constant 1 : index
    %get3A_11 = arith.constant 0 : index
    %get3A_12 = vector.load %arg1[%get3A_10, %get3A_11] : memref<2x1280xf32, #tpu.memory_space<vmem>>, vector<1x1280xf32>
    %get3A_13 = vector.shape_cast %get3A_12 : vector<1x1280xf32> to vector<1280xf32>
    %add3A = arith.addf %get3A_9, %get3A_13 : vector<1280xf32>
    %add3A_14 = arith.constant 1.000000e+00 : f32
    %add3A_15 = vector.broadcast %add3A_14 : f32 to vector<1280xf32>
    %add3A_16 = arith.addf %add3A, %add3A_15 : vector<1280xf32>
    %rsqrt3A = math.rsqrt %add3A_16 : vector<1280xf32>
    %reshape3A = vector.shape_cast %rsqrt3A : vector<1280xf32> to vector<1280x1xf32>
    %mul3A = vector.broadcast %reshape3A : vector<1280x1xf32> to vector<1280x128xf32>
    %mul3A_17 = arith.mulf %mul3A, %dot_general3A_5 : vector<1280x128xf32>
    %swap3A = arith.constant 0 : index
    %swap3A_18 = arith.constant 0 : index
    %swap3A_19 = vector.load %arg4[%swap3A, %swap3A_18] : memref<1280x128xf32, #tpu.memory_space<vmem>>, vector<1280x128xf32>
    tpu.vector_store %arg4[%swap3A, %swap3A_18], %mul3A_17 {strides = array<i32>} : memref<1280x128xf32, #tpu.memory_space<vmem>>, vector<1280x128xf32>,
    return
  }
  func.func @transform_0(%arg0: i32) -> (i32, i32) {
    %c0_i32 = arith.constant 0 : i32
    %c0_i32_0 = arith.constant 0 : i32
    return %c0_i32, %arg0 : i32, i32
  }
  func.func @transform_1(%arg0: i32) -> (i32, i32) {
    %c0_i32 = arith.constant 0 : i32
    %c0_i32_0 = arith.constant 0 : i32
    return %arg0, %c0_i32 : i32, i32
  }
  func.func @transform_2(%arg0: i32) -> (i32, i32) {
    %c0_i32 = arith.constant 0 : i32
    %c0_i32_0 = arith.constant 0 : i32
    %c0_i32_1 = arith.constant 0 : i32
    return %c0_i32, %c0_i32_0 : i32, i32
  }
  func.func @transform_3(%arg0: i32) -> (i32, i32) {
    %c0_i32 = arith.constant 0 : i32
    %c0_i32_0 = arith.constant 0 : i32
    return %arg0, %c0_i32 : i32, i32
  }
}

module attributes {stable_mosaic.version = 14 : i64} {
  func.func @_mid_body(%arg0: i32, %arg1: memref<2x1280xf32, #tpu.memory_space<vmem>>, %arg2: memref<2x1280x128xf32, #tpu.memory_space<vmem>>, %arg3: memref<1280x128xf32, #tpu.memory_space<vmem>>, %arg4: memref<128xf32, #tpu.memory_space<vmem>>, %arg5: memref<128x64xf32, #tpu.memory_space<vmem>>, %arg6: memref<1280x64xf32, #tpu.memory_space<vmem>>) attributes {dimension_semantics = [#tpu.dimension_semantics<arbitrary>], iteration_bounds = array<i64: 8>, scalar_prefetch = 0 : i64, scratch_operands = 0 : i64, tpu.core_type = #tpu.core_type<tc>, window_params = [{transform_indices = @transform_0, window_bounds = array<i64: 2, 1280>}, {transform_indices = @transform_1, window_bounds = array<i64: 2, 1280, 128>}, {transform_indices = @transform_2, window_bounds = array<i64: 1280, 128>}, {pipeline_mode = #tpu.pipeline_mode<synchronous>, transform_indices = @transform_3, window_bounds = array<i64: 128>}, {pipeline_mode = #tpu.pipeline_mode<synchronous>, transform_indices = @transform_4, window_bounds = array<i64: 128, 64>}, {transform_indices = @transform_5, window_bounds = array<i64: 1280, 64>}]} {
    %get3A = arith.constant 0 : index
    %get3A_0 = arith.constant 0 : index
    %get3A_1 = vector.load %arg1[%get3A, %get3A_0] : memref<2x1280xf32, #tpu.memory_space<vmem>>, vector<1x1280xf32>
    %get3A_2 = vector.shape_cast %get3A_1 : vector<1x1280xf32> to vector<1280xf32>
    %get3A_3 = arith.constant 1 : index
    %get3A_4 = arith.constant 0 : index
    %get3A_5 = vector.load %arg1[%get3A_3, %get3A_4] : memref<2x1280xf32, #tpu.memory_space<vmem>>, vector<1x1280xf32>
    %get3A_6 = vector.shape_cast %get3A_5 : vector<1x1280xf32> to vector<1280xf32>
    %add3A = arith.addf %get3A_2, %get3A_6 : vector<1280xf32>
    %add3A_7 = arith.constant 1.000000e+00 : f32
    %add3A_8 = vector.broadcast %add3A_7 : f32 to vector<1280xf32>
    %add3A_9 = arith.addf %add3A, %add3A_8 : vector<1280xf32>
    %rsqrt3A = math.rsqrt %add3A_9 : vector<1280xf32>
    %reshape3A = vector.shape_cast %rsqrt3A : vector<1280xf32> to vector<1280x1xf32>
    %get3A_10 = arith.constant 0 : index
    %get3A_11 = arith.constant 0 : index
    %get3A_12 = arith.constant 0 : index
    %get3A_13 = vector.load %arg2[%get3A_10, %get3A_11, %get3A_12] : memref<2x1280x128xf32, #tpu.memory_space<vmem>>, vector<1x1280x128xf32>
    %get3A_14 = vector.shape_cast %get3A_13 : vector<1x1280x128xf32> to vector<1280x128xf32>
    %get3A_15 = arith.constant 1 : index
    %get3A_16 = arith.constant 0 : index
    %get3A_17 = arith.constant 0 : index
    %get3A_18 = vector.load %arg2[%get3A_15, %get3A_16, %get3A_17] : memref<2x1280x128xf32, #tpu.memory_space<vmem>>, vector<1x1280x128xf32>
    %get3A_19 = vector.shape_cast %get3A_18 : vector<1x1280x128xf32> to vector<1280x128xf32>
    %add3A_20 = arith.addf %get3A_14, %get3A_19 : vector<1280x128xf32>
    %get3A_21 = arith.constant 0 : index
    %get3A_22 = arith.constant 0 : index
    %get3A_23 = vector.load %arg3[%get3A_21, %get3A_22] : memref<1280x128xf32, #tpu.memory_space<vmem>>, vector<1280x128xf32>
    %add3A_24 = arith.addf %add3A_20, %get3A_23 : vector<1280x128xf32>
    %mul3A = vector.broadcast %reshape3A : vector<1280x1xf32> to vector<1280x128xf32>
    %mul3A_25 = arith.mulf %mul3A, %add3A_24 : vector<1280x128xf32>
    %get3A_26 = arith.constant 0 : index
    %get3A_27 = vector.load %arg4[%get3A_26] : memref<128xf32, #tpu.memory_space<vmem>>, vector<128xf32>
    %broadcast_in_dim3A = vector.shape_cast %get3A_27 : vector<128xf32> to vector<1x128xf32>
    %add3A_28 = vector.broadcast %broadcast_in_dim3A : vector<1x128xf32> to vector<1280x128xf32>
    %add3A_29 = arith.addf %mul3A_25, %add3A_28 : vector<1280x128xf32>
    %max3A = arith.constant 0.000000e+00 : f32
    %max3A_30 = vector.broadcast %max3A : f32 to vector<1280x128xf32>
    %max3A_31 = arith.maximumf %add3A_29, %max3A_30 : vector<1280x128xf32>
    %get3A_32 = arith.constant 0 : index
    %get3A_33 = arith.constant 0 : index
    %get3A_34 = vector.load %arg5[%get3A_32, %get3A_33] : memref<128x64xf32, #tpu.memory_space<vmem>>, vector<128x64xf32>
    %dot_general3A = arith.constant dense<0.000000e+00> : vector<1280x64xf32>
    %dot_general3A_35 = tpu.matmul %max3A_31, %get3A_34, %dot_general3A {dimension_numbers = #tpu.dot_dimension_numbers<[1], [0], [0], [1], [0, 0, 1, 1], [], []>, transpose_lhs_hint = false} : vector<1280x128xf32>, vector<128x64xf32>, vector<1280x64xf32> -> vector<1280x64xf32>
    %mul3A_36 = vector.broadcast %reshape3A : vector<1280x1xf32> to vector<1280x64xf32>
    %mul3A_37 = arith.mulf %mul3A_36, %dot_general3A_35 : vector<1280x64xf32>
    %swap3A = arith.constant 0 : index
    %swap3A_38 = arith.constant 0 : index
    %swap3A_39 = vector.load %arg6[%swap3A, %swap3A_38] : memref<1280x64xf32, #tpu.memory_space<vmem>>, vector<1280x64xf32>
    tpu.vector_store %arg6[%swap3A, %swap3A_38], %mul3A_37 {strides = array<i32>} : memref<1280x64xf32, #tpu.memory_space<vmem>>, vector<1280x64xf32>,
    return
  }
  func.func @transform_0(%arg0: i32) -> (i32, i32) {
    %c0_i32 = arith.constant 0 : i32
    %c0_i32_0 = arith.constant 0 : i32
    return %c0_i32, %arg0 : i32, i32
  }
  func.func @transform_1(%arg0: i32) -> (i32, i32, i32) {
    %c0_i32 = arith.constant 0 : i32
    %c0_i32_0 = arith.constant 0 : i32
    %c0_i32_1 = arith.constant 0 : i32
    return %c0_i32, %arg0, %c0_i32_0 : i32, i32, i32
  }
  func.func @transform_2(%arg0: i32) -> (i32, i32) {
    %c0_i32 = arith.constant 0 : i32
    %c0_i32_0 = arith.constant 0 : i32
    return %arg0, %c0_i32 : i32, i32
  }
  func.func @transform_3(%arg0: i32) -> i32 {
    %c0_i32 = arith.constant 0 : i32
    %c0_i32_0 = arith.constant 0 : i32
    return %c0_i32 : i32
  }
  func.func @transform_4(%arg0: i32) -> (i32, i32) {
    %c0_i32 = arith.constant 0 : i32
    %c0_i32_0 = arith.constant 0 : i32
    %c0_i32_1 = arith.constant 0 : i32
    return %c0_i32, %c0_i32_0 : i32, i32
  }
  func.func @transform_5(%arg0: i32) -> (i32, i32) {
    %c0_i32 = arith.constant 0 : i32
    %c0_i32_0 = arith.constant 0 : i32
    return %arg0, %c0_i32 : i32, i32
  }
}

module attributes {stable_mosaic.version = 14 : i64} {
  func.func @_out_body(%arg0: i32, %arg1: memref<2x1280xf32, #tpu.memory_space<vmem>>, %arg2: memref<2x1280x64xf32, #tpu.memory_space<vmem>>, %arg3: memref<1280x64xf32, #tpu.memory_space<vmem>>, %arg4: memref<64xf32, #tpu.memory_space<vmem>>, %arg5: memref<1280x64xf32, #tpu.memory_space<vmem>>) attributes {dimension_semantics = [#tpu.dimension_semantics<arbitrary>], iteration_bounds = array<i64: 8>, scalar_prefetch = 0 : i64, scratch_operands = 0 : i64, tpu.core_type = #tpu.core_type<tc>, window_params = [{transform_indices = @transform_0, window_bounds = array<i64: 2, 1280>}, {transform_indices = @transform_1, window_bounds = array<i64: 2, 1280, 64>}, {transform_indices = @transform_2, window_bounds = array<i64: 1280, 64>}, {pipeline_mode = #tpu.pipeline_mode<synchronous>, transform_indices = @transform_3, window_bounds = array<i64: 64>}, {transform_indices = @transform_4, window_bounds = array<i64: 1280, 64>}]} {
    %get3A = arith.constant 0 : index
    %get3A_0 = arith.constant 0 : index
    %get3A_1 = arith.constant 0 : index
    %get3A_2 = vector.load %arg2[%get3A, %get3A_0, %get3A_1] : memref<2x1280x64xf32, #tpu.memory_space<vmem>>, vector<1x1280x64xf32>
    %get3A_3 = vector.shape_cast %get3A_2 : vector<1x1280x64xf32> to vector<1280x64xf32>
    %get3A_4 = arith.constant 1 : index
    %get3A_5 = arith.constant 0 : index
    %get3A_6 = arith.constant 0 : index
    %get3A_7 = vector.load %arg2[%get3A_4, %get3A_5, %get3A_6] : memref<2x1280x64xf32, #tpu.memory_space<vmem>>, vector<1x1280x64xf32>
    %get3A_8 = vector.shape_cast %get3A_7 : vector<1x1280x64xf32> to vector<1280x64xf32>
    %add3A = arith.addf %get3A_3, %get3A_8 : vector<1280x64xf32>
    %get3A_9 = arith.constant 0 : index
    %get3A_10 = arith.constant 0 : index
    %get3A_11 = vector.load %arg3[%get3A_9, %get3A_10] : memref<1280x64xf32, #tpu.memory_space<vmem>>, vector<1280x64xf32>
    %add3A_12 = arith.addf %add3A, %get3A_11 : vector<1280x64xf32>
    %get3A_13 = arith.constant 0 : index
    %get3A_14 = arith.constant 0 : index
    %get3A_15 = vector.load %arg1[%get3A_13, %get3A_14] : memref<2x1280xf32, #tpu.memory_space<vmem>>, vector<1x1280xf32>
    %get3A_16 = vector.shape_cast %get3A_15 : vector<1x1280xf32> to vector<1280xf32>
    %get3A_17 = arith.constant 1 : index
    %get3A_18 = arith.constant 0 : index
    %get3A_19 = vector.load %arg1[%get3A_17, %get3A_18] : memref<2x1280xf32, #tpu.memory_space<vmem>>, vector<1x1280xf32>
    %get3A_20 = vector.shape_cast %get3A_19 : vector<1x1280xf32> to vector<1280xf32>
    %add3A_21 = arith.addf %get3A_16, %get3A_20 : vector<1280xf32>
    %add3A_22 = arith.constant 1.000000e+00 : f32
    %add3A_23 = vector.broadcast %add3A_22 : f32 to vector<1280xf32>
    %add3A_24 = arith.addf %add3A_21, %add3A_23 : vector<1280xf32>
    %rsqrt3A = math.rsqrt %add3A_24 : vector<1280xf32>
    %reshape3A = vector.shape_cast %rsqrt3A : vector<1280xf32> to vector<1280x1xf32>
    %mul3A = vector.broadcast %reshape3A : vector<1280x1xf32> to vector<1280x64xf32>
    %mul3A_25 = arith.mulf %mul3A, %add3A_12 : vector<1280x64xf32>
    %get3A_26 = arith.constant 0 : index
    %get3A_27 = vector.load %arg4[%get3A_26] : memref<64xf32, #tpu.memory_space<vmem>>, vector<64xf32>
    %broadcast_in_dim3A = vector.shape_cast %get3A_27 : vector<64xf32> to vector<1x64xf32>
    %add3A_28 = vector.broadcast %broadcast_in_dim3A : vector<1x64xf32> to vector<1280x64xf32>
    %add3A_29 = arith.addf %mul3A_25, %add3A_28 : vector<1280x64xf32>
    %swap3A = arith.constant 0 : index
    %swap3A_30 = arith.constant 0 : index
    %swap3A_31 = vector.load %arg5[%swap3A, %swap3A_30] : memref<1280x64xf32, #tpu.memory_space<vmem>>, vector<1280x64xf32>
    tpu.vector_store %arg5[%swap3A, %swap3A_30], %add3A_29 {strides = array<i32>} : memref<1280x64xf32, #tpu.memory_space<vmem>>, vector<1280x64xf32>,
    return
  }
  func.func @transform_0(%arg0: i32) -> (i32, i32) {
    %c0_i32 = arith.constant 0 : i32
    %c0_i32_0 = arith.constant 0 : i32
    return %c0_i32, %arg0 : i32, i32
  }
  func.func @transform_1(%arg0: i32) -> (i32, i32, i32) {
    %c0_i32 = arith.constant 0 : i32
    %c0_i32_0 = arith.constant 0 : i32
    %c0_i32_1 = arith.constant 0 : i32
    return %c0_i32, %arg0, %c0_i32_0 : i32, i32, i32
  }
  func.func @transform_2(%arg0: i32) -> (i32, i32) {
    %c0_i32 = arith.constant 0 : i32
    %c0_i32_0 = arith.constant 0 : i32
    return %arg0, %c0_i32 : i32, i32
  }
  func.func @transform_3(%arg0: i32) -> i32 {
    %c0_i32 = arith.constant 0 : i32
    %c0_i32_0 = arith.constant 0 : i32
    return %c0_i32 : i32
  }
  func.func @transform_4(%arg0: i32) -> (i32, i32) {
    %c0_i32 = arith.constant 0 : i32
    %c0_i32_0 = arith.constant 0 : i32
    return %arg0, %c0_i32 : i32, i32
  }
}

</mosaic_0001>

<sc_bundles>
// kernel: kernel.11.cloned.1.call-start
scs
__scs_entry_jumppad:
0x0: {  	(pc) =	sbr.rel $0x88, $3  }
0x1: {  	(tag) =	ssettag $0x0;
	lr =	simm.s32 $0x1  }
0x2: {  	[smem:$0x3F9B] =	sst lr;
	_ =	strace $0xD0000000  }
0x3: {  	_ = 	snop  }
0x4: {  	_ = 	snop  }
0x5: {  	_ = 	snop  }
0x6: {  	_ = 	snop  }
0x7: {  	_ = 	snop  }
__scs_overlays_trampoline_lowered:
0x8: {  	[smem:$0x3FAA] =	sst s0  }
0x9: {  	[smem:$0x3FAB] =	sst s1  }
0xa: {  	[smem:$0x3FAC] =	sst s2  }
0xb: {  	[smem:$0x3FAD] =	sst s3  }
0xc: {  	[smem:$0x3FAE] =	sst s4  }
0xd: {  	[smem:$0x3FAF] =	sst s5  }
0xe: {  	[smem:$0x3FB0] =	sst s6  }
0xf: {  	[smem:$0x3FB1] =	sst s7  }
0x10: {  	[smem:$0x3FB2] =	sst s8  }
0x11: {  	[smem:$0x3FB3] =	sst s9;
	s0 =	simm.s32 @!p0 $0x0  }
0x12: {  	s1 =	sld [smem:$0x3F99];
	s0 =	simm.s32 @p0 $0x1  }
0x13: {  	[smem:$0x3FB4] =	sst s0;
	s0 =	simm.s32 @!p1 $0x0  }
0x14: {  	s2 =	sld [smem:$0x3F98];
	s0 =	simm.s32 @p1 $0x1  }
0x15: {  	[smem:$0x3FB5] =	sst s0;
	s0 =	simm.s32 @!p2 $0x0  }
0x16: {  	s3 =	sld [smem:$0x3FDB];
	s0 =	simm.s32 @p2 $0x1  }
0x17: {  	s4 =	simm.s32 $0x1BF5;
	[smem:$0x3FB7] =	sst s0  }
0x18: {  	s0 =	sld [smem:$0x3F9A];
	_ =	swait.ge [sflag:s4], $0x0  }
0x19: {  	s7 =	sld [smem:$0x3F9B]  }
0x1a: {  	s8 =	sadd.s32 $0xFFFFE003, lr  }
0x1b: {  	s9 =	sadd.s32 $0xFFFFFEF7, lr;
	s5 =	simm.s32 $0xFFFFFFFF;
	p2 =	slt.u32 s8, $0xFFFFF086  }
0x1c: {  	p1 =	slt.u32 s9, $0xF7A;
	s5 =	simm.s32 @!p2 $0x0  }
0x1d: {  	s5 =	simm.s32 @p1 $0x1;
	p0 =	seq.s32 s7, s2  }
0x1e: {  	s7 =	smul.u32 @!p0 $0xF7A, s2;
	p2 =	seq.s32 @!p0 s5, $0x0  }
0x1f: {  	s9 =	smul.u32 $0xF7A, s1;
	s8 =	simm.s32 @!p0 $0x1BF5;
	p2 =	por !p2, p0  }
0x20: {  	[sflag:s8] =	ssyncset.s32 @!p0 $0xFFFFF086;
	s6 =	sadd.s32 @!p0 s3, s7;
	s7 =	simm.s32 @!p0 $0x108  }
0x21: {  	s3 =	sadd.s32 s3, s9;
	s6 =	sadd.s32 @!p0 $0x88, s6;
	s7 =	simm.s32 @p2 $0x1082  }
0x22: {  	[simem:s7], [sflag:s8] =	dma.local @!p0 [hbm:s6], $0xF7A  }
0x23: {  	s9 =	sor.u32 $0xD0000000, s2;
	s6 =	simm.s32 $0x108;
	_ =	swait.ge @!p0 [sflag:s8], $0x0  }
0x24: {  	s3 =	sadd.s32 $0x88, s3;
	s6 =	simm.s32 @!p1 $0x1082;
	[sflag:s4] =	ssyncset.s32 $0xFFFFF086  }
0x25: {  	[simem:s6], [sflag:s4] =	dma.local [hbm:s3], $0xF7A  }
0x26: {  	[smem:$0x3F9B] =	sst s1;
	(tag) =	ssettag s2;
	_ =	strace s9  }
0x27: {  	s1 =	sld [smem:$0x3FAB]  }
0x28: {  	s2 =	sld [smem:$0x3FAC]  }
0x29: {  	s4 =	sld [smem:$0x3FAE]  }
0x2a: {  	p0 =	seq.s32 s5, $0x0;
	s5 =	sld [smem:$0x3FAF]  }
0x2b: {  	s6 =	sld [smem:$0x3FB0]  }
0x2c: {  	s7 =	sld [smem:$0x3FB1]  }
0x2d: {  	s3 =	simm.s32 $0x108;
	s8 =	sld [smem:$0x3FB2]  }
0x2e: {  	s3 =	simm.s32 @!p0 $0x1082;
	s9 =	sld [smem:$0x3FB3]  }
0x2f: {  	lr =	sadd.s32 s0, s3;
	s0 =	sld [smem:$0x3FAA]  }
0x30: {  	s3 =	sld [smem:$0x3FAD]  }
0x31: {  	[smem:$0x3FB6] =	sst s10  }
0x32: {  	s10 =	sld [smem:$0x3FB4];
	_ =	sdelay $0x3  }
0x33: {  	p0 =	seq.s32 s10, $0x1;
	s10 =	sld [smem:$0x3FB6];
	_ =	sdelay $0x3  }
0x34: {  	[smem:$0x3FB6] =	sst s10  }
0x35: {  	s10 =	sld [smem:$0x3FB5];
	_ =	sdelay $0x3  }
0x36: {  	p1 =	seq.s32 s10, $0x1;
	s10 =	sld [smem:$0x3FB6];
	_ =	sdelay $0x3  }
0x37: {  	[smem:$0x3FB6] =	sst s10  }
0x38: {  	s10 =	sld [smem:$0x3FB7]  }
0x39: {  	_ = 	snop;
	(pc) =	sbr.ind lr, $3  }
0x3a: {  	_ = 	snop  }
0x3b: {  	_ = 	snop  }
0x3c: {  	p2 =	seq.s32 s10, $0x1;
	s10 =	sld [smem:$0x3FB6]  }
0x3d: {  	_ =	shalt  }
0x3e: {  	_ =	shalt  }
0x3f: {  	_ =	shalt  }
0x40: {  	_ =	shalt  }
0x41: {  	_ =	shalt  }
0x42: {  	_ =	shalt  }
0x43: {  	_ =	shalt  }
0x44: {  	_ =	shalt  }
0x45: {  	_ =	shalt  }
0x46: {  	_ =	shalt  }
0x47: {  	_ =	shalt  }
0x48: {  	_ =	shalt  }
0x49: {  	_ =	shalt  }
0x4a: {  	_ =	shalt  }
0x4b: {  	_ =	shalt  }
0x4c: {  	_ =	shalt  }
0x4d: {  	_ =	shalt  }
0x4e: {  	_ =	shalt  }
0x4f: {  	_ =	shalt  }
0x50: {  	_ =	shalt  }
0x51: {  	_ =	shalt  }
0x52: {  	_ =	shalt  }
0x53: {  	_ =	shalt  }
0x54: {  	_ =	shalt  }
0x55: {  	_ =	shalt  }
0x56: {  	_ =	shalt  }
0x57: {  	_ =	shalt  }
0x58: {  	_ =	shalt  }
0x59: {  	_ =	shalt  }
0x5a: {  	_ =	shalt  }
0x5b: {  	_ =	shalt  }
0x5c: {  	_ =	shalt  }
0x5d: {  	_ =	shalt  }
0x5e: {  	_ =	shalt  }
0x5f: {  	_ =	shalt  }
0x60: {  	_ =	shalt  }
0x61: {  	_ =	shalt  }
0x62: {  	_ =	shalt  }
0x63: {  	_ =	shalt  }
0x64: {  	_ =	shalt  }
0x65: {  	_ =	shalt  }
0x66: {  	_ =	shalt  }
0x67: {  	_ =	shalt  }
0x68: {  	_ =	shalt  }
0x69: {  	_ =	shalt  }
0x6a: {  	_ =	shalt  }
0x6b: {  	_ =	shalt  }
0x6c: {  	_ =	shalt  }
0x6d: {  	_ =	shalt  }
0x6e: {  	_ =	shalt  }
0x6f: {  	_ =	shalt  }
0x70: {  	_ =	shalt  }
0x71: {  	_ =	shalt  }
0x72: {  	_ =	shalt  }
0x73: {  	_ =	shalt  }
0x74: {  	_ =	shalt  }
0x75: {  	_ =	shalt  }
0x76: {  	_ =	shalt  }
0x77: {  	_ =	shalt  }
0x78: {  	_ =	shalt  }
0x79: {  	_ =	shalt  }
0x7a: {  	_ =	shalt  }
0x7b: {  	_ =	shalt  }
0x7c: {  	_ =	shalt  }
0x7d: {  	_ =	shalt  }
0x7e: {  	_ =	shalt  }
0x7f: {  	_ =	shalt  }
0x80: {  	_ =	shalt  }
0x81: {  	_ =	shalt  }
0x82: {  	_ =	shalt  }
0x83: {  	_ =	shalt  }
0x84: {  	_ =	shalt  }
0x85: {  	_ =	shalt  }
0x86: {  	_ =	shalt  }
0x87: {  	_ =	shalt  }
.Lfunc_end0:
.L_simem_size_0:
called_computation.1_lowered:
.L_overlay_start_0:
0x88: {  	s2 =	sld [smem:$0x3FD9]  }
0x89: {  	s3 =	sld [smem:$0x3FFE];
	_ =	sdelay $0x1  }
0x8a: {  	s1 =	srdreg.scid  }
0x8b: {  	s0 =	sand.u32 $0x1, s1  }
0x8c: {  	s17 =	sshll.u32 s0, $0xA;
	s2 =	sadd.s32 s3, s2  }
0x8d: {  	s2 =	sadd.s32 s2, s17  }
0x8e: {  	[smem:$0x3FC2] =	sst s2  }
0x8f: {  	_ = 	snop  }
0x90: {  	s2 =	sld [smem:$0x3FD0];
	(tm) =	ssettm $0x1  }
0x91: {  	s18 =	sld [smem:$0x3FFB];
	_ =	sdelay $0x3  }
0x92: {  	_ =	strace s18  }
0x93: {  	s3 =	sld [smem:$0x3FFC];
	_ =	sdelay $0x3  }
0x94: {  	_ =	strace s3  }
0x95: {  	s3 =	sld [smem:$0x3FFD];
	_ =	sdelay $0x3  }
0x96: {  	_ =	strace s3  }
0x97: {  	_ =	strace $0x8FFFFFFF  }
0x98: {  	s19 =	sld [smem:$0x3FDB];
	_ =	sdelay $0x1  }
0x99: {  	s4 =	simm.s32 $_scs_section_size  }
0x9a: {  	s5 =	simm.s32 $_size__tile_overlayer_lowered;
	s6 =	simm.s32 $_tile_overlayer_lowered  }
0x9b: {  	s22 =	simm.s32 $0x1BFF;
	s21 =	sshll.u32 s6, $0x1;
	s3 =	sadd.s32 s4, s19  }
0x9c: {  	s7 =	simm.s32 $0x0;
	s20 =	sshll.u32 s5, $0x1;
	s5 =	sadd.s32 s21, s3  }
0x9d: {  	[timem:s7], [sflag:s22] =	dma.local [hbm:s5], s20  }
0x9e: {  	_ =	swait.ge [sflag:s22], s20  }
0x9f: {  	s4 =	ssub.s32 $0x0, s20;
	[sflag:s22] =	ssyncset.done $0x0  }
0xa0: {  	[sflag:s22] =	ssyncadd.s32 s4;
	_ =	sdelay $0x1  }
0xa1: {  	s23 =	simm.s32 $0x1B8B  }
0xa2: {  	_ =	swait.ge [sflag:s23], $0x1  }
0xa3: {  	[sflag:s23] =	ssyncset.done $0x0  }
0xa4: {  	s25 =	simm.s32 $0x1B8E;
	s24 =	sld [smem:$0x3FFE];
	[sflag:s23] =	ssyncadd.s32 $0xFFFFFFFF  }
0xa5: {  	s26 =	simm.s32 $execute0_lowered;
	[smem:$0x3FD2] =	sst s25  }
0xa6: {  	s5 =	sshll.u32 s26, $0x1;
	_ =	strace $0x80000049;
	[dreg:$0x1] =	wrdreg $0xFFFFFFFF  }
0xa7: {  	s28 =	simm.s32 $_size_execute0_lowered;
	s3 =	sadd.s32 s3, s5;
	[dreg:$0x0] =	wrdreg $0x0  }
0xa8: {  	s5 =	sshll.u32 s28, $0x1;
	[dreg:$0x2] =	wrdreg s3  }
0xa9: {  	[dreg:$0x3] =	wrdreg s5  }
0xaa: {  	[dreg:$0x4] =	wrdreg $0xC0  }
0xab: {  	_ =	task [dreg:s7], $0x5FFFF  }
0xac: {  	[dreg:$0x1] =	wrdreg $0xFFFFFFFF  }
0xad: {  	[dreg:$0x0] =	wrdreg $0x60  }
0xae: {  	[dreg:$0x2] =	wrdreg s24  }
0xaf: {  	[dreg:$0x3] =	wrdreg s2  }
0xb0: {  	[dreg:$0x4] =	wrdreg $0xBC000  }
0xb1: {  	[dreg:$0x5] =	wrdreg $0x9  }
0xb2: {  	_ =	task.clear_ibuf [dreg:s7], $0x6FFFF;
	_ =	strace $0x90000049  }
0xb3: {  	s29 =	simm.s32 $0x9;
	_ =	strace $0x8000004B  }
0xb4: {  	_ =	swait.ge [sflag:s29], $0x1  }
0xb5: {  	[sflag:s29] =	ssyncadd.s32 $0xFFFFFFFF  }
0xb6: {  	_ =	strace $0x9000004B  }
0xb7: {  	_ =	sfence  }
0xb8: {  	s30 =	sld [smem:$0x0];
	_ =	sdelay $0x2  }
0xb9: {  	s31 =	sshll.u32 s1, $0xD;
	s1 =	sshrl.u32 s1, $0x2  }
0xba: {  	s3 =	sand.u32 $0x4000, s31;
	s1 =	sadd.s32 s1, s30  }
0xbb: {  	s0 =	sor.u32 s3, s0;
	s1 =	sshll.u32 s1, $0x11  }
0xbc: {  	s0 =	sor.u32 s1, s0  }
0xbd: {  	s0 =	sadd.s32 $0x8F2B, s0  }
0xbe: {  	[sflag:s0] =	ssyncadd.remote.s32 $0x1  }
0xbf: {  	_ =	sfence.sel $0xFFFF  }
0xc0: {  	[dreg:$0x0] =	wrdreg $0xFFFFFFFF;
	(pc) =	sbr.abs _section_cstart, $3  }
0xc1: {  	[dreg:$0x1] =	wrdreg $0xFFFFFFFF  }
0xc2: {  	_ =	task.clear_ibuf [dreg:s7], $0x2FFFF;
	_ =	strace $0x9FFFFFFF  }
0xc3: {  	(tm) =	ssettm $0x7FFFFFFF  }
tec
execute0_lowered:
.L_overlay_start_1:
0x0: {  	(tag) =	ssettag $0x1  }
0x1: {  	s8 =	stileid.u32  }
0x2: {  	s5 =	smul.u32 $0x14000, s8  }
0x3: {  	s0 =	srdreg.scid;
	s2 =	sshll.u32 s8, $0x1;
	s8 =	smul.u32 $0x50000, s8  }
0x4: {  	s1 =	rddreg [dreg:$0x0];
	s0 =	sand.u32 $0x1, s0  }
0x5: {  	s4 =	sor.u32 s0, s2;
	s2 =	rddreg [dreg:$0x2];
	s8 =	sshrl.u32 s8, $0x2  }
0x6: {  	s3 =	rddreg [dreg:$0x1];
	s6 =	simm.s32 $0x0;
	s8 =	sadd.s32 s8, s2  }
0x7: {  	s31 =	simm.s32 $0x3C00;
	[smem:$0x7FF] =	sst s6;
	s25 =	sadd.s32 $0x1000, s8  }
0x8: {  	_ =	strace $0x8000004A;
	s26 =	sadd.s32 $0x2000, s8;
	[dreg:$0x4] =	wrdreg s25  }
0x9: {  	s23 =	smul.u32 $0x140000, s0;
	s10 =	sadd.s32 $0x3000, s8;
	[dreg:$0x5] =	wrdreg s26  }
0xa: {  	s0 =	ssub.s32 $0x2, s0;
	s11 =	sadd.s32 $0x4000, s8;
	[dreg:$0x6] =	wrdreg s10  }
0xb: {  	s4 =	smul.u32 $0x2800, s4;
	s12 =	sadd.s32 $0x5000, s8;
	[dreg:$0x7] =	wrdreg s11  }
0xc: {  	s24 =	sshrl.u32 s0, $0x1;
	s13 =	sadd.s32 $0x6000, s8;
	[dreg:$0x8] =	wrdreg s12  }
0xd: {  	s6 =	sadd.s32 s5, s23;
	s14 =	sadd.s32 $0x7000, s8;
	[dreg:$0x9] =	wrdreg s13  }
0xe: {  	s0 =	ssub.s32 s0, s24;
	s15 =	sadd.s32 $0x8000, s8;
	[dreg:$0xa] =	wrdreg s14  }
0xf: {  	s5 =	sadd.s32 s5, s2;
	s16 =	sadd.s32 $0x9000, s8;
	[dreg:$0xb] =	wrdreg s15  }
0x10: {  	s7 =	sshrl.u32 s4, $0x3;
	s17 =	sadd.s32 $0xA000, s8;
	[dreg:$0xc] =	wrdreg s16  }
0x11: {  	s4 =	sadd.s32 $0xC400, s1;
	s18 =	sadd.s32 $0xB000, s8;
	[dreg:$0xd] =	wrdreg s17  }
0x12: {  	s6 =	sshrl.u32 s6, $0x3;
	s19 =	sadd.s32 $0xC000, s8;
	[dreg:$0xe] =	wrdreg s18  }
0x13: {  	s20 =	sadd.s32 $0xD000, s8;
	s21 =	sadd.s32 $0xE000, s8;
	[dreg:$0xf] =	wrdreg s19  }
0x14: {  	s22 =	sadd.s32 $0xF000, s8;
	s23 =	sadd.s32 $0x10000, s8;
	[dreg:$0x10] =	wrdreg s20  }
0x15: {  	s24 =	sadd.s32 $0x11000, s8;
	s30 =	smax.u32 s0, $0x1;
	[dreg:$0x11] =	wrdreg s21  }
0x16: {  	s0 =	simm.s32 $0x20;
	s9 =	sadd.s32 s7, s1;
	[dreg:$0x13] =	wrdreg s22  }
0x17: {  	s1 =	sadd.s32 s6, s1;
	s3 =	sadd.s32 s3, s7;
	[dreg:$0x14] =	wrdreg s23  }
0x18: {  	[dreg:$0x15] =	wrdreg s24;
	s25 =	sadd.s32 $0x12000, s8;
	s26 =	sadd.s32 $0x13000, s8  }
0x19: {  	s6 =	simm.s32 $0x5C00;
	s7 =	simm.s32 $0x6C00;
	s8 =	simm.s32 $0x7C00  }
0x1a: {  	s10 =	simm.s32 $0x9C00;
	s11 =	simm.s32 $0xAC00;
	s12 =	simm.s32 $0x2800  }
0x1b: {  	s13 =	simm.s32 $0x1;
	s14 =	simm.s32 $0x2;
	s15 =	simm.s32 $0x3  }
0x1c: {  	s16 =	simm.s32 $0x4;
	s17 =	simm.s32 $0x5;
	[dreg:$0x12] =	wrdreg s3  }
0x1d: {  	s18 =	simm.s32 $0x6;
	s19 =	simm.s32 $0x7;
	[dreg:$0x16] =	wrdreg s25  }
0x1e: {  	s20 =	simm.s32 $0x8;
	s21 =	simm.s32 $0x0;
	[dreg:$0x17] =	wrdreg s26  }
0x1f: {  	s26 =	sadd.s32 $0x2400, s9;
	s28 =	sadd.s32 $0x2680, s9;
	s29 =	sadd.s32 $0x34400, s1  }
0x20: {  	v0 =	vimm.f32 $0.0e+00;
	s1 =	simm.s32 $0x9;
	s3 =	simm.s32 $0x4C00;
	s9 =	simm.s32 $0x8C00  }
.LBB2_1:
0x21: {  	s23 =	simm.s32 $0x0  }
0x22: {  	s22 =	sand.u32 $0x3E00, s23  }
0x23: {  	s23 =	sand.u32 $0x70, s23;
	s24 =	sshrl.u32 s22, $0x2  }
0x24: {  	s22 =	simm.s32 $0x40;
	s24 =	sor.u32 s23, s24;
	s23 =	simm.s32 $0x0  }
.LBB2_2:
0x25: {  	p0 =	sne.s32 s22, $0x3FC0  }
0x26: {  	[tilespmem:s24+$0x3C00] =	vst v0;
	s23 =	sadd.s32 $0x10, s23;
	s24 =	smov.u32 s22;
	s22 =	sadd.s32 $0x40, s22  }
.Ltmp0:
0x27: {  	(pc) =	sbr.rel @p0 .LBB2_2-.Ltmp0, $4  }
0x28: {  	_ = 	snop  }
0x29: {  	s24 =	sand.u32 $0x3E00, s24  }
0x2a: {  	s25 =	sand.u32 $0x70, s23;
	s24 =	sshrl.u32 s24, $0x2  }
0x2b: {  	s24 =	sor.u32 s25, s24  }
0x2c: {  	[tilespmem:s24+$0x3C00] =	vst v0  }
0x2d: {  	[spmem:s5] =	stream.linear.scatter [tilespmem:s31], [sflag:$0x9], $0x1000, $0x38;
	[tilespmem:$0x1FC00] =	vst v63  }
0x2e: {  	_ =	swait.ge [sflag:s1], $0x1000  }
0x2f: {  	[sflag:s1] =	ssyncset.done $0x0  }
0x30: {  	s22 =	rddreg [dreg:$0x4];
	[sflag:s1] =	ssyncadd.s32 $0xFFFFF000  }
0x31: {  	[spmem:s22] =	stream.linear.scatter [tilespmem:s31], [sflag:$0x9], $0x1000, $0x38;
	[tilespmem:$0x1FC00] =	vst v63  }
0x32: {  	_ =	swait.ge [sflag:s1], $0x1000  }
0x33: {  	[sflag:s1] =	ssyncset.done $0x0  }
0x34: {  	s24 =	rddreg [dreg:$0x5];
	[sflag:s1] =	ssyncadd.s32 $0xFFFFF000  }
0x35: {  	[spmem:s24] =	stream.linear.scatter [tilespmem:s31], [sflag:$0x9], $0x1000, $0x38;
	[tilespmem:$0x1FC00] =	vst v63  }
0x36: {  	_ =	swait.ge [sflag:s1], $0x1000  }
0x37: {  	[sflag:s1] =	ssyncset.done $0x0  }
0x38: {  	s25 =	rddreg [dreg:$0x6];
	[sflag:s1] =	ssyncadd.s32 $0xFFFFF000  }
0x39: {  	[spmem:s25] =	stream.linear.scatter [tilespmem:s31], [sflag:$0x9], $0x1000, $0x38;
	[tilespmem:$0x1FC00] =	vst v63  }
0x3a: {  	_ =	swait.ge [sflag:s1], $0x1000  }
0x3b: {  	[sflag:s1] =	ssyncset.done $0x0  }
0x3c: {  	s23 =	rddreg [dreg:$0x7];
	[sflag:s1] =	ssyncadd.s32 $0xFFFFF000  }
0x3d: {  	[spmem:s23] =	stream.linear.scatter [tilespmem:s31], [sflag:$0x9], $0x1000, $0x38;
	[tilespmem:$0x1FC00] =	vst v63  }
0x3e: {  	_ =	swait.ge [sflag:s1], $0x1000  }
0x3f: {  	[sflag:s1] =	ssyncset.done $0x0  }
0x40: {  	s24 =	rddreg [dreg:$0x8];
	[sflag:s1] =	ssyncadd.s32 $0xFFFFF000  }
0x41: {  	[spmem:s24] =	stream.linear.scatter [tilespmem:s31], [sflag:$0x9], $0x1000, $0x38;
	[tilespmem:$0x1FC00] =	vst v63  }
0x42: {  	_ =	swait.ge [sflag:s1], $0x1000  }
0x43: {  	[sflag:s1] =	ssyncset.done $0x0  }
0x44: {  	s25 =	rddreg [dreg:$0x9];
	[sflag:s1] =	ssyncadd.s32 $0xFFFFF000  }
0x45: {  	[spmem:s25] =	stream.linear.scatter [tilespmem:s31], [sflag:$0x9], $0x1000, $0x38;
	[tilespmem:$0x1FC00] =	vst v63  }
0x46: {  	_ =	swait.ge [sflag:s1], $0x1000  }
0x47: {  	[sflag:s1] =	ssyncset.done $0x0  }
0x48: {  	s23 =	rddreg [dreg:$0xa];
	[sflag:s1] =	ssyncadd.s32 $0xFFFFF000  }
0x49: {  	[spmem:s23] =	stream.linear.scatter [tilespmem:s31], [sflag:$0x9], $0x1000, $0x38;
	[tilespmem:$0x1FC00] =	vst v63  }
0x4a: {  	_ =	swait.ge [sflag:s1], $0x1000  }
0x4b: {  	[sflag:s1] =	ssyncset.done $0x0  }
0x4c: {  	s24 =	rddreg [dreg:$0xb];
	[sflag:s1] =	ssyncadd.s32 $0xFFFFF000  }
0x4d: {  	[spmem:s24] =	stream.linear.scatter [tilespmem:s31], [sflag:$0x9], $0x1000, $0x38;
	[tilespmem:$0x1FC00] =	vst v63  }
0x4e: {  	_ =	swait.ge [sflag:s1], $0x1000  }
0x4f: {  	[sflag:s1] =	ssyncset.done $0x0  }
0x50: {  	s25 =	rddreg [dreg:$0xc];
	[sflag:s1] =	ssyncadd.s32 $0xFFFFF000  }
0x51: {  	[spmem:s25] =	stream.linear.scatter [tilespmem:s31], [sflag:$0x9], $0x1000, $0x38;
	[tilespmem:$0x1FC00] =	vst v63  }
0x52: {  	_ =	swait.ge [sflag:s1], $0x1000  }
0x53: {  	[sflag:s1] =	ssyncset.done $0x0  }
0x54: {  	s23 =	rddreg [dreg:$0xd];
	[sflag:s1] =	ssyncadd.s32 $0xFFFFF000  }
0x55: {  	[spmem:s23] =	stream.linear.scatter [tilespmem:s31], [sflag:$0x9], $0x1000, $0x38;
	[tilespmem:$0x1FC00] =	vst v63  }
0x56: {  	_ =	swait.ge [sflag:s1], $0x1000  }
0x57: {  	[sflag:s1] =	ssyncset.done $0x0  }
0x58: {  	s24 =	rddreg [dreg:$0xe];
	[sflag:s1] =	ssyncadd.s32 $0xFFFFF000  }
0x59: {  	[spmem:s24] =	stream.linear.scatter [tilespmem:s31], [sflag:$0x9], $0x1000, $0x38;
	[tilespmem:$0x1FC00] =	vst v63  }
0x5a: {  	_ =	swait.ge [sflag:s1], $0x1000  }
0x5b: {  	[sflag:s1] =	ssyncset.done $0x0  }
0x5c: {  	s25 =	rddreg [dreg:$0xf];
	[sflag:s1] =	ssyncadd.s32 $0xFFFFF000  }
0x5d: {  	[spmem:s25] =	stream.linear.scatter [tilespmem:s31], [sflag:$0x9], $0x1000, $0x38;
	[tilespmem:$0x1FC00] =	vst v63  }
0x5e: {  	_ =	swait.ge [sflag:s1], $0x1000  }
0x5f: {  	[sflag:s1] =	ssyncset.done $0x0  }
0x60: {  	s23 =	rddreg [dreg:$0x10];
	[sflag:s1] =	ssyncadd.s32 $0xFFFFF000  }
0x61: {  	[spmem:s23] =	stream.linear.scatter [tilespmem:s31], [sflag:$0x9], $0x1000, $0x38;
	[tilespmem:$0x1FC00] =	vst v63  }
0x62: {  	_ =	swait.ge [sflag:s1], $0x1000  }
0x63: {  	[sflag:s1] =	ssyncset.done $0x0  }
0x64: {  	s24 =	rddreg [dreg:$0x11];
	[sflag:s1] =	ssyncadd.s32 $0xFFFFF000  }
0x65: {  	[spmem:s24] =	stream.linear.scatter [tilespmem:s31], [sflag:$0x9], $0x1000, $0x38;
	[tilespmem:$0x1FC00] =	vst v63  }
0x66: {  	_ =	swait.ge [sflag:s1], $0x1000  }
0x67: {  	[sflag:s1] =	ssyncset.done $0x0  }
0x68: {  	s25 =	rddreg [dreg:$0x13];
	[sflag:s1] =	ssyncadd.s32 $0xFFFFF000  }
0x69: {  	[spmem:s25] =	stream.linear.scatter [tilespmem:s31], [sflag:$0x9], $0x1000, $0x38;
	[tilespmem:$0x1FC00] =	vst v63  }
0x6a: {  	_ =	swait.ge [sflag:s1], $0x1000  }
0x6b: {  	[sflag:s1] =	ssyncset.done $0x0  }
0x6c: {  	s23 =	rddreg [dreg:$0x14];
	[sflag:s1] =	ssyncadd.s32 $0xFFFFF000  }
0x6d: {  	[spmem:s23] =	stream.linear.scatter [tilespmem:s31], [sflag:$0x9], $0x1000, $0x38;
	[tilespmem:$0x1FC00] =	vst v63  }
0x6e: {  	_ =	swait.ge [sflag:s1], $0x1000  }
0x6f: {  	[sflag:s1] =	ssyncset.done $0x0  }
0x70: {  	s24 =	rddreg [dreg:$0x15];
	[sflag:s1] =	ssyncadd.s32 $0xFFFFF000  }
0x71: {  	[spmem:s24] =	stream.linear.scatter [tilespmem:s31], [sflag:$0x9], $0x1000, $0x38;
	[tilespmem:$0x1FC00] =	vst v63  }
0x72: {  	_ =	swait.ge [sflag:s1], $0x1000  }
0x73: {  	[sflag:s1] =	ssyncset.done $0x0  }
0x74: {  	s25 =	rddreg [dreg:$0x16];
	[sflag:s1] =	ssyncadd.s32 $0xFFFFF000  }
0x75: {  	[spmem:s25] =	stream.linear.scatter [tilespmem:s31], [sflag:$0x9], $0x1000, $0x38;
	[tilespmem:$0x1FC00] =	vst v63  }
0x76: {  	_ =	swait.ge [sflag:s1], $0x1000  }
0x77: {  	[sflag:s1] =	ssyncset.done $0x0  }
0x78: {  	s23 =	rddreg [dreg:$0x17];
	[sflag:s1] =	ssyncadd.s32 $0xFFFFF000  }
0x79: {  	[spmem:s23] =	stream.linear.scatter [tilespmem:s31], [sflag:$0x9], $0x1000, $0x38;
	[tilespmem:$0x1FC00] =	vst v63  }
0x7a: {  	_ =	swait.ge [sflag:s1], $0x1000  }
0x7b: {  	[sflag:s1] =	ssyncset.done $0x0  }
0x7c: {  	[sflag:s1] =	ssyncadd.s32 $0xFFFFF000  }
0x7d: {  	[bflag:$0x0] =	sbarrier.arrive $0xFFFF  }
0x7e: {  	s22 =	simm.s32 $0x0;
	s23 =	rddreg [dreg:$0x12]  }
0x7f: {  	[tilespmem:s22], [sflag:$0x9] =	stream.linear.gather [hbm4b:s23+s22], $0x2800, $0x38;
	[tilespmem:$0x1FC00] =	vst v63  }
0x80: {  	_ =	swait.ge [sflag:s1], $0x2800  }
0x81: {  	[sflag:s1] =	ssyncset.done $0x0  }
0x82: {  	[sflag:s1] =	ssyncadd.s32 $0xFFFFD800  }
0x83: {  	[tilespmem:s31], [sflag:$0x1] =	stream.indirect.gather [hbm4b:s4+s0], $0x80, s22, s0, $0xb8;
	[tilespmem:$0x1FC00] =	vst v63  }
0x84: {  	_ = 	snop  }
0x85: {  	[tilespmem:s3], [sflag:$0x2] =	stream.indirect.gather [hbm4b:s4+s0], $0x80, s0, s0, $0xb8;
	[tilespmem:$0x1FC00] =	vst v63  }
0x86: {  	s24 =	simm.s32 $0x40  }
0x87: {  	[tilespmem:s6], [sflag:$0x3] =	stream.indirect.gather [hbm4b:s4+s0], $0x80, s24, s0, $0xb8;
	[tilespmem:$0x1FC00] =	vst v63  }
0x88: {  	s25 =	simm.s32 $0x60  }
0x89: {  	[tilespmem:s7], [sflag:$0x4] =	stream.indirect.gather [hbm4b:s4+s0], $0x80, s25, s0, $0xb8;
	[tilespmem:$0x1FC00] =	vst v63  }
0x8a: {  	s24 =	simm.s32 $0x80  }
0x8b: {  	[tilespmem:s8], [sflag:$0x5] =	stream.indirect.gather [hbm4b:s4+s0], $0x80, s24, s0, $0xb8;
	[tilespmem:$0x1FC00] =	vst v63  }
0x8c: {  	s25 =	simm.s32 $0xA0  }
0x8d: {  	[tilespmem:s9], [sflag:$0x6] =	stream.indirect.gather [hbm4b:s4+s0], $0x80, s25, s0, $0xb8;
	[tilespmem:$0x1FC00] =	vst v63  }
0x8e: {  	s24 =	simm.s32 $0xC0  }
0x8f: {  	[tilespmem:s10], [sflag:$0x7] =	stream.indirect.gather [hbm4b:s4+s0], $0x80, s24, s0, $0xb8;
	[tilespmem:$0x1FC00] =	vst v63  }
0x90: {  	s25 =	simm.s32 $0xE0  }
0x91: {  	[tilespmem:s11], [sflag:$0x8] =	stream.indirect.gather [hbm4b:s4+s0], $0x80, s25, s0, $0xb8;
	[tilespmem:$0x1FC00] =	vst v63  }
0x92: {  	_ = 	snop  }
0x93: {  	[tilespmem:s12], [sflag:$0x9] =	stream.linear.gather [hbm4b:s26+s22], $0x1400, $0x38;
	[tilespmem:$0x1FC00] =	vst v63  }
0x94: {  	_ =	swait.ge [sflag:s1], $0x1400  }
0x95: {  	[sflag:s1] =	ssyncset.done $0x0  }
0x96: {  	[sflag:s1] =	ssyncadd.s32 $0xFFFFEC00  }
0x97: {  	_ =	swait.ge [sflag:s13], $0x1000  }
0x98: {  	[sflag:s13] =	ssyncset.done $0x0  }
0x99: {  	s23 =	simm.s32 $0x2800;
	[sflag:s13] =	ssyncadd.s32 $0xFFFFF000  }
0x9a: {  	[spmem:s2] =	stream.indirect.scatter.add.f32 [tilespmem:s31], [sflag:$0x9], $0x80, s23, s0, $0xb8;
	[tilespmem:$0x1FC00] =	vst v63  }
0x9b: {  	_ =	swait.ge [sflag:s1], $0x1000  }
0x9c: {  	[sflag:s1] =	ssyncset.done $0x0  }
0x9d: {  	s24 =	simm.s32 $0x100;
	[sflag:s1] =	ssyncadd.s32 $0xFFFFF000  }
0x9e: {  	[tilespmem:s31], [sflag:$0x1] =	stream.indirect.gather [hbm4b:s4+s0], $0x80, s24, s0, $0xb8;
	[tilespmem:$0x1FC00] =	vst v63  }
0x9f: {  	_ =	swait.ge [sflag:s14], $0x1000  }
0xa0: {  	[sflag:s14] =	ssyncset.done $0x0  }
0xa1: {  	s25 =	simm.s32 $0x2820;
	[sflag:s14] =	ssyncadd.s32 $0xFFFFF000  }
0xa2: {  	[spmem:s2] =	stream.indirect.scatter.add.f32 [tilespmem:s3], [sflag:$0x9], $0x80, s25, s0, $0xb8;
	[tilespmem:$0x1FC00] =	vst v63  }
0xa3: {  	_ =	swait.ge [sflag:s1], $0x1000  }
0xa4: {  	[sflag:s1] =	ssyncset.done $0x0  }
0xa5: {  	s23 =	simm.s32 $0x120;
	[sflag:s1] =	ssyncadd.s32 $0xFFFFF000  }
0xa6: {  	[tilespmem:s3], [sflag:$0x2] =	stream.indirect.gather [hbm4b:s4+s0], $0x80, s23, s0, $0xb8;
	[tilespmem:$0x1FC00] =	vst v63  }
0xa7: {  	_ =	swait.ge [sflag:s15], $0x1000  }
0xa8: {  	[sflag:s15] =	ssyncset.done $0x0  }
0xa9: {  	s24 =	simm.s32 $0x2840;
	[sflag:s15] =	ssyncadd.s32 $0xFFFFF000  }
0xaa: {  	[spmem:s2] =	stream.indirect.scatter.add.f32 [tilespmem:s6], [sflag:$0x9], $0x80, s24, s0, $0xb8;
	[tilespmem:$0x1FC00] =	vst v63  }
0xab: {  	_ =	swait.ge [sflag:s1], $0x1000  }
0xac: {  	[sflag:s1] =	ssyncset.done $0x0  }
0xad: {  	s25 =	simm.s32 $0x140;
	[sflag:s1] =	ssyncadd.s32 $0xFFFFF000  }
0xae: {  	[tilespmem:s6], [sflag:$0x3] =	stream.indirect.gather [hbm4b:s4+s0], $0x80, s25, s0, $0xb8;
	[tilespmem:$0x1FC00] =	vst v63  }
0xaf: {  	_ =	swait.ge [sflag:s16], $0x1000  }
0xb0: {  	[sflag:s16] =	ssyncset.done $0x0  }
0xb1: {  	s23 =	simm.s32 $0x2860;
	[sflag:s16] =	ssyncadd.s32 $0xFFFFF000  }
0xb2: {  	[spmem:s2] =	stream.indirect.scatter.add.f32 [tilespmem:s7], [sflag:$0x9], $0x80, s23, s0, $0xb8;
	[tilespmem:$0x1FC00] =	vst v63  }
0xb3: {  	_ =	swait.ge [sflag:s1], $0x1000  }
0xb4: {  	[sflag:s1] =	ssyncset.done $0x0  }
0xb5: {  	s24 =	simm.s32 $0x160;
	[sflag:s1] =	ssyncadd.s32 $0xFFFFF000  }
0xb6: {  	[tilespmem:s7], [sflag:$0x4] =	stream.indirect.gather [hbm4b:s4+s0], $0x80, s24, s0, $0xb8;
	[tilespmem:$0x1FC00] =	vst v63  }
0xb7: {  	_ =	swait.ge [sflag:s17], $0x1000  }
0xb8: {  	[sflag:s17] =	ssyncset.done $0x0  }
0xb9: {  	s25 =	simm.s32 $0x2880;
	[sflag:s17] =	ssyncadd.s32 $0xFFFFF000  }
0xba: {  	[spmem:s2] =	stream.indirect.scatter.add.f32 [tilespmem:s8], [sflag:$0x9], $0x80, s25, s0, $0xb8;
	[tilespmem:$0x1FC00] =	vst v63  }
0xbb: {  	_ =	swait.ge [sflag:s1], $0x1000  }
0xbc: {  	[sflag:s1] =	ssyncset.done $0x0  }
0xbd: {  	s23 =	simm.s32 $0x180;
	[sflag:s1] =	ssyncadd.s32 $0xFFFFF000  }
0xbe: {  	[tilespmem:s8], [sflag:$0x5] =	stream.indirect.gather [hbm4b:s4+s0], $0x80, s23, s0, $0xb8;
	[tilespmem:$0x1FC00] =	vst v63  }
0xbf: {  	_ =	swait.ge [sflag:s18], $0x1000  }
0xc0: {  	[sflag:s18] =	ssyncset.done $0x0  }
0xc1: {  	s24 =	simm.s32 $0x28A0;
	[sflag:s18] =	ssyncadd.s32 $0xFFFFF000  }
0xc2: {  	[spmem:s2] =	stream.indirect.scatter.add.f32 [tilespmem:s9], [sflag:$0x9], $0x80, s24, s0, $0xb8;
	[tilespmem:$0x1FC00] =	vst v63  }
0xc3: {  	_ =	swait.ge [sflag:s1], $0x1000  }
0xc4: {  	[sflag:s1] =	ssyncset.done $0x0  }
0xc5: {  	s25 =	simm.s32 $0x1A0;
	[sflag:s1] =	ssyncadd.s32 $0xFFFFF000  }
0xc6: {  	[tilespmem:s9], [sflag:$0x6] =	stream.indirect.gather [hbm4b:s4+s0], $0x80, s25, s0, $0xb8;
	[tilespmem:$0x1FC00] =	vst v63  }
0xc7: {  	_ =	swait.ge [sflag:s19], $0x1000  }
0xc8: {  	[sflag:s19] =	ssyncset.done $0x0  }
0xc9: {  	s23 =	simm.s32 $0x28C0;
	[sflag:s19] =	ssyncadd.s32 $0xFFFFF000  }
0xca: {  	[spmem:s2] =	stream.indirect.scatter.add.f32 [tilespmem:s10], [sflag:$0x9], $0x80, s23, s0, $0xb8;
	[tilespmem:$0x1FC00] =	vst v63  }
0xcb: {  	_ =	swait.ge [sflag:s1], $0x1000  }
0xcc: {  	[sflag:s1] =	ssyncset.done $0x0  }
0xcd: {  	s24 =	simm.s32 $0x1C0;
	[sflag:s1] =	ssyncadd.s32 $0xFFFFF000  }
0xce: {  	[tilespmem:s10], [sflag:$0x7] =	stream.indirect.gather [hbm4b:s4+s0], $0x80, s24, s0, $0xb8;
	[tilespmem:$0x1FC00] =	vst v63  }
0xcf: {  	_ =	swait.ge [sflag:s20], $0x1000  }
0xd0: {  	[sflag:s20] =	ssyncset.done $0x0  }
0xd1: {  	s25 =	simm.s32 $0x28E0;
	[sflag:s20] =	ssyncadd.s32 $0xFFFFF000  }
0xd2: {  	[spmem:s2] =	stream.indirect.scatter.add.f32 [tilespmem:s11], [sflag:$0x9], $0x80, s25, s0, $0xb8;
	[tilespmem:$0x1FC00] =	vst v63  }
0xd3: {  	_ =	swait.ge [sflag:s1], $0x1000  }
0xd4: {  	[sflag:s1] =	ssyncset.done $0x0  }
0xd5: {  	s22 =	simm.s32 $0x400;
	s23 =	simm.s32 $0x1E0;
	[sflag:s1] =	ssyncadd.s32 $0xFFFFF000  }
.LBB2_4:
0xd6: {  	[tilespmem:s11], [sflag:$0x8] =	stream.indirect.gather [hbm4b:s4+s0], $0x80, s23, s0, $0xb8;
	[tilespmem:$0x1FC00] =	vst v63  }
0xd7: {  	s23 =	smov.u32 s22  }
0xd8: {  	p0 =	sne.s32 s22, $0x4C00;
	s22 =	sadd.s32 $0x400, s22;
	_ =	swait.ge [sflag:s13], $0x1000  }
0xd9: {  	s23 =	sshra.s32 s23, $0x2;
	[sflag:s13] =	ssyncset.done $0x0  }
0xda: {  	s24 =	sadd.s32 $0x2800, s23;
	[sflag:s13] =	ssyncadd.s32 $0xFFFFF000  }
0xdb: {  	[spmem:s2] =	stream.indirect.scatter.add.f32 [tilespmem:s31], [sflag:$0x9], $0x80, s24, s0, $0xb8;
	[tilespmem:$0x1FC00] =	vst v63  }
0xdc: {  	_ =	swait.ge [sflag:s1], $0x1000  }
0xdd: {  	[sflag:s1] =	ssyncset.done $0x0  }
0xde: {  	s24 =	sadd.s32 $0x100, s23;
	[sflag:s1] =	ssyncadd.s32 $0xFFFFF000  }
0xdf: {  	[tilespmem:s31], [sflag:$0x1] =	stream.indirect.gather [hbm4b:s4+s0], $0x80, s24, s0, $0xb8;
	[tilespmem:$0x1FC00] =	vst v63  }
0xe0: {  	_ =	swait.ge [sflag:s14], $0x1000  }
0xe1: {  	[sflag:s14] =	ssyncset.done $0x0  }
0xe2: {  	s24 =	sadd.s32 $0x2820, s23;
	[sflag:s14] =	ssyncadd.s32 $0xFFFFF000  }
0xe3: {  	[spmem:s2] =	stream.indirect.scatter.add.f32 [tilespmem:s3], [sflag:$0x9], $0x80, s24, s0, $0xb8;
	[tilespmem:$0x1FC00] =	vst v63  }
0xe4: {  	_ =	swait.ge [sflag:s1], $0x1000  }
0xe5: {  	[sflag:s1] =	ssyncset.done $0x0  }
0xe6: {  	s24 =	sadd.s32 $0x120, s23;
	[sflag:s1] =	ssyncadd.s32 $0xFFFFF000  }
0xe7: {  	[tilespmem:s3], [sflag:$0x2] =	stream.indirect.gather [hbm4b:s4+s0], $0x80, s24, s0, $0xb8;
	[tilespmem:$0x1FC00] =	vst v63  }
0xe8: {  	_ =	swait.ge [sflag:s15], $0x1000  }
0xe9: {  	[sflag:s15] =	ssyncset.done $0x0  }
0xea: {  	s24 =	sadd.s32 $0x2840, s23;
	[sflag:s15] =	ssyncadd.s32 $0xFFFFF000  }
0xeb: {  	[spmem:s2] =	stream.indirect.scatter.add.f32 [tilespmem:s6], [sflag:$0x9], $0x80, s24, s0, $0xb8;
	[tilespmem:$0x1FC00] =	vst v63  }
0xec: {  	_ =	swait.ge [sflag:s1], $0x1000  }
0xed: {  	[sflag:s1] =	ssyncset.done $0x0  }
0xee: {  	s24 =	sadd.s32 $0x140, s23;
	[sflag:s1] =	ssyncadd.s32 $0xFFFFF000  }
0xef: {  	[tilespmem:s6], [sflag:$0x3] =	stream.indirect.gather [hbm4b:s4+s0], $0x80, s24, s0, $0xb8;
	[tilespmem:$0x1FC00] =	vst v63  }
0xf0: {  	_ =	swait.ge [sflag:s16], $0x1000  }
0xf1: {  	[sflag:s16] =	ssyncset.done $0x0  }
0xf2: {  	s24 =	sadd.s32 $0x2860, s23;
	[sflag:s16] =	ssyncadd.s32 $0xFFFFF000  }
0xf3: {  	[spmem:s2] =	stream.indirect.scatter.add.f32 [tilespmem:s7], [sflag:$0x9], $0x80, s24, s0, $0xb8;
	[tilespmem:$0x1FC00] =	vst v63  }
0xf4: {  	_ =	swait.ge [sflag:s1], $0x1000  }
0xf5: {  	[sflag:s1] =	ssyncset.done $0x0  }
0xf6: {  	s24 =	sadd.s32 $0x160, s23;
	[sflag:s1] =	ssyncadd.s32 $0xFFFFF000  }
0xf7: {  	[tilespmem:s7], [sflag:$0x4] =	stream.indirect.gather [hbm4b:s4+s0], $0x80, s24, s0, $0xb8;
	[tilespmem:$0x1FC00] =	vst v63  }
0xf8: {  	_ =	swait.ge [sflag:s17], $0x1000  }
0xf9: {  	[sflag:s17] =	ssyncset.done $0x0  }
0xfa: {  	s24 =	sadd.s32 $0x2880, s23;
	[sflag:s17] =	ssyncadd.s32 $0xFFFFF000  }
0xfb: {  	[spmem:s2] =	stream.indirect.scatter.add.f32 [tilespmem:s8], [sflag:$0x9], $0x80, s24, s0, $0xb8;
	[tilespmem:$0x1FC00] =	vst v63  }
0xfc: {  	_ =	swait.ge [sflag:s1], $0x1000  }
0xfd: {  	[sflag:s1] =	ssyncset.done $0x0  }
0xfe: {  	s24 =	sadd.s32 $0x180, s23;
	[sflag:s1] =	ssyncadd.s32 $0xFFFFF000  }
0xff: {  	[tilespmem:s8], [sflag:$0x5] =	stream.indirect.gather [hbm4b:s4+s0], $0x80, s24, s0, $0xb8;
	[tilespmem:$0x1FC00] =	vst v63  }
0x100: {  	_ =	swait.ge [sflag:s18], $0x1000  }
0x101: {  	[sflag:s18] =	ssyncset.done $0x0  }
0x102: {  	s24 =	sadd.s32 $0x28A0, s23;
	[sflag:s18] =	ssyncadd.s32 $0xFFFFF000  }
0x103: {  	[spmem:s2] =	stream.indirect.scatter.add.f32 [tilespmem:s9], [sflag:$0x9], $0x80, s24, s0, $0xb8;
	[tilespmem:$0x1FC00] =	vst v63  }
0x104: {  	_ =	swait.ge [sflag:s1], $0x1000  }
0x105: {  	[sflag:s1] =	ssyncset.done $0x0  }
0x106: {  	s24 =	sadd.s32 $0x1A0, s23;
	[sflag:s1] =	ssyncadd.s32 $0xFFFFF000  }
0x107: {  	[tilespmem:s9], [sflag:$0x6] =	stream.indirect.gather [hbm4b:s4+s0], $0x80, s24, s0, $0xb8;
	[tilespmem:$0x1FC00] =	vst v63  }
0x108: {  	_ =	swait.ge [sflag:s19], $0x1000  }
0x109: {  	[sflag:s19] =	ssyncset.done $0x0  }
0x10a: {  	s24 =	sadd.s32 $0x28C0, s23;
	[sflag:s19] =	ssyncadd.s32 $0xFFFFF000  }
0x10b: {  	[spmem:s2] =	stream.indirect.scatter.add.f32 [tilespmem:s10], [sflag:$0x9], $0x80, s24, s0, $0xb8;
	[tilespmem:$0x1FC00] =	vst v63  }
0x10c: {  	_ =	swait.ge [sflag:s1], $0x1000  }
0x10d: {  	[sflag:s1] =	ssyncset.done $0x0  }
0x10e: {  	s24 =	sadd.s32 $0x1C0, s23;
	[sflag:s1] =	ssyncadd.s32 $0xFFFFF000  }
0x10f: {  	[tilespmem:s10], [sflag:$0x7] =	stream.indirect.gather [hbm4b:s4+s0], $0x80, s24, s0, $0xb8;
	[tilespmem:$0x1FC00] =	vst v63  }
0x110: {  	_ =	swait.ge [sflag:s20], $0x1000  }
0x111: {  	[sflag:s20] =	ssyncset.done $0x0  }
.Ltmp1:
0x112: {  	s24 =	sadd.s32 $0x28E0, s23;
	[sflag:s20] =	ssyncadd.s32 $0xFFFFF000;
	(pc) =	sbr.rel @p0 .LBB2_4-.Ltmp1, $4  }
0x113: {  	[spmem:s2] =	stream.indirect.scatter.add.f32 [tilespmem:s11], [sflag:$0x9], $0x80, s24, s0, $0xb8;
	[tilespmem:$0x1FC00] =	vst v63  }
0x114: {  	_ =	swait.ge [sflag:s1], $0x1000  }
0x115: {  	[sflag:s1] =	ssyncset.done $0x0  }
0x116: {  	s23 =	sadd.s32 $0x1E0, s23;
	[sflag:s1] =	ssyncadd.s32 $0xFFFFF000  }
0x117: {  	[tilespmem:s11], [sflag:$0x8] =	stream.indirect.gather [hbm4b:s4+s0], $0x80, s23, s0, $0xb8;
	[tilespmem:$0x1FC00] =	vst v63  }
0x118: {  	s22 =	simm.s32 $0x0  }
0x119: {  	[tilespmem:s12], [sflag:$0x9] =	stream.linear.gather [hbm4b:s28+s22], $0x1400, $0x38;
	[tilespmem:$0x1FC00] =	vst v63  }
0x11a: {  	_ =	swait.ge [sflag:s1], $0x1400  }
0x11b: {  	[sflag:s1] =	ssyncset.done $0x0  }
0x11c: {  	[sflag:s1] =	ssyncadd.s32 $0xFFFFEC00  }
0x11d: {  	_ =	swait.ge [sflag:s13], $0x1000  }
0x11e: {  	[sflag:s13] =	ssyncset.done $0x0  }
0x11f: {  	s23 =	simm.s32 $0x2800;
	[sflag:s13] =	ssyncadd.s32 $0xFFFFF000  }
0x120: {  	[spmem:s2] =	stream.indirect.scatter.add.f32 [tilespmem:s31], [sflag:$0x9], $0x80, s23, s0, $0xb8;
	[tilespmem:$0x1FC00] =	vst v63  }
0x121: {  	_ =	swait.ge [sflag:s1], $0x1000  }
0x122: {  	[sflag:s1] =	ssyncset.done $0x0  }
0x123: {  	s24 =	simm.s32 $0x1500;
	[sflag:s1] =	ssyncadd.s32 $0xFFFFF000  }
0x124: {  	[tilespmem:s31], [sflag:$0x1] =	stream.indirect.gather [hbm4b:s4+s0], $0x80, s24, s0, $0xb8;
	[tilespmem:$0x1FC00] =	vst v63  }
0x125: {  	_ =	swait.ge [sflag:s14], $0x1000  }
0x126: {  	[sflag:s14] =	ssyncset.done $0x0  }
0x127: {  	s25 =	simm.s32 $0x2820;
	[sflag:s14] =	ssyncadd.s32 $0xFFFFF000  }
0x128: {  	[spmem:s2] =	stream.indirect.scatter.add.f32 [tilespmem:s3], [sflag:$0x9], $0x80, s25, s0, $0xb8;
	[tilespmem:$0x1FC00] =	vst v63  }
0x129: {  	_ =	swait.ge [sflag:s1], $0x1000  }
0x12a: {  	[sflag:s1] =	ssyncset.done $0x0  }
0x12b: {  	s23 =	simm.s32 $0x1520;
	[sflag:s1] =	ssyncadd.s32 $0xFFFFF000  }
0x12c: {  	[tilespmem:s3], [sflag:$0x2] =	stream.indirect.gather [hbm4b:s4+s0], $0x80, s23, s0, $0xb8;
	[tilespmem:$0x1FC00] =	vst v63  }
0x12d: {  	_ =	swait.ge [sflag:s15], $0x1000  }
0x12e: {  	[sflag:s15] =	ssyncset.done $0x0  }
0x12f: {  	s24 =	simm.s32 $0x2840;
	[sflag:s15] =	ssyncadd.s32 $0xFFFFF000  }
0x130: {  	[spmem:s2] =	stream.indirect.scatter.add.f32 [tilespmem:s6], [sflag:$0x9], $0x80, s24, s0, $0xb8;
	[tilespmem:$0x1FC00] =	vst v63  }
0x131: {  	_ =	swait.ge [sflag:s1], $0x1000  }
0x132: {  	[sflag:s1] =	ssyncset.done $0x0  }
0x133: {  	s25 =	simm.s32 $0x1540;
	[sflag:s1] =	ssyncadd.s32 $0xFFFFF000  }
0x134: {  	[tilespmem:s6], [sflag:$0x3] =	stream.indirect.gather [hbm4b:s4+s0], $0x80, s25, s0, $0xb8;
	[tilespmem:$0x1FC00] =	vst v63  }
0x135: {  	_ =	swait.ge [sflag:s16], $0x1000  }
0x136: {  	[sflag:s16] =	ssyncset.done $0x0  }
0x137: {  	s23 =	simm.s32 $0x2860;
	[sflag:s16] =	ssyncadd.s32 $0xFFFFF000  }
0x138: {  	[spmem:s2] =	stream.indirect.scatter.add.f32 [tilespmem:s7], [sflag:$0x9], $0x80, s23, s0, $0xb8;
	[tilespmem:$0x1FC00] =	vst v63  }
0x139: {  	_ =	swait.ge [sflag:s1], $0x1000  }
0x13a: {  	[sflag:s1] =	ssyncset.done $0x0  }
0x13b: {  	s24 =	simm.s32 $0x1560;
	[sflag:s1] =	ssyncadd.s32 $0xFFFFF000  }
0x13c: {  	[tilespmem:s7], [sflag:$0x4] =	stream.indirect.gather [hbm4b:s4+s0], $0x80, s24, s0, $0xb8;
	[tilespmem:$0x1FC00] =	vst v63  }
0x13d: {  	_ =	swait.ge [sflag:s17], $0x1000  }
0x13e: {  	[sflag:s17] =	ssyncset.done $0x0  }
0x13f: {  	s25 =	simm.s32 $0x2880;
	[sflag:s17] =	ssyncadd.s32 $0xFFFFF000  }
0x140: {  	[spmem:s2] =	stream.indirect.scatter.add.f32 [tilespmem:s8], [sflag:$0x9], $0x80, s25, s0, $0xb8;
	[tilespmem:$0x1FC00] =	vst v63  }
0x141: {  	_ =	swait.ge [sflag:s1], $0x1000  }
0x142: {  	[sflag:s1] =	ssyncset.done $0x0  }
0x143: {  	s23 =	simm.s32 $0x1580;
	[sflag:s1] =	ssyncadd.s32 $0xFFFFF000  }
0x144: {  	[tilespmem:s8], [sflag:$0x5] =	stream.indirect.gather [hbm4b:s4+s0], $0x80, s23, s0, $0xb8;
	[tilespmem:$0x1FC00] =	vst v63  }
0x145: {  	_ =	swait.ge [sflag:s18], $0x1000  }
0x146: {  	[sflag:s18] =	ssyncset.done $0x0  }
0x147: {  	s24 =	simm.s32 $0x28A0;
	[sflag:s18] =	ssyncadd.s32 $0xFFFFF000  }
0x148: {  	[spmem:s2] =	stream.indirect.scatter.add.f32 [tilespmem:s9], [sflag:$0x9], $0x80, s24, s0, $0xb8;
	[tilespmem:$0x1FC00] =	vst v63  }
0x149: {  	_ =	swait.ge [sflag:s1], $0x1000  }
0x14a: {  	[sflag:s1] =	ssyncset.done $0x0  }
0x14b: {  	s25 =	simm.s32 $0x15A0;
	[sflag:s1] =	ssyncadd.s32 $0xFFFFF000  }
0x14c: {  	[tilespmem:s9], [sflag:$0x6] =	stream.indirect.gather [hbm4b:s4+s0], $0x80, s25, s0, $0xb8;
	[tilespmem:$0x1FC00] =	vst v63  }
0x14d: {  	_ =	swait.ge [sflag:s19], $0x1000  }
0x14e: {  	[sflag:s19] =	ssyncset.done $0x0  }
0x14f: {  	s23 =	simm.s32 $0x28C0;
	[sflag:s19] =	ssyncadd.s32 $0xFFFFF000  }
0x150: {  	[spmem:s2] =	stream.indirect.scatter.add.f32 [tilespmem:s10], [sflag:$0x9], $0x80, s23, s0, $0xb8;
	[tilespmem:$0x1FC00] =	vst v63  }
0x151: {  	_ =	swait.ge [sflag:s1], $0x1000  }
0x152: {  	[sflag:s1] =	ssyncset.done $0x0  }
0x153: {  	s24 =	simm.s32 $0x15C0;
	[sflag:s1] =	ssyncadd.s32 $0xFFFFF000  }
0x154: {  	[tilespmem:s10], [sflag:$0x7] =	stream.indirect.gather [hbm4b:s4+s0], $0x80, s24, s0, $0xb8;
	[tilespmem:$0x1FC00] =	vst v63  }
0x155: {  	_ =	swait.ge [sflag:s20], $0x1000  }
0x156: {  	[sflag:s20] =	ssyncset.done $0x0  }
0x157: {  	s25 =	simm.s32 $0x28E0;
	[sflag:s20] =	ssyncadd.s32 $0xFFFFF000  }
0x158: {  	[spmem:s2] =	stream.indirect.scatter.add.f32 [tilespmem:s11], [sflag:$0x9], $0x80, s25, s0, $0xb8;
	[tilespmem:$0x1FC00] =	vst v63  }
0x159: {  	_ =	swait.ge [sflag:s1], $0x1000  }
0x15a: {  	[sflag:s1] =	ssyncset.done $0x0  }
0x15b: {  	s22 =	simm.s32 $0x400;
	s23 =	simm.s32 $0x15E0;
	[sflag:s1] =	ssyncadd.s32 $0xFFFFF000  }
.LBB2_6:
0x15c: {  	[tilespmem:s11], [sflag:$0x8] =	stream.indirect.gather [hbm4b:s4+s0], $0x80, s23, s0, $0xb8;
	[tilespmem:$0x1FC00] =	vst v63  }
0x15d: {  	s23 =	smov.u32 s22  }
0x15e: {  	p0 =	sne.s32 s22, $0x4800;
	s22 =	sadd.s32 $0x400, s22;
	_ =	swait.ge [sflag:s13], $0x1000  }
0x15f: {  	s23 =	sshra.s32 s23, $0x2;
	[sflag:s13] =	ssyncset.done $0x0  }
0x160: {  	s24 =	sadd.s32 $0x2800, s23;
	[sflag:s13] =	ssyncadd.s32 $0xFFFFF000  }
0x161: {  	[spmem:s2] =	stream.indirect.scatter.add.f32 [tilespmem:s31], [sflag:$0x9], $0x80, s24, s0, $0xb8;
	[tilespmem:$0x1FC00] =	vst v63  }
0x162: {  	_ =	swait.ge [sflag:s1], $0x1000  }
0x163: {  	[sflag:s1] =	ssyncset.done $0x0  }
0x164: {  	s24 =	sadd.s32 $0x1500, s23;
	[sflag:s1] =	ssyncadd.s32 $0xFFFFF000  }
0x165: {  	[tilespmem:s31], [sflag:$0x1] =	stream.indirect.gather [hbm4b:s4+s0], $0x80, s24, s0, $0xb8;
	[tilespmem:$0x1FC00] =	vst v63  }
0x166: {  	_ =	swait.ge [sflag:s14], $0x1000  }
0x167: {  	[sflag:s14] =	ssyncset.done $0x0  }
0x168: {  	s24 =	sadd.s32 $0x2820, s23;
	[sflag:s14] =	ssyncadd.s32 $0xFFFFF000  }
0x169: {  	[spmem:s2] =	stream.indirect.scatter.add.f32 [tilespmem:s3], [sflag:$0x9], $0x80, s24, s0, $0xb8;
	[tilespmem:$0x1FC00] =	vst v63  }
0x16a: {  	_ =	swait.ge [sflag:s1], $0x1000  }
0x16b: {  	[sflag:s1] =	ssyncset.done $0x0  }
0x16c: {  	s24 =	sadd.s32 $0x1520, s23;
	[sflag:s1] =	ssyncadd.s32 $0xFFFFF000  }
0x16d: {  	[tilespmem:s3], [sflag:$0x2] =	stream.indirect.gather [hbm4b:s4+s0], $0x80, s24, s0, $0xb8;
	[tilespmem:$0x1FC00] =	vst v63  }
0x16e: {  	_ =	swait.ge [sflag:s15], $0x1000  }
0x16f: {  	[sflag:s15] =	ssyncset.done $0x0  }
0x170: {  	s24 =	sadd.s32 $0x2840, s23;
	[sflag:s15] =	ssyncadd.s32 $0xFFFFF000  }
0x171: {  	[spmem:s2] =	stream.indirect.scatter.add.f32 [tilespmem:s6], [sflag:$0x9], $0x80, s24, s0, $0xb8;
	[tilespmem:$0x1FC00] =	vst v63  }
0x172: {  	_ =	swait.ge [sflag:s1], $0x1000  }
0x173: {  	[sflag:s1] =	ssyncset.done $0x0  }
0x174: {  	s24 =	sadd.s32 $0x1540, s23;
	[sflag:s1] =	ssyncadd.s32 $0xFFFFF000  }
0x175: {  	[tilespmem:s6], [sflag:$0x3] =	stream.indirect.gather [hbm4b:s4+s0], $0x80, s24, s0, $0xb8;
	[tilespmem:$0x1FC00] =	vst v63  }
0x176: {  	_ =	swait.ge [sflag:s16], $0x1000  }
0x177: {  	[sflag:s16] =	ssyncset.done $0x0  }
0x178: {  	s24 =	sadd.s32 $0x2860, s23;
	[sflag:s16] =	ssyncadd.s32 $0xFFFFF000  }
0x179: {  	[spmem:s2] =	stream.indirect.scatter.add.f32 [tilespmem:s7], [sflag:$0x9], $0x80, s24, s0, $0xb8;
	[tilespmem:$0x1FC00] =	vst v63  }
0x17a: {  	_ =	swait.ge [sflag:s1], $0x1000  }
0x17b: {  	[sflag:s1] =	ssyncset.done $0x0  }
0x17c: {  	s24 =	sadd.s32 $0x1560, s23;
	[sflag:s1] =	ssyncadd.s32 $0xFFFFF000  }
0x17d: {  	[tilespmem:s7], [sflag:$0x4] =	stream.indirect.gather [hbm4b:s4+s0], $0x80, s24, s0, $0xb8;
	[tilespmem:$0x1FC00] =	vst v63  }
0x17e: {  	_ =	swait.ge [sflag:s17], $0x1000  }
0x17f: {  	[sflag:s17] =	ssyncset.done $0x0  }
0x180: {  	s24 =	sadd.s32 $0x2880, s23;
	[sflag:s17] =	ssyncadd.s32 $0xFFFFF000  }
0x181: {  	[spmem:s2] =	stream.indirect.scatter.add.f32 [tilespmem:s8], [sflag:$0x9], $0x80, s24, s0, $0xb8;
	[tilespmem:$0x1FC00] =	vst v63  }
0x182: {  	_ =	swait.ge [sflag:s1], $0x1000  }
0x183: {  	[sflag:s1] =	ssyncset.done $0x0  }
0x184: {  	s24 =	sadd.s32 $0x1580, s23;
	[sflag:s1] =	ssyncadd.s32 $0xFFFFF000  }
0x185: {  	[tilespmem:s8], [sflag:$0x5] =	stream.indirect.gather [hbm4b:s4+s0], $0x80, s24, s0, $0xb8;
	[tilespmem:$0x1FC00] =	vst v63  }
0x186: {  	_ =	swait.ge [sflag:s18], $0x1000  }
0x187: {  	[sflag:s18] =	ssyncset.done $0x0  }
0x188: {  	s24 =	sadd.s32 $0x28A0, s23;
	[sflag:s18] =	ssyncadd.s32 $0xFFFFF000  }
0x189: {  	[spmem:s2] =	stream.indirect.scatter.add.f32 [tilespmem:s9], [sflag:$0x9], $0x80, s24, s0, $0xb8;
	[tilespmem:$0x1FC00] =	vst v63  }
0x18a: {  	_ =	swait.ge [sflag:s1], $0x1000  }
0x18b: {  	[sflag:s1] =	ssyncset.done $0x0  }
0x18c: {  	s24 =	sadd.s32 $0x15A0, s23;
	[sflag:s1] =	ssyncadd.s32 $0xFFFFF000  }
0x18d: {  	[tilespmem:s9], [sflag:$0x6] =	stream.indirect.gather [hbm4b:s4+s0], $0x80, s24, s0, $0xb8;
	[tilespmem:$0x1FC00] =	vst v63  }
0x18e: {  	_ =	swait.ge [sflag:s19], $0x1000  }
0x18f: {  	[sflag:s19] =	ssyncset.done $0x0  }
0x190: {  	s24 =	sadd.s32 $0x28C0, s23;
	[sflag:s19] =	ssyncadd.s32 $0xFFFFF000  }
0x191: {  	[spmem:s2] =	stream.indirect.scatter.add.f32 [tilespmem:s10], [sflag:$0x9], $0x80, s24, s0, $0xb8;
	[tilespmem:$0x1FC00] =	vst v63  }
0x192: {  	_ =	swait.ge [sflag:s1], $0x1000  }
0x193: {  	[sflag:s1] =	ssyncset.done $0x0  }
0x194: {  	s24 =	sadd.s32 $0x15C0, s23;
	[sflag:s1] =	ssyncadd.s32 $0xFFFFF000  }
0x195: {  	[tilespmem:s10], [sflag:$0x7] =	stream.indirect.gather [hbm4b:s4+s0], $0x80, s24, s0, $0xb8;
	[tilespmem:$0x1FC00] =	vst v63  }
0x196: {  	_ =	swait.ge [sflag:s20], $0x1000  }
0x197: {  	[sflag:s20] =	ssyncset.done $0x0  }
.Ltmp2:
0x198: {  	s24 =	sadd.s32 $0x28E0, s23;
	[sflag:s20] =	ssyncadd.s32 $0xFFFFF000;
	(pc) =	sbr.rel @p0 .LBB2_6-.Ltmp2, $4  }
0x199: {  	[spmem:s2] =	stream.indirect.scatter.add.f32 [tilespmem:s11], [sflag:$0x9], $0x80, s24, s0, $0xb8;
	[tilespmem:$0x1FC00] =	vst v63  }
0x19a: {  	_ =	swait.ge [sflag:s1], $0x1000  }
0x19b: {  	[sflag:s1] =	ssyncset.done $0x0  }
0x19c: {  	s23 =	sadd.s32 $0x15E0, s23;
	[sflag:s1] =	ssyncadd.s32 $0xFFFFF000  }
0x19d: {  	[tilespmem:s11], [sflag:$0x8] =	stream.indirect.gather [hbm4b:s4+s0], $0x80, s23, s0, $0xb8;
	[tilespmem:$0x1FC00] =	vst v63  }
0x19e: {  	_ =	swait.ge [sflag:s13], $0x1000  }
0x19f: {  	[sflag:s13] =	ssyncset.done $0x0  }
0x1a0: {  	s22 =	simm.s32 $0x3B00;
	[sflag:s13] =	ssyncadd.s32 $0xFFFFF000  }
0x1a1: {  	[spmem:s2] =	stream.indirect.scatter.add.f32 [tilespmem:s31], [sflag:$0x9], $0x80, s22, s0, $0xb8;
	[tilespmem:$0x1FC00] =	vst v63  }
0x1a2: {  	_ =	swait.ge [sflag:s1], $0x1000  }
0x1a3: {  	[sflag:s1] =	ssyncset.done $0x0  }
0x1a4: {  	[sflag:s1] =	ssyncadd.s32 $0xFFFFF000  }
0x1a5: {  	_ =	swait.ge [sflag:s14], $0x1000  }
0x1a6: {  	[sflag:s14] =	ssyncset.done $0x0  }
0x1a7: {  	s23 =	simm.s32 $0x3B20;
	[sflag:s14] =	ssyncadd.s32 $0xFFFFF000  }
0x1a8: {  	[spmem:s2] =	stream.indirect.scatter.add.f32 [tilespmem:s3], [sflag:$0x9], $0x80, s23, s0, $0xb8;
	[tilespmem:$0x1FC00] =	vst v63  }
0x1a9: {  	_ =	swait.ge [sflag:s1], $0x1000  }
0x1aa: {  	[sflag:s1] =	ssyncset.done $0x0  }
0x1ab: {  	[sflag:s1] =	ssyncadd.s32 $0xFFFFF000  }
0x1ac: {  	_ =	swait.ge [sflag:s15], $0x1000  }
0x1ad: {  	[sflag:s15] =	ssyncset.done $0x0  }
0x1ae: {  	s24 =	simm.s32 $0x3B40;
	[sflag:s15] =	ssyncadd.s32 $0xFFFFF000  }
0x1af: {  	[spmem:s2] =	stream.indirect.scatter.add.f32 [tilespmem:s6], [sflag:$0x9], $0x80, s24, s0, $0xb8;
	[tilespmem:$0x1FC00] =	vst v63  }
0x1b0: {  	_ =	swait.ge [sflag:s1], $0x1000  }
0x1b1: {  	[sflag:s1] =	ssyncset.done $0x0  }
0x1b2: {  	[sflag:s1] =	ssyncadd.s32 $0xFFFFF000  }
0x1b3: {  	_ =	swait.ge [sflag:s16], $0x1000  }
0x1b4: {  	[sflag:s16] =	ssyncset.done $0x0  }
0x1b5: {  	s25 =	simm.s32 $0x3B60;
	[sflag:s16] =	ssyncadd.s32 $0xFFFFF000  }
0x1b6: {  	[spmem:s2] =	stream.indirect.scatter.add.f32 [tilespmem:s7], [sflag:$0x9], $0x80, s25, s0, $0xb8;
	[tilespmem:$0x1FC00] =	vst v63  }
0x1b7: {  	_ =	swait.ge [sflag:s1], $0x1000  }
0x1b8: {  	[sflag:s1] =	ssyncset.done $0x0  }
0x1b9: {  	[sflag:s1] =	ssyncadd.s32 $0xFFFFF000  }
0x1ba: {  	_ =	swait.ge [sflag:s17], $0x1000  }
0x1bb: {  	[sflag:s17] =	ssyncset.done $0x0  }
0x1bc: {  	s23 =	simm.s32 $0x3B80;
	[sflag:s17] =	ssyncadd.s32 $0xFFFFF000  }
0x1bd: {  	[spmem:s2] =	stream.indirect.scatter.add.f32 [tilespmem:s8], [sflag:$0x9], $0x80, s23, s0, $0xb8;
	[tilespmem:$0x1FC00] =	vst v63  }
0x1be: {  	_ =	swait.ge [sflag:s1], $0x1000  }
0x1bf: {  	[sflag:s1] =	ssyncset.done $0x0  }
0x1c0: {  	[sflag:s1] =	ssyncadd.s32 $0xFFFFF000  }
0x1c1: {  	_ =	swait.ge [sflag:s18], $0x1000  }
0x1c2: {  	[sflag:s18] =	ssyncset.done $0x0  }
0x1c3: {  	s24 =	simm.s32 $0x3BA0;
	[sflag:s18] =	ssyncadd.s32 $0xFFFFF000  }
0x1c4: {  	[spmem:s2] =	stream.indirect.scatter.add.f32 [tilespmem:s9], [sflag:$0x9], $0x80, s24, s0, $0xb8;
	[tilespmem:$0x1FC00] =	vst v63  }
0x1c5: {  	_ =	swait.ge [sflag:s1], $0x1000  }
0x1c6: {  	[sflag:s1] =	ssyncset.done $0x0  }
0x1c7: {  	[sflag:s1] =	ssyncadd.s32 $0xFFFFF000  }
0x1c8: {  	_ =	swait.ge [sflag:s19], $0x1000  }
0x1c9: {  	[sflag:s19] =	ssyncset.done $0x0  }
0x1ca: {  	s25 =	simm.s32 $0x3BC0;
	[sflag:s19] =	ssyncadd.s32 $0xFFFFF000  }
0x1cb: {  	[spmem:s2] =	stream.indirect.scatter.add.f32 [tilespmem:s10], [sflag:$0x9], $0x80, s25, s0, $0xb8;
	[tilespmem:$0x1FC00] =	vst v63  }
0x1cc: {  	_ =	swait.ge [sflag:s1], $0x1000  }
0x1cd: {  	[sflag:s1] =	ssyncset.done $0x0  }
0x1ce: {  	[sflag:s1] =	ssyncadd.s32 $0xFFFFF000  }
0x1cf: {  	_ =	swait.ge [sflag:s20], $0x1000  }
0x1d0: {  	[sflag:s20] =	ssyncset.done $0x0  }
0x1d1: {  	s23 =	simm.s32 $0x3BE0;
	[sflag:s20] =	ssyncadd.s32 $0xFFFFF000  }
0x1d2: {  	[spmem:s2] =	stream.indirect.scatter.add.f32 [tilespmem:s11], [sflag:$0x9], $0x80, s23, s0, $0xb8;
	[tilespmem:$0x1FC00] =	vst v63  }
0x1d3: {  	s24 =	stileid.u32;
	_ =	swait.ge [sflag:s1], $0x1000  }
0x1d4: {  	s21 =	sadd.s32 $0x1, s21;
	s22 =	sshll.u32 s24, $0x6;
	[sflag:s1] =	ssyncset.done $0x0  }
0x1d5: {  	p0 =	sne.s32 s21, s30;
	s22 =	sor.u32 $0x1C09, s22;
	[sflag:s1] =	ssyncadd.s32 $0xFFFFF000  }
.Ltmp3:
0x1d6: {  	s25 =	sshrl.u32 s5, $0x3;
	[bflag:$0x0] =	sbarrier.arrive $0xFFFF;
	(pc) =	sbr.rel @p0 .LBB2_1-.Ltmp3, $4  }
0x1d7: {  	[hbm:s29], [sflag:s22] =	dma.local [spmem:s25], $0x2800  }
0x1d8: {  	_ =	swait.ge [sflag:s1], $0x2800  }
0x1d9: {  	[sflag:s1] =	ssyncset.done $0x0  }
0x1da: {  	[sflag:s1] =	ssyncadd.s32 $0xFFFFD800  }
0x1db: {  	_ =	sfence.sel $0x180000  }
0x1dc: {  	[bflag:$0x0] =	sbarrier.arrive $0xFFFF  }
0x1dd: {  	_ =	strace $0x9000004A  }
0x1de: {  	s0 =	stileid.u32;
	[bflag:$0x2] =	sbarrier.arrive $0xFFFF  }
0x1df: {  	p0 =	sne.s32 s0, $0x0;
	s0 =	rddreg [dreg:$0x3]  }
0x1e0: {  	s0 =	sadd.s32 @!p0 $0x100000, s0  }
0x1e1: {  	[sflag:s0] =	ssyncadd.tile.s32 @!p0 $0x1;
	_ =	shalt  }
.Lfunc_end2:
_tile_overlayer_lowered:
.L_overlay_start_2:
0x1e2: {  	(tag) =	ssettag $0x2  }
0x1e3: {  	s0 =	rddreg [dreg:$0x0];
	s2 =	stileid.u32  }
0x1e4: {  	s1 =	rddreg [dreg:$0x1];
	p0 =	sne.s32 s2, $0x0  }
0x1e5: {  	s3 =	rddreg [dreg:$0x2];
	[bflag:$0x3] =	sbarrier.arrive $0xFFFF;
	s2 =	simm.s32 @!p0 $0x1C09  }
0x1e6: {  	[timem:s3], [sflag:s2] =	dma.local @!p0 [hbm:s0], s1  }
0x1e7: {  	s0 =	simm.s32 @!p0 $0x9  }
0x1e8: {  	_ =	swait.ge @!p0 [sflag:s0], s1  }
0x1e9: {  	s1 =	ssub.s32 @!p0 $0x0, s1;
	[sflag:s0] =	ssyncset.done @!p0 $0x0  }
0x1ea: {  	[sflag:s0] =	ssyncadd.s32 @!p0 s1  }
0x1eb: {  	[bflag:$0x3] =	sbarrier.arrive $0xFFFF  }
0x1ec: {  	_ =	shalt  }

// kernel: kernel.14.cloned.1.call-start
scs
__scs_entry_jumppad:
0x0: {  	(pc) =	sbr.rel $0x88, $3  }
0x1: {  	(tag) =	ssettag $0x0;
	lr =	simm.s32 $0x1  }
0x2: {  	[smem:$0x3F9B] =	sst lr;
	_ =	strace $0xD0000000  }
0x3: {  	_ = 	snop  }
0x4: {  	_ = 	snop  }
0x5: {  	_ = 	snop  }
0x6: {  	_ = 	snop  }
0x7: {  	_ = 	snop  }
__scs_overlays_trampoline_lowered:
0x8: {  	[smem:$0x3FAA] =	sst s0  }
0x9: {  	[smem:$0x3FAB] =	sst s1  }
0xa: {  	[smem:$0x3FAC] =	sst s2  }
0xb: {  	[smem:$0x3FAD] =	sst s3  }
0xc: {  	[smem:$0x3FAE] =	sst s4  }
0xd: {  	[smem:$0x3FAF] =	sst s5  }
0xe: {  	[smem:$0x3FB0] =	sst s6  }
0xf: {  	[smem:$0x3FB1] =	sst s7  }
0x10: {  	[smem:$0x3FB2] =	sst s8  }
0x11: {  	[smem:$0x3FB3] =	sst s9;
	s0 =	simm.s32 @!p0 $0x0  }
0x12: {  	s1 =	sld [smem:$0x3F99];
	s0 =	simm.s32 @p0 $0x1  }
0x13: {  	[smem:$0x3FB4] =	sst s0;
	s0 =	simm.s32 @!p1 $0x0  }
0x14: {  	s2 =	sld [smem:$0x3F98];
	s0 =	simm.s32 @p1 $0x1  }
0x15: {  	[smem:$0x3FB5] =	sst s0;
	s0 =	simm.s32 @!p2 $0x0  }
0x16: {  	s3 =	sld [smem:$0x3FDB];
	s0 =	simm.s32 @p2 $0x1  }
0x17: {  	s4 =	simm.s32 $0x1BF5;
	[smem:$0x3FB7] =	sst s0  }
0x18: {  	s0 =	sld [smem:$0x3F9A];
	_ =	swait.ge [sflag:s4], $0x0  }
0x19: {  	s7 =	sld [smem:$0x3F9B]  }
0x1a: {  	s8 =	sadd.s32 $0xFFFFE003, lr  }
0x1b: {  	s9 =	sadd.s32 $0xFFFFFEF7, lr;
	s5 =	simm.s32 $0xFFFFFFFF;
	p2 =	slt.u32 s8, $0xFFFFF086  }
0x1c: {  	p1 =	slt.u32 s9, $0xF7A;
	s5 =	simm.s32 @!p2 $0x0  }
0x1d: {  	s5 =	simm.s32 @p1 $0x1;
	p0 =	seq.s32 s7, s2  }
0x1e: {  	s7 =	smul.u32 @!p0 $0xF7A, s2;
	p2 =	seq.s32 @!p0 s5, $0x0  }
0x1f: {  	s9 =	smul.u32 $0xF7A, s1;
	s8 =	simm.s32 @!p0 $0x1BF5;
	p2 =	por !p2, p0  }
0x20: {  	[sflag:s8] =	ssyncset.s32 @!p0 $0xFFFFF086;
	s6 =	sadd.s32 @!p0 s3, s7;
	s7 =	simm.s32 @!p0 $0x108  }
0x21: {  	s3 =	sadd.s32 s3, s9;
	s6 =	sadd.s32 @!p0 $0x88, s6;
	s7 =	simm.s32 @p2 $0x1082  }
0x22: {  	[simem:s7], [sflag:s8] =	dma.local @!p0 [hbm:s6], $0xF7A  }
0x23: {  	s9 =	sor.u32 $0xD0000000, s2;
	s6 =	simm.s32 $0x108;
	_ =	swait.ge @!p0 [sflag:s8], $0x0  }
0x24: {  	s3 =	sadd.s32 $0x88, s3;
	s6 =	simm.s32 @!p1 $0x1082;
	[sflag:s4] =	ssyncset.s32 $0xFFFFF086  }
0x25: {  	[simem:s6], [sflag:s4] =	dma.local [hbm:s3], $0xF7A  }
0x26: {  	[smem:$0x3F9B] =	sst s1;
	(tag) =	ssettag s2;
	_ =	strace s9  }
0x27: {  	s1 =	sld [smem:$0x3FAB]  }
0x28: {  	s2 =	sld [smem:$0x3FAC]  }
0x29: {  	s4 =	sld [smem:$0x3FAE]  }
0x2a: {  	p0 =	seq.s32 s5, $0x0;
	s5 =	sld [smem:$0x3FAF]  }
0x2b: {  	s6 =	sld [smem:$0x3FB0]  }
0x2c: {  	s7 =	sld [smem:$0x3FB1]  }
0x2d: {  	s3 =	simm.s32 $0x108;
	s8 =	sld [smem:$0x3FB2]  }
0x2e: {  	s3 =	simm.s32 @!p0 $0x1082;
	s9 =	sld [smem:$0x3FB3]  }
0x2f: {  	lr =	sadd.s32 s0, s3;
	s0 =	sld [smem:$0x3FAA]  }
0x30: {  	s3 =	sld [smem:$0x3FAD]  }
0x31: {  	[smem:$0x3FB6] =	sst s10  }
0x32: {  	s10 =	sld [smem:$0x3FB4];
	_ =	sdelay $0x3  }
0x33: {  	p0 =	seq.s32 s10, $0x1;
	s10 =	sld [smem:$0x3FB6];
	_ =	sdelay $0x3  }
0x34: {  	[smem:$0x3FB6] =	sst s10  }
0x35: {  	s10 =	sld [smem:$0x3FB5];
	_ =	sdelay $0x3  }
0x36: {  	p1 =	seq.s32 s10, $0x1;
	s10 =	sld [smem:$0x3FB6];
	_ =	sdelay $0x3  }
0x37: {  	[smem:$0x3FB6] =	sst s10  }
0x38: {  	s10 =	sld [smem:$0x3FB7]  }
0x39: {  	_ = 	snop;
	(pc) =	sbr.ind lr, $3  }
0x3a: {  	_ = 	snop  }
0x3b: {  	_ = 	snop  }
0x3c: {  	p2 =	seq.s32 s10, $0x1;
	s10 =	sld [smem:$0x3FB6]  }
0x3d: {  	_ =	shalt  }
0x3e: {  	_ =	shalt  }
0x3f: {  	_ =	shalt  }
0x40: {  	_ =	shalt  }
0x41: {  	_ =	shalt  }
0x42: {  	_ =	shalt  }
0x43: {  	_ =	shalt  }
0x44: {  	_ =	shalt  }
0x45: {  	_ =	shalt  }
0x46: {  	_ =	shalt  }
0x47: {  	_ =	shalt  }
0x48: {  	_ =	shalt  }
0x49: {  	_ =	shalt  }
0x4a: {  	_ =	shalt  }
0x4b: {  	_ =	shalt  }
0x4c: {  	_ =	shalt  }
0x4d: {  	_ =	shalt  }
0x4e: {  	_ =	shalt  }
0x4f: {  	_ =	shalt  }
0x50: {  	_ =	shalt  }
0x51: {  	_ =	shalt  }
0x52: {  	_ =	shalt  }
0x53: {  	_ =	shalt  }
0x54: {  	_ =	shalt  }
0x55: {  	_ =	shalt  }
0x56: {  	_ =	shalt  }
0x57: {  	_ =	shalt  }
0x58: {  	_ =	shalt  }
0x59: {  	_ =	shalt  }
0x5a: {  	_ =	shalt  }
0x5b: {  	_ =	shalt  }
0x5c: {  	_ =	shalt  }
0x5d: {  	_ =	shalt  }
0x5e: {  	_ =	shalt  }
0x5f: {  	_ =	shalt  }
0x60: {  	_ =	shalt  }
0x61: {  	_ =	shalt  }
0x62: {  	_ =	shalt  }
0x63: {  	_ =	shalt  }
0x64: {  	_ =	shalt  }
0x65: {  	_ =	shalt  }
0x66: {  	_ =	shalt  }
0x67: {  	_ =	shalt  }
0x68: {  	_ =	shalt  }
0x69: {  	_ =	shalt  }
0x6a: {  	_ =	shalt  }
0x6b: {  	_ =	shalt  }
0x6c: {  	_ =	shalt  }
0x6d: {  	_ =	shalt  }
0x6e: {  	_ =	shalt  }
0x6f: {  	_ =	shalt  }
0x70: {  	_ =	shalt  }
0x71: {  	_ =	shalt  }
0x72: {  	_ =	shalt  }
0x73: {  	_ =	shalt  }
0x74: {  	_ =	shalt  }
0x75: {  	_ =	shalt  }
0x76: {  	_ =	shalt  }
0x77: {  	_ =	shalt  }
0x78: {  	_ =	shalt  }
0x79: {  	_ =	shalt  }
0x7a: {  	_ =	shalt  }
0x7b: {  	_ =	shalt  }
0x7c: {  	_ =	shalt  }
0x7d: {  	_ =	shalt  }
0x7e: {  	_ =	shalt  }
0x7f: {  	_ =	shalt  }
0x80: {  	_ =	shalt  }
0x81: {  	_ =	shalt  }
0x82: {  	_ =	shalt  }
0x83: {  	_ =	shalt  }
0x84: {  	_ =	shalt  }
0x85: {  	_ =	shalt  }
0x86: {  	_ =	shalt  }
0x87: {  	_ =	shalt  }
.Lfunc_end0:
.L_simem_size_0:
called_computation.2_lowered:
.L_overlay_start_0:
0x88: {  	s2 =	sld [smem:$0x3FD9]  }
0x89: {  	s3 =	sld [smem:$0x3FFE];
	_ =	sdelay $0x1  }
0x8a: {  	s1 =	srdreg.scid  }
0x8b: {  	s0 =	sand.u32 $0x1, s1  }
0x8c: {  	s17 =	sshll.u32 s0, $0xA;
	s2 =	sadd.s32 s3, s2  }
0x8d: {  	s2 =	sadd.s32 s2, s17  }
0x8e: {  	[smem:$0x3FC2] =	sst s2  }
0x8f: {  	_ = 	snop  }
0x90: {  	s2 =	sld [smem:$0x3FD0];
	(tm) =	ssettm $0x1  }
0x91: {  	s18 =	sld [smem:$0x3FFB];
	_ =	sdelay $0x3  }
0x92: {  	_ =	strace s18  }
0x93: {  	s3 =	sld [smem:$0x3FFC];
	_ =	sdelay $0x3  }
0x94: {  	_ =	strace s3  }
0x95: {  	s3 =	sld [smem:$0x3FFD];
	_ =	sdelay $0x3  }
0x96: {  	_ =	strace s3  }
0x97: {  	_ =	strace $0x8FFFFFFF  }
0x98: {  	s19 =	sld [smem:$0x3FDB];
	_ =	sdelay $0x1  }
0x99: {  	s4 =	simm.s32 $_scs_section_size  }
0x9a: {  	s5 =	simm.s32 $_size__tile_overlayer_lowered;
	s6 =	simm.s32 $_tile_overlayer_lowered  }
0x9b: {  	s22 =	simm.s32 $0x1BFF;
	s21 =	sshll.u32 s6, $0x1;
	s3 =	sadd.s32 s4, s19  }
0x9c: {  	s7 =	simm.s32 $0x0;
	s20 =	sshll.u32 s5, $0x1;
	s5 =	sadd.s32 s21, s3  }
0x9d: {  	[timem:s7], [sflag:s22] =	dma.local [hbm:s5], s20  }
0x9e: {  	_ =	swait.ge [sflag:s22], s20  }
0x9f: {  	s4 =	ssub.s32 $0x0, s20;
	[sflag:s22] =	ssyncset.done $0x0  }
0xa0: {  	[sflag:s22] =	ssyncadd.s32 s4;
	_ =	sdelay $0x1  }
0xa1: {  	s23 =	simm.s32 $0x1B8B  }
0xa2: {  	_ =	swait.ge [sflag:s23], $0x1  }
0xa3: {  	[sflag:s23] =	ssyncset.done $0x0  }
0xa4: {  	s25 =	simm.s32 $0x1B8E;
	s24 =	sld [smem:$0x3FFE];
	[sflag:s23] =	ssyncadd.s32 $0xFFFFFFFF  }
0xa5: {  	s26 =	simm.s32 $execute0_lowered;
	[smem:$0x3FD2] =	sst s25  }
0xa6: {  	s5 =	sshll.u32 s26, $0x1;
	_ =	strace $0x8000004C;
	[dreg:$0x1] =	wrdreg $0xFFFFFFFF  }
0xa7: {  	s28 =	simm.s32 $_size_execute0_lowered;
	s3 =	sadd.s32 s3, s5;
	[dreg:$0x0] =	wrdreg $0x0  }
0xa8: {  	s5 =	sshll.u32 s28, $0x1;
	[dreg:$0x2] =	wrdreg s3  }
0xa9: {  	[dreg:$0x3] =	wrdreg s5  }
0xaa: {  	[dreg:$0x4] =	wrdreg $0xC0  }
0xab: {  	_ =	task [dreg:s7], $0x5FFFF  }
0xac: {  	[dreg:$0x1] =	wrdreg $0xFFFFFFFF  }
0xad: {  	[dreg:$0x0] =	wrdreg $0x60  }
0xae: {  	[dreg:$0x2] =	wrdreg s24  }
0xaf: {  	[dreg:$0x3] =	wrdreg s2  }
0xb0: {  	[dreg:$0x4] =	wrdreg $0xD0000  }
0xb1: {  	[dreg:$0x5] =	wrdreg $0x9  }
0xb2: {  	_ =	task.clear_ibuf [dreg:s7], $0x6FFFF;
	_ =	strace $0x9000004C  }
0xb3: {  	s29 =	simm.s32 $0x9;
	_ =	strace $0x8000004E  }
0xb4: {  	_ =	swait.ge [sflag:s29], $0x1  }
0xb5: {  	[sflag:s29] =	ssyncadd.s32 $0xFFFFFFFF  }
0xb6: {  	_ =	strace $0x9000004E  }
0xb7: {  	_ =	sfence  }
0xb8: {  	s30 =	sld [smem:$0x0];
	_ =	sdelay $0x2  }
0xb9: {  	s31 =	sshll.u32 s1, $0xD;
	s1 =	sshrl.u32 s1, $0x2  }
0xba: {  	s3 =	sand.u32 $0x4000, s31;
	s1 =	sadd.s32 s1, s30  }
0xbb: {  	s0 =	sor.u32 s3, s0;
	s1 =	sshll.u32 s1, $0x11  }
0xbc: {  	s0 =	sor.u32 s1, s0  }
0xbd: {  	s0 =	sadd.s32 $0x8F2B, s0  }
0xbe: {  	[sflag:s0] =	ssyncadd.remote.s32 $0x1  }
0xbf: {  	_ =	sfence.sel $0xFFFF  }
0xc0: {  	[dreg:$0x0] =	wrdreg $0xFFFFFFFF;
	(pc) =	sbr.abs _section_cstart, $3  }
0xc1: {  	[dreg:$0x1] =	wrdreg $0xFFFFFFFF  }
0xc2: {  	_ =	task.clear_ibuf [dreg:s7], $0x2FFFF;
	_ =	strace $0x9FFFFFFF  }
0xc3: {  	(tm) =	ssettm $0x7FFFFFFF  }
tec
execute0_lowered:
.L_overlay_start_1:
0x0: {  	(tag) =	ssettag $0x1  }
0x1: {  	s0 =	srdreg.scid  }
0x2: {  	s8 =	stileid.u32;
	s1 =	rddreg [dreg:$0x0]  }
0x3: {  	s3 =	rddreg [dreg:$0x1];
	s18 =	simm.s32 $0x0;
	s29 =	simm.s32 $0x9000  }
0x4: {  	s31 =	simm.s32 $0xA000;
	s28 =	simm.s32 $0xC000;
	s30 =	simm.s32 $0x1  }
0x5: {  	s0 =	sand.u32 $0x1, s0;
	s2 =	sshll.u32 s8, $0x1;
	s5 =	smul.u32 $0xA000, s8  }
0x6: {  	[smem:$0x7FF] =	sst s18;
	s8 =	smul.u32 $0x28000, s8;
	s4 =	sor.u32 s0, s2  }
0x7: {  	s2 =	rddreg [dreg:$0x2];
	s7 =	smul.u32 $0xA0000, s0;
	_ =	strace $0x8000004D  }
0x8: {  	s0 =	ssub.s32 $0x2, s0;
	s6 =	smul.u32 $0x500, s4;
	s4 =	sadd.s32 $0xC400, s1  }
0x9: {  	s10 =	sshrl.u32 s0, $0x1;
	s8 =	sshrl.u32 s8, $0x2;
	s7 =	sadd.s32 s5, s7  }
0xa: {  	s0 =	ssub.s32 s0, s10;
	s19 =	sadd.s32 s8, s2;
	s5 =	sadd.s32 s5, s2  }
0xb: {  	s9 =	sadd.s32 s6, s1;
	s7 =	sshrl.u32 s7, $0x3;
	s8 =	sadd.s32 $0x1000, s19  }
0xc: {  	s20 =	sadd.s32 $0x2000, s19;
	s21 =	sadd.s32 $0x3000, s19;
	[dreg:$0x4] =	wrdreg s8  }
0xd: {  	s22 =	sadd.s32 $0x4000, s19;
	s23 =	sadd.s32 $0x5000, s19;
	[dreg:$0x5] =	wrdreg s20  }
0xe: {  	s24 =	sadd.s32 $0x6000, s19;
	s25 =	sadd.s32 $0x7000, s19;
	[dreg:$0x6] =	wrdreg s21  }
0xf: {  	s26 =	sadd.s32 $0x8000, s19;
	s14 =	sadd.s32 $0x9000, s19;
	[dreg:$0x7] =	wrdreg s22  }
0x10: {  	s15 =	sadd.s32 s3, s6;
	s18 =	smax.u32 s0, $0x1;
	[dreg:$0x8] =	wrdreg s23  }
0x11: {  	s19 =	simm.s32 $0x5000;
	s0 =	simm.s32 $0x4;
	[dreg:$0x9] =	wrdreg s24  }
0x12: {  	s3 =	simm.s32 $0x5;
	s6 =	simm.s32 $0x6;
	[dreg:$0xa] =	wrdreg s25  }
0x13: {  	s1 =	sadd.s32 s7, s1;
	[dreg:$0xb] =	wrdreg s26;
	s16 =	sadd.s32 $0x2400, s9  }
0x14: {  	s20 =	simm.s32 $0x9;
	s21 =	simm.s32 $0x40;
	s22 =	simm.s32 $0x6000  }
0x15: {  	s24 =	simm.s32 $0x7000;
	s26 =	simm.s32 $0x8000;
	s23 =	simm.s32 $0xB000  }
0x16: {  	s25 =	simm.s32 $0x3;
	s7 =	simm.s32 $0x7;
	s8 =	simm.s32 $0x8  }
0x17: {  	v0 =	vimm.f32 $0.0e+00;
	s9 =	simm.s32 $0x0;
	s17 =	sadd.s32 $0x20400, s1;
	s1 =	simm.s32 $0x2  }
.LBB2_1:
0x18: {  	s11 =	simm.s32 $0x0  }
0x19: {  	s10 =	sand.u32 $0x3F00, s11  }
0x1a: {  	s11 =	sand.u32 $0x30, s11;
	s12 =	sshrl.u32 s10, $0x2  }
0x1b: {  	s10 =	simm.s32 $0x40;
	s12 =	sor.u32 s11, s12;
	s11 =	simm.s32 $0x0  }
.LBB2_2:
0x1c: {  	p0 =	sne.s32 s10, $0x3FC0  }
0x1d: {  	[tilespmem:s12+$0x5000] =	vst v0;
	s11 =	sadd.s32 $0x10, s11;
	s12 =	smov.u32 s10;
	s10 =	sadd.s32 $0x40, s10  }
.Ltmp0:
0x1e: {  	(pc) =	sbr.rel @p0 .LBB2_2-.Ltmp0, $4  }
0x1f: {  	_ = 	snop  }
0x20: {  	s12 =	sand.u32 $0x3F00, s12  }
0x21: {  	s13 =	sand.u32 $0x30, s11;
	s12 =	sshrl.u32 s12, $0x2  }
0x22: {  	s12 =	sor.u32 s13, s12  }
0x23: {  	[tilespmem:s12+$0x5000] =	vst v0  }
0x24: {  	[spmem:s5] =	stream.linear.scatter [tilespmem:s19], [sflag:$0x9], $0x1000, $0x38;
	[tilespmem:$0x17000] =	vst v63  }
0x25: {  	_ =	swait.ge [sflag:s20], $0x1000  }
0x26: {  	[sflag:s20] =	ssyncset.done $0x0  }
0x27: {  	s10 =	rddreg [dreg:$0x4];
	[sflag:s20] =	ssyncadd.s32 $0xFFFFF000  }
0x28: {  	[spmem:s10] =	stream.linear.scatter [tilespmem:s19], [sflag:$0x9], $0x1000, $0x38;
	[tilespmem:$0x17000] =	vst v63  }
0x29: {  	_ =	swait.ge [sflag:s20], $0x1000  }
0x2a: {  	[sflag:s20] =	ssyncset.done $0x0  }
0x2b: {  	s11 =	rddreg [dreg:$0x5];
	[sflag:s20] =	ssyncadd.s32 $0xFFFFF000  }
0x2c: {  	[spmem:s11] =	stream.linear.scatter [tilespmem:s19], [sflag:$0x9], $0x1000, $0x38;
	[tilespmem:$0x17000] =	vst v63  }
0x2d: {  	_ =	swait.ge [sflag:s20], $0x1000  }
0x2e: {  	[sflag:s20] =	ssyncset.done $0x0  }
0x2f: {  	s12 =	rddreg [dreg:$0x6];
	[sflag:s20] =	ssyncadd.s32 $0xFFFFF000  }
0x30: {  	[spmem:s12] =	stream.linear.scatter [tilespmem:s19], [sflag:$0x9], $0x1000, $0x38;
	[tilespmem:$0x17000] =	vst v63  }
0x31: {  	_ =	swait.ge [sflag:s20], $0x1000  }
0x32: {  	[sflag:s20] =	ssyncset.done $0x0  }
0x33: {  	s13 =	rddreg [dreg:$0x7];
	[sflag:s20] =	ssyncadd.s32 $0xFFFFF000  }
0x34: {  	[spmem:s13] =	stream.linear.scatter [tilespmem:s19], [sflag:$0x9], $0x1000, $0x38;
	[tilespmem:$0x17000] =	vst v63  }
0x35: {  	_ =	swait.ge [sflag:s20], $0x1000  }
0x36: {  	[sflag:s20] =	ssyncset.done $0x0  }
0x37: {  	s11 =	rddreg [dreg:$0x8];
	[sflag:s20] =	ssyncadd.s32 $0xFFFFF000  }
0x38: {  	[spmem:s11] =	stream.linear.scatter [tilespmem:s19], [sflag:$0x9], $0x1000, $0x38;
	[tilespmem:$0x17000] =	vst v63  }
0x39: {  	_ =	swait.ge [sflag:s20], $0x1000  }
0x3a: {  	[sflag:s20] =	ssyncset.done $0x0  }
0x3b: {  	s12 =	rddreg [dreg:$0x9];
	[sflag:s20] =	ssyncadd.s32 $0xFFFFF000  }
0x3c: {  	[spmem:s12] =	stream.linear.scatter [tilespmem:s19], [sflag:$0x9], $0x1000, $0x38;
	[tilespmem:$0x17000] =	vst v63  }
0x3d: {  	_ =	swait.ge [sflag:s20], $0x1000  }
0x3e: {  	[sflag:s20] =	ssyncset.done $0x0  }
0x3f: {  	s13 =	rddreg [dreg:$0xa];
	[sflag:s20] =	ssyncadd.s32 $0xFFFFF000  }
0x40: {  	[spmem:s13] =	stream.linear.scatter [tilespmem:s19], [sflag:$0x9], $0x1000, $0x38;
	[tilespmem:$0x17000] =	vst v63  }
0x41: {  	_ =	swait.ge [sflag:s20], $0x1000  }
0x42: {  	[sflag:s20] =	ssyncset.done $0x0  }
0x43: {  	s11 =	rddreg [dreg:$0xb];
	[sflag:s20] =	ssyncadd.s32 $0xFFFFF000  }
0x44: {  	[spmem:s11] =	stream.linear.scatter [tilespmem:s19], [sflag:$0x9], $0x1000, $0x38;
	[tilespmem:$0x17000] =	vst v63  }
0x45: {  	_ =	swait.ge [sflag:s20], $0x1000  }
0x46: {  	[sflag:s20] =	ssyncset.done $0x0  }
0x47: {  	[sflag:s20] =	ssyncadd.s32 $0xFFFFF000  }
0x48: {  	[spmem:s14] =	stream.linear.scatter [tilespmem:s19], [sflag:$0x9], $0x1000, $0x38;
	[tilespmem:$0x17000] =	vst v63  }
0x49: {  	_ =	swait.ge [sflag:s20], $0x1000  }
0x4a: {  	[sflag:s20] =	ssyncset.done $0x0  }
0x4b: {  	[sflag:s20] =	ssyncadd.s32 $0xFFFFF000  }
0x4c: {  	s10 =	simm.s32 $0x0;
	[bflag:$0x0] =	sbarrier.arrive $0xFFFF  }
0x4d: {  	[tilespmem:s10], [sflag:$0x9] =	stream.linear.gather [hbm4b:s15+s10], $0x2800, $0x38;
	[tilespmem:$0x17000] =	vst v63  }
0x4e: {  	_ =	swait.ge [sflag:s20], $0x2800  }
0x4f: {  	[sflag:s20] =	ssyncset.done $0x0  }
0x50: {  	[sflag:s20] =	ssyncadd.s32 $0xFFFFD800  }
0x51: {  	[tilespmem:s19], [sflag:$0x1] =	stream.indirect.gather [hbm4b:s4+s21], $0x40, s10, s21, $0xb8;
	[tilespmem:$0x17000] =	vst v63  }
0x52: {  	_ = 	snop  }
0x53: {  	[tilespmem:s22], [sflag:$0x2] =	stream.indirect.gather [hbm4b:s4+s21], $0x40, s21, s21, $0xb8;
	[tilespmem:$0x17000] =	vst v63  }
0x54: {  	s11 =	simm.s32 $0x80  }
0x55: {  	[tilespmem:s24], [sflag:$0x3] =	stream.indirect.gather [hbm4b:s4+s21], $0x40, s11, s21, $0xb8;
	[tilespmem:$0x17000] =	vst v63  }
0x56: {  	s12 =	simm.s32 $0xC0  }
0x57: {  	[tilespmem:s26], [sflag:$0x4] =	stream.indirect.gather [hbm4b:s4+s21], $0x40, s12, s21, $0xb8;
	[tilespmem:$0x17000] =	vst v63  }
0x58: {  	s13 =	simm.s32 $0x100  }
0x59: {  	[tilespmem:s29], [sflag:$0x5] =	stream.indirect.gather [hbm4b:s4+s21], $0x40, s13, s21, $0xb8;
	[tilespmem:$0x17000] =	vst v63  }
0x5a: {  	s12 =	simm.s32 $0x140  }
0x5b: {  	[tilespmem:s31], [sflag:$0x6] =	stream.indirect.gather [hbm4b:s4+s21], $0x40, s12, s21, $0xb8;
	[tilespmem:$0x17000] =	vst v63  }
0x5c: {  	s13 =	simm.s32 $0x180  }
0x5d: {  	[tilespmem:s23], [sflag:$0x7] =	stream.indirect.gather [hbm4b:s4+s21], $0x40, s13, s21, $0xb8;
	[tilespmem:$0x17000] =	vst v63  }
0x5e: {  	s12 =	simm.s32 $0x1C0  }
0x5f: {  	[tilespmem:s28], [sflag:$0x8] =	stream.indirect.gather [hbm4b:s4+s21], $0x40, s12, s21, $0xb8;
	[tilespmem:$0x17000] =	vst v63  }
0x60: {  	s13 =	simm.s32 $0x2800  }
0x61: {  	[tilespmem:s13], [sflag:$0x9] =	stream.linear.gather [hbm4b:s16+s10], $0x2800, $0x38;
	[tilespmem:$0x17000] =	vst v63  }
0x62: {  	_ =	swait.ge [sflag:s20], $0x2800  }
0x63: {  	[sflag:s20] =	ssyncset.done $0x0  }
0x64: {  	[sflag:s20] =	ssyncadd.s32 $0xFFFFD800  }
0x65: {  	_ =	swait.ge [sflag:s30], $0x1000  }
0x66: {  	[sflag:s30] =	ssyncset.done $0x0  }
0x67: {  	s11 =	simm.s32 $0x2800;
	[sflag:s30] =	ssyncadd.s32 $0xFFFFF000  }
0x68: {  	[spmem:s2] =	stream.indirect.scatter.add.f32 [tilespmem:s19], [sflag:$0x9], $0x40, s11, s21, $0xb8;
	[tilespmem:$0x17000] =	vst v63  }
0x69: {  	_ =	swait.ge [sflag:s20], $0x1000  }
0x6a: {  	[sflag:s20] =	ssyncset.done $0x0  }
0x6b: {  	s12 =	simm.s32 $0x200;
	[sflag:s20] =	ssyncadd.s32 $0xFFFFF000  }
0x6c: {  	[tilespmem:s19], [sflag:$0x1] =	stream.indirect.gather [hbm4b:s4+s21], $0x40, s12, s21, $0xb8;
	[tilespmem:$0x17000] =	vst v63  }
0x6d: {  	_ =	swait.ge [sflag:s1], $0x1000  }
0x6e: {  	[sflag:s1] =	ssyncset.done $0x0  }
0x6f: {  	s13 =	simm.s32 $0x2840;
	[sflag:s1] =	ssyncadd.s32 $0xFFFFF000  }
0x70: {  	[spmem:s2] =	stream.indirect.scatter.add.f32 [tilespmem:s22], [sflag:$0x9], $0x40, s13, s21, $0xb8;
	[tilespmem:$0x17000] =	vst v63  }
0x71: {  	_ =	swait.ge [sflag:s20], $0x1000  }
0x72: {  	[sflag:s20] =	ssyncset.done $0x0  }
0x73: {  	s11 =	simm.s32 $0x240;
	[sflag:s20] =	ssyncadd.s32 $0xFFFFF000  }
0x74: {  	[tilespmem:s22], [sflag:$0x2] =	stream.indirect.gather [hbm4b:s4+s21], $0x40, s11, s21, $0xb8;
	[tilespmem:$0x17000] =	vst v63  }
0x75: {  	_ =	swait.ge [sflag:s25], $0x1000  }
0x76: {  	[sflag:s25] =	ssyncset.done $0x0  }
0x77: {  	s12 =	simm.s32 $0x2880;
	[sflag:s25] =	ssyncadd.s32 $0xFFFFF000  }
0x78: {  	[spmem:s2] =	stream.indirect.scatter.add.f32 [tilespmem:s24], [sflag:$0x9], $0x40, s12, s21, $0xb8;
	[tilespmem:$0x17000] =	vst v63  }
0x79: {  	_ =	swait.ge [sflag:s20], $0x1000  }
0x7a: {  	[sflag:s20] =	ssyncset.done $0x0  }
0x7b: {  	s13 =	simm.s32 $0x280;
	[sflag:s20] =	ssyncadd.s32 $0xFFFFF000  }
0x7c: {  	[tilespmem:s24], [sflag:$0x3] =	stream.indirect.gather [hbm4b:s4+s21], $0x40, s13, s21, $0xb8;
	[tilespmem:$0x17000] =	vst v63  }
0x7d: {  	_ =	swait.ge [sflag:s0], $0x1000  }
0x7e: {  	[sflag:s0] =	ssyncset.done $0x0  }
0x7f: {  	s11 =	simm.s32 $0x28C0;
	[sflag:s0] =	ssyncadd.s32 $0xFFFFF000  }
0x80: {  	[spmem:s2] =	stream.indirect.scatter.add.f32 [tilespmem:s26], [sflag:$0x9], $0x40, s11, s21, $0xb8;
	[tilespmem:$0x17000] =	vst v63  }
0x81: {  	_ =	swait.ge [sflag:s20], $0x1000  }
0x82: {  	[sflag:s20] =	ssyncset.done $0x0  }
0x83: {  	s12 =	simm.s32 $0x2C0;
	[sflag:s20] =	ssyncadd.s32 $0xFFFFF000  }
0x84: {  	[tilespmem:s26], [sflag:$0x4] =	stream.indirect.gather [hbm4b:s4+s21], $0x40, s12, s21, $0xb8;
	[tilespmem:$0x17000] =	vst v63  }
0x85: {  	_ =	swait.ge [sflag:s3], $0x1000  }
0x86: {  	[sflag:s3] =	ssyncset.done $0x0  }
0x87: {  	s13 =	simm.s32 $0x2900;
	[sflag:s3] =	ssyncadd.s32 $0xFFFFF000  }
0x88: {  	[spmem:s2] =	stream.indirect.scatter.add.f32 [tilespmem:s29], [sflag:$0x9], $0x40, s13, s21, $0xb8;
	[tilespmem:$0x17000] =	vst v63  }
0x89: {  	_ =	swait.ge [sflag:s20], $0x1000  }
0x8a: {  	[sflag:s20] =	ssyncset.done $0x0  }
0x8b: {  	s11 =	simm.s32 $0x300;
	[sflag:s20] =	ssyncadd.s32 $0xFFFFF000  }
0x8c: {  	[tilespmem:s29], [sflag:$0x5] =	stream.indirect.gather [hbm4b:s4+s21], $0x40, s11, s21, $0xb8;
	[tilespmem:$0x17000] =	vst v63  }
0x8d: {  	_ =	swait.ge [sflag:s6], $0x1000  }
0x8e: {  	[sflag:s6] =	ssyncset.done $0x0  }
0x8f: {  	s12 =	simm.s32 $0x2940;
	[sflag:s6] =	ssyncadd.s32 $0xFFFFF000  }
0x90: {  	[spmem:s2] =	stream.indirect.scatter.add.f32 [tilespmem:s31], [sflag:$0x9], $0x40, s12, s21, $0xb8;
	[tilespmem:$0x17000] =	vst v63  }
0x91: {  	_ =	swait.ge [sflag:s20], $0x1000  }
0x92: {  	[sflag:s20] =	ssyncset.done $0x0  }
0x93: {  	s13 =	simm.s32 $0x340;
	[sflag:s20] =	ssyncadd.s32 $0xFFFFF000  }
0x94: {  	[tilespmem:s31], [sflag:$0x6] =	stream.indirect.gather [hbm4b:s4+s21], $0x40, s13, s21, $0xb8;
	[tilespmem:$0x17000] =	vst v63  }
0x95: {  	_ =	swait.ge [sflag:s7], $0x1000  }
0x96: {  	[sflag:s7] =	ssyncset.done $0x0  }
0x97: {  	s11 =	simm.s32 $0x2980;
	[sflag:s7] =	ssyncadd.s32 $0xFFFFF000  }
0x98: {  	[spmem:s2] =	stream.indirect.scatter.add.f32 [tilespmem:s23], [sflag:$0x9], $0x40, s11, s21, $0xb8;
	[tilespmem:$0x17000] =	vst v63  }
0x99: {  	_ =	swait.ge [sflag:s20], $0x1000  }
0x9a: {  	[sflag:s20] =	ssyncset.done $0x0  }
0x9b: {  	s12 =	simm.s32 $0x380;
	[sflag:s20] =	ssyncadd.s32 $0xFFFFF000  }
0x9c: {  	[tilespmem:s23], [sflag:$0x7] =	stream.indirect.gather [hbm4b:s4+s21], $0x40, s12, s21, $0xb8;
	[tilespmem:$0x17000] =	vst v63  }
0x9d: {  	_ =	swait.ge [sflag:s8], $0x1000  }
0x9e: {  	[sflag:s8] =	ssyncset.done $0x0  }
0x9f: {  	s13 =	simm.s32 $0x29C0;
	[sflag:s8] =	ssyncadd.s32 $0xFFFFF000  }
0xa0: {  	[spmem:s2] =	stream.indirect.scatter.add.f32 [tilespmem:s28], [sflag:$0x9], $0x40, s13, s21, $0xb8;
	[tilespmem:$0x17000] =	vst v63  }
0xa1: {  	_ =	swait.ge [sflag:s20], $0x1000  }
0xa2: {  	[sflag:s20] =	ssyncset.done $0x0  }
0xa3: {  	s10 =	simm.s32 $0x800;
	s11 =	simm.s32 $0x3C0;
	[sflag:s20] =	ssyncadd.s32 $0xFFFFF000  }
.LBB2_4:
0xa4: {  	[tilespmem:s28], [sflag:$0x8] =	stream.indirect.gather [hbm4b:s4+s21], $0x40, s11, s21, $0xb8;
	[tilespmem:$0x17000] =	vst v63  }
0xa5: {  	s11 =	smov.u32 s10  }
0xa6: {  	p0 =	sne.s32 s10, $0x9000;
	s10 =	sadd.s32 $0x800, s10;
	_ =	swait.ge [sflag:s30], $0x1000  }
0xa7: {  	s11 =	sshra.s32 s11, $0x2;
	[sflag:s30] =	ssyncset.done $0x0  }
0xa8: {  	s12 =	sadd.s32 $0x2800, s11;
	[sflag:s30] =	ssyncadd.s32 $0xFFFFF000  }
0xa9: {  	[spmem:s2] =	stream.indirect.scatter.add.f32 [tilespmem:s19], [sflag:$0x9], $0x40, s12, s21, $0xb8;
	[tilespmem:$0x17000] =	vst v63  }
0xaa: {  	_ =	swait.ge [sflag:s20], $0x1000  }
0xab: {  	[sflag:s20] =	ssyncset.done $0x0  }
0xac: {  	s12 =	sadd.s32 $0x200, s11;
	[sflag:s20] =	ssyncadd.s32 $0xFFFFF000  }
0xad: {  	[tilespmem:s19], [sflag:$0x1] =	stream.indirect.gather [hbm4b:s4+s21], $0x40, s12, s21, $0xb8;
	[tilespmem:$0x17000] =	vst v63  }
0xae: {  	_ =	swait.ge [sflag:s1], $0x1000  }
0xaf: {  	[sflag:s1] =	ssyncset.done $0x0  }
0xb0: {  	s12 =	sadd.s32 $0x2840, s11;
	[sflag:s1] =	ssyncadd.s32 $0xFFFFF000  }
0xb1: {  	[spmem:s2] =	stream.indirect.scatter.add.f32 [tilespmem:s22], [sflag:$0x9], $0x40, s12, s21, $0xb8;
	[tilespmem:$0x17000] =	vst v63  }
0xb2: {  	_ =	swait.ge [sflag:s20], $0x1000  }
0xb3: {  	[sflag:s20] =	ssyncset.done $0x0  }
0xb4: {  	s12 =	sadd.s32 $0x240, s11;
	[sflag:s20] =	ssyncadd.s32 $0xFFFFF000  }
0xb5: {  	[tilespmem:s22], [sflag:$0x2] =	stream.indirect.gather [hbm4b:s4+s21], $0x40, s12, s21, $0xb8;
	[tilespmem:$0x17000] =	vst v63  }
0xb6: {  	_ =	swait.ge [sflag:s25], $0x1000  }
0xb7: {  	[sflag:s25] =	ssyncset.done $0x0  }
0xb8: {  	s12 =	sadd.s32 $0x2880, s11;
	[sflag:s25] =	ssyncadd.s32 $0xFFFFF000  }
0xb9: {  	[spmem:s2] =	stream.indirect.scatter.add.f32 [tilespmem:s24], [sflag:$0x9], $0x40, s12, s21, $0xb8;
	[tilespmem:$0x17000] =	vst v63  }
0xba: {  	_ =	swait.ge [sflag:s20], $0x1000  }
0xbb: {  	[sflag:s20] =	ssyncset.done $0x0  }
0xbc: {  	s12 =	sadd.s32 $0x280, s11;
	[sflag:s20] =	ssyncadd.s32 $0xFFFFF000  }
0xbd: {  	[tilespmem:s24], [sflag:$0x3] =	stream.indirect.gather [hbm4b:s4+s21], $0x40, s12, s21, $0xb8;
	[tilespmem:$0x17000] =	vst v63  }
0xbe: {  	_ =	swait.ge [sflag:s0], $0x1000  }
0xbf: {  	[sflag:s0] =	ssyncset.done $0x0  }
0xc0: {  	s12 =	sadd.s32 $0x28C0, s11;
	[sflag:s0] =	ssyncadd.s32 $0xFFFFF000  }
0xc1: {  	[spmem:s2] =	stream.indirect.scatter.add.f32 [tilespmem:s26], [sflag:$0x9], $0x40, s12, s21, $0xb8;
	[tilespmem:$0x17000] =	vst v63  }
0xc2: {  	_ =	swait.ge [sflag:s20], $0x1000  }
0xc3: {  	[sflag:s20] =	ssyncset.done $0x0  }
0xc4: {  	s12 =	sadd.s32 $0x2C0, s11;
	[sflag:s20] =	ssyncadd.s32 $0xFFFFF000  }
0xc5: {  	[tilespmem:s26], [sflag:$0x4] =	stream.indirect.gather [hbm4b:s4+s21], $0x40, s12, s21, $0xb8;
	[tilespmem:$0x17000] =	vst v63  }
0xc6: {  	_ =	swait.ge [sflag:s3], $0x1000  }
0xc7: {  	[sflag:s3] =	ssyncset.done $0x0  }
0xc8: {  	s12 =	sadd.s32 $0x2900, s11;
	[sflag:s3] =	ssyncadd.s32 $0xFFFFF000  }
0xc9: {  	[spmem:s2] =	stream.indirect.scatter.add.f32 [tilespmem:s29], [sflag:$0x9], $0x40, s12, s21, $0xb8;
	[tilespmem:$0x17000] =	vst v63  }
0xca: {  	_ =	swait.ge [sflag:s20], $0x1000  }
0xcb: {  	[sflag:s20] =	ssyncset.done $0x0  }
0xcc: {  	s12 =	sadd.s32 $0x300, s11;
	[sflag:s20] =	ssyncadd.s32 $0xFFFFF000  }
0xcd: {  	[tilespmem:s29], [sflag:$0x5] =	stream.indirect.gather [hbm4b:s4+s21], $0x40, s12, s21, $0xb8;
	[tilespmem:$0x17000] =	vst v63  }
0xce: {  	_ =	swait.ge [sflag:s6], $0x1000  }
0xcf: {  	[sflag:s6] =	ssyncset.done $0x0  }
0xd0: {  	s12 =	sadd.s32 $0x2940, s11;
	[sflag:s6] =	ssyncadd.s32 $0xFFFFF000  }
0xd1: {  	[spmem:s2] =	stream.indirect.scatter.add.f32 [tilespmem:s31], [sflag:$0x9], $0x40, s12, s21, $0xb8;
	[tilespmem:$0x17000] =	vst v63  }
0xd2: {  	_ =	swait.ge [sflag:s20], $0x1000  }
0xd3: {  	[sflag:s20] =	ssyncset.done $0x0  }
0xd4: {  	s12 =	sadd.s32 $0x340, s11;
	[sflag:s20] =	ssyncadd.s32 $0xFFFFF000  }
0xd5: {  	[tilespmem:s31], [sflag:$0x6] =	stream.indirect.gather [hbm4b:s4+s21], $0x40, s12, s21, $0xb8;
	[tilespmem:$0x17000] =	vst v63  }
0xd6: {  	_ =	swait.ge [sflag:s7], $0x1000  }
0xd7: {  	[sflag:s7] =	ssyncset.done $0x0  }
0xd8: {  	s12 =	sadd.s32 $0x2980, s11;
	[sflag:s7] =	ssyncadd.s32 $0xFFFFF000  }
0xd9: {  	[spmem:s2] =	stream.indirect.scatter.add.f32 [tilespmem:s23], [sflag:$0x9], $0x40, s12, s21, $0xb8;
	[tilespmem:$0x17000] =	vst v63  }
0xda: {  	_ =	swait.ge [sflag:s20], $0x1000  }
0xdb: {  	[sflag:s20] =	ssyncset.done $0x0  }
0xdc: {  	s12 =	sadd.s32 $0x380, s11;
	[sflag:s20] =	ssyncadd.s32 $0xFFFFF000  }
0xdd: {  	[tilespmem:s23], [sflag:$0x7] =	stream.indirect.gather [hbm4b:s4+s21], $0x40, s12, s21, $0xb8;
	[tilespmem:$0x17000] =	vst v63  }
0xde: {  	_ =	swait.ge [sflag:s8], $0x1000  }
0xdf: {  	[sflag:s8] =	ssyncset.done $0x0  }
.Ltmp1:
0xe0: {  	s12 =	sadd.s32 $0x29C0, s11;
	[sflag:s8] =	ssyncadd.s32 $0xFFFFF000;
	(pc) =	sbr.rel @p0 .LBB2_4-.Ltmp1, $4  }
0xe1: {  	[spmem:s2] =	stream.indirect.scatter.add.f32 [tilespmem:s28], [sflag:$0x9], $0x40, s12, s21, $0xb8;
	[tilespmem:$0x17000] =	vst v63  }
0xe2: {  	_ =	swait.ge [sflag:s20], $0x1000  }
0xe3: {  	[sflag:s20] =	ssyncset.done $0x0  }
0xe4: {  	s11 =	sadd.s32 $0x3C0, s11;
	[sflag:s20] =	ssyncadd.s32 $0xFFFFF000  }
0xe5: {  	[tilespmem:s28], [sflag:$0x8] =	stream.indirect.gather [hbm4b:s4+s21], $0x40, s11, s21, $0xb8;
	[tilespmem:$0x17000] =	vst v63  }
0xe6: {  	_ =	swait.ge [sflag:s30], $0x1000  }
0xe7: {  	[sflag:s30] =	ssyncset.done $0x0  }
0xe8: {  	s10 =	simm.s32 $0x4E00;
	[sflag:s30] =	ssyncadd.s32 $0xFFFFF000  }
0xe9: {  	[spmem:s2] =	stream.indirect.scatter.add.f32 [tilespmem:s19], [sflag:$0x9], $0x40, s10, s21, $0xb8;
	[tilespmem:$0x17000] =	vst v63  }
0xea: {  	_ =	swait.ge [sflag:s20], $0x1000  }
0xeb: {  	[sflag:s20] =	ssyncset.done $0x0  }
0xec: {  	[sflag:s20] =	ssyncadd.s32 $0xFFFFF000  }
0xed: {  	_ =	swait.ge [sflag:s1], $0x1000  }
0xee: {  	[sflag:s1] =	ssyncset.done $0x0  }
0xef: {  	s11 =	simm.s32 $0x4E40;
	[sflag:s1] =	ssyncadd.s32 $0xFFFFF000  }
0xf0: {  	[spmem:s2] =	stream.indirect.scatter.add.f32 [tilespmem:s22], [sflag:$0x9], $0x40, s11, s21, $0xb8;
	[tilespmem:$0x17000] =	vst v63  }
0xf1: {  	_ =	swait.ge [sflag:s20], $0x1000  }
0xf2: {  	[sflag:s20] =	ssyncset.done $0x0  }
0xf3: {  	[sflag:s20] =	ssyncadd.s32 $0xFFFFF000  }
0xf4: {  	_ =	swait.ge [sflag:s25], $0x1000  }
0xf5: {  	[sflag:s25] =	ssyncset.done $0x0  }
0xf6: {  	s12 =	simm.s32 $0x4E80;
	[sflag:s25] =	ssyncadd.s32 $0xFFFFF000  }
0xf7: {  	[spmem:s2] =	stream.indirect.scatter.add.f32 [tilespmem:s24], [sflag:$0x9], $0x40, s12, s21, $0xb8;
	[tilespmem:$0x17000] =	vst v63  }
0xf8: {  	_ =	swait.ge [sflag:s20], $0x1000  }
0xf9: {  	[sflag:s20] =	ssyncset.done $0x0  }
0xfa: {  	[sflag:s20] =	ssyncadd.s32 $0xFFFFF000  }
0xfb: {  	_ =	swait.ge [sflag:s0], $0x1000  }
0xfc: {  	[sflag:s0] =	ssyncset.done $0x0  }
0xfd: {  	s13 =	simm.s32 $0x4EC0;
	[sflag:s0] =	ssyncadd.s32 $0xFFFFF000  }
0xfe: {  	[spmem:s2] =	stream.indirect.scatter.add.f32 [tilespmem:s26], [sflag:$0x9], $0x40, s13, s21, $0xb8;
	[tilespmem:$0x17000] =	vst v63  }
0xff: {  	_ =	swait.ge [sflag:s20], $0x1000  }
0x100: {  	[sflag:s20] =	ssyncset.done $0x0  }
0x101: {  	[sflag:s20] =	ssyncadd.s32 $0xFFFFF000  }
0x102: {  	_ =	swait.ge [sflag:s3], $0x1000  }
0x103: {  	[sflag:s3] =	ssyncset.done $0x0  }
0x104: {  	s11 =	simm.s32 $0x4F00;
	[sflag:s3] =	ssyncadd.s32 $0xFFFFF000  }
0x105: {  	[spmem:s2] =	stream.indirect.scatter.add.f32 [tilespmem:s29], [sflag:$0x9], $0x40, s11, s21, $0xb8;
	[tilespmem:$0x17000] =	vst v63  }
0x106: {  	_ =	swait.ge [sflag:s20], $0x1000  }
0x107: {  	[sflag:s20] =	ssyncset.done $0x0  }
0x108: {  	[sflag:s20] =	ssyncadd.s32 $0xFFFFF000  }
0x109: {  	_ =	swait.ge [sflag:s6], $0x1000  }
0x10a: {  	[sflag:s6] =	ssyncset.done $0x0  }
0x10b: {  	s12 =	simm.s32 $0x4F40;
	[sflag:s6] =	ssyncadd.s32 $0xFFFFF000  }
0x10c: {  	[spmem:s2] =	stream.indirect.scatter.add.f32 [tilespmem:s31], [sflag:$0x9], $0x40, s12, s21, $0xb8;
	[tilespmem:$0x17000] =	vst v63  }
0x10d: {  	_ =	swait.ge [sflag:s20], $0x1000  }
0x10e: {  	[sflag:s20] =	ssyncset.done $0x0  }
0x10f: {  	[sflag:s20] =	ssyncadd.s32 $0xFFFFF000  }
0x110: {  	_ =	swait.ge [sflag:s7], $0x1000  }
0x111: {  	[sflag:s7] =	ssyncset.done $0x0  }
0x112: {  	s13 =	simm.s32 $0x4F80;
	[sflag:s7] =	ssyncadd.s32 $0xFFFFF000  }
0x113: {  	[spmem:s2] =	stream.indirect.scatter.add.f32 [tilespmem:s23], [sflag:$0x9], $0x40, s13, s21, $0xb8;
	[tilespmem:$0x17000] =	vst v63  }
0x114: {  	_ =	swait.ge [sflag:s20], $0x1000  }
0x115: {  	[sflag:s20] =	ssyncset.done $0x0  }
0x116: {  	[sflag:s20] =	ssyncadd.s32 $0xFFFFF000  }
0x117: {  	_ =	swait.ge [sflag:s8], $0x1000  }
0x118: {  	[sflag:s8] =	ssyncset.done $0x0  }
0x119: {  	s11 =	simm.s32 $0x4FC0;
	[sflag:s8] =	ssyncadd.s32 $0xFFFFF000  }
0x11a: {  	[spmem:s2] =	stream.indirect.scatter.add.f32 [tilespmem:s28], [sflag:$0x9], $0x40, s11, s21, $0xb8;
	[tilespmem:$0x17000] =	vst v63  }
0x11b: {  	s12 =	stileid.u32;
	_ =	swait.ge [sflag:s20], $0x1000  }
0x11c: {  	s9 =	sadd.s32 $0x1, s9;
	s10 =	sshll.u32 s12, $0x6;
	[sflag:s20] =	ssyncset.done $0x0  }
0x11d: {  	p0 =	sne.s32 s9, s18;
	s10 =	sor.u32 $0x1C09, s10;
	[sflag:s20] =	ssyncadd.s32 $0xFFFFF000  }
.Ltmp2:
0x11e: {  	s13 =	sshrl.u32 s5, $0x3;
	[bflag:$0x0] =	sbarrier.arrive $0xFFFF;
	(pc) =	sbr.rel @p0 .LBB2_1-.Ltmp2, $4  }
0x11f: {  	[hbm:s17], [sflag:s10] =	dma.local [spmem:s13], $0x1400  }
0x120: {  	_ =	swait.ge [sflag:s20], $0x1400  }
0x121: {  	[sflag:s20] =	ssyncset.done $0x0  }
0x122: {  	[sflag:s20] =	ssyncadd.s32 $0xFFFFEC00  }
0x123: {  	_ =	sfence.sel $0x180000  }
0x124: {  	[bflag:$0x0] =	sbarrier.arrive $0xFFFF  }
0x125: {  	_ =	strace $0x9000004D  }
0x126: {  	s0 =	stileid.u32;
	[bflag:$0x2] =	sbarrier.arrive $0xFFFF  }
0x127: {  	p0 =	sne.s32 s0, $0x0;
	s0 =	rddreg [dreg:$0x3]  }
0x128: {  	s0 =	sadd.s32 @!p0 $0x100000, s0  }
0x129: {  	[sflag:s0] =	ssyncadd.tile.s32 @!p0 $0x1;
	_ =	shalt  }
.Lfunc_end2:
_tile_overlayer_lowered:
.L_overlay_start_2:
0x12a: {  	(tag) =	ssettag $0x2  }
0x12b: {  	s0 =	rddreg [dreg:$0x0];
	s2 =	stileid.u32  }
0x12c: {  	s1 =	rddreg [dreg:$0x1];
	p0 =	sne.s32 s2, $0x0  }
0x12d: {  	s3 =	rddreg [dreg:$0x2];
	[bflag:$0x3] =	sbarrier.arrive $0xFFFF;
	s2 =	simm.s32 @!p0 $0x1C09  }
0x12e: {  	[timem:s3], [sflag:s2] =	dma.local @!p0 [hbm:s0], s1  }
0x12f: {  	s0 =	simm.s32 @!p0 $0x9  }
0x130: {  	_ =	swait.ge @!p0 [sflag:s0], s1  }
0x131: {  	s1 =	ssub.s32 @!p0 $0x0, s1;
	[sflag:s0] =	ssyncset.done @!p0 $0x0  }
0x132: {  	[sflag:s0] =	ssyncadd.s32 @!p0 s1  }
0x133: {  	[bflag:$0x3] =	sbarrier.arrive $0xFFFF  }
0x134: {  	_ =	shalt  }

// kernel: kernel.8.cloned.1.call-start
scs
__scs_entry_jumppad:
0x0: {  	(pc) =	sbr.rel $0x88, $3  }
0x1: {  	(tag) =	ssettag $0x0;
	lr =	simm.s32 $0x1  }
0x2: {  	[smem:$0x3F9B] =	sst lr;
	_ =	strace $0xD0000000  }
0x3: {  	_ = 	snop  }
0x4: {  	_ = 	snop  }
0x5: {  	_ = 	snop  }
0x6: {  	_ = 	snop  }
0x7: {  	_ = 	snop  }
__scs_overlays_trampoline_lowered:
0x8: {  	[smem:$0x3FAA] =	sst s0  }
0x9: {  	[smem:$0x3FAB] =	sst s1  }
0xa: {  	[smem:$0x3FAC] =	sst s2  }
0xb: {  	[smem:$0x3FAD] =	sst s3  }
0xc: {  	[smem:$0x3FAE] =	sst s4  }
0xd: {  	[smem:$0x3FAF] =	sst s5  }
0xe: {  	[smem:$0x3FB0] =	sst s6  }
0xf: {  	[smem:$0x3FB1] =	sst s7  }
0x10: {  	[smem:$0x3FB2] =	sst s8  }
0x11: {  	[smem:$0x3FB3] =	sst s9;
	s0 =	simm.s32 @!p0 $0x0  }
0x12: {  	s1 =	sld [smem:$0x3F99];
	s0 =	simm.s32 @p0 $0x1  }
0x13: {  	[smem:$0x3FB4] =	sst s0;
	s0 =	simm.s32 @!p1 $0x0  }
0x14: {  	s2 =	sld [smem:$0x3F98];
	s0 =	simm.s32 @p1 $0x1  }
0x15: {  	[smem:$0x3FB5] =	sst s0;
	s0 =	simm.s32 @!p2 $0x0  }
0x16: {  	s3 =	sld [smem:$0x3FDB];
	s0 =	simm.s32 @p2 $0x1  }
0x17: {  	s4 =	simm.s32 $0x1BF5;
	[smem:$0x3FB7] =	sst s0  }
0x18: {  	s0 =	sld [smem:$0x3F9A];
	_ =	swait.ge [sflag:s4], $0x0  }
0x19: {  	s7 =	sld [smem:$0x3F9B]  }
0x1a: {  	s8 =	sadd.s32 $0xFFFFE003, lr  }
0x1b: {  	s9 =	sadd.s32 $0xFFFFFEF7, lr;
	s5 =	simm.s32 $0xFFFFFFFF;
	p2 =	slt.u32 s8, $0xFFFFF086  }
0x1c: {  	p1 =	slt.u32 s9, $0xF7A;
	s5 =	simm.s32 @!p2 $0x0  }
0x1d: {  	s5 =	simm.s32 @p1 $0x1;
	p0 =	seq.s32 s7, s2  }
0x1e: {  	s7 =	smul.u32 @!p0 $0xF7A, s2;
	p2 =	seq.s32 @!p0 s5, $0x0  }
0x1f: {  	s9 =	smul.u32 $0xF7A, s1;
	s8 =	simm.s32 @!p0 $0x1BF5;
	p2 =	por !p2, p0  }
0x20: {  	[sflag:s8] =	ssyncset.s32 @!p0 $0xFFFFF086;
	s6 =	sadd.s32 @!p0 s3, s7;
	s7 =	simm.s32 @!p0 $0x108  }
0x21: {  	s3 =	sadd.s32 s3, s9;
	s6 =	sadd.s32 @!p0 $0x88, s6;
	s7 =	simm.s32 @p2 $0x1082  }
0x22: {  	[simem:s7], [sflag:s8] =	dma.local @!p0 [hbm:s6], $0xF7A  }
0x23: {  	s9 =	sor.u32 $0xD0000000, s2;
	s6 =	simm.s32 $0x108;
	_ =	swait.ge @!p0 [sflag:s8], $0x0  }
0x24: {  	s3 =	sadd.s32 $0x88, s3;
	s6 =	simm.s32 @!p1 $0x1082;
	[sflag:s4] =	ssyncset.s32 $0xFFFFF086  }
0x25: {  	[simem:s6], [sflag:s4] =	dma.local [hbm:s3], $0xF7A  }
0x26: {  	[smem:$0x3F9B] =	sst s1;
	(tag) =	ssettag s2;
	_ =	strace s9  }
0x27: {  	s1 =	sld [smem:$0x3FAB]  }
0x28: {  	s2 =	sld [smem:$0x3FAC]  }
0x29: {  	s4 =	sld [smem:$0x3FAE]  }
0x2a: {  	p0 =	seq.s32 s5, $0x0;
	s5 =	sld [smem:$0x3FAF]  }
0x2b: {  	s6 =	sld [smem:$0x3FB0]  }
0x2c: {  	s7 =	sld [smem:$0x3FB1]  }
0x2d: {  	s3 =	simm.s32 $0x108;
	s8 =	sld [smem:$0x3FB2]  }
0x2e: {  	s3 =	simm.s32 @!p0 $0x1082;
	s9 =	sld [smem:$0x3FB3]  }
0x2f: {  	lr =	sadd.s32 s0, s3;
	s0 =	sld [smem:$0x3FAA]  }
0x30: {  	s3 =	sld [smem:$0x3FAD]  }
0x31: {  	[smem:$0x3FB6] =	sst s10  }
0x32: {  	s10 =	sld [smem:$0x3FB4];
	_ =	sdelay $0x3  }
0x33: {  	p0 =	seq.s32 s10, $0x1;
	s10 =	sld [smem:$0x3FB6];
	_ =	sdelay $0x3  }
0x34: {  	[smem:$0x3FB6] =	sst s10  }
0x35: {  	s10 =	sld [smem:$0x3FB5];
	_ =	sdelay $0x3  }
0x36: {  	p1 =	seq.s32 s10, $0x1;
	s10 =	sld [smem:$0x3FB6];
	_ =	sdelay $0x3  }
0x37: {  	[smem:$0x3FB6] =	sst s10  }
0x38: {  	s10 =	sld [smem:$0x3FB7]  }
0x39: {  	_ = 	snop;
	(pc) =	sbr.ind lr, $3  }
0x3a: {  	_ = 	snop  }
0x3b: {  	_ = 	snop  }
0x3c: {  	p2 =	seq.s32 s10, $0x1;
	s10 =	sld [smem:$0x3FB6]  }
0x3d: {  	_ =	shalt  }
0x3e: {  	_ =	shalt  }
0x3f: {  	_ =	shalt  }
0x40: {  	_ =	shalt  }
0x41: {  	_ =	shalt  }
0x42: {  	_ =	shalt  }
0x43: {  	_ =	shalt  }
0x44: {  	_ =	shalt  }
0x45: {  	_ =	shalt  }
0x46: {  	_ =	shalt  }
0x47: {  	_ =	shalt  }
0x48: {  	_ =	shalt  }
0x49: {  	_ =	shalt  }
0x4a: {  	_ =	shalt  }
0x4b: {  	_ =	shalt  }
0x4c: {  	_ =	shalt  }
0x4d: {  	_ =	shalt  }
0x4e: {  	_ =	shalt  }
0x4f: {  	_ =	shalt  }
0x50: {  	_ =	shalt  }
0x51: {  	_ =	shalt  }
0x52: {  	_ =	shalt  }
0x53: {  	_ =	shalt  }
0x54: {  	_ =	shalt  }
0x55: {  	_ =	shalt  }
0x56: {  	_ =	shalt  }
0x57: {  	_ =	shalt  }
0x58: {  	_ =	shalt  }
0x59: {  	_ =	shalt  }
0x5a: {  	_ =	shalt  }
0x5b: {  	_ =	shalt  }
0x5c: {  	_ =	shalt  }
0x5d: {  	_ =	shalt  }
0x5e: {  	_ =	shalt  }
0x5f: {  	_ =	shalt  }
0x60: {  	_ =	shalt  }
0x61: {  	_ =	shalt  }
0x62: {  	_ =	shalt  }
0x63: {  	_ =	shalt  }
0x64: {  	_ =	shalt  }
0x65: {  	_ =	shalt  }
0x66: {  	_ =	shalt  }
0x67: {  	_ =	shalt  }
0x68: {  	_ =	shalt  }
0x69: {  	_ =	shalt  }
0x6a: {  	_ =	shalt  }
0x6b: {  	_ =	shalt  }
0x6c: {  	_ =	shalt  }
0x6d: {  	_ =	shalt  }
0x6e: {  	_ =	shalt  }
0x6f: {  	_ =	shalt  }
0x70: {  	_ =	shalt  }
0x71: {  	_ =	shalt  }
0x72: {  	_ =	shalt  }
0x73: {  	_ =	shalt  }
0x74: {  	_ =	shalt  }
0x75: {  	_ =	shalt  }
0x76: {  	_ =	shalt  }
0x77: {  	_ =	shalt  }
0x78: {  	_ =	shalt  }
0x79: {  	_ =	shalt  }
0x7a: {  	_ =	shalt  }
0x7b: {  	_ =	shalt  }
0x7c: {  	_ =	shalt  }
0x7d: {  	_ =	shalt  }
0x7e: {  	_ =	shalt  }
0x7f: {  	_ =	shalt  }
0x80: {  	_ =	shalt  }
0x81: {  	_ =	shalt  }
0x82: {  	_ =	shalt  }
0x83: {  	_ =	shalt  }
0x84: {  	_ =	shalt  }
0x85: {  	_ =	shalt  }
0x86: {  	_ =	shalt  }
0x87: {  	_ =	shalt  }
.Lfunc_end0:
.L_simem_size_0:
called_computation_lowered:
.L_overlay_start_0:
0x88: {  	s2 =	sld [smem:$0x3FD9]  }
0x89: {  	s3 =	sld [smem:$0x3FFE];
	_ =	sdelay $0x1  }
0x8a: {  	s1 =	srdreg.scid  }
0x8b: {  	s0 =	sand.u32 $0x1, s1  }
0x8c: {  	s16 =	sshll.u32 s0, $0xA;
	s2 =	sadd.s32 s3, s2  }
0x8d: {  	s2 =	sadd.s32 s2, s16  }
0x8e: {  	[smem:$0x3FC2] =	sst s2  }
0x8f: {  	_ = 	snop  }
0x90: {  	(tm) =	ssettm $0x1  }
0x91: {  	s17 =	sld [smem:$0x3FFB];
	_ =	sdelay $0x3  }
0x92: {  	_ =	strace s17  }
0x93: {  	s2 =	sld [smem:$0x3FFC];
	_ =	sdelay $0x3  }
0x94: {  	_ =	strace s2  }
0x95: {  	s2 =	sld [smem:$0x3FFD];
	_ =	sdelay $0x3  }
0x96: {  	_ =	strace s2  }
0x97: {  	_ =	strace $0x8FFFFFFF  }
0x98: {  	s18 =	sld [smem:$0x3FDB];
	_ =	sdelay $0x1  }
0x99: {  	s19 =	simm.s32 $_scs_section_size  }
0x9a: {  	s4 =	simm.s32 $_size__tile_overlayer_lowered;
	s5 =	simm.s32 $_tile_overlayer_lowered  }
0x9b: {  	s22 =	simm.s32 $0x1BFF;
	s21 =	sshll.u32 s5, $0x1;
	s2 =	sadd.s32 s19, s18  }
0x9c: {  	s6 =	simm.s32 $0x0;
	s20 =	sshll.u32 s4, $0x1;
	s4 =	sadd.s32 s21, s2  }
0x9d: {  	[timem:s6], [sflag:s22] =	dma.local [hbm:s4], s20  }
0x9e: {  	_ =	swait.ge [sflag:s22], s20  }
0x9f: {  	s3 =	ssub.s32 $0x0, s20;
	[sflag:s22] =	ssyncset.done $0x0  }
0xa0: {  	[sflag:s22] =	ssyncadd.s32 s3;
	_ =	sdelay $0x1  }
0xa1: {  	s23 =	simm.s32 $0x1B8B  }
0xa2: {  	_ =	swait.ge [sflag:s23], $0x1  }
0xa3: {  	[sflag:s23] =	ssyncset.done $0x0  }
0xa4: {  	s25 =	simm.s32 $0x1B8E;
	s24 =	sld [smem:$0x3FFE];
	[sflag:s23] =	ssyncadd.s32 $0xFFFFFFFF  }
0xa5: {  	s26 =	simm.s32 $execute0_lowered;
	[smem:$0x3FD2] =	sst s25  }
0xa6: {  	s4 =	sshll.u32 s26, $0x1;
	_ =	strace $0x80000046;
	[dreg:$0x1] =	wrdreg $0xFFFFFFFF  }
0xa7: {  	s28 =	simm.s32 $_size_execute0_lowered;
	s2 =	sadd.s32 s2, s4;
	[dreg:$0x0] =	wrdreg $0x0  }
0xa8: {  	s4 =	sshll.u32 s28, $0x1;
	[dreg:$0x2] =	wrdreg s2  }
0xa9: {  	[dreg:$0x3] =	wrdreg s4  }
0xaa: {  	[dreg:$0x4] =	wrdreg $0xC0  }
0xab: {  	_ =	task [dreg:s6], $0x5FFFF  }
0xac: {  	[dreg:$0x1] =	wrdreg $0xFFFFFFFF  }
0xad: {  	[dreg:$0x0] =	wrdreg $0x60  }
0xae: {  	[dreg:$0x2] =	wrdreg s24  }
0xaf: {  	[dreg:$0x3] =	wrdreg $0x2B000  }
0xb0: {  	[dreg:$0x4] =	wrdreg $0x9  }
0xb1: {  	_ =	task.clear_ibuf [dreg:s6], $0x5FFFF;
	_ =	strace $0x90000046  }
0xb2: {  	s29 =	simm.s32 $0x9;
	_ =	strace $0x80000048  }
0xb3: {  	_ =	swait.ge [sflag:s29], $0x1  }
0xb4: {  	[sflag:s29] =	ssyncadd.s32 $0xFFFFFFFF  }
0xb5: {  	_ =	strace $0x90000048  }
0xb6: {  	_ =	sfence  }
0xb7: {  	s30 =	sld [smem:$0x0];
	_ =	sdelay $0x2  }
0xb8: {  	s31 =	sshll.u32 s1, $0xD;
	s1 =	sshrl.u32 s1, $0x2  }
0xb9: {  	s3 =	sand.u32 $0x4000, s31;
	s1 =	sadd.s32 s1, s30  }
0xba: {  	s0 =	sor.u32 s3, s0;
	s1 =	sshll.u32 s1, $0x11  }
0xbb: {  	s0 =	sor.u32 s1, s0  }
0xbc: {  	s0 =	sadd.s32 $0x8F2B, s0  }
0xbd: {  	[sflag:s0] =	ssyncadd.remote.s32 $0x1  }
0xbe: {  	_ =	sfence.sel $0xFFFF  }
0xbf: {  	[dreg:$0x0] =	wrdreg $0xFFFFFFFF;
	(pc) =	sbr.abs _section_cstart, $3  }
0xc0: {  	[dreg:$0x1] =	wrdreg $0xFFFFFFFF  }
0xc1: {  	_ =	task.clear_ibuf [dreg:s6], $0x2FFFF;
	_ =	strace $0x9FFFFFFF  }
0xc2: {  	(tm) =	ssettm $0x7FFFFFFF  }
0xc3: {  	_ =	shalt  }
tec
execute0_lowered:
.L_overlay_start_1:
0x0: {  	(tag) =	ssettag $0x1  }
0x1: {  	s0 =	rddreg [dreg:$0x0]  }
0x2: {  	s2 =	rddreg [dreg:$0x1];
	s4 =	srdreg.scid  }
0x3: {  	s1 =	stileid.u32;
	s3 =	simm.s32 $0x0;
	s9 =	simm.s32 $0x3  }
0x4: {  	s10 =	simm.s32 $0x80;
	s11 =	simm.s32 $0x2800;
	s15 =	simm.s32 $0x280  }
0x5: {  	s16 =	simm.s32 $0x300;
	s17 =	simm.s32 $0x380;
	s18 =	simm.s32 $0x1  }
0x6: {  	s19 =	simm.s32 $0x2;
	s20 =	simm.s32 $0x2400;
	s21 =	simm.s32 $0x2480  }
0x7: {  	s22 =	simm.s32 $0x2500;
	s23 =	simm.s32 $0x2580;
	s24 =	simm.s32 $0x2600  }
0x8: {  	s28 =	simm.s32 $0x2780;
	s29 =	simm.s32 $0x20;
	s30 =	simm.s32 $0x10  }
0x9: {  	s31 =	simm.s32 $0x0;
	s4 =	sand.u32 $0x1, s4;
	s6 =	smul.u32 $0x500, s1  }
0xa: {  	s5 =	sshll.u32 s1, $0x1;
	[smem:$0x7FF] =	sst s3;
	s25 =	smul.u32 $0xA00, s1  }
0xb: {  	s5 =	sor.u32 s4, s5;
	_ =	strace $0x80000047;
	s7 =	sshll.u32 s4, $0x7  }
0xc: {  	s4 =	ssub.s32 $0x2, s4;
	s5 =	smul.u32 $0x500, s5;
	s6 =	sor.u32 s7, s6  }
0xd: {  	s8 =	sshrl.u32 s4, $0x1;
	s26 =	sshrl.u32 s25, $0x2;
	s25 =	simm.s32 $0x2680  }
0xe: {  	s6 =	sshrl.u32 s6, $0x3;
	s8 =	ssub.s32 s4, s8;
	s4 =	sadd.s32 s26, s2  }
0xf: {  	s26 =	simm.s32 $0x2700;
	s5 =	sadd.s32 s5, s0;
	s0 =	sadd.s32 s6, s0  }
0x10: {  	v0 =	vimm.f32 $1.000000000e+00;
	v1 =	vimm.f32 $0.0e+00;
	s7 =	smax.u32 s8, $0x1;
	s5 =	sadd.s32 $0x2400, s5;
	s6 =	sadd.s32 $0xC400, s0  }
.LBB2_1:
0x11: {  	[tilespmem:$0x2800] =	vst v0  }
0x12: {  	[tilespmem:$0x2810] =	vst v0  }
0x13: {  	[tilespmem:$0x2820] =	vst v0  }
0x14: {  	[tilespmem:$0x2830] =	vst v0  }
0x15: {  	[tilespmem:$0x2840] =	vst v0  }
0x16: {  	[tilespmem:$0x2850] =	vst v0  }
0x17: {  	[tilespmem:$0x2860] =	vst v0  }
0x18: {  	[tilespmem:$0x2870] =	vst v0  }
0x19: {  	[tilespmem:$0x2880] =	vst v1  }
0x1a: {  	[tilespmem:$0x2890] =	vst v1  }
0x1b: {  	[tilespmem:$0x28A0] =	vst v1  }
0x1c: {  	[tilespmem:$0x28B0] =	vst v1  }
0x1d: {  	[tilespmem:$0x28C0] =	vst v1  }
0x1e: {  	[tilespmem:$0x28D0] =	vst v1  }
0x1f: {  	[tilespmem:$0x28E0] =	vst v1  }
0x20: {  	[tilespmem:$0x28F0] =	vst v1  }
0x21: {  	[tilespmem:$0x2900] =	vst v1  }
0x22: {  	[tilespmem:$0x2910] =	vst v1  }
0x23: {  	[tilespmem:$0x2920] =	vst v1  }
0x24: {  	[tilespmem:$0x2930] =	vst v1  }
0x25: {  	[tilespmem:$0x2940] =	vst v1  }
0x26: {  	[tilespmem:$0x2950] =	vst v1  }
0x27: {  	[tilespmem:$0x2960] =	vst v1  }
0x28: {  	[tilespmem:$0x2970] =	vst v1  }
0x29: {  	[tilespmem:$0x2980] =	vst v1  }
0x2a: {  	[tilespmem:$0x2990] =	vst v1  }
0x2b: {  	[tilespmem:$0x29A0] =	vst v1  }
0x2c: {  	[tilespmem:$0x29B0] =	vst v1  }
0x2d: {  	[tilespmem:$0x29C0] =	vst v1  }
0x2e: {  	[tilespmem:$0x29D0] =	vst v1  }
0x2f: {  	[tilespmem:$0x29E0] =	vst v1  }
0x30: {  	[tilespmem:$0x29F0] =	vst v1  }
0x31: {  	[tilespmem:$0x2A00] =	vst v1  }
0x32: {  	[tilespmem:$0x2A10] =	vst v1  }
0x33: {  	[tilespmem:$0x2A20] =	vst v1  }
0x34: {  	[tilespmem:$0x2A30] =	vst v1  }
0x35: {  	[tilespmem:$0x2A40] =	vst v1  }
0x36: {  	[tilespmem:$0x2A50] =	vst v1  }
0x37: {  	[tilespmem:$0x2A60] =	vst v1  }
0x38: {  	[tilespmem:$0x2A70] =	vst v1  }
0x39: {  	[tilespmem:$0x2A80] =	vst v1  }
0x3a: {  	[tilespmem:$0x2A90] =	vst v1  }
0x3b: {  	[tilespmem:$0x2AA0] =	vst v1  }
0x3c: {  	[tilespmem:$0x2AB0] =	vst v1  }
0x3d: {  	[tilespmem:$0x2AC0] =	vst v1  }
0x3e: {  	[tilespmem:$0x2AD0] =	vst v1  }
0x3f: {  	[tilespmem:$0x2AE0] =	vst v1  }
0x40: {  	[tilespmem:$0x2AF0] =	vst v1;
	s0 =	simm.s32 $0x2880  }
0x41: {  	[spmem:s4] =	stream.linear.scatter [tilespmem:s0], [sflag:$0x3], $0x280, $0x38;
	[tilespmem:$0x2D80] =	vst v63  }
0x42: {  	_ =	swait.ge [sflag:s9], $0x280  }
0x43: {  	[sflag:s9] =	ssyncset.done $0x0  }
0x44: {  	[sflag:s9] =	ssyncadd.s32 $0xFFFFFD80  }
0x45: {  	[bflag:$0x0] =	sbarrier.arrive $0xFFFF  }
0x46: {  	[tilespmem:s3], [sflag:$0x3] =	stream.linear.gather [hbm4b:s5+s3], $0x2800, $0x38;
	[tilespmem:$0x2D80] =	vst v63  }
0x47: {  	_ =	swait.ge [sflag:s9], $0x2800  }
0x48: {  	[sflag:s9] =	ssyncset.done $0x0  }
0x49: {  	[sflag:s9] =	ssyncadd.s32 $0xFFFFD800  }
0x4a: {  	[spmem:s2] =	stream.indirect.scatter.add.f32 [tilespmem:s11], [sflag:$0x1], $0x1, s3, s10, $0xb8;
	[tilespmem:$0x2D80] =	vst v63  }
0x4b: {  	_ = 	snop  }
0x4c: {  	[spmem:s2] =	stream.indirect.scatter.add.f32 [tilespmem:s11], [sflag:$0x1], $0x1, s10, s10, $0xb8;
	[tilespmem:$0x2D80] =	vst v63  }
0x4d: {  	s12 =	simm.s32 $0x100  }
0x4e: {  	[spmem:s2] =	stream.indirect.scatter.add.f32 [tilespmem:s11], [sflag:$0x1], $0x1, s12, s10, $0xb8;
	[tilespmem:$0x2D80] =	vst v63  }
0x4f: {  	s13 =	simm.s32 $0x180  }
0x50: {  	[spmem:s2] =	stream.indirect.scatter.add.f32 [tilespmem:s11], [sflag:$0x1], $0x1, s13, s10, $0xb8;
	[tilespmem:$0x2D80] =	vst v63  }
0x51: {  	s14 =	simm.s32 $0x200  }
0x52: {  	[spmem:s2] =	stream.indirect.scatter.add.f32 [tilespmem:s11], [sflag:$0x1], $0x1, s14, s10, $0xb8;
	[tilespmem:$0x2D80] =	vst v63  }
0x53: {  	_ = 	snop  }
0x54: {  	[spmem:s2] =	stream.indirect.scatter.add.f32 [tilespmem:s11], [sflag:$0x1], $0x1, s15, s10, $0xb8;
	[tilespmem:$0x2D80] =	vst v63  }
0x55: {  	_ = 	snop  }
0x56: {  	[spmem:s2] =	stream.indirect.scatter.add.f32 [tilespmem:s11], [sflag:$0x1], $0x1, s16, s10, $0xb8;
	[tilespmem:$0x2D80] =	vst v63  }
0x57: {  	_ = 	snop  }
0x58: {  	[spmem:s2] =	stream.indirect.scatter.add.f32 [tilespmem:s11], [sflag:$0x1], $0x1, s17, s10, $0xb8;
	[tilespmem:$0x2D80] =	vst v63  }
0x59: {  	s8 =	simm.s32 $0x400  }
0x5a: {  	[spmem:s2] =	stream.indirect.scatter.add.f32 [tilespmem:s11], [sflag:$0x2], $0x1, s8, s10, $0xb8;
	[tilespmem:$0x2D80] =	vst v63  }
0x5b: {  	s12 =	simm.s32 $0x480  }
0x5c: {  	[spmem:s2] =	stream.indirect.scatter.add.f32 [tilespmem:s11], [sflag:$0x2], $0x1, s12, s10, $0xb8;
	[tilespmem:$0x2D80] =	vst v63  }
0x5d: {  	s13 =	simm.s32 $0x500  }
0x5e: {  	[spmem:s2] =	stream.indirect.scatter.add.f32 [tilespmem:s11], [sflag:$0x2], $0x1, s13, s10, $0xb8;
	[tilespmem:$0x2D80] =	vst v63  }
0x5f: {  	s14 =	simm.s32 $0x580  }
0x60: {  	[spmem:s2] =	stream.indirect.scatter.add.f32 [tilespmem:s11], [sflag:$0x2], $0x1, s14, s10, $0xb8;
	[tilespmem:$0x2D80] =	vst v63  }
0x61: {  	s8 =	simm.s32 $0x600  }
0x62: {  	[spmem:s2] =	stream.indirect.scatter.add.f32 [tilespmem:s11], [sflag:$0x2], $0x1, s8, s10, $0xb8;
	[tilespmem:$0x2D80] =	vst v63  }
0x63: {  	s12 =	simm.s32 $0x680  }
0x64: {  	[spmem:s2] =	stream.indirect.scatter.add.f32 [tilespmem:s11], [sflag:$0x2], $0x1, s12, s10, $0xb8;
	[tilespmem:$0x2D80] =	vst v63  }
0x65: {  	s13 =	simm.s32 $0x700  }
0x66: {  	[spmem:s2] =	stream.indirect.scatter.add.f32 [tilespmem:s11], [sflag:$0x2], $0x1, s13, s10, $0xb8;
	[tilespmem:$0x2D80] =	vst v63  }
0x67: {  	s14 =	simm.s32 $0x780  }
0x68: {  	[spmem:s2] =	stream.indirect.scatter.add.f32 [tilespmem:s11], [sflag:$0x2], $0x1, s14, s10, $0xb8;
	[tilespmem:$0x2D80] =	vst v63  }
0x69: {  	_ =	swait.ge [sflag:s18], $0x80  }
0x6a: {  	[sflag:s18] =	ssyncset.done $0x0  }
0x6b: {  	[sflag:s18] =	ssyncadd.s32 $0xFFFFFF80  }
0x6c: {  	_ =	swait.ge [sflag:s18], $0x80  }
0x6d: {  	[sflag:s18] =	ssyncset.done $0x0  }
0x6e: {  	[sflag:s18] =	ssyncadd.s32 $0xFFFFFF80  }
0x6f: {  	_ =	swait.ge [sflag:s18], $0x80  }
0x70: {  	[sflag:s18] =	ssyncset.done $0x0  }
0x71: {  	[sflag:s18] =	ssyncadd.s32 $0xFFFFFF80  }
0x72: {  	_ =	swait.ge [sflag:s18], $0x80  }
0x73: {  	[sflag:s18] =	ssyncset.done $0x0  }
0x74: {  	[sflag:s18] =	ssyncadd.s32 $0xFFFFFF80  }
0x75: {  	_ =	swait.ge [sflag:s18], $0x80  }
0x76: {  	[sflag:s18] =	ssyncset.done $0x0  }
0x77: {  	[sflag:s18] =	ssyncadd.s32 $0xFFFFFF80  }
0x78: {  	_ =	swait.ge [sflag:s18], $0x80  }
0x79: {  	[sflag:s18] =	ssyncset.done $0x0  }
0x7a: {  	[sflag:s18] =	ssyncadd.s32 $0xFFFFFF80  }
0x7b: {  	_ =	swait.ge [sflag:s18], $0x80  }
0x7c: {  	[sflag:s18] =	ssyncset.done $0x0  }
0x7d: {  	[sflag:s18] =	ssyncadd.s32 $0xFFFFFF80  }
0x7e: {  	_ =	swait.ge [sflag:s18], $0x80  }
0x7f: {  	[sflag:s18] =	ssyncset.done $0x0  }
0x80: {  	s8 =	simm.s32 $0x800;
	[sflag:s18] =	ssyncadd.s32 $0xFFFFFF80  }
0x81: {  	[spmem:s2] =	stream.indirect.scatter.add.f32 [tilespmem:s11], [sflag:$0x1], $0x1, s8, s10, $0xb8;
	[tilespmem:$0x2D80] =	vst v63  }
0x82: {  	s12 =	simm.s32 $0x880  }
0x83: {  	[spmem:s2] =	stream.indirect.scatter.add.f32 [tilespmem:s11], [sflag:$0x1], $0x1, s12, s10, $0xb8;
	[tilespmem:$0x2D80] =	vst v63  }
0x84: {  	s13 =	simm.s32 $0x900  }
0x85: {  	[spmem:s2] =	stream.indirect.scatter.add.f32 [tilespmem:s11], [sflag:$0x1], $0x1, s13, s10, $0xb8;
	[tilespmem:$0x2D80] =	vst v63  }
0x86: {  	s14 =	simm.s32 $0x980  }
0x87: {  	[spmem:s2] =	stream.indirect.scatter.add.f32 [tilespmem:s11], [sflag:$0x1], $0x1, s14, s10, $0xb8;
	[tilespmem:$0x2D80] =	vst v63  }
0x88: {  	s8 =	simm.s32 $0xA00  }
0x89: {  	[spmem:s2] =	stream.indirect.scatter.add.f32 [tilespmem:s11], [sflag:$0x1], $0x1, s8, s10, $0xb8;
	[tilespmem:$0x2D80] =	vst v63  }
0x8a: {  	s12 =	simm.s32 $0xA80  }
0x8b: {  	[spmem:s2] =	stream.indirect.scatter.add.f32 [tilespmem:s11], [sflag:$0x1], $0x1, s12, s10, $0xb8;
	[tilespmem:$0x2D80] =	vst v63  }
0x8c: {  	s13 =	simm.s32 $0xB00  }
0x8d: {  	[spmem:s2] =	stream.indirect.scatter.add.f32 [tilespmem:s11], [sflag:$0x1], $0x1, s13, s10, $0xb8;
	[tilespmem:$0x2D80] =	vst v63  }
0x8e: {  	s14 =	simm.s32 $0xB80  }
0x8f: {  	[spmem:s2] =	stream.indirect.scatter.add.f32 [tilespmem:s11], [sflag:$0x1], $0x1, s14, s10, $0xb8;
	[tilespmem:$0x2D80] =	vst v63  }
0x90: {  	_ =	swait.ge [sflag:s19], $0x80  }
0x91: {  	[sflag:s19] =	ssyncset.done $0x0  }
0x92: {  	[sflag:s19] =	ssyncadd.s32 $0xFFFFFF80  }
0x93: {  	_ =	swait.ge [sflag:s19], $0x80  }
0x94: {  	[sflag:s19] =	ssyncset.done $0x0  }
0x95: {  	[sflag:s19] =	ssyncadd.s32 $0xFFFFFF80  }
0x96: {  	_ =	swait.ge [sflag:s19], $0x80  }
0x97: {  	[sflag:s19] =	ssyncset.done $0x0  }
0x98: {  	[sflag:s19] =	ssyncadd.s32 $0xFFFFFF80  }
0x99: {  	_ =	swait.ge [sflag:s19], $0x80  }
0x9a: {  	[sflag:s19] =	ssyncset.done $0x0  }
0x9b: {  	[sflag:s19] =	ssyncadd.s32 $0xFFFFFF80  }
0x9c: {  	_ =	swait.ge [sflag:s19], $0x80  }
0x9d: {  	[sflag:s19] =	ssyncset.done $0x0  }
0x9e: {  	[sflag:s19] =	ssyncadd.s32 $0xFFFFFF80  }
0x9f: {  	_ =	swait.ge [sflag:s19], $0x80  }
0xa0: {  	[sflag:s19] =	ssyncset.done $0x0  }
0xa1: {  	[sflag:s19] =	ssyncadd.s32 $0xFFFFFF80  }
0xa2: {  	_ =	swait.ge [sflag:s19], $0x80  }
0xa3: {  	[sflag:s19] =	ssyncset.done $0x0  }
0xa4: {  	[sflag:s19] =	ssyncadd.s32 $0xFFFFFF80  }
0xa5: {  	_ =	swait.ge [sflag:s19], $0x80  }
0xa6: {  	s0 =	simm.s32 $0x800;
	s8 =	simm.s32 $0x4000;
	[sflag:s19] =	ssyncset.done $0x0  }
.LBB2_2:
0xa7: {  	s14 =	sadd.s32 $0x400, s0  }
0xa8: {  	[sflag:s19] =	ssyncadd.s32 $0xFFFFFF80;
	s12 =	smov.u32 s8;
	s13 =	sadd.s32 $0x2000, s8  }
0xa9: {  	[spmem:s2] =	stream.indirect.scatter.add.f32 [tilespmem:s11], [sflag:$0x2], $0x1, s14, s10, $0xb8;
	[tilespmem:$0x2D80] =	vst v63  }
0xaa: {  	p0 =	sne.s32 s8, $0x6000;
	s8 =	sadd.s32 $0x480, s0  }
0xab: {  	[spmem:s2] =	stream.indirect.scatter.add.f32 [tilespmem:s11], [sflag:$0x2], $0x1, s8, s10, $0xb8;
	[tilespmem:$0x2D80] =	vst v63  }
0xac: {  	s8 =	sadd.s32 $0x500, s0  }
0xad: {  	[spmem:s2] =	stream.indirect.scatter.add.f32 [tilespmem:s11], [sflag:$0x2], $0x1, s8, s10, $0xb8;
	[tilespmem:$0x2D80] =	vst v63  }
0xae: {  	s8 =	sadd.s32 $0x580, s0  }
0xaf: {  	[spmem:s2] =	stream.indirect.scatter.add.f32 [tilespmem:s11], [sflag:$0x2], $0x1, s8, s10, $0xb8;
	[tilespmem:$0x2D80] =	vst v63  }
0xb0: {  	s8 =	sadd.s32 $0x600, s0  }
0xb1: {  	[spmem:s2] =	stream.indirect.scatter.add.f32 [tilespmem:s11], [sflag:$0x2], $0x1, s8, s10, $0xb8;
	[tilespmem:$0x2D80] =	vst v63  }
0xb2: {  	s8 =	sadd.s32 $0x680, s0  }
0xb3: {  	[spmem:s2] =	stream.indirect.scatter.add.f32 [tilespmem:s11], [sflag:$0x2], $0x1, s8, s10, $0xb8;
	[tilespmem:$0x2D80] =	vst v63  }
0xb4: {  	s8 =	sadd.s32 $0x700, s0  }
0xb5: {  	[spmem:s2] =	stream.indirect.scatter.add.f32 [tilespmem:s11], [sflag:$0x2], $0x1, s8, s10, $0xb8;
	[tilespmem:$0x2D80] =	vst v63  }
0xb6: {  	s8 =	sadd.s32 $0x780, s0  }
0xb7: {  	[spmem:s2] =	stream.indirect.scatter.add.f32 [tilespmem:s11], [sflag:$0x2], $0x1, s8, s10, $0xb8;
	[tilespmem:$0x2D80] =	vst v63  }
0xb8: {  	_ =	swait.ge [sflag:s18], $0x80  }
0xb9: {  	[sflag:s18] =	ssyncset.done $0x0  }
0xba: {  	[sflag:s18] =	ssyncadd.s32 $0xFFFFFF80  }
0xbb: {  	_ =	swait.ge [sflag:s18], $0x80  }
0xbc: {  	[sflag:s18] =	ssyncset.done $0x0  }
0xbd: {  	[sflag:s18] =	ssyncadd.s32 $0xFFFFFF80  }
0xbe: {  	_ =	swait.ge [sflag:s18], $0x80  }
0xbf: {  	[sflag:s18] =	ssyncset.done $0x0  }
0xc0: {  	[sflag:s18] =	ssyncadd.s32 $0xFFFFFF80  }
0xc1: {  	_ =	swait.ge [sflag:s18], $0x80  }
0xc2: {  	[sflag:s18] =	ssyncset.done $0x0  }
0xc3: {  	[sflag:s18] =	ssyncadd.s32 $0xFFFFFF80  }
0xc4: {  	_ =	swait.ge [sflag:s18], $0x80  }
0xc5: {  	[sflag:s18] =	ssyncset.done $0x0  }
0xc6: {  	[sflag:s18] =	ssyncadd.s32 $0xFFFFFF80  }
0xc7: {  	_ =	swait.ge [sflag:s18], $0x80  }
0xc8: {  	[sflag:s18] =	ssyncset.done $0x0  }
0xc9: {  	[sflag:s18] =	ssyncadd.s32 $0xFFFFFF80  }
0xca: {  	_ =	swait.ge [sflag:s18], $0x80  }
0xcb: {  	[sflag:s18] =	ssyncset.done $0x0  }
0xcc: {  	[sflag:s18] =	ssyncadd.s32 $0xFFFFFF80  }
0xcd: {  	_ =	swait.ge [sflag:s18], $0x80  }
0xce: {  	[sflag:s18] =	ssyncset.done $0x0  }
0xcf: {  	s8 =	sadd.s32 $0x800, s0;
	[sflag:s18] =	ssyncadd.s32 $0xFFFFFF80  }
0xd0: {  	[spmem:s2] =	stream.indirect.scatter.add.f32 [tilespmem:s11], [sflag:$0x1], $0x1, s8, s10, $0xb8;
	[tilespmem:$0x2D80] =	vst v63  }
0xd1: {  	s8 =	sadd.s32 $0x880, s0  }
0xd2: {  	[spmem:s2] =	stream.indirect.scatter.add.f32 [tilespmem:s11], [sflag:$0x1], $0x1, s8, s10, $0xb8;
	[tilespmem:$0x2D80] =	vst v63  }
0xd3: {  	s8 =	sadd.s32 $0x900, s0  }
0xd4: {  	[spmem:s2] =	stream.indirect.scatter.add.f32 [tilespmem:s11], [sflag:$0x1], $0x1, s8, s10, $0xb8;
	[tilespmem:$0x2D80] =	vst v63  }
0xd5: {  	s8 =	sadd.s32 $0x980, s0  }
0xd6: {  	[spmem:s2] =	stream.indirect.scatter.add.f32 [tilespmem:s11], [sflag:$0x1], $0x1, s8, s10, $0xb8;
	[tilespmem:$0x2D80] =	vst v63  }
0xd7: {  	s8 =	sadd.s32 $0xA00, s0  }
0xd8: {  	[spmem:s2] =	stream.indirect.scatter.add.f32 [tilespmem:s11], [sflag:$0x1], $0x1, s8, s10, $0xb8;
	[tilespmem:$0x2D80] =	vst v63  }
0xd9: {  	s8 =	sadd.s32 $0xA80, s0  }
0xda: {  	[spmem:s2] =	stream.indirect.scatter.add.f32 [tilespmem:s11], [sflag:$0x1], $0x1, s8, s10, $0xb8;
	[tilespmem:$0x2D80] =	vst v63  }
0xdb: {  	s8 =	sadd.s32 $0xB00, s0  }
0xdc: {  	[spmem:s2] =	stream.indirect.scatter.add.f32 [tilespmem:s11], [sflag:$0x1], $0x1, s8, s10, $0xb8;
	[tilespmem:$0x2D80] =	vst v63  }
0xdd: {  	s0 =	sadd.s32 $0xB80, s0  }
0xde: {  	[spmem:s2] =	stream.indirect.scatter.add.f32 [tilespmem:s11], [sflag:$0x1], $0x1, s0, s10, $0xb8;
	[tilespmem:$0x2D80] =	vst v63  }
0xdf: {  	_ =	swait.ge [sflag:s19], $0x80  }
0xe0: {  	[sflag:s19] =	ssyncset.done $0x0  }
0xe1: {  	[sflag:s19] =	ssyncadd.s32 $0xFFFFFF80  }
0xe2: {  	_ =	swait.ge [sflag:s19], $0x80  }
0xe3: {  	[sflag:s19] =	ssyncset.done $0x0  }
0xe4: {  	[sflag:s19] =	ssyncadd.s32 $0xFFFFFF80  }
0xe5: {  	_ =	swait.ge [sflag:s19], $0x80  }
0xe6: {  	[sflag:s19] =	ssyncset.done $0x0  }
0xe7: {  	[sflag:s19] =	ssyncadd.s32 $0xFFFFFF80  }
0xe8: {  	_ =	swait.ge [sflag:s19], $0x80  }
0xe9: {  	[sflag:s19] =	ssyncset.done $0x0  }
0xea: {  	[sflag:s19] =	ssyncadd.s32 $0xFFFFFF80  }
0xeb: {  	_ =	swait.ge [sflag:s19], $0x80  }
0xec: {  	[sflag:s19] =	ssyncset.done $0x0  }
0xed: {  	[sflag:s19] =	ssyncadd.s32 $0xFFFFFF80  }
0xee: {  	_ =	swait.ge [sflag:s19], $0x80  }
0xef: {  	[sflag:s19] =	ssyncset.done $0x0  }
0xf0: {  	[sflag:s19] =	ssyncadd.s32 $0xFFFFFF80  }
.Ltmp0:
0xf1: {  	_ =	swait.ge [sflag:s19], $0x80;
	(pc) =	sbr.rel @p0 .LBB2_2-.Ltmp0, $4  }
0xf2: {  	[sflag:s19] =	ssyncset.done $0x0  }
0xf3: {  	[sflag:s19] =	ssyncadd.s32 $0xFFFFFF80  }
0xf4: {  	_ =	swait.ge [sflag:s19], $0x80  }
0xf5: {  	s8 =	smov.u32 s13;
	s0 =	sshra.s32 s12, $0x2;
	[sflag:s19] =	ssyncset.done $0x0  }
0xf6: {  	s8 =	sadd.s32 $0x400, s0;
	[sflag:s19] =	ssyncadd.s32 $0xFFFFFF80  }
0xf7: {  	[spmem:s2] =	stream.indirect.scatter.add.f32 [tilespmem:s11], [sflag:$0x2], $0x1, s8, s10, $0xb8;
	[tilespmem:$0x2D80] =	vst v63  }
0xf8: {  	s13 =	sadd.s32 $0x480, s0  }
0xf9: {  	[spmem:s2] =	stream.indirect.scatter.add.f32 [tilespmem:s11], [sflag:$0x2], $0x1, s13, s10, $0xb8;
	[tilespmem:$0x2D80] =	vst v63  }
0xfa: {  	s14 =	sadd.s32 $0x500, s0  }
0xfb: {  	[spmem:s2] =	stream.indirect.scatter.add.f32 [tilespmem:s11], [sflag:$0x2], $0x1, s14, s10, $0xb8;
	[tilespmem:$0x2D80] =	vst v63  }
0xfc: {  	s12 =	sadd.s32 $0x580, s0  }
0xfd: {  	[spmem:s2] =	stream.indirect.scatter.add.f32 [tilespmem:s11], [sflag:$0x2], $0x1, s12, s10, $0xb8;
	[tilespmem:$0x2D80] =	vst v63  }
0xfe: {  	s13 =	sadd.s32 $0x600, s0  }
0xff: {  	[spmem:s2] =	stream.indirect.scatter.add.f32 [tilespmem:s11], [sflag:$0x2], $0x1, s13, s10, $0xb8;
	[tilespmem:$0x2D80] =	vst v63  }
0x100: {  	s14 =	sadd.s32 $0x680, s0  }
0x101: {  	[spmem:s2] =	stream.indirect.scatter.add.f32 [tilespmem:s11], [sflag:$0x2], $0x1, s14, s10, $0xb8;
	[tilespmem:$0x2D80] =	vst v63  }
0x102: {  	s12 =	sadd.s32 $0x700, s0  }
0x103: {  	[spmem:s2] =	stream.indirect.scatter.add.f32 [tilespmem:s11], [sflag:$0x2], $0x1, s12, s10, $0xb8;
	[tilespmem:$0x2D80] =	vst v63  }
0x104: {  	s13 =	sadd.s32 $0x780, s0  }
0x105: {  	[spmem:s2] =	stream.indirect.scatter.add.f32 [tilespmem:s11], [sflag:$0x2], $0x1, s13, s10, $0xb8;
	[tilespmem:$0x2D80] =	vst v63  }
0x106: {  	_ =	swait.ge [sflag:s18], $0x80  }
0x107: {  	[sflag:s18] =	ssyncset.done $0x0  }
0x108: {  	[sflag:s18] =	ssyncadd.s32 $0xFFFFFF80  }
0x109: {  	_ =	swait.ge [sflag:s18], $0x80  }
0x10a: {  	[sflag:s18] =	ssyncset.done $0x0  }
0x10b: {  	[sflag:s18] =	ssyncadd.s32 $0xFFFFFF80  }
0x10c: {  	_ =	swait.ge [sflag:s18], $0x80  }
0x10d: {  	[sflag:s18] =	ssyncset.done $0x0  }
0x10e: {  	[sflag:s18] =	ssyncadd.s32 $0xFFFFFF80  }
0x10f: {  	_ =	swait.ge [sflag:s18], $0x80  }
0x110: {  	[sflag:s18] =	ssyncset.done $0x0  }
0x111: {  	[sflag:s18] =	ssyncadd.s32 $0xFFFFFF80  }
0x112: {  	_ =	swait.ge [sflag:s18], $0x80  }
0x113: {  	[sflag:s18] =	ssyncset.done $0x0  }
0x114: {  	[sflag:s18] =	ssyncadd.s32 $0xFFFFFF80  }
0x115: {  	_ =	swait.ge [sflag:s18], $0x80  }
0x116: {  	[sflag:s18] =	ssyncset.done $0x0  }
0x117: {  	[sflag:s18] =	ssyncadd.s32 $0xFFFFFF80  }
0x118: {  	_ =	swait.ge [sflag:s18], $0x80  }
0x119: {  	[sflag:s18] =	ssyncset.done $0x0  }
0x11a: {  	[sflag:s18] =	ssyncadd.s32 $0xFFFFFF80  }
0x11b: {  	_ =	swait.ge [sflag:s18], $0x80  }
0x11c: {  	[sflag:s18] =	ssyncset.done $0x0  }
0x11d: {  	s14 =	sadd.s32 $0x800, s0;
	[sflag:s18] =	ssyncadd.s32 $0xFFFFFF80  }
0x11e: {  	[spmem:s2] =	stream.indirect.scatter.add.f32 [tilespmem:s11], [sflag:$0x1], $0x1, s14, s10, $0xb8;
	[tilespmem:$0x2D80] =	vst v63  }
0x11f: {  	s12 =	sadd.s32 $0x880, s0  }
0x120: {  	[spmem:s2] =	stream.indirect.scatter.add.f32 [tilespmem:s11], [sflag:$0x1], $0x1, s12, s10, $0xb8;
	[tilespmem:$0x2D80] =	vst v63  }
0x121: {  	s13 =	sadd.s32 $0x900, s0  }
0x122: {  	[spmem:s2] =	stream.indirect.scatter.add.f32 [tilespmem:s11], [sflag:$0x1], $0x1, s13, s10, $0xb8;
	[tilespmem:$0x2D80] =	vst v63  }
0x123: {  	s14 =	sadd.s32 $0x980, s0  }
0x124: {  	[spmem:s2] =	stream.indirect.scatter.add.f32 [tilespmem:s11], [sflag:$0x1], $0x1, s14, s10, $0xb8;
	[tilespmem:$0x2D80] =	vst v63  }
0x125: {  	s12 =	sadd.s32 $0xA00, s0  }
0x126: {  	[spmem:s2] =	stream.indirect.scatter.add.f32 [tilespmem:s11], [sflag:$0x1], $0x1, s12, s10, $0xb8;
	[tilespmem:$0x2D80] =	vst v63  }
0x127: {  	s13 =	sadd.s32 $0xA80, s0  }
0x128: {  	[spmem:s2] =	stream.indirect.scatter.add.f32 [tilespmem:s11], [sflag:$0x1], $0x1, s13, s10, $0xb8;
	[tilespmem:$0x2D80] =	vst v63  }
0x129: {  	s14 =	sadd.s32 $0xB00, s0  }
0x12a: {  	[spmem:s2] =	stream.indirect.scatter.add.f32 [tilespmem:s11], [sflag:$0x1], $0x1, s14, s10, $0xb8;
	[tilespmem:$0x2D80] =	vst v63  }
0x12b: {  	s12 =	sadd.s32 $0xB80, s0  }
0x12c: {  	[spmem:s2] =	stream.indirect.scatter.add.f32 [tilespmem:s11], [sflag:$0x1], $0x1, s12, s10, $0xb8;
	[tilespmem:$0x2D80] =	vst v63  }
0x12d: {  	_ =	swait.ge [sflag:s19], $0x80  }
0x12e: {  	[sflag:s19] =	ssyncset.done $0x0  }
0x12f: {  	[sflag:s19] =	ssyncadd.s32 $0xFFFFFF80  }
0x130: {  	_ =	swait.ge [sflag:s19], $0x80  }
0x131: {  	[sflag:s19] =	ssyncset.done $0x0  }
0x132: {  	[sflag:s19] =	ssyncadd.s32 $0xFFFFFF80  }
0x133: {  	_ =	swait.ge [sflag:s19], $0x80  }
0x134: {  	[sflag:s19] =	ssyncset.done $0x0  }
0x135: {  	[sflag:s19] =	ssyncadd.s32 $0xFFFFFF80  }
0x136: {  	_ =	swait.ge [sflag:s19], $0x80  }
0x137: {  	[sflag:s19] =	ssyncset.done $0x0  }
0x138: {  	[sflag:s19] =	ssyncadd.s32 $0xFFFFFF80  }
0x139: {  	_ =	swait.ge [sflag:s19], $0x80  }
0x13a: {  	[sflag:s19] =	ssyncset.done $0x0  }
0x13b: {  	[sflag:s19] =	ssyncadd.s32 $0xFFFFFF80  }
0x13c: {  	_ =	swait.ge [sflag:s19], $0x80  }
0x13d: {  	[sflag:s19] =	ssyncset.done $0x0  }
0x13e: {  	[sflag:s19] =	ssyncadd.s32 $0xFFFFFF80  }
0x13f: {  	_ =	swait.ge [sflag:s19], $0x80  }
0x140: {  	[sflag:s19] =	ssyncset.done $0x0  }
0x141: {  	[sflag:s19] =	ssyncadd.s32 $0xFFFFFF80  }
0x142: {  	_ =	swait.ge [sflag:s19], $0x80  }
0x143: {  	[sflag:s19] =	ssyncset.done $0x0  }
0x144: {  	[sflag:s19] =	ssyncadd.s32 $0xFFFFFF80  }
0x145: {  	[spmem:s2] =	stream.indirect.scatter.add.f32 [tilespmem:s11], [sflag:$0x2], $0x1, s20, s10, $0xb8;
	[tilespmem:$0x2D80] =	vst v63  }
0x146: {  	_ = 	snop  }
0x147: {  	[spmem:s2] =	stream.indirect.scatter.add.f32 [tilespmem:s11], [sflag:$0x2], $0x1, s21, s10, $0xb8;
	[tilespmem:$0x2D80] =	vst v63  }
0x148: {  	_ = 	snop  }
0x149: {  	[spmem:s2] =	stream.indirect.scatter.add.f32 [tilespmem:s11], [sflag:$0x2], $0x1, s22, s10, $0xb8;
	[tilespmem:$0x2D80] =	vst v63  }
0x14a: {  	_ = 	snop  }
0x14b: {  	[spmem:s2] =	stream.indirect.scatter.add.f32 [tilespmem:s11], [sflag:$0x2], $0x1, s23, s10, $0xb8;
	[tilespmem:$0x2D80] =	vst v63  }
0x14c: {  	_ = 	snop  }
0x14d: {  	[spmem:s2] =	stream.indirect.scatter.add.f32 [tilespmem:s11], [sflag:$0x2], $0x1, s24, s10, $0xb8;
	[tilespmem:$0x2D80] =	vst v63  }
0x14e: {  	_ = 	snop  }
0x14f: {  	[spmem:s2] =	stream.indirect.scatter.add.f32 [tilespmem:s11], [sflag:$0x2], $0x1, s25, s10, $0xb8;
	[tilespmem:$0x2D80] =	vst v63  }
0x150: {  	_ = 	snop  }
0x151: {  	[spmem:s2] =	stream.indirect.scatter.add.f32 [tilespmem:s11], [sflag:$0x2], $0x1, s26, s10, $0xb8;
	[tilespmem:$0x2D80] =	vst v63  }
0x152: {  	_ = 	snop  }
0x153: {  	[spmem:s2] =	stream.indirect.scatter.add.f32 [tilespmem:s11], [sflag:$0x2], $0x1, s28, s10, $0xb8;
	[tilespmem:$0x2D80] =	vst v63  }
0x154: {  	_ =	swait.ge [sflag:s18], $0x80  }
0x155: {  	[sflag:s18] =	ssyncset.done $0x0  }
0x156: {  	[sflag:s18] =	ssyncadd.s32 $0xFFFFFF80  }
0x157: {  	_ =	swait.ge [sflag:s18], $0x80  }
0x158: {  	[sflag:s18] =	ssyncset.done $0x0  }
0x159: {  	[sflag:s18] =	ssyncadd.s32 $0xFFFFFF80  }
0x15a: {  	_ =	swait.ge [sflag:s18], $0x80  }
0x15b: {  	[sflag:s18] =	ssyncset.done $0x0  }
0x15c: {  	[sflag:s18] =	ssyncadd.s32 $0xFFFFFF80  }
0x15d: {  	_ =	swait.ge [sflag:s18], $0x80  }
0x15e: {  	[sflag:s18] =	ssyncset.done $0x0  }
0x15f: {  	[sflag:s18] =	ssyncadd.s32 $0xFFFFFF80  }
0x160: {  	_ =	swait.ge [sflag:s18], $0x80  }
0x161: {  	[sflag:s18] =	ssyncset.done $0x0  }
0x162: {  	[sflag:s18] =	ssyncadd.s32 $0xFFFFFF80  }
0x163: {  	_ =	swait.ge [sflag:s18], $0x80  }
0x164: {  	[sflag:s18] =	ssyncset.done $0x0  }
0x165: {  	[sflag:s18] =	ssyncadd.s32 $0xFFFFFF80  }
0x166: {  	_ =	swait.ge [sflag:s18], $0x80  }
0x167: {  	[sflag:s18] =	ssyncset.done $0x0  }
0x168: {  	[sflag:s18] =	ssyncadd.s32 $0xFFFFFF80  }
0x169: {  	_ =	swait.ge [sflag:s18], $0x80  }
0x16a: {  	[sflag:s18] =	ssyncset.done $0x0  }
0x16b: {  	[sflag:s18] =	ssyncadd.s32 $0xFFFFFF80  }
0x16c: {  	_ =	swait.ge [sflag:s19], $0x80  }
0x16d: {  	[sflag:s19] =	ssyncset.done $0x0  }
0x16e: {  	[sflag:s19] =	ssyncadd.s32 $0xFFFFFF80  }
0x16f: {  	_ =	swait.ge [sflag:s19], $0x80  }
0x170: {  	[sflag:s19] =	ssyncset.done $0x0  }
0x171: {  	[sflag:s19] =	ssyncadd.s32 $0xFFFFFF80  }
0x172: {  	_ =	swait.ge [sflag:s19], $0x80  }
0x173: {  	[sflag:s19] =	ssyncset.done $0x0  }
0x174: {  	[sflag:s19] =	ssyncadd.s32 $0xFFFFFF80  }
0x175: {  	_ =	swait.ge [sflag:s19], $0x80  }
0x176: {  	[sflag:s19] =	ssyncset.done $0x0  }
0x177: {  	[sflag:s19] =	ssyncadd.s32 $0xFFFFFF80  }
0x178: {  	_ =	swait.ge [sflag:s19], $0x80  }
0x179: {  	[sflag:s19] =	ssyncset.done $0x0  }
0x17a: {  	[sflag:s19] =	ssyncadd.s32 $0xFFFFFF80  }
0x17b: {  	_ =	swait.ge [sflag:s19], $0x80  }
0x17c: {  	[sflag:s19] =	ssyncset.done $0x0  }
0x17d: {  	[sflag:s19] =	ssyncadd.s32 $0xFFFFFF80  }
0x17e: {  	_ =	swait.ge [sflag:s19], $0x80  }
0x17f: {  	[sflag:s19] =	ssyncset.done $0x0  }
0x180: {  	[sflag:s19] =	ssyncadd.s32 $0xFFFFFF80  }
0x181: {  	_ =	swait.ge [sflag:s19], $0x80  }
0x182: {  	s31 =	sadd.s32 $0x1, s31;
	s13 =	sshll.u32 s1, $0x6;
	[sflag:s19] =	ssyncset.done $0x0  }
0x183: {  	p0 =	sne.s32 s31, s7;
	s0 =	sor.u32 $0x1C03, s13;
	[sflag:s19] =	ssyncadd.s32 $0xFFFFFF80  }
.Ltmp1:
0x184: {  	s14 =	sshrl.u32 s4, $0x3;
	[bflag:$0x0] =	sbarrier.arrive $0xFFFF;
	(pc) =	sbr.rel @p0 .LBB2_1-.Ltmp1, $4  }
0x185: {  	[hbm:s6@s29], [sflag:s0] =	dma.strided [spmem:s14@s30], $0x50, s18, $0x10   }
0x186: {  	_ =	swait.ge [sflag:s9], $0x50  }
0x187: {  	[sflag:s9] =	ssyncset.done $0x0  }
0x188: {  	[sflag:s9] =	ssyncadd.s32 $0xFFFFFFB0  }
0x189: {  	_ =	sfence.sel $0x180000  }
0x18a: {  	[bflag:$0x0] =	sbarrier.arrive $0xFFFF  }
0x18b: {  	_ =	strace $0x90000047  }
0x18c: {  	[bflag:$0x2] =	sbarrier.arrive $0xFFFF  }
0x18d: {  	p0 =	sne.s32 s1, $0x0;
	s0 =	rddreg [dreg:$0x2]  }
0x18e: {  	s0 =	sadd.s32 @!p0 $0x100000, s0  }
0x18f: {  	[sflag:s0] =	ssyncadd.tile.s32 @!p0 $0x1;
	_ =	shalt  }
.Lfunc_end2:
_tile_overlayer_lowered:
.L_overlay_start_2:
0x190: {  	(tag) =	ssettag $0x2  }
0x191: {  	s0 =	rddreg [dreg:$0x0];
	s2 =	stileid.u32  }
0x192: {  	s1 =	rddreg [dreg:$0x1];
	p0 =	sne.s32 s2, $0x0  }
0x193: {  	s3 =	rddreg [dreg:$0x2];
	[bflag:$0x3] =	sbarrier.arrive $0xFFFF;
	s2 =	simm.s32 @!p0 $0x1C03  }
0x194: {  	[timem:s3], [sflag:s2] =	dma.local @!p0 [hbm:s0], s1  }
0x195: {  	s0 =	simm.s32 @!p0 $0x3  }
0x196: {  	_ =	swait.ge @!p0 [sflag:s0], s1  }
0x197: {  	s1 =	ssub.s32 @!p0 $0x0, s1;
	[sflag:s0] =	ssyncset.done @!p0 $0x0  }
0x198: {  	[sflag:s0] =	ssyncadd.s32 @!p0 s1  }
0x199: {  	[bflag:$0x3] =	sbarrier.arrive $0xFFFF  }
0x19a: {  	_ =	shalt  }

</sc_bundles>
